<compile_context>
chip_gen: v7x
topology: tpu7x:2x2x1
jax: 0.10.2.dev20260603
libtpu: 0.0.44.dev20260713+nightly
codegen_flags: <defaults>
</compile_context>

<pallas_src>
import functools

import jax
import jax.numpy as jnp
from jax import lax
from jax.experimental import pallas as pl
from jax.experimental.pallas import tpu as pltpu
from jax.experimental.pallas import tpu_sc as plsc

N = 10000
E = 320000
D_IN = 128
D_HID = 128
D_OUT = 64

NC = 2
NS = 16
NW = NC * NS
EPT = E // NW
CH = 80
NCH = EPT // CH
NBUF = 3
NIB = 6
RPT = 632
RPT_LAST = N - (NS - 1) * RPT

_mesh = plsc.VectorSubcoreMesh(core_axis_name="c", subcore_axis_name="s")


def _zero_acc(z_hbm, acc, s):
    @pl.when(s < NS - 1)
    def _():
        pltpu.sync_copy(z_hbm, acc.at[pl.ds(s * RPT, RPT)])

    @pl.when(s == NS - 1)
    def _():
        pltpu.sync_copy(z_hbm.at[pl.ds(0, RPT_LAST)],
                        acc.at[pl.ds(s * RPT, RPT_LAST)])


def _acc_to_out(acc, out_hbm, c, s):
    @pl.when(s < NS - 1)
    def _():
        pltpu.sync_copy(acc.at[pl.ds(s * RPT, RPT)],
                        out_hbm.at[c].at[pl.ds(s * RPT, RPT)])

    @pl.when(s == NS - 1)
    def _():
        pltpu.sync_copy(acc.at[pl.ds(s * RPT, RPT_LAST)],
                        out_hbm.at[c].at[pl.ds(s * RPT, RPT_LAST)])


def _make_edge_kernel(d):
    scratch = [pltpu.VMEM_SHARED((N, d), jnp.float32)]
    scratch += [pltpu.VMEM((CH,), jnp.int32)] * NIB
    scratch += [pltpu.VMEM((CH,), jnp.int32)] * NIB
    scratch += [pltpu.VMEM((CH, d), jnp.float32)] * NBUF
    scratch += [pltpu.SemaphoreType.DMA] * (NIB + NBUF + NBUF)

    @functools.partial(
        pl.kernel,
        out_type=jax.ShapeDtypeStruct((NC, N, d), jnp.float32),
        mesh=_mesh,
        scratch_types=scratch,
        name=f"sc_edge_agg_{d}",
    )
    def edge_kernel(g_hbm, src_hbm, dst_hbm, z_hbm, out_hbm, acc, *bufs):
        sv = bufs[0:NIB]
        dv = bufs[NIB:2 * NIB]
        rv = bufs[2 * NIB:2 * NIB + NBUF]
        si = bufs[2 * NIB + NBUF:2 * NIB + NBUF + NIB]
        sg = bufs[2 * NIB + NBUF + NIB:2 * NIB + NBUF + NIB + NBUF]
        ss = bufs[2 * NIB + NBUF + NIB + NBUF:]
        c = lax.axis_index("c")
        s = lax.axis_index("s")
        wid = s * NC + c
        base = wid * EPT

        def idx_fetch(j, ib):
            pltpu.async_copy(src_hbm.at[pl.ds(base + j * CH, CH)],
                             sv[ib], si[ib])
            pltpu.async_copy(dst_hbm.at[pl.ds(base + j * CH, CH)],
                             dv[ib], si[ib])

        def idx_wait(j, ib):
            pltpu.make_async_copy(src_hbm.at[pl.ds(base + j * CH, CH)],
                                  sv[ib], si[ib]).wait()
            pltpu.make_async_copy(dst_hbm.at[pl.ds(base + j * CH, CH)],
                                  dv[ib], si[ib]).wait()

        _zero_acc(z_hbm, acc, s)
        for k in range(NBUF):
            idx_fetch(k, k)
        plsc.subcore_barrier()

        def step(j, k):
            b = k % NBUF
            ib = k % NIB
            pb = (k - 1) % NBUF
            pib = (k - 1) % NIB
            fib = (k + NBUF) % NIB

            @pl.when(j >= NBUF)
            def _():
                pltpu.make_async_copy(rv[b], acc.at[dv[(k - NBUF) % NIB]],
                                      ss[b]).wait()

            @pl.when(j + NBUF < NCH)
            def _():
                idx_fetch(j + NBUF, fib)

            idx_wait(j, ib)
            pltpu.async_copy(g_hbm.at[sv[ib]], rv[b], sg[b])

            @pl.when(j >= 1)
            def _():
                pltpu.make_async_copy(g_hbm.at[sv[pib]], rv[pb],
                                      sg[pb]).wait()
                pltpu.async_copy(rv[pb], acc.at[dv[pib]], ss[pb], add=True)

        def outer(j2, carry):
            for k in range(NIB):
                j = j2 * NIB + k

                @pl.when(j < NCH)
                def _():
                    step(j, k)
            return carry

        lax.fori_loop(0, (NCH + NIB - 1) // NIB, outer, 0)

        last = NCH - 1
        lb, lib = last % NBUF, last % NIB
        pltpu.make_async_copy(g_hbm.at[sv[lib]], rv[lb], sg[lb]).wait()
        pltpu.async_copy(rv[lb], acc.at[dv[lib]], ss[lb], add=True)
        for jj in range(NCH - NBUF, NCH):
            pltpu.make_async_copy(rv[jj % NBUF], acc.at[dv[jj % NIB]],
                                  ss[jj % NBUF]).wait()

        plsc.subcore_barrier()
        _acc_to_out(acc, out_hbm, c, s)

    return edge_kernel


_edge128 = _make_edge_kernel(D_HID)


_DEG_DEPTH = 4
_DEG_NIB = 8


@functools.partial(
    pl.kernel,
    out_type=jax.ShapeDtypeStruct((NC, N, D_HID), jnp.float32),
    mesh=_mesh,
    scratch_types=(
        [pltpu.VMEM_SHARED((N, D_HID), jnp.float32)]
        + [pltpu.VMEM((CH,), jnp.int32)] * _DEG_NIB
        + [pltpu.VMEM((CH, D_HID), jnp.float32)]
        + [pltpu.SemaphoreType.DMA] * (2 * _DEG_NIB)
    ),
    name="sc_degree",
)
def _sc_degree(dst_hbm, z_hbm, o_hbm, out_hbm, acc, *bufs):
    dv = bufs[0:_DEG_NIB]
    ones_v = bufs[_DEG_NIB]
    si = bufs[_DEG_NIB + 1:2 * _DEG_NIB + 1]
    ss = bufs[2 * _DEG_NIB + 1:]
    c = lax.axis_index("c")
    s = lax.axis_index("s")
    wid = s * NC + c
    base = wid * EPT

    def idx_fetch(j, ib):
        pltpu.async_copy(dst_hbm.at[pl.ds(base + j * CH, CH)], dv[ib], si[ib])

    pltpu.sync_copy(o_hbm, ones_v)
    _zero_acc(z_hbm, acc, s)
    for k in range(_DEG_DEPTH):
        idx_fetch(k, k)
    plsc.subcore_barrier()

    def step(j, k):
        ib = k % _DEG_NIB

        @pl.when(j >= _DEG_DEPTH)
        def _():
            pltpu.make_async_copy(
                ones_v, acc.at[dv[(k - _DEG_DEPTH) % _DEG_NIB]],
                ss[(k - _DEG_DEPTH) % _DEG_NIB]).wait()

        @pl.when(j + _DEG_DEPTH < NCH)
        def _():
            idx_fetch(j + _DEG_DEPTH, (k + _DEG_DEPTH) % _DEG_NIB)

        pltpu.make_async_copy(dst_hbm.at[pl.ds(base + j * CH, CH)],
                              dv[ib], si[ib]).wait()
        pltpu.async_copy(ones_v, acc.at[dv[ib]], ss[ib], add=True)

    def outer(j2, carry):
        for k in range(_DEG_NIB):
            j = j2 * _DEG_NIB + k

            @pl.when(j < NCH)
            def _():
                step(j, k)
        return carry

    lax.fori_loop(0, (NCH + _DEG_NIB - 1) // _DEG_NIB, outer, 0)
    for jj in range(NCH - _DEG_DEPTH, NCH):
        pltpu.make_async_copy(ones_v, acc.at[dv[jj % _DEG_NIB]],
                              ss[jj % _DEG_NIB]).wait()

    plsc.subcore_barrier()
    _acc_to_out(acc, out_hbm, c, s)


_BLK = 1000


def _matmul0_body(x_ref, w_ref, p_ref):
    p_ref[...] = jnp.dot(x_ref[...], w_ref[...],
                         preferred_element_type=jnp.float32)


def _tc_matmul0(x, w0):
    return pl.pallas_call(
        _matmul0_body,
        grid=(N // _BLK,),
        in_specs=[
            pl.BlockSpec((_BLK, D_IN), lambda i: (i, 0)),
            pl.BlockSpec((D_IN, D_HID), lambda i: (0, 0)),
        ],
        out_specs=pl.BlockSpec((_BLK, D_HID), lambda i: (i, 0)),
        out_shape=jax.ShapeDtypeStruct((N, D_HID), jnp.float32),
        name="tc_matmul0",
    )(x, w0)


def _stage0_body(degp_ref, p_ref, dis_ref, dis2_ref, g_ref):
    deg = degp_ref[0, :, :1] + degp_ref[1, :, :1] + 1.0
    dis = lax.rsqrt(deg)
    dis_ref[...] = dis
    dis2_ref[...] = dis * dis
    g_ref[...] = p_ref[...] * dis


def _tc_stage0(deg_parts, p):
    return pl.pallas_call(
        _stage0_body,
        grid=(N // _BLK,),
        in_specs=[
            pl.BlockSpec((NC, _BLK, D_HID), lambda i: (0, i, 0)),
            pl.BlockSpec((_BLK, D_HID), lambda i: (i, 0)),
        ],
        out_specs=[
            pl.BlockSpec((_BLK, 1), lambda i: (i, 0)),
            pl.BlockSpec((_BLK, 1), lambda i: (i, 0)),
            pl.BlockSpec((_BLK, D_HID), lambda i: (i, 0)),
        ],
        out_shape=[
            jax.ShapeDtypeStruct((N, 1), jnp.float32),
            jax.ShapeDtypeStruct((N, 1), jnp.float32),
            jax.ShapeDtypeStruct((N, D_HID), jnp.float32),
        ],
        name="tc_stage0",
    )(deg_parts, p)


def _combine_body(sp_ref, p_ref, dis_ref, dis2_ref, b_ref, w_ref,
                  pn_ref, gn_ref):
    S = sp_ref[0] + sp_ref[1]
    dis = dis_ref[...]
    h = S * dis + p_ref[...] * dis2_ref[...] + b_ref[...]
    h = jnp.maximum(h, 0.0)
    pn = jnp.dot(h, w_ref[...], preferred_element_type=jnp.float32)
    pn_ref[...] = pn
    gn_ref[...] = pn * dis


def _tc_combine(sp, p, dis, dis2, b, w):
    d_in = p.shape[1]
    d_out = w.shape[1]
    return pl.pallas_call(
        _combine_body,
        grid=(N // _BLK,),
        in_specs=[
            pl.BlockSpec((NC, _BLK, d_in), lambda i: (0, i, 0)),
            pl.BlockSpec((_BLK, d_in), lambda i: (i, 0)),
            pl.BlockSpec((_BLK, 1), lambda i: (i, 0)),
            pl.BlockSpec((_BLK, 1), lambda i: (i, 0)),
            pl.BlockSpec((1, d_in), lambda i: (0, 0)),
            pl.BlockSpec((d_in, d_out), lambda i: (0, 0)),
        ],
        out_specs=[
            pl.BlockSpec((_BLK, d_out), lambda i: (i, 0)),
            pl.BlockSpec((_BLK, d_out), lambda i: (i, 0)),
        ],
        out_shape=[
            jax.ShapeDtypeStruct((N, d_out), jnp.float32),
            jax.ShapeDtypeStruct((N, d_out), jnp.float32),
        ],
        name="tc_combine",
    )(sp, p, dis, dis2, b, w)


def _final_body(sp_ref, p_ref, dis_ref, dis2_ref, b_ref, o_ref):
    S = sp_ref[0] + sp_ref[1]
    full = S * dis_ref[...] + p_ref[...] * dis2_ref[...]
    o_ref[...] = full[:, :D_OUT] + b_ref[...]


def _tc_final(sp, p, dis, dis2, b):
    return pl.pallas_call(
        _final_body,
        grid=(N // _BLK,),
        in_specs=[
            pl.BlockSpec((NC, _BLK, D_HID), lambda i: (0, i, 0)),
            pl.BlockSpec((_BLK, D_HID), lambda i: (i, 0)),
            pl.BlockSpec((_BLK, 1), lambda i: (i, 0)),
            pl.BlockSpec((_BLK, 1), lambda i: (i, 0)),
            pl.BlockSpec((1, D_OUT), lambda i: (0, 0)),
        ],
        out_specs=pl.BlockSpec((_BLK, D_OUT), lambda i: (i, 0)),
        out_shape=jax.ShapeDtypeStruct((N, D_OUT), jnp.float32),
        name="tc_final",
    )(sp, p, dis, dis2, b)


def kernel(x, edge_index, W0, b0, W1, b1, W2, b2):
    src = edge_index[0]
    dst = edge_index[1]
    z128 = jnp.zeros((RPT, D_HID), jnp.float32)
    o128 = jnp.ones((CH, D_HID), jnp.float32)

    p0 = _tc_matmul0(x, W0)
    deg_parts = _sc_degree(dst, z128, o128)
    dis, dis2, g0 = _tc_stage0(deg_parts, p0)
    s0 = _edge128(g0, src, dst, z128)
    p1, g1 = _tc_combine(s0, p0, dis, dis2, b0.reshape(1, -1), W1)
    s1 = _edge128(g1, src, dst, z128)
    w2p = jnp.pad(W2, ((0, 0), (0, D_HID - D_OUT)))
    p2, g2 = _tc_combine(s1, p1, dis, dis2, b1.reshape(1, -1), w2p)
    s2 = _edge128(g2, src, dst, z128)
    return _tc_final(s2, p2, dis, dis2, b2.reshape(1, -1))

# --- scband reference (transcript-rebuilt; emitter-appended) ---
"""Pipeline reference for scband-basic-net-7662221656810 (READ-ONLY COPY).

The authoritative reference and input builder live on the scoring server;
editing this copy changes nothing except your own understanding.
"""

import jax, jax.numpy as jnp
import numpy as np

N = 10000
E = 320000
D_IN = 128
D_HID = 128
D_OUT = 64


def _glorot(key, fan_in, fan_out):
    lim = jnp.sqrt(6.0 / (fan_in + fan_out))
    return jax.random.uniform(key, (fan_in, fan_out), jnp.float32, -lim, lim)


def setup_inputs(seed: int = 0) -> dict:
    key = jax.random.key(seed)
    ks = jax.random.split(key, 8)
    x = jax.random.normal(ks[0], (N, D_IN), dtype=jnp.float32)
    edge_index = jax.random.randint(ks[1], (2, E), 0, N, dtype=jnp.int32)
    W0 = _glorot(ks[2], D_IN, D_HID)
    b0 = jnp.zeros((D_HID,), jnp.float32)
    W1 = _glorot(ks[3], D_HID, D_HID)
    b1 = jnp.zeros((D_HID,), jnp.float32)
    W2 = _glorot(ks[4], D_HID, D_OUT)
    b2 = jnp.zeros((D_OUT,), jnp.float32)
    return {"x": x, "edge_index": edge_index, "W0": W0, "b0": b0, "W1": W1, "b1": b1, "W2": W2, "b2": b2}


def _gcn_layer(h, src, dst, deg_inv_sqrt, W, b):
    # GCNConv: x' = D^{-1/2} (A + I) D^{-1/2} X W + b
    n = h.shape[0]
    h = h @ W
    norm = deg_inv_sqrt[src] * deg_inv_sqrt[dst]
    msg = h[src] * norm[:, None]
    out = jnp.zeros((n, h.shape[1]), h.dtype).at[dst].add(msg)
    return out + b


def reference(x, edge_index, W0, b0, W1, b1, W2, b2):
    n = x.shape[0]
    loop = jnp.arange(n, dtype=edge_index.dtype)
    src = jnp.concatenate([edge_index[0], loop])
    dst = jnp.concatenate([edge_index[1], loop])
    deg = jnp.zeros((n,), jnp.float32).at[dst].add(1.0)
    deg_inv_sqrt = jax.lax.rsqrt(jnp.maximum(deg, 1.0))
    h = _gcn_layer(x, src, dst, deg_inv_sqrt, W0, b0)
    h = jax.nn.relu(h)
    # dropout is identity in eval mode
    h = _gcn_layer(h, src, dst, deg_inv_sqrt, W1, b1)
    h = jax.nn.relu(h)
    h = _gcn_layer(h, src, dst, deg_inv_sqrt, W2, b2)
    return h

if __name__ == "__main__":
    import jax
    _d = setup_inputs()
    print(jax.jit(kernel)(*tuple(_d.values())))

</pallas_src>

<mosaic_0001>
#map = affine_map<(d0, d1) -> (0, 0)>
#map1 = affine_map<(d0, d1) -> (0)>
#map2 = affine_map<(d0, d1) -> (0, 0, 0)>
module attributes {stable_mosaic.version = 14 : i64} {
  func.func @sc_edge_agg_128(%arg0: i32, %arg1: i32, %arg2: memref<10000x128xf32, #tpu.memory_space<hbm>>, %arg3: memref<320000xi32, #tpu.memory_space<hbm>>, %arg4: memref<320000xi32, #tpu.memory_space<hbm>>, %arg5: memref<632x128xf32, #tpu.memory_space<hbm>>, %arg6: memref<2x10000x128xf32, #tpu.memory_space<hbm>>, %arg7: memref<10000x128xf32, #tpu.memory_space<vmem_shared>>, %arg8: memref<80xi32, #tpu.memory_space<vmem>>, %arg9: memref<80xi32, #tpu.memory_space<vmem>>, %arg10: memref<80xi32, #tpu.memory_space<vmem>>, %arg11: memref<80xi32, #tpu.memory_space<vmem>>, %arg12: memref<80xi32, #tpu.memory_space<vmem>>, %arg13: memref<80xi32, #tpu.memory_space<vmem>>, %arg14: memref<80xi32, #tpu.memory_space<vmem>>, %arg15: memref<80xi32, #tpu.memory_space<vmem>>, %arg16: memref<80xi32, #tpu.memory_space<vmem>>, %arg17: memref<80xi32, #tpu.memory_space<vmem>>, %arg18: memref<80xi32, #tpu.memory_space<vmem>>, %arg19: memref<80xi32, #tpu.memory_space<vmem>>, %arg20: memref<80x128xf32, #tpu.memory_space<vmem>>, %arg21: memref<80x128xf32, #tpu.memory_space<vmem>>, %arg22: memref<80x128xf32, #tpu.memory_space<vmem>>, %arg23: memref<!tpu.dma_semaphore, #tpu.memory_space<semaphore_mem>>, %arg24: memref<!tpu.dma_semaphore, #tpu.memory_space<semaphore_mem>>, %arg25: memref<!tpu.dma_semaphore, #tpu.memory_space<semaphore_mem>>, %arg26: memref<!tpu.dma_semaphore, #tpu.memory_space<semaphore_mem>>, %arg27: memref<!tpu.dma_semaphore, #tpu.memory_space<semaphore_mem>>, %arg28: memref<!tpu.dma_semaphore, #tpu.memory_space<semaphore_mem>>, %arg29: memref<!tpu.dma_semaphore, #tpu.memory_space<semaphore_mem>>, %arg30: memref<!tpu.dma_semaphore, #tpu.memory_space<semaphore_mem>>, %arg31: memref<!tpu.dma_semaphore, #tpu.memory_space<semaphore_mem>>, %arg32: memref<!tpu.dma_semaphore, #tpu.memory_space<semaphore_mem>>, %arg33: memref<!tpu.dma_semaphore, #tpu.memory_space<semaphore_mem>>, %arg34: memref<!tpu.dma_semaphore, #tpu.memory_space<semaphore_mem>>) attributes {dimension_semantics = [#tpu.dimension_semantics<core_parallel>, #tpu.dimension_semantics<subcore_parallel>], iteration_bounds = array<i64: 2, 16>, scalar_prefetch = 0 : i64, scratch_operands = 28 : i64, tpu.core_type = #tpu.core_type<sc_vector_subcore>, window_params = [{transform_indices = #map}, {transform_indices = #map1}, {transform_indices = #map1}, {transform_indices = #map}, {transform_indices = #map2}]} {
    %mul3A = arith.constant 2 : i32
    %mul3A_0 = arith.muli %arg1, %mul3A : i32
    %add3A = arith.addi %mul3A_0, %arg0 : i32
    %mul3A_1 = arith.constant 10000 : i32
    %mul3A_2 = arith.muli %add3A, %mul3A_1 : i32
    %lt3A = arith.constant 15 : i32
    %lt3A_3 = arith.cmpi slt, %arg1, %lt3A : i32
    %convert_element_type3A = arith.extui %lt3A_3 : i1 to i32
    %cond3A = arith.constant 0 : i32
    %cond3A_4 = arith.cmpi ne, %convert_element_type3A, %cond3A : i32
    scf.if %cond3A_4 {
      %mul3A_62 = arith.constant 632 : i32
      %mul3A_63 = arith.muli %arg1, %mul3A_62 : i32
      "tpu.region"() ({
        %run_scoped3A = tpu.sem_alloc : memref<!tpu.dma_semaphore, #tpu.memory_space<semaphore_mem>>
        %dma_start3A_64 = arith.constant 0 : i32
        %dma_start3A_65 = tpu.memref_slice %arg7[%mul3A_63, %dma_start3A_64] : memref<10000x128xf32, #tpu.memory_space<vmem_shared>> -> memref<632x128xf32, #tpu.memory_space<vmem_shared>>
        tpu.enqueue_dma source(%arg5 : memref<632x128xf32, #tpu.memory_space<hbm>>) target(%dma_start3A_65 : memref<632x128xf32, #tpu.memory_space<vmem_shared>>) target_semaphore(%run_scoped3A : memref<!tpu.dma_semaphore, #tpu.memory_space<semaphore_mem>>)
        %dma_wait3A_66 = arith.constant 0 : i32
        %dma_wait3A_67 = tpu.memref_slice %arg7[%mul3A_63, %dma_wait3A_66] : memref<10000x128xf32, #tpu.memory_space<vmem_shared>> -> memref<632x128xf32, #tpu.memory_space<vmem_shared>>
        tpu.wait_dma2 semaphore(%run_scoped3A : memref<!tpu.dma_semaphore, #tpu.memory_space<semaphore_mem>>) src(%arg5 : memref<632x128xf32, #tpu.memory_space<hbm>>) dst(%dma_wait3A_67 : memref<632x128xf32, #tpu.memory_space<vmem_shared>>)
        tpu.yield
      }) : () -> ()
    } else {
    }
    %eq3A = arith.constant 15 : i32
    %eq3A_5 = arith.cmpi eq, %arg1, %eq3A : i32
    %convert_element_type3A_6 = arith.extui %eq3A_5 : i1 to i32
    %cond3A_7 = arith.constant 0 : i32
    %cond3A_8 = arith.cmpi ne, %convert_element_type3A_6, %cond3A_7 : i32
    scf.if %cond3A_8 {
      %mul3A_62 = arith.constant 632 : i32
      %mul3A_63 = arith.muli %arg1, %mul3A_62 : i32
      "tpu.region"() ({
        %run_scoped3A = tpu.sem_alloc : memref<!tpu.dma_semaphore, #tpu.memory_space<semaphore_mem>>
        %dma_start3A_64 = arith.constant 0 : i32
        %dma_start3A_65 = tpu.memref_slice %arg7[%mul3A_63, %dma_start3A_64] : memref<10000x128xf32, #tpu.memory_space<vmem_shared>> -> memref<520x128xf32, #tpu.memory_space<vmem_shared>>
        %dma_start3A_66 = arith.constant 0 : i32
        %dma_start3A_67 = arith.constant 0 : i32
        %dma_start3A_68 = tpu.memref_slice %arg5[%dma_start3A_66, %dma_start3A_67] : memref<632x128xf32, #tpu.memory_space<hbm>> -> memref<520x128xf32, #tpu.memory_space<hbm>>
        tpu.enqueue_dma source(%dma_start3A_68 : memref<520x128xf32, #tpu.memory_space<hbm>>) target(%dma_start3A_65 : memref<520x128xf32, #tpu.memory_space<vmem_shared>>) target_semaphore(%run_scoped3A : memref<!tpu.dma_semaphore, #tpu.memory_space<semaphore_mem>>)
        %dma_wait3A_69 = arith.constant 0 : i32
        %dma_wait3A_70 = tpu.memref_slice %arg7[%mul3A_63, %dma_wait3A_69] : memref<10000x128xf32, #tpu.memory_space<vmem_shared>> -> memref<520x128xf32, #tpu.memory_space<vmem_shared>>
        %dma_wait3A_71 = arith.constant 0 : i32
        %dma_wait3A_72 = arith.constant 0 : i32
        %dma_wait3A_73 = tpu.memref_slice %arg5[%dma_wait3A_71, %dma_wait3A_72] : memref<632x128xf32, #tpu.memory_space<hbm>> -> memref<520x128xf32, #tpu.memory_space<hbm>>
        tpu.wait_dma2 semaphore(%run_scoped3A : memref<!tpu.dma_semaphore, #tpu.memory_space<semaphore_mem>>) src(%dma_wait3A_73 : memref<520x128xf32, #tpu.memory_space<hbm>>) dst(%dma_wait3A_70 : memref<520x128xf32, #tpu.memory_space<vmem_shared>>)
        tpu.yield
      }) : () -> ()
    } else {
    }
    %add3A_9 = arith.constant 0 : i32
    %add3A_10 = arith.addi %mul3A_2, %add3A_9 : i32
    %dma_start3A = tpu.memref_slice %arg3[%add3A_10] : memref<320000xi32, #tpu.memory_space<hbm>> -> memref<80xi32, #tpu.memory_space<hbm>>
    %dma_start3A_11 = tpu.memref_slice %arg3[%add3A_10] : memref<320000xi32, #tpu.memory_space<hbm>> -> memref<80xi32, #tpu.memory_space<hbm>>
    tpu.enqueue_dma source(%dma_start3A_11 : memref<80xi32, #tpu.memory_space<hbm>>) target(%arg8 : memref<80xi32, #tpu.memory_space<vmem>>) target_semaphore(%arg23 : memref<!tpu.dma_semaphore, #tpu.memory_space<semaphore_mem>>)
    %add3A_12 = arith.constant 0 : i32
    %add3A_13 = arith.addi %mul3A_2, %add3A_12 : i32
    %dma_start3A_14 = tpu.memref_slice %arg4[%add3A_13] : memref<320000xi32, #tpu.memory_space<hbm>> -> memref<80xi32, #tpu.memory_space<hbm>>
    %dma_start3A_15 = tpu.memref_slice %arg4[%add3A_13] : memref<320000xi32, #tpu.memory_space<hbm>> -> memref<80xi32, #tpu.memory_space<hbm>>
    tpu.enqueue_dma source(%dma_start3A_15 : memref<80xi32, #tpu.memory_space<hbm>>) target(%arg14 : memref<80xi32, #tpu.memory_space<vmem>>) target_semaphore(%arg23 : memref<!tpu.dma_semaphore, #tpu.memory_space<semaphore_mem>>)
    %add3A_16 = arith.constant 80 : i32
    %add3A_17 = arith.addi %mul3A_2, %add3A_16 : i32
    %dma_start3A_18 = tpu.memref_slice %arg3[%add3A_17] : memref<320000xi32, #tpu.memory_space<hbm>> -> memref<80xi32, #tpu.memory_space<hbm>>
    %dma_start3A_19 = tpu.memref_slice %arg3[%add3A_17] : memref<320000xi32, #tpu.memory_space<hbm>> -> memref<80xi32, #tpu.memory_space<hbm>>
    tpu.enqueue_dma source(%dma_start3A_19 : memref<80xi32, #tpu.memory_space<hbm>>) target(%arg9 : memref<80xi32, #tpu.memory_space<vmem>>) target_semaphore(%arg24 : memref<!tpu.dma_semaphore, #tpu.memory_space<semaphore_mem>>)
    %add3A_20 = arith.constant 80 : i32
    %add3A_21 = arith.addi %mul3A_2, %add3A_20 : i32
    %dma_start3A_22 = tpu.memref_slice %arg4[%add3A_21] : memref<320000xi32, #tpu.memory_space<hbm>> -> memref<80xi32, #tpu.memory_space<hbm>>
    %dma_start3A_23 = tpu.memref_slice %arg4[%add3A_21] : memref<320000xi32, #tpu.memory_space<hbm>> -> memref<80xi32, #tpu.memory_space<hbm>>
    tpu.enqueue_dma source(%dma_start3A_23 : memref<80xi32, #tpu.memory_space<hbm>>) target(%arg15 : memref<80xi32, #tpu.memory_space<vmem>>) target_semaphore(%arg24 : memref<!tpu.dma_semaphore, #tpu.memory_space<semaphore_mem>>)
    %add3A_24 = arith.constant 160 : i32
    %add3A_25 = arith.addi %mul3A_2, %add3A_24 : i32
    %dma_start3A_26 = tpu.memref_slice %arg3[%add3A_25] : memref<320000xi32, #tpu.memory_space<hbm>> -> memref<80xi32, #tpu.memory_space<hbm>>
    %dma_start3A_27 = tpu.memref_slice %arg3[%add3A_25] : memref<320000xi32, #tpu.memory_space<hbm>> -> memref<80xi32, #tpu.memory_space<hbm>>
    tpu.enqueue_dma source(%dma_start3A_27 : memref<80xi32, #tpu.memory_space<hbm>>) target(%arg10 : memref<80xi32, #tpu.memory_space<vmem>>) target_semaphore(%arg25 : memref<!tpu.dma_semaphore, #tpu.memory_space<semaphore_mem>>)
    %add3A_28 = arith.constant 160 : i32
    %add3A_29 = arith.addi %mul3A_2, %add3A_28 : i32
    %dma_start3A_30 = tpu.memref_slice %arg4[%add3A_29] : memref<320000xi32, #tpu.memory_space<hbm>> -> memref<80xi32, #tpu.memory_space<hbm>>
    %dma_start3A_31 = tpu.memref_slice %arg4[%add3A_29] : memref<320000xi32, #tpu.memory_space<hbm>> -> memref<80xi32, #tpu.memory_space<hbm>>
    tpu.enqueue_dma source(%dma_start3A_31 : memref<80xi32, #tpu.memory_space<hbm>>) target(%arg16 : memref<80xi32, #tpu.memory_space<vmem>>) target_semaphore(%arg25 : memref<!tpu.dma_semaphore, #tpu.memory_space<semaphore_mem>>)
    %barrier3A = arith.constant 0 : index
    tpu.barrier barrier_id(%barrier3A)
    %scan3A = arith.constant 0 : i32
    %scan3A_32 = arith.constant 0 : i32
    %scan3A_33 = arith.constant 21 : i32
    %scan3A_34 = arith.addi %scan3A_32, %scan3A_33 : i32
    %scan3A_35 = arith.constant 1 : i32
    scf.for %scan3A_62 = %scan3A_32 to %scan3A_34 step %scan3A_35  : i32 {
      %mul3A_63 = arith.constant 6 : i32
      %mul3A_64 = arith.muli %scan3A_62, %mul3A_63 : i32
      %add3A_65 = arith.constant 0 : i32
      %add3A_66 = arith.addi %mul3A_64, %add3A_65 : i32
      %lt3A_67 = arith.constant 125 : i32
      %lt3A_68 = arith.cmpi slt, %add3A_66, %lt3A_67 : i32
      %convert_element_type3A_69 = arith.extui %lt3A_68 : i1 to i32
      %cond3A_70 = arith.constant 0 : i32
      %cond3A_71 = arith.cmpi ne, %convert_element_type3A_69, %cond3A_70 : i32
      scf.if %cond3A_71 {
        %ge3A = arith.constant 3 : i32
        %ge3A_117 = arith.cmpi sge, %add3A_66, %ge3A : i32
        %convert_element_type3A_118 = arith.extui %ge3A_117 : i1 to i32
        %cond3A_119 = arith.constant 0 : i32
        %cond3A_120 = arith.cmpi ne, %convert_element_type3A_118, %cond3A_119 : i32
        scf.if %cond3A_120 {
          %dma_wait3A_146 = arith.constant 0 : i32
          %dma_wait3A_147 = arith.constant 0 : i32
          %dma_wait3A_148 = tpu.memref_slice %arg7[%dma_wait3A_146, %dma_wait3A_147] : memref<10000x128xf32, #tpu.memory_space<vmem_shared>> -> memref<10000x128xf32, #tpu.memory_space<vmem_shared>>
          tpu.wait_indirect_dma semaphore(%arg32 : memref<!tpu.dma_semaphore, #tpu.memory_space<semaphore_mem>>) src(%arg20 : memref<80x128xf32, #tpu.memory_space<vmem>>) dst(%dma_wait3A_148 : memref<10000x128xf32, #tpu.memory_space<vmem_shared>>)
        } else {
        }
        %add3A_121 = arith.constant 3 : i32
        %add3A_122 = arith.addi %add3A_66, %add3A_121 : i32
        %lt3A_123 = arith.constant 125 : i32
        %lt3A_124 = arith.cmpi slt, %add3A_122, %lt3A_123 : i32
        %convert_element_type3A_125 = arith.extui %lt3A_124 : i1 to i32
        %cond3A_126 = arith.constant 0 : i32
        %cond3A_127 = arith.cmpi ne, %convert_element_type3A_125, %cond3A_126 : i32
        scf.if %cond3A_127 {
          %add3A_146 = arith.constant 3 : i32
          %add3A_147 = arith.addi %add3A_66, %add3A_146 : i32
          %mul3A_148 = arith.constant 80 : i32
          %mul3A_149 = arith.muli %add3A_147, %mul3A_148 : i32
          %add3A_150 = arith.addi %mul3A_2, %mul3A_149 : i32
          %dma_start3A_151 = tpu.memref_slice %arg3[%add3A_150] : memref<320000xi32, #tpu.memory_space<hbm>> -> memref<80xi32, #tpu.memory_space<hbm>>
          %dma_start3A_152 = tpu.memref_slice %arg3[%add3A_150] : memref<320000xi32, #tpu.memory_space<hbm>> -> memref<80xi32, #tpu.memory_space<hbm>>
          tpu.enqueue_dma source(%dma_start3A_152 : memref<80xi32, #tpu.memory_space<hbm>>) target(%arg11 : memref<80xi32, #tpu.memory_space<vmem>>) target_semaphore(%arg26 : memref<!tpu.dma_semaphore, #tpu.memory_space<semaphore_mem>>)
          %mul3A_153 = arith.constant 80 : i32
          %mul3A_154 = arith.muli %add3A_147, %mul3A_153 : i32
          %add3A_155 = arith.addi %mul3A_2, %mul3A_154 : i32
          %dma_start3A_156 = tpu.memref_slice %arg4[%add3A_155] : memref<320000xi32, #tpu.memory_space<hbm>> -> memref<80xi32, #tpu.memory_space<hbm>>
          %dma_start3A_157 = tpu.memref_slice %arg4[%add3A_155] : memref<320000xi32, #tpu.memory_space<hbm>> -> memref<80xi32, #tpu.memory_space<hbm>>
          tpu.enqueue_dma source(%dma_start3A_157 : memref<80xi32, #tpu.memory_space<hbm>>) target(%arg17 : memref<80xi32, #tpu.memory_space<vmem>>) target_semaphore(%arg26 : memref<!tpu.dma_semaphore, #tpu.memory_space<semaphore_mem>>)
        } else {
        }
        %mul3A_128 = arith.constant 80 : i32
        %mul3A_129 = arith.muli %add3A_66, %mul3A_128 : i32
        %add3A_130 = arith.addi %mul3A_2, %mul3A_129 : i32
        %dma_wait3A_131 = tpu.memref_slice %arg3[%add3A_130] : memref<320000xi32, #tpu.memory_space<hbm>> -> memref<80xi32, #tpu.memory_space<hbm>>
        %dma_wait3A_132 = tpu.memref_slice %arg3[%add3A_130] : memref<320000xi32, #tpu.memory_space<hbm>> -> memref<80xi32, #tpu.memory_space<hbm>>
        tpu.wait_dma2 semaphore(%arg23 : memref<!tpu.dma_semaphore, #tpu.memory_space<semaphore_mem>>) src(%dma_wait3A_132 : memref<80xi32, #tpu.memory_space<hbm>>) dst(%arg8 : memref<80xi32, #tpu.memory_space<vmem>>)
        %mul3A_133 = arith.constant 80 : i32
        %mul3A_134 = arith.muli %add3A_66, %mul3A_133 : i32
        %add3A_135 = arith.addi %mul3A_2, %mul3A_134 : i32
        %dma_wait3A_136 = tpu.memref_slice %arg4[%add3A_135] : memref<320000xi32, #tpu.memory_space<hbm>> -> memref<80xi32, #tpu.memory_space<hbm>>
        %dma_wait3A_137 = tpu.memref_slice %arg4[%add3A_135] : memref<320000xi32, #tpu.memory_space<hbm>> -> memref<80xi32, #tpu.memory_space<hbm>>
        tpu.wait_dma2 semaphore(%arg23 : memref<!tpu.dma_semaphore, #tpu.memory_space<semaphore_mem>>) src(%dma_wait3A_137 : memref<80xi32, #tpu.memory_space<hbm>>) dst(%arg14 : memref<80xi32, #tpu.memory_space<vmem>>)
        %dma_start3A_138 = arith.constant 0 : i32
        %dma_start3A_139 = arith.constant 0 : i32
        %dma_start3A_140 = tpu.memref_slice %arg2[%dma_start3A_138, %dma_start3A_139] : memref<10000x128xf32, #tpu.memory_space<hbm>> -> memref<10000x128xf32, #tpu.memory_space<hbm>>
        tpu.enqueue_indirect_dma source(%dma_start3A_140 : memref<10000x128xf32, #tpu.memory_space<hbm>>) target(%arg20 : memref<80x128xf32, #tpu.memory_space<vmem>>) offsets(%arg8 : memref<80xi32, #tpu.memory_space<vmem>>) semaphore(%arg29 : memref<!tpu.dma_semaphore, #tpu.memory_space<semaphore_mem>>)
        %ge3A_141 = arith.constant 1 : i32
        %ge3A_142 = arith.cmpi sge, %add3A_66, %ge3A_141 : i32
        %convert_element_type3A_143 = arith.extui %ge3A_142 : i1 to i32
        %cond3A_144 = arith.constant 0 : i32
        %cond3A_145 = arith.cmpi ne, %convert_element_type3A_143, %cond3A_144 : i32
        scf.if %cond3A_145 {
          %dma_wait3A_146 = arith.constant 0 : i32
          %dma_wait3A_147 = arith.constant 0 : i32
          %dma_wait3A_148 = tpu.memref_slice %arg2[%dma_wait3A_146, %dma_wait3A_147] : memref<10000x128xf32, #tpu.memory_space<hbm>> -> memref<10000x128xf32, #tpu.memory_space<hbm>>
          tpu.wait_indirect_dma semaphore(%arg31 : memref<!tpu.dma_semaphore, #tpu.memory_space<semaphore_mem>>) src(%dma_wait3A_148 : memref<10000x128xf32, #tpu.memory_space<hbm>>) dst(%arg22 : memref<80x128xf32, #tpu.memory_space<vmem>>)
          %dma_start3A_149 = arith.constant 0 : i32
          %dma_start3A_150 = arith.constant 0 : i32
          %dma_start3A_151 = tpu.memref_slice %arg7[%dma_start3A_149, %dma_start3A_150] : memref<10000x128xf32, #tpu.memory_space<vmem_shared>> -> memref<10000x128xf32, #tpu.memory_space<vmem_shared>>
          tpu.enqueue_indirect_dma source(%arg22 : memref<80x128xf32, #tpu.memory_space<vmem>>) target(%dma_start3A_151 : memref<10000x128xf32, #tpu.memory_space<vmem_shared>>) offsets(%arg19 : memref<80xi32, #tpu.memory_space<vmem>>) semaphore(%arg34 : memref<!tpu.dma_semaphore, #tpu.memory_space<semaphore_mem>>) {add = true}
        } else {
        }
      } else {
      }
      %mul3A_72 = arith.constant 6 : i32
      %mul3A_73 = arith.muli %scan3A_62, %mul3A_72 : i32
      %add3A_74 = arith.constant 1 : i32
      %add3A_75 = arith.addi %mul3A_73, %add3A_74 : i32
      %lt3A_76 = arith.constant 125 : i32
      %lt3A_77 = arith.cmpi slt, %add3A_75, %lt3A_76 : i32
      %convert_element_type3A_78 = arith.extui %lt3A_77 : i1 to i32
      %cond3A_79 = arith.constant 0 : i32
      %cond3A_80 = arith.cmpi ne, %convert_element_type3A_78, %cond3A_79 : i32
      scf.if %cond3A_80 {
        %ge3A = arith.constant 3 : i32
        %ge3A_117 = arith.cmpi sge, %add3A_75, %ge3A : i32
        %convert_element_type3A_118 = arith.extui %ge3A_117 : i1 to i32
        %cond3A_119 = arith.constant 0 : i32
        %cond3A_120 = arith.cmpi ne, %convert_element_type3A_118, %cond3A_119 : i32
        scf.if %cond3A_120 {
          %dma_wait3A_146 = arith.constant 0 : i32
          %dma_wait3A_147 = arith.constant 0 : i32
          %dma_wait3A_148 = tpu.memref_slice %arg7[%dma_wait3A_146, %dma_wait3A_147] : memref<10000x128xf32, #tpu.memory_space<vmem_shared>> -> memref<10000x128xf32, #tpu.memory_space<vmem_shared>>
          tpu.wait_indirect_dma semaphore(%arg33 : memref<!tpu.dma_semaphore, #tpu.memory_space<semaphore_mem>>) src(%arg21 : memref<80x128xf32, #tpu.memory_space<vmem>>) dst(%dma_wait3A_148 : memref<10000x128xf32, #tpu.memory_space<vmem_shared>>)
        } else {
        }
        %add3A_121 = arith.constant 3 : i32
        %add3A_122 = arith.addi %add3A_75, %add3A_121 : i32
        %lt3A_123 = arith.constant 125 : i32
        %lt3A_124 = arith.cmpi slt, %add3A_122, %lt3A_123 : i32
        %convert_element_type3A_125 = arith.extui %lt3A_124 : i1 to i32
        %cond3A_126 = arith.constant 0 : i32
        %cond3A_127 = arith.cmpi ne, %convert_element_type3A_125, %cond3A_126 : i32
        scf.if %cond3A_127 {
          %add3A_146 = arith.constant 3 : i32
          %add3A_147 = arith.addi %add3A_75, %add3A_146 : i32
          %mul3A_148 = arith.constant 80 : i32
          %mul3A_149 = arith.muli %add3A_147, %mul3A_148 : i32
          %add3A_150 = arith.addi %mul3A_2, %mul3A_149 : i32
          %dma_start3A_151 = tpu.memref_slice %arg3[%add3A_150] : memref<320000xi32, #tpu.memory_space<hbm>> -> memref<80xi32, #tpu.memory_space<hbm>>
          %dma_start3A_152 = tpu.memref_slice %arg3[%add3A_150] : memref<320000xi32, #tpu.memory_space<hbm>> -> memref<80xi32, #tpu.memory_space<hbm>>
          tpu.enqueue_dma source(%dma_start3A_152 : memref<80xi32, #tpu.memory_space<hbm>>) target(%arg12 : memref<80xi32, #tpu.memory_space<vmem>>) target_semaphore(%arg27 : memref<!tpu.dma_semaphore, #tpu.memory_space<semaphore_mem>>)
          %mul3A_153 = arith.constant 80 : i32
          %mul3A_154 = arith.muli %add3A_147, %mul3A_153 : i32
          %add3A_155 = arith.addi %mul3A_2, %mul3A_154 : i32
          %dma_start3A_156 = tpu.memref_slice %arg4[%add3A_155] : memref<320000xi32, #tpu.memory_space<hbm>> -> memref<80xi32, #tpu.memory_space<hbm>>
          %dma_start3A_157 = tpu.memref_slice %arg4[%add3A_155] : memref<320000xi32, #tpu.memory_space<hbm>> -> memref<80xi32, #tpu.memory_space<hbm>>
          tpu.enqueue_dma source(%dma_start3A_157 : memref<80xi32, #tpu.memory_space<hbm>>) target(%arg18 : memref<80xi32, #tpu.memory_space<vmem>>) target_semaphore(%arg27 : memref<!tpu.dma_semaphore, #tpu.memory_space<semaphore_mem>>)
        } else {
        }
        %mul3A_128 = arith.constant 80 : i32
        %mul3A_129 = arith.muli %add3A_75, %mul3A_128 : i32
        %add3A_130 = arith.addi %mul3A_2, %mul3A_129 : i32
        %dma_wait3A_131 = tpu.memref_slice %arg3[%add3A_130] : memref<320000xi32, #tpu.memory_space<hbm>> -> memref<80xi32, #tpu.memory_space<hbm>>
        %dma_wait3A_132 = tpu.memref_slice %arg3[%add3A_130] : memref<320000xi32, #tpu.memory_space<hbm>> -> memref<80xi32, #tpu.memory_space<hbm>>
        tpu.wait_dma2 semaphore(%arg24 : memref<!tpu.dma_semaphore, #tpu.memory_space<semaphore_mem>>) src(%dma_wait3A_132 : memref<80xi32, #tpu.memory_space<hbm>>) dst(%arg9 : memref<80xi32, #tpu.memory_space<vmem>>)
        %mul3A_133 = arith.constant 80 : i32
        %mul3A_134 = arith.muli %add3A_75, %mul3A_133 : i32
        %add3A_135 = arith.addi %mul3A_2, %mul3A_134 : i32
        %dma_wait3A_136 = tpu.memref_slice %arg4[%add3A_135] : memref<320000xi32, #tpu.memory_space<hbm>> -> memref<80xi32, #tpu.memory_space<hbm>>
        %dma_wait3A_137 = tpu.memref_slice %arg4[%add3A_135] : memref<320000xi32, #tpu.memory_space<hbm>> -> memref<80xi32, #tpu.memory_space<hbm>>
        tpu.wait_dma2 semaphore(%arg24 : memref<!tpu.dma_semaphore, #tpu.memory_space<semaphore_mem>>) src(%dma_wait3A_137 : memref<80xi32, #tpu.memory_space<hbm>>) dst(%arg15 : memref<80xi32, #tpu.memory_space<vmem>>)
        %dma_start3A_138 = arith.constant 0 : i32
        %dma_start3A_139 = arith.constant 0 : i32
        %dma_start3A_140 = tpu.memref_slice %arg2[%dma_start3A_138, %dma_start3A_139] : memref<10000x128xf32, #tpu.memory_space<hbm>> -> memref<10000x128xf32, #tpu.memory_space<hbm>>
        tpu.enqueue_indirect_dma source(%dma_start3A_140 : memref<10000x128xf32, #tpu.memory_space<hbm>>) target(%arg21 : memref<80x128xf32, #tpu.memory_space<vmem>>) offsets(%arg9 : memref<80xi32, #tpu.memory_space<vmem>>) semaphore(%arg30 : memref<!tpu.dma_semaphore, #tpu.memory_space<semaphore_mem>>)
        %ge3A_141 = arith.constant 1 : i32
        %ge3A_142 = arith.cmpi sge, %add3A_75, %ge3A_141 : i32
        %convert_element_type3A_143 = arith.extui %ge3A_142 : i1 to i32
        %cond3A_144 = arith.constant 0 : i32
        %cond3A_145 = arith.cmpi ne, %convert_element_type3A_143, %cond3A_144 : i32
        scf.if %cond3A_145 {
          %dma_wait3A_146 = arith.constant 0 : i32
          %dma_wait3A_147 = arith.constant 0 : i32
          %dma_wait3A_148 = tpu.memref_slice %arg2[%dma_wait3A_146, %dma_wait3A_147] : memref<10000x128xf32, #tpu.memory_space<hbm>> -> memref<10000x128xf32, #tpu.memory_space<hbm>>
          tpu.wait_indirect_dma semaphore(%arg29 : memref<!tpu.dma_semaphore, #tpu.memory_space<semaphore_mem>>) src(%dma_wait3A_148 : memref<10000x128xf32, #tpu.memory_space<hbm>>) dst(%arg20 : memref<80x128xf32, #tpu.memory_space<vmem>>)
          %dma_start3A_149 = arith.constant 0 : i32
          %dma_start3A_150 = arith.constant 0 : i32
          %dma_start3A_151 = tpu.memref_slice %arg7[%dma_start3A_149, %dma_start3A_150] : memref<10000x128xf32, #tpu.memory_space<vmem_shared>> -> memref<10000x128xf32, #tpu.memory_space<vmem_shared>>
          tpu.enqueue_indirect_dma source(%arg20 : memref<80x128xf32, #tpu.memory_space<vmem>>) target(%dma_start3A_151 : memref<10000x128xf32, #tpu.memory_space<vmem_shared>>) offsets(%arg14 : memref<80xi32, #tpu.memory_space<vmem>>) semaphore(%arg32 : memref<!tpu.dma_semaphore, #tpu.memory_space<semaphore_mem>>) {add = true}
        } else {
        }
      } else {
      }
      %mul3A_81 = arith.constant 6 : i32
      %mul3A_82 = arith.muli %scan3A_62, %mul3A_81 : i32
      %add3A_83 = arith.constant 2 : i32
      %add3A_84 = arith.addi %mul3A_82, %add3A_83 : i32
      %lt3A_85 = arith.constant 125 : i32
      %lt3A_86 = arith.cmpi slt, %add3A_84, %lt3A_85 : i32
      %convert_element_type3A_87 = arith.extui %lt3A_86 : i1 to i32
      %cond3A_88 = arith.constant 0 : i32
      %cond3A_89 = arith.cmpi ne, %convert_element_type3A_87, %cond3A_88 : i32
      scf.if %cond3A_89 {
        %ge3A = arith.constant 3 : i32
        %ge3A_117 = arith.cmpi sge, %add3A_84, %ge3A : i32
        %convert_element_type3A_118 = arith.extui %ge3A_117 : i1 to i32
        %cond3A_119 = arith.constant 0 : i32
        %cond3A_120 = arith.cmpi ne, %convert_element_type3A_118, %cond3A_119 : i32
        scf.if %cond3A_120 {
          %dma_wait3A_146 = arith.constant 0 : i32
          %dma_wait3A_147 = arith.constant 0 : i32
          %dma_wait3A_148 = tpu.memref_slice %arg7[%dma_wait3A_146, %dma_wait3A_147] : memref<10000x128xf32, #tpu.memory_space<vmem_shared>> -> memref<10000x128xf32, #tpu.memory_space<vmem_shared>>
          tpu.wait_indirect_dma semaphore(%arg34 : memref<!tpu.dma_semaphore, #tpu.memory_space<semaphore_mem>>) src(%arg22 : memref<80x128xf32, #tpu.memory_space<vmem>>) dst(%dma_wait3A_148 : memref<10000x128xf32, #tpu.memory_space<vmem_shared>>)
        } else {
        }
        %add3A_121 = arith.constant 3 : i32
        %add3A_122 = arith.addi %add3A_84, %add3A_121 : i32
        %lt3A_123 = arith.constant 125 : i32
        %lt3A_124 = arith.cmpi slt, %add3A_122, %lt3A_123 : i32
        %convert_element_type3A_125 = arith.extui %lt3A_124 : i1 to i32
        %cond3A_126 = arith.constant 0 : i32
        %cond3A_127 = arith.cmpi ne, %convert_element_type3A_125, %cond3A_126 : i32
        scf.if %cond3A_127 {
          %add3A_146 = arith.constant 3 : i32
          %add3A_147 = arith.addi %add3A_84, %add3A_146 : i32
          %mul3A_148 = arith.constant 80 : i32
          %mul3A_149 = arith.muli %add3A_147, %mul3A_148 : i32
          %add3A_150 = arith.addi %mul3A_2, %mul3A_149 : i32
          %dma_start3A_151 = tpu.memref_slice %arg3[%add3A_150] : memref<320000xi32, #tpu.memory_space<hbm>> -> memref<80xi32, #tpu.memory_space<hbm>>
          %dma_start3A_152 = tpu.memref_slice %arg3[%add3A_150] : memref<320000xi32, #tpu.memory_space<hbm>> -> memref<80xi32, #tpu.memory_space<hbm>>
          tpu.enqueue_dma source(%dma_start3A_152 : memref<80xi32, #tpu.memory_space<hbm>>) target(%arg13 : memref<80xi32, #tpu.memory_space<vmem>>) target_semaphore(%arg28 : memref<!tpu.dma_semaphore, #tpu.memory_space<semaphore_mem>>)
          %mul3A_153 = arith.constant 80 : i32
          %mul3A_154 = arith.muli %add3A_147, %mul3A_153 : i32
          %add3A_155 = arith.addi %mul3A_2, %mul3A_154 : i32
          %dma_start3A_156 = tpu.memref_slice %arg4[%add3A_155] : memref<320000xi32, #tpu.memory_space<hbm>> -> memref<80xi32, #tpu.memory_space<hbm>>
          %dma_start3A_157 = tpu.memref_slice %arg4[%add3A_155] : memref<320000xi32, #tpu.memory_space<hbm>> -> memref<80xi32, #tpu.memory_space<hbm>>
          tpu.enqueue_dma source(%dma_start3A_157 : memref<80xi32, #tpu.memory_space<hbm>>) target(%arg19 : memref<80xi32, #tpu.memory_space<vmem>>) target_semaphore(%arg28 : memref<!tpu.dma_semaphore, #tpu.memory_space<semaphore_mem>>)
        } else {
        }
        %mul3A_128 = arith.constant 80 : i32
        %mul3A_129 = arith.muli %add3A_84, %mul3A_128 : i32
        %add3A_130 = arith.addi %mul3A_2, %mul3A_129 : i32
        %dma_wait3A_131 = tpu.memref_slice %arg3[%add3A_130] : memref<320000xi32, #tpu.memory_space<hbm>> -> memref<80xi32, #tpu.memory_space<hbm>>
        %dma_wait3A_132 = tpu.memref_slice %arg3[%add3A_130] : memref<320000xi32, #tpu.memory_space<hbm>> -> memref<80xi32, #tpu.memory_space<hbm>>
        tpu.wait_dma2 semaphore(%arg25 : memref<!tpu.dma_semaphore, #tpu.memory_space<semaphore_mem>>) src(%dma_wait3A_132 : memref<80xi32, #tpu.memory_space<hbm>>) dst(%arg10 : memref<80xi32, #tpu.memory_space<vmem>>)
        %mul3A_133 = arith.constant 80 : i32
        %mul3A_134 = arith.muli %add3A_84, %mul3A_133 : i32
        %add3A_135 = arith.addi %mul3A_2, %mul3A_134 : i32
        %dma_wait3A_136 = tpu.memref_slice %arg4[%add3A_135] : memref<320000xi32, #tpu.memory_space<hbm>> -> memref<80xi32, #tpu.memory_space<hbm>>
        %dma_wait3A_137 = tpu.memref_slice %arg4[%add3A_135] : memref<320000xi32, #tpu.memory_space<hbm>> -> memref<80xi32, #tpu.memory_space<hbm>>
        tpu.wait_dma2 semaphore(%arg25 : memref<!tpu.dma_semaphore, #tpu.memory_space<semaphore_mem>>) src(%dma_wait3A_137 : memref<80xi32, #tpu.memory_space<hbm>>) dst(%arg16 : memref<80xi32, #tpu.memory_space<vmem>>)
        %dma_start3A_138 = arith.constant 0 : i32
        %dma_start3A_139 = arith.constant 0 : i32
        %dma_start3A_140 = tpu.memref_slice %arg2[%dma_start3A_138, %dma_start3A_139] : memref<10000x128xf32, #tpu.memory_space<hbm>> -> memref<10000x128xf32, #tpu.memory_space<hbm>>
        tpu.enqueue_indirect_dma source(%dma_start3A_140 : memref<10000x128xf32, #tpu.memory_space<hbm>>) target(%arg22 : memref<80x128xf32, #tpu.memory_space<vmem>>) offsets(%arg10 : memref<80xi32, #tpu.memory_space<vmem>>) semaphore(%arg31 : memref<!tpu.dma_semaphore, #tpu.memory_space<semaphore_mem>>)
        %ge3A_141 = arith.constant 1 : i32
        %ge3A_142 = arith.cmpi sge, %add3A_84, %ge3A_141 : i32
        %convert_element_type3A_143 = arith.extui %ge3A_142 : i1 to i32
        %cond3A_144 = arith.constant 0 : i32
        %cond3A_145 = arith.cmpi ne, %convert_element_type3A_143, %cond3A_144 : i32
        scf.if %cond3A_145 {
          %dma_wait3A_146 = arith.constant 0 : i32
          %dma_wait3A_147 = arith.constant 0 : i32
          %dma_wait3A_148 = tpu.memref_slice %arg2[%dma_wait3A_146, %dma_wait3A_147] : memref<10000x128xf32, #tpu.memory_space<hbm>> -> memref<10000x128xf32, #tpu.memory_space<hbm>>
          tpu.wait_indirect_dma semaphore(%arg30 : memref<!tpu.dma_semaphore, #tpu.memory_space<semaphore_mem>>) src(%dma_wait3A_148 : memref<10000x128xf32, #tpu.memory_space<hbm>>) dst(%arg21 : memref<80x128xf32, #tpu.memory_space<vmem>>)
          %dma_start3A_149 = arith.constant 0 : i32
          %dma_start3A_150 = arith.constant 0 : i32
          %dma_start3A_151 = tpu.memref_slice %arg7[%dma_start3A_149, %dma_start3A_150] : memref<10000x128xf32, #tpu.memory_space<vmem_shared>> -> memref<10000x128xf32, #tpu.memory_space<vmem_shared>>
          tpu.enqueue_indirect_dma source(%arg21 : memref<80x128xf32, #tpu.memory_space<vmem>>) target(%dma_start3A_151 : memref<10000x128xf32, #tpu.memory_space<vmem_shared>>) offsets(%arg15 : memref<80xi32, #tpu.memory_space<vmem>>) semaphore(%arg33 : memref<!tpu.dma_semaphore, #tpu.memory_space<semaphore_mem>>) {add = true}
        } else {
        }
      } else {
      }
      %mul3A_90 = arith.constant 6 : i32
      %mul3A_91 = arith.muli %scan3A_62, %mul3A_90 : i32
      %add3A_92 = arith.constant 3 : i32
      %add3A_93 = arith.addi %mul3A_91, %add3A_92 : i32
      %lt3A_94 = arith.constant 125 : i32
      %lt3A_95 = arith.cmpi slt, %add3A_93, %lt3A_94 : i32
      %convert_element_type3A_96 = arith.extui %lt3A_95 : i1 to i32
      %cond3A_97 = arith.constant 0 : i32
      %cond3A_98 = arith.cmpi ne, %convert_element_type3A_96, %cond3A_97 : i32
      scf.if %cond3A_98 {
        %ge3A = arith.constant 3 : i32
        %ge3A_117 = arith.cmpi sge, %add3A_93, %ge3A : i32
        %convert_element_type3A_118 = arith.extui %ge3A_117 : i1 to i32
        %cond3A_119 = arith.constant 0 : i32
        %cond3A_120 = arith.cmpi ne, %convert_element_type3A_118, %cond3A_119 : i32
        scf.if %cond3A_120 {
          %dma_wait3A_146 = arith.constant 0 : i32
          %dma_wait3A_147 = arith.constant 0 : i32
          %dma_wait3A_148 = tpu.memref_slice %arg7[%dma_wait3A_146, %dma_wait3A_147] : memref<10000x128xf32, #tpu.memory_space<vmem_shared>> -> memref<10000x128xf32, #tpu.memory_space<vmem_shared>>
          tpu.wait_indirect_dma semaphore(%arg32 : memref<!tpu.dma_semaphore, #tpu.memory_space<semaphore_mem>>) src(%arg20 : memref<80x128xf32, #tpu.memory_space<vmem>>) dst(%dma_wait3A_148 : memref<10000x128xf32, #tpu.memory_space<vmem_shared>>)
        } else {
        }
        %add3A_121 = arith.constant 3 : i32
        %add3A_122 = arith.addi %add3A_93, %add3A_121 : i32
        %lt3A_123 = arith.constant 125 : i32
        %lt3A_124 = arith.cmpi slt, %add3A_122, %lt3A_123 : i32
        %convert_element_type3A_125 = arith.extui %lt3A_124 : i1 to i32
        %cond3A_126 = arith.constant 0 : i32
        %cond3A_127 = arith.cmpi ne, %convert_element_type3A_125, %cond3A_126 : i32
        scf.if %cond3A_127 {
          %add3A_146 = arith.constant 3 : i32
          %add3A_147 = arith.addi %add3A_93, %add3A_146 : i32
          %mul3A_148 = arith.constant 80 : i32
          %mul3A_149 = arith.muli %add3A_147, %mul3A_148 : i32
          %add3A_150 = arith.addi %mul3A_2, %mul3A_149 : i32
          %dma_start3A_151 = tpu.memref_slice %arg3[%add3A_150] : memref<320000xi32, #tpu.memory_space<hbm>> -> memref<80xi32, #tpu.memory_space<hbm>>
          %dma_start3A_152 = tpu.memref_slice %arg3[%add3A_150] : memref<320000xi32, #tpu.memory_space<hbm>> -> memref<80xi32, #tpu.memory_space<hbm>>
          tpu.enqueue_dma source(%dma_start3A_152 : memref<80xi32, #tpu.memory_space<hbm>>) target(%arg8 : memref<80xi32, #tpu.memory_space<vmem>>) target_semaphore(%arg23 : memref<!tpu.dma_semaphore, #tpu.memory_space<semaphore_mem>>)
          %mul3A_153 = arith.constant 80 : i32
          %mul3A_154 = arith.muli %add3A_147, %mul3A_153 : i32
          %add3A_155 = arith.addi %mul3A_2, %mul3A_154 : i32
          %dma_start3A_156 = tpu.memref_slice %arg4[%add3A_155] : memref<320000xi32, #tpu.memory_space<hbm>> -> memref<80xi32, #tpu.memory_space<hbm>>
          %dma_start3A_157 = tpu.memref_slice %arg4[%add3A_155] : memref<320000xi32, #tpu.memory_space<hbm>> -> memref<80xi32, #tpu.memory_space<hbm>>
          tpu.enqueue_dma source(%dma_start3A_157 : memref<80xi32, #tpu.memory_space<hbm>>) target(%arg14 : memref<80xi32, #tpu.memory_space<vmem>>) target_semaphore(%arg23 : memref<!tpu.dma_semaphore, #tpu.memory_space<semaphore_mem>>)
        } else {
        }
        %mul3A_128 = arith.constant 80 : i32
        %mul3A_129 = arith.muli %add3A_93, %mul3A_128 : i32
        %add3A_130 = arith.addi %mul3A_2, %mul3A_129 : i32
        %dma_wait3A_131 = tpu.memref_slice %arg3[%add3A_130] : memref<320000xi32, #tpu.memory_space<hbm>> -> memref<80xi32, #tpu.memory_space<hbm>>
        %dma_wait3A_132 = tpu.memref_slice %arg3[%add3A_130] : memref<320000xi32, #tpu.memory_space<hbm>> -> memref<80xi32, #tpu.memory_space<hbm>>
        tpu.wait_dma2 semaphore(%arg26 : memref<!tpu.dma_semaphore, #tpu.memory_space<semaphore_mem>>) src(%dma_wait3A_132 : memref<80xi32, #tpu.memory_space<hbm>>) dst(%arg11 : memref<80xi32, #tpu.memory_space<vmem>>)
        %mul3A_133 = arith.constant 80 : i32
        %mul3A_134 = arith.muli %add3A_93, %mul3A_133 : i32
        %add3A_135 = arith.addi %mul3A_2, %mul3A_134 : i32
        %dma_wait3A_136 = tpu.memref_slice %arg4[%add3A_135] : memref<320000xi32, #tpu.memory_space<hbm>> -> memref<80xi32, #tpu.memory_space<hbm>>
        %dma_wait3A_137 = tpu.memref_slice %arg4[%add3A_135] : memref<320000xi32, #tpu.memory_space<hbm>> -> memref<80xi32, #tpu.memory_space<hbm>>
        tpu.wait_dma2 semaphore(%arg26 : memref<!tpu.dma_semaphore, #tpu.memory_space<semaphore_mem>>) src(%dma_wait3A_137 : memref<80xi32, #tpu.memory_space<hbm>>) dst(%arg17 : memref<80xi32, #tpu.memory_space<vmem>>)
        %dma_start3A_138 = arith.constant 0 : i32
        %dma_start3A_139 = arith.constant 0 : i32
        %dma_start3A_140 = tpu.memref_slice %arg2[%dma_start3A_138, %dma_start3A_139] : memref<10000x128xf32, #tpu.memory_space<hbm>> -> memref<10000x128xf32, #tpu.memory_space<hbm>>
        tpu.enqueue_indirect_dma source(%dma_start3A_140 : memref<10000x128xf32, #tpu.memory_space<hbm>>) target(%arg20 : memref<80x128xf32, #tpu.memory_space<vmem>>) offsets(%arg11 : memref<80xi32, #tpu.memory_space<vmem>>) semaphore(%arg29 : memref<!tpu.dma_semaphore, #tpu.memory_space<semaphore_mem>>)
        %ge3A_141 = arith.constant 1 : i32
        %ge3A_142 = arith.cmpi sge, %add3A_93, %ge3A_141 : i32
        %convert_element_type3A_143 = arith.extui %ge3A_142 : i1 to i32
        %cond3A_144 = arith.constant 0 : i32
        %cond3A_145 = arith.cmpi ne, %convert_element_type3A_143, %cond3A_144 : i32
        scf.if %cond3A_145 {
          %dma_wait3A_146 = arith.constant 0 : i32
          %dma_wait3A_147 = arith.constant 0 : i32
          %dma_wait3A_148 = tpu.memref_slice %arg2[%dma_wait3A_146, %dma_wait3A_147] : memref<10000x128xf32, #tpu.memory_space<hbm>> -> memref<10000x128xf32, #tpu.memory_space<hbm>>
          tpu.wait_indirect_dma semaphore(%arg31 : memref<!tpu.dma_semaphore, #tpu.memory_space<semaphore_mem>>) src(%dma_wait3A_148 : memref<10000x128xf32, #tpu.memory_space<hbm>>) dst(%arg22 : memref<80x128xf32, #tpu.memory_space<vmem>>)
          %dma_start3A_149 = arith.constant 0 : i32
          %dma_start3A_150 = arith.constant 0 : i32
          %dma_start3A_151 = tpu.memref_slice %arg7[%dma_start3A_149, %dma_start3A_150] : memref<10000x128xf32, #tpu.memory_space<vmem_shared>> -> memref<10000x128xf32, #tpu.memory_space<vmem_shared>>
          tpu.enqueue_indirect_dma source(%arg22 : memref<80x128xf32, #tpu.memory_space<vmem>>) target(%dma_start3A_151 : memref<10000x128xf32, #tpu.memory_space<vmem_shared>>) offsets(%arg16 : memref<80xi32, #tpu.memory_space<vmem>>) semaphore(%arg34 : memref<!tpu.dma_semaphore, #tpu.memory_space<semaphore_mem>>) {add = true}
        } else {
        }
      } else {
      }
      %mul3A_99 = arith.constant 6 : i32
      %mul3A_100 = arith.muli %scan3A_62, %mul3A_99 : i32
      %add3A_101 = arith.constant 4 : i32
      %add3A_102 = arith.addi %mul3A_100, %add3A_101 : i32
      %lt3A_103 = arith.constant 125 : i32
      %lt3A_104 = arith.cmpi slt, %add3A_102, %lt3A_103 : i32
      %convert_element_type3A_105 = arith.extui %lt3A_104 : i1 to i32
      %cond3A_106 = arith.constant 0 : i32
      %cond3A_107 = arith.cmpi ne, %convert_element_type3A_105, %cond3A_106 : i32
      scf.if %cond3A_107 {
        %ge3A = arith.constant 3 : i32
        %ge3A_117 = arith.cmpi sge, %add3A_102, %ge3A : i32
        %convert_element_type3A_118 = arith.extui %ge3A_117 : i1 to i32
        %cond3A_119 = arith.constant 0 : i32
        %cond3A_120 = arith.cmpi ne, %convert_element_type3A_118, %cond3A_119 : i32
        scf.if %cond3A_120 {
          %dma_wait3A_146 = arith.constant 0 : i32
          %dma_wait3A_147 = arith.constant 0 : i32
          %dma_wait3A_148 = tpu.memref_slice %arg7[%dma_wait3A_146, %dma_wait3A_147] : memref<10000x128xf32, #tpu.memory_space<vmem_shared>> -> memref<10000x128xf32, #tpu.memory_space<vmem_shared>>
          tpu.wait_indirect_dma semaphore(%arg33 : memref<!tpu.dma_semaphore, #tpu.memory_space<semaphore_mem>>) src(%arg21 : memref<80x128xf32, #tpu.memory_space<vmem>>) dst(%dma_wait3A_148 : memref<10000x128xf32, #tpu.memory_space<vmem_shared>>)
        } else {
        }
        %add3A_121 = arith.constant 3 : i32
        %add3A_122 = arith.addi %add3A_102, %add3A_121 : i32
        %lt3A_123 = arith.constant 125 : i32
        %lt3A_124 = arith.cmpi slt, %add3A_122, %lt3A_123 : i32
        %convert_element_type3A_125 = arith.extui %lt3A_124 : i1 to i32
        %cond3A_126 = arith.constant 0 : i32
        %cond3A_127 = arith.cmpi ne, %convert_element_type3A_125, %cond3A_126 : i32
        scf.if %cond3A_127 {
          %add3A_146 = arith.constant 3 : i32
          %add3A_147 = arith.addi %add3A_102, %add3A_146 : i32
          %mul3A_148 = arith.constant 80 : i32
          %mul3A_149 = arith.muli %add3A_147, %mul3A_148 : i32
          %add3A_150 = arith.addi %mul3A_2, %mul3A_149 : i32
          %dma_start3A_151 = tpu.memref_slice %arg3[%add3A_150] : memref<320000xi32, #tpu.memory_space<hbm>> -> memref<80xi32, #tpu.memory_space<hbm>>
          %dma_start3A_152 = tpu.memref_slice %arg3[%add3A_150] : memref<320000xi32, #tpu.memory_space<hbm>> -> memref<80xi32, #tpu.memory_space<hbm>>
          tpu.enqueue_dma source(%dma_start3A_152 : memref<80xi32, #tpu.memory_space<hbm>>) target(%arg9 : memref<80xi32, #tpu.memory_space<vmem>>) target_semaphore(%arg24 : memref<!tpu.dma_semaphore, #tpu.memory_space<semaphore_mem>>)
          %mul3A_153 = arith.constant 80 : i32
          %mul3A_154 = arith.muli %add3A_147, %mul3A_153 : i32
          %add3A_155 = arith.addi %mul3A_2, %mul3A_154 : i32
          %dma_start3A_156 = tpu.memref_slice %arg4[%add3A_155] : memref<320000xi32, #tpu.memory_space<hbm>> -> memref<80xi32, #tpu.memory_space<hbm>>
          %dma_start3A_157 = tpu.memref_slice %arg4[%add3A_155] : memref<320000xi32, #tpu.memory_space<hbm>> -> memref<80xi32, #tpu.memory_space<hbm>>
          tpu.enqueue_dma source(%dma_start3A_157 : memref<80xi32, #tpu.memory_space<hbm>>) target(%arg15 : memref<80xi32, #tpu.memory_space<vmem>>) target_semaphore(%arg24 : memref<!tpu.dma_semaphore, #tpu.memory_space<semaphore_mem>>)
        } else {
        }
        %mul3A_128 = arith.constant 80 : i32
        %mul3A_129 = arith.muli %add3A_102, %mul3A_128 : i32
        %add3A_130 = arith.addi %mul3A_2, %mul3A_129 : i32
        %dma_wait3A_131 = tpu.memref_slice %arg3[%add3A_130] : memref<320000xi32, #tpu.memory_space<hbm>> -> memref<80xi32, #tpu.memory_space<hbm>>
        %dma_wait3A_132 = tpu.memref_slice %arg3[%add3A_130] : memref<320000xi32, #tpu.memory_space<hbm>> -> memref<80xi32, #tpu.memory_space<hbm>>
        tpu.wait_dma2 semaphore(%arg27 : memref<!tpu.dma_semaphore, #tpu.memory_space<semaphore_mem>>) src(%dma_wait3A_132 : memref<80xi32, #tpu.memory_space<hbm>>) dst(%arg12 : memref<80xi32, #tpu.memory_space<vmem>>)
        %mul3A_133 = arith.constant 80 : i32
        %mul3A_134 = arith.muli %add3A_102, %mul3A_133 : i32
        %add3A_135 = arith.addi %mul3A_2, %mul3A_134 : i32
        %dma_wait3A_136 = tpu.memref_slice %arg4[%add3A_135] : memref<320000xi32, #tpu.memory_space<hbm>> -> memref<80xi32, #tpu.memory_space<hbm>>
        %dma_wait3A_137 = tpu.memref_slice %arg4[%add3A_135] : memref<320000xi32, #tpu.memory_space<hbm>> -> memref<80xi32, #tpu.memory_space<hbm>>
        tpu.wait_dma2 semaphore(%arg27 : memref<!tpu.dma_semaphore, #tpu.memory_space<semaphore_mem>>) src(%dma_wait3A_137 : memref<80xi32, #tpu.memory_space<hbm>>) dst(%arg18 : memref<80xi32, #tpu.memory_space<vmem>>)
        %dma_start3A_138 = arith.constant 0 : i32
        %dma_start3A_139 = arith.constant 0 : i32
        %dma_start3A_140 = tpu.memref_slice %arg2[%dma_start3A_138, %dma_start3A_139] : memref<10000x128xf32, #tpu.memory_space<hbm>> -> memref<10000x128xf32, #tpu.memory_space<hbm>>
        tpu.enqueue_indirect_dma source(%dma_start3A_140 : memref<10000x128xf32, #tpu.memory_space<hbm>>) target(%arg21 : memref<80x128xf32, #tpu.memory_space<vmem>>) offsets(%arg12 : memref<80xi32, #tpu.memory_space<vmem>>) semaphore(%arg30 : memref<!tpu.dma_semaphore, #tpu.memory_space<semaphore_mem>>)
        %ge3A_141 = arith.constant 1 : i32
        %ge3A_142 = arith.cmpi sge, %add3A_102, %ge3A_141 : i32
        %convert_element_type3A_143 = arith.extui %ge3A_142 : i1 to i32
        %cond3A_144 = arith.constant 0 : i32
        %cond3A_145 = arith.cmpi ne, %convert_element_type3A_143, %cond3A_144 : i32
        scf.if %cond3A_145 {
          %dma_wait3A_146 = arith.constant 0 : i32
          %dma_wait3A_147 = arith.constant 0 : i32
          %dma_wait3A_148 = tpu.memref_slice %arg2[%dma_wait3A_146, %dma_wait3A_147] : memref<10000x128xf32, #tpu.memory_space<hbm>> -> memref<10000x128xf32, #tpu.memory_space<hbm>>
          tpu.wait_indirect_dma semaphore(%arg29 : memref<!tpu.dma_semaphore, #tpu.memory_space<semaphore_mem>>) src(%dma_wait3A_148 : memref<10000x128xf32, #tpu.memory_space<hbm>>) dst(%arg20 : memref<80x128xf32, #tpu.memory_space<vmem>>)
          %dma_start3A_149 = arith.constant 0 : i32
          %dma_start3A_150 = arith.constant 0 : i32
          %dma_start3A_151 = tpu.memref_slice %arg7[%dma_start3A_149, %dma_start3A_150] : memref<10000x128xf32, #tpu.memory_space<vmem_shared>> -> memref<10000x128xf32, #tpu.memory_space<vmem_shared>>
          tpu.enqueue_indirect_dma source(%arg20 : memref<80x128xf32, #tpu.memory_space<vmem>>) target(%dma_start3A_151 : memref<10000x128xf32, #tpu.memory_space<vmem_shared>>) offsets(%arg17 : memref<80xi32, #tpu.memory_space<vmem>>) semaphore(%arg32 : memref<!tpu.dma_semaphore, #tpu.memory_space<semaphore_mem>>) {add = true}
        } else {
        }
      } else {
      }
      %mul3A_108 = arith.constant 6 : i32
      %mul3A_109 = arith.muli %scan3A_62, %mul3A_108 : i32
      %add3A_110 = arith.constant 5 : i32
      %add3A_111 = arith.addi %mul3A_109, %add3A_110 : i32
      %lt3A_112 = arith.constant 125 : i32
      %lt3A_113 = arith.cmpi slt, %add3A_111, %lt3A_112 : i32
      %convert_element_type3A_114 = arith.extui %lt3A_113 : i1 to i32
      %cond3A_115 = arith.constant 0 : i32
      %cond3A_116 = arith.cmpi ne, %convert_element_type3A_114, %cond3A_115 : i32
      scf.if %cond3A_116 {
        %ge3A = arith.constant 3 : i32
        %ge3A_117 = arith.cmpi sge, %add3A_111, %ge3A : i32
        %convert_element_type3A_118 = arith.extui %ge3A_117 : i1 to i32
        %cond3A_119 = arith.constant 0 : i32
        %cond3A_120 = arith.cmpi ne, %convert_element_type3A_118, %cond3A_119 : i32
        scf.if %cond3A_120 {
          %dma_wait3A_146 = arith.constant 0 : i32
          %dma_wait3A_147 = arith.constant 0 : i32
          %dma_wait3A_148 = tpu.memref_slice %arg7[%dma_wait3A_146, %dma_wait3A_147] : memref<10000x128xf32, #tpu.memory_space<vmem_shared>> -> memref<10000x128xf32, #tpu.memory_space<vmem_shared>>
          tpu.wait_indirect_dma semaphore(%arg34 : memref<!tpu.dma_semaphore, #tpu.memory_space<semaphore_mem>>) src(%arg22 : memref<80x128xf32, #tpu.memory_space<vmem>>) dst(%dma_wait3A_148 : memref<10000x128xf32, #tpu.memory_space<vmem_shared>>)
        } else {
        }
        %add3A_121 = arith.constant 3 : i32
        %add3A_122 = arith.addi %add3A_111, %add3A_121 : i32
        %lt3A_123 = arith.constant 125 : i32
        %lt3A_124 = arith.cmpi slt, %add3A_122, %lt3A_123 : i32
        %convert_element_type3A_125 = arith.extui %lt3A_124 : i1 to i32
        %cond3A_126 = arith.constant 0 : i32
        %cond3A_127 = arith.cmpi ne, %convert_element_type3A_125, %cond3A_126 : i32
        scf.if %cond3A_127 {
          %add3A_146 = arith.constant 3 : i32
          %add3A_147 = arith.addi %add3A_111, %add3A_146 : i32
          %mul3A_148 = arith.constant 80 : i32
          %mul3A_149 = arith.muli %add3A_147, %mul3A_148 : i32
          %add3A_150 = arith.addi %mul3A_2, %mul3A_149 : i32
          %dma_start3A_151 = tpu.memref_slice %arg3[%add3A_150] : memref<320000xi32, #tpu.memory_space<hbm>> -> memref<80xi32, #tpu.memory_space<hbm>>
          %dma_start3A_152 = tpu.memref_slice %arg3[%add3A_150] : memref<320000xi32, #tpu.memory_space<hbm>> -> memref<80xi32, #tpu.memory_space<hbm>>
          tpu.enqueue_dma source(%dma_start3A_152 : memref<80xi32, #tpu.memory_space<hbm>>) target(%arg10 : memref<80xi32, #tpu.memory_space<vmem>>) target_semaphore(%arg25 : memref<!tpu.dma_semaphore, #tpu.memory_space<semaphore_mem>>)
          %mul3A_153 = arith.constant 80 : i32
          %mul3A_154 = arith.muli %add3A_147, %mul3A_153 : i32
          %add3A_155 = arith.addi %mul3A_2, %mul3A_154 : i32
          %dma_start3A_156 = tpu.memref_slice %arg4[%add3A_155] : memref<320000xi32, #tpu.memory_space<hbm>> -> memref<80xi32, #tpu.memory_space<hbm>>
          %dma_start3A_157 = tpu.memref_slice %arg4[%add3A_155] : memref<320000xi32, #tpu.memory_space<hbm>> -> memref<80xi32, #tpu.memory_space<hbm>>
          tpu.enqueue_dma source(%dma_start3A_157 : memref<80xi32, #tpu.memory_space<hbm>>) target(%arg16 : memref<80xi32, #tpu.memory_space<vmem>>) target_semaphore(%arg25 : memref<!tpu.dma_semaphore, #tpu.memory_space<semaphore_mem>>)
        } else {
        }
        %mul3A_128 = arith.constant 80 : i32
        %mul3A_129 = arith.muli %add3A_111, %mul3A_128 : i32
        %add3A_130 = arith.addi %mul3A_2, %mul3A_129 : i32
        %dma_wait3A_131 = tpu.memref_slice %arg3[%add3A_130] : memref<320000xi32, #tpu.memory_space<hbm>> -> memref<80xi32, #tpu.memory_space<hbm>>
        %dma_wait3A_132 = tpu.memref_slice %arg3[%add3A_130] : memref<320000xi32, #tpu.memory_space<hbm>> -> memref<80xi32, #tpu.memory_space<hbm>>
        tpu.wait_dma2 semaphore(%arg28 : memref<!tpu.dma_semaphore, #tpu.memory_space<semaphore_mem>>) src(%dma_wait3A_132 : memref<80xi32, #tpu.memory_space<hbm>>) dst(%arg13 : memref<80xi32, #tpu.memory_space<vmem>>)
        %mul3A_133 = arith.constant 80 : i32
        %mul3A_134 = arith.muli %add3A_111, %mul3A_133 : i32
        %add3A_135 = arith.addi %mul3A_2, %mul3A_134 : i32
        %dma_wait3A_136 = tpu.memref_slice %arg4[%add3A_135] : memref<320000xi32, #tpu.memory_space<hbm>> -> memref<80xi32, #tpu.memory_space<hbm>>
        %dma_wait3A_137 = tpu.memref_slice %arg4[%add3A_135] : memref<320000xi32, #tpu.memory_space<hbm>> -> memref<80xi32, #tpu.memory_space<hbm>>
        tpu.wait_dma2 semaphore(%arg28 : memref<!tpu.dma_semaphore, #tpu.memory_space<semaphore_mem>>) src(%dma_wait3A_137 : memref<80xi32, #tpu.memory_space<hbm>>) dst(%arg19 : memref<80xi32, #tpu.memory_space<vmem>>)
        %dma_start3A_138 = arith.constant 0 : i32
        %dma_start3A_139 = arith.constant 0 : i32
        %dma_start3A_140 = tpu.memref_slice %arg2[%dma_start3A_138, %dma_start3A_139] : memref<10000x128xf32, #tpu.memory_space<hbm>> -> memref<10000x128xf32, #tpu.memory_space<hbm>>
        tpu.enqueue_indirect_dma source(%dma_start3A_140 : memref<10000x128xf32, #tpu.memory_space<hbm>>) target(%arg22 : memref<80x128xf32, #tpu.memory_space<vmem>>) offsets(%arg13 : memref<80xi32, #tpu.memory_space<vmem>>) semaphore(%arg31 : memref<!tpu.dma_semaphore, #tpu.memory_space<semaphore_mem>>)
        %ge3A_141 = arith.constant 1 : i32
        %ge3A_142 = arith.cmpi sge, %add3A_111, %ge3A_141 : i32
        %convert_element_type3A_143 = arith.extui %ge3A_142 : i1 to i32
        %cond3A_144 = arith.constant 0 : i32
        %cond3A_145 = arith.cmpi ne, %convert_element_type3A_143, %cond3A_144 : i32
        scf.if %cond3A_145 {
          %dma_wait3A_146 = arith.constant 0 : i32
          %dma_wait3A_147 = arith.constant 0 : i32
          %dma_wait3A_148 = tpu.memref_slice %arg2[%dma_wait3A_146, %dma_wait3A_147] : memref<10000x128xf32, #tpu.memory_space<hbm>> -> memref<10000x128xf32, #tpu.memory_space<hbm>>
          tpu.wait_indirect_dma semaphore(%arg30 : memref<!tpu.dma_semaphore, #tpu.memory_space<semaphore_mem>>) src(%dma_wait3A_148 : memref<10000x128xf32, #tpu.memory_space<hbm>>) dst(%arg21 : memref<80x128xf32, #tpu.memory_space<vmem>>)
          %dma_start3A_149 = arith.constant 0 : i32
          %dma_start3A_150 = arith.constant 0 : i32
          %dma_start3A_151 = tpu.memref_slice %arg7[%dma_start3A_149, %dma_start3A_150] : memref<10000x128xf32, #tpu.memory_space<vmem_shared>> -> memref<10000x128xf32, #tpu.memory_space<vmem_shared>>
          tpu.enqueue_indirect_dma source(%arg21 : memref<80x128xf32, #tpu.memory_space<vmem>>) target(%dma_start3A_151 : memref<10000x128xf32, #tpu.memory_space<vmem_shared>>) offsets(%arg18 : memref<80xi32, #tpu.memory_space<vmem>>) semaphore(%arg33 : memref<!tpu.dma_semaphore, #tpu.memory_space<semaphore_mem>>) {add = true}
        } else {
        }
      } else {
      }
    }
    %scan3A_36 = arith.constant 21 : i32
    %dma_wait3A = arith.constant 0 : i32
    %dma_wait3A_37 = arith.constant 0 : i32
    %dma_wait3A_38 = tpu.memref_slice %arg2[%dma_wait3A, %dma_wait3A_37] : memref<10000x128xf32, #tpu.memory_space<hbm>> -> memref<10000x128xf32, #tpu.memory_space<hbm>>
    tpu.wait_indirect_dma semaphore(%arg30 : memref<!tpu.dma_semaphore, #tpu.memory_space<semaphore_mem>>) src(%dma_wait3A_38 : memref<10000x128xf32, #tpu.memory_space<hbm>>) dst(%arg21 : memref<80x128xf32, #tpu.memory_space<vmem>>)
    %dma_start3A_39 = arith.constant 0 : i32
    %dma_start3A_40 = arith.constant 0 : i32
    %dma_start3A_41 = tpu.memref_slice %arg7[%dma_start3A_39, %dma_start3A_40] : memref<10000x128xf32, #tpu.memory_space<vmem_shared>> -> memref<10000x128xf32, #tpu.memory_space<vmem_shared>>
    tpu.enqueue_indirect_dma source(%arg21 : memref<80x128xf32, #tpu.memory_space<vmem>>) target(%dma_start3A_41 : memref<10000x128xf32, #tpu.memory_space<vmem_shared>>) offsets(%arg18 : memref<80xi32, #tpu.memory_space<vmem>>) semaphore(%arg33 : memref<!tpu.dma_semaphore, #tpu.memory_space<semaphore_mem>>) {add = true}
    %dma_wait3A_42 = arith.constant 0 : i32
    %dma_wait3A_43 = arith.constant 0 : i32
    %dma_wait3A_44 = tpu.memref_slice %arg7[%dma_wait3A_42, %dma_wait3A_43] : memref<10000x128xf32, #tpu.memory_space<vmem_shared>> -> memref<10000x128xf32, #tpu.memory_space<vmem_shared>>
    tpu.wait_indirect_dma semaphore(%arg34 : memref<!tpu.dma_semaphore, #tpu.memory_space<semaphore_mem>>) src(%arg22 : memref<80x128xf32, #tpu.memory_space<vmem>>) dst(%dma_wait3A_44 : memref<10000x128xf32, #tpu.memory_space<vmem_shared>>)
    %dma_wait3A_45 = arith.constant 0 : i32
    %dma_wait3A_46 = arith.constant 0 : i32
    %dma_wait3A_47 = tpu.memref_slice %arg7[%dma_wait3A_45, %dma_wait3A_46] : memref<10000x128xf32, #tpu.memory_space<vmem_shared>> -> memref<10000x128xf32, #tpu.memory_space<vmem_shared>>
    tpu.wait_indirect_dma semaphore(%arg32 : memref<!tpu.dma_semaphore, #tpu.memory_space<semaphore_mem>>) src(%arg20 : memref<80x128xf32, #tpu.memory_space<vmem>>) dst(%dma_wait3A_47 : memref<10000x128xf32, #tpu.memory_space<vmem_shared>>)
    %dma_wait3A_48 = arith.constant 0 : i32
    %dma_wait3A_49 = arith.constant 0 : i32
    %dma_wait3A_50 = tpu.memref_slice %arg7[%dma_wait3A_48, %dma_wait3A_49] : memref<10000x128xf32, #tpu.memory_space<vmem_shared>> -> memref<10000x128xf32, #tpu.memory_space<vmem_shared>>
    tpu.wait_indirect_dma semaphore(%arg33 : memref<!tpu.dma_semaphore, #tpu.memory_space<semaphore_mem>>) src(%arg21 : memref<80x128xf32, #tpu.memory_space<vmem>>) dst(%dma_wait3A_50 : memref<10000x128xf32, #tpu.memory_space<vmem_shared>>)
    %barrier3A_51 = arith.constant 0 : index
    tpu.barrier barrier_id(%barrier3A_51)
    %lt3A_52 = arith.constant 15 : i32
    %lt3A_53 = arith.cmpi slt, %arg1, %lt3A_52 : i32
    %convert_element_type3A_54 = arith.extui %lt3A_53 : i1 to i32
    %cond3A_55 = arith.constant 0 : i32
    %cond3A_56 = arith.cmpi ne, %convert_element_type3A_54, %cond3A_55 : i32
    scf.if %cond3A_56 {
      %mul3A_62 = arith.constant 632 : i32
      %mul3A_63 = arith.muli %arg1, %mul3A_62 : i32
      %mul3A_64 = arith.constant 632 : i32
      %mul3A_65 = arith.muli %arg1, %mul3A_64 : i32
      "tpu.region"() ({
        %run_scoped3A = tpu.sem_alloc : memref<!tpu.dma_semaphore, #tpu.memory_space<semaphore_mem>>
        %dma_start3A_66 = arith.constant 0 : i32
        %dma_start3A_67 = arith.constant 0 : i32
        %dma_start3A_68 = tpu.memref_slice %arg6[%arg0, %dma_start3A_66, %dma_start3A_67] : memref<2x10000x128xf32, #tpu.memory_space<hbm>> -> memref<1x10000x128xf32, #tpu.memory_space<hbm>>
        %dma_start3A_69 = tpu.memref_squeeze %dma_start3A_68 : memref<1x10000x128xf32, #tpu.memory_space<hbm>> -> memref<10000x128xf32, #tpu.memory_space<hbm>>
        %dma_start3A_70 = arith.constant 0 : i32
        %dma_start3A_71 = tpu.memref_slice %dma_start3A_69[%mul3A_65, %dma_start3A_70] : memref<10000x128xf32, #tpu.memory_space<hbm>> -> memref<632x128xf32, #tpu.memory_space<hbm>>
        %dma_start3A_72 = arith.constant 0 : i32
        %dma_start3A_73 = tpu.memref_slice %arg7[%mul3A_63, %dma_start3A_72] : memref<10000x128xf32, #tpu.memory_space<vmem_shared>> -> memref<632x128xf32, #tpu.memory_space<vmem_shared>>
        tpu.enqueue_dma source(%dma_start3A_73 : memref<632x128xf32, #tpu.memory_space<vmem_shared>>) target(%dma_start3A_71 : memref<632x128xf32, #tpu.memory_space<hbm>>) target_semaphore(%run_scoped3A : memref<!tpu.dma_semaphore, #tpu.memory_space<semaphore_mem>>)
        %dma_wait3A_74 = arith.constant 0 : i32
        %dma_wait3A_75 = arith.constant 0 : i32
        %dma_wait3A_76 = tpu.memref_slice %arg6[%arg0, %dma_wait3A_74, %dma_wait3A_75] : memref<2x10000x128xf32, #tpu.memory_space<hbm>> -> memref<1x10000x128xf32, #tpu.memory_space<hbm>>
        %dma_wait3A_77 = tpu.memref_squeeze %dma_wait3A_76 : memref<1x10000x128xf32, #tpu.memory_space<hbm>> -> memref<10000x128xf32, #tpu.memory_space<hbm>>
        %dma_wait3A_78 = arith.constant 0 : i32
        %dma_wait3A_79 = tpu.memref_slice %dma_wait3A_77[%mul3A_65, %dma_wait3A_78] : memref<10000x128xf32, #tpu.memory_space<hbm>> -> memref<632x128xf32, #tpu.memory_space<hbm>>
        %dma_wait3A_80 = arith.constant 0 : i32
        %dma_wait3A_81 = tpu.memref_slice %arg7[%mul3A_63, %dma_wait3A_80] : memref<10000x128xf32, #tpu.memory_space<vmem_shared>> -> memref<632x128xf32, #tpu.memory_space<vmem_shared>>
        tpu.wait_dma2 semaphore(%run_scoped3A : memref<!tpu.dma_semaphore, #tpu.memory_space<semaphore_mem>>) src(%dma_wait3A_81 : memref<632x128xf32, #tpu.memory_space<vmem_shared>>) dst(%dma_wait3A_79 : memref<632x128xf32, #tpu.memory_space<hbm>>)
        tpu.yield
      }) : () -> ()
    } else {
    }
    %eq3A_57 = arith.constant 15 : i32
    %eq3A_58 = arith.cmpi eq, %arg1, %eq3A_57 : i32
    %convert_element_type3A_59 = arith.extui %eq3A_58 : i1 to i32
    %cond3A_60 = arith.constant 0 : i32
    %cond3A_61 = arith.cmpi ne, %convert_element_type3A_59, %cond3A_60 : i32
    scf.if %cond3A_61 {
      %mul3A_62 = arith.constant 632 : i32
      %mul3A_63 = arith.muli %arg1, %mul3A_62 : i32
      %mul3A_64 = arith.constant 632 : i32
      %mul3A_65 = arith.muli %arg1, %mul3A_64 : i32
      "tpu.region"() ({
        %run_scoped3A = tpu.sem_alloc : memref<!tpu.dma_semaphore, #tpu.memory_space<semaphore_mem>>
        %dma_start3A_66 = arith.constant 0 : i32
        %dma_start3A_67 = arith.constant 0 : i32
        %dma_start3A_68 = tpu.memref_slice %arg6[%arg0, %dma_start3A_66, %dma_start3A_67] : memref<2x10000x128xf32, #tpu.memory_space<hbm>> -> memref<1x10000x128xf32, #tpu.memory_space<hbm>>
        %dma_start3A_69 = tpu.memref_squeeze %dma_start3A_68 : memref<1x10000x128xf32, #tpu.memory_space<hbm>> -> memref<10000x128xf32, #tpu.memory_space<hbm>>
        %dma_start3A_70 = arith.constant 0 : i32
        %dma_start3A_71 = tpu.memref_slice %dma_start3A_69[%mul3A_65, %dma_start3A_70] : memref<10000x128xf32, #tpu.memory_space<hbm>> -> memref<520x128xf32, #tpu.memory_space<hbm>>
        %dma_start3A_72 = arith.constant 0 : i32
        %dma_start3A_73 = tpu.memref_slice %arg7[%mul3A_63, %dma_start3A_72] : memref<10000x128xf32, #tpu.memory_space<vmem_shared>> -> memref<520x128xf32, #tpu.memory_space<vmem_shared>>
        tpu.enqueue_dma source(%dma_start3A_73 : memref<520x128xf32, #tpu.memory_space<vmem_shared>>) target(%dma_start3A_71 : memref<520x128xf32, #tpu.memory_space<hbm>>) target_semaphore(%run_scoped3A : memref<!tpu.dma_semaphore, #tpu.memory_space<semaphore_mem>>)
        %dma_wait3A_74 = arith.constant 0 : i32
        %dma_wait3A_75 = arith.constant 0 : i32
        %dma_wait3A_76 = tpu.memref_slice %arg6[%arg0, %dma_wait3A_74, %dma_wait3A_75] : memref<2x10000x128xf32, #tpu.memory_space<hbm>> -> memref<1x10000x128xf32, #tpu.memory_space<hbm>>
        %dma_wait3A_77 = tpu.memref_squeeze %dma_wait3A_76 : memref<1x10000x128xf32, #tpu.memory_space<hbm>> -> memref<10000x128xf32, #tpu.memory_space<hbm>>
        %dma_wait3A_78 = arith.constant 0 : i32
        %dma_wait3A_79 = tpu.memref_slice %dma_wait3A_77[%mul3A_65, %dma_wait3A_78] : memref<10000x128xf32, #tpu.memory_space<hbm>> -> memref<520x128xf32, #tpu.memory_space<hbm>>
        %dma_wait3A_80 = arith.constant 0 : i32
        %dma_wait3A_81 = tpu.memref_slice %arg7[%mul3A_63, %dma_wait3A_80] : memref<10000x128xf32, #tpu.memory_space<vmem_shared>> -> memref<520x128xf32, #tpu.memory_space<vmem_shared>>
        tpu.wait_dma2 semaphore(%run_scoped3A : memref<!tpu.dma_semaphore, #tpu.memory_space<semaphore_mem>>) src(%dma_wait3A_81 : memref<520x128xf32, #tpu.memory_space<vmem_shared>>) dst(%dma_wait3A_79 : memref<520x128xf32, #tpu.memory_space<hbm>>)
        tpu.yield
      }) : () -> ()
    } else {
    }
    return
  }
}

#map = affine_map<(d0, d1) -> (0)>
#map1 = affine_map<(d0, d1) -> (0, 0)>
#map2 = affine_map<(d0, d1) -> (0, 0, 0)>
module attributes {stable_mosaic.version = 14 : i64} {
  func.func @sc_degree(%arg0: i32, %arg1: i32, %arg2: memref<320000xi32, #tpu.memory_space<hbm>>, %arg3: memref<632x128xf32, #tpu.memory_space<hbm>>, %arg4: memref<80x128xf32, #tpu.memory_space<hbm>>, %arg5: memref<2x10000x128xf32, #tpu.memory_space<hbm>>, %arg6: memref<10000x128xf32, #tpu.memory_space<vmem_shared>>, %arg7: memref<80xi32, #tpu.memory_space<vmem>>, %arg8: memref<80xi32, #tpu.memory_space<vmem>>, %arg9: memref<80xi32, #tpu.memory_space<vmem>>, %arg10: memref<80xi32, #tpu.memory_space<vmem>>, %arg11: memref<80xi32, #tpu.memory_space<vmem>>, %arg12: memref<80xi32, #tpu.memory_space<vmem>>, %arg13: memref<80xi32, #tpu.memory_space<vmem>>, %arg14: memref<80xi32, #tpu.memory_space<vmem>>, %arg15: memref<80x128xf32, #tpu.memory_space<vmem>>, %arg16: memref<!tpu.dma_semaphore, #tpu.memory_space<semaphore_mem>>, %arg17: memref<!tpu.dma_semaphore, #tpu.memory_space<semaphore_mem>>, %arg18: memref<!tpu.dma_semaphore, #tpu.memory_space<semaphore_mem>>, %arg19: memref<!tpu.dma_semaphore, #tpu.memory_space<semaphore_mem>>, %arg20: memref<!tpu.dma_semaphore, #tpu.memory_space<semaphore_mem>>, %arg21: memref<!tpu.dma_semaphore, #tpu.memory_space<semaphore_mem>>, %arg22: memref<!tpu.dma_semaphore, #tpu.memory_space<semaphore_mem>>, %arg23: memref<!tpu.dma_semaphore, #tpu.memory_space<semaphore_mem>>, %arg24: memref<!tpu.dma_semaphore, #tpu.memory_space<semaphore_mem>>, %arg25: memref<!tpu.dma_semaphore, #tpu.memory_space<semaphore_mem>>, %arg26: memref<!tpu.dma_semaphore, #tpu.memory_space<semaphore_mem>>, %arg27: memref<!tpu.dma_semaphore, #tpu.memory_space<semaphore_mem>>, %arg28: memref<!tpu.dma_semaphore, #tpu.memory_space<semaphore_mem>>, %arg29: memref<!tpu.dma_semaphore, #tpu.memory_space<semaphore_mem>>, %arg30: memref<!tpu.dma_semaphore, #tpu.memory_space<semaphore_mem>>, %arg31: memref<!tpu.dma_semaphore, #tpu.memory_space<semaphore_mem>>) attributes {dimension_semantics = [#tpu.dimension_semantics<core_parallel>, #tpu.dimension_semantics<subcore_parallel>], iteration_bounds = array<i64: 2, 16>, scalar_prefetch = 0 : i64, scratch_operands = 26 : i64, tpu.core_type = #tpu.core_type<sc_vector_subcore>, window_params = [{transform_indices = #map}, {transform_indices = #map1}, {transform_indices = #map1}, {transform_indices = #map2}]} {
    %mul3A = arith.constant 2 : i32
    %mul3A_0 = arith.muli %arg1, %mul3A : i32
    %add3A = arith.addi %mul3A_0, %arg0 : i32
    %mul3A_1 = arith.constant 10000 : i32
    %mul3A_2 = arith.muli %add3A, %mul3A_1 : i32
    "tpu.region"() ({
      %run_scoped3A = tpu.sem_alloc : memref<!tpu.dma_semaphore, #tpu.memory_space<semaphore_mem>>
      tpu.enqueue_dma source(%arg4 : memref<80x128xf32, #tpu.memory_space<hbm>>) target(%arg15 : memref<80x128xf32, #tpu.memory_space<vmem>>) target_semaphore(%run_scoped3A : memref<!tpu.dma_semaphore, #tpu.memory_space<semaphore_mem>>)
      tpu.wait_dma2 semaphore(%run_scoped3A : memref<!tpu.dma_semaphore, #tpu.memory_space<semaphore_mem>>) src(%arg4 : memref<80x128xf32, #tpu.memory_space<hbm>>) dst(%arg15 : memref<80x128xf32, #tpu.memory_space<vmem>>)
      tpu.yield
    }) : () -> ()
    %lt3A = arith.constant 15 : i32
    %lt3A_3 = arith.cmpi slt, %arg1, %lt3A : i32
    %convert_element_type3A = arith.extui %lt3A_3 : i1 to i32
    %cond3A = arith.constant 0 : i32
    %cond3A_4 = arith.cmpi ne, %convert_element_type3A, %cond3A : i32
    scf.if %cond3A_4 {
      %mul3A_51 = arith.constant 632 : i32
      %mul3A_52 = arith.muli %arg1, %mul3A_51 : i32
      "tpu.region"() ({
        %run_scoped3A = tpu.sem_alloc : memref<!tpu.dma_semaphore, #tpu.memory_space<semaphore_mem>>
        %dma_start3A_53 = arith.constant 0 : i32
        %dma_start3A_54 = tpu.memref_slice %arg6[%mul3A_52, %dma_start3A_53] : memref<10000x128xf32, #tpu.memory_space<vmem_shared>> -> memref<632x128xf32, #tpu.memory_space<vmem_shared>>
        tpu.enqueue_dma source(%arg3 : memref<632x128xf32, #tpu.memory_space<hbm>>) target(%dma_start3A_54 : memref<632x128xf32, #tpu.memory_space<vmem_shared>>) target_semaphore(%run_scoped3A : memref<!tpu.dma_semaphore, #tpu.memory_space<semaphore_mem>>)
        %dma_wait3A_55 = arith.constant 0 : i32
        %dma_wait3A_56 = tpu.memref_slice %arg6[%mul3A_52, %dma_wait3A_55] : memref<10000x128xf32, #tpu.memory_space<vmem_shared>> -> memref<632x128xf32, #tpu.memory_space<vmem_shared>>
        tpu.wait_dma2 semaphore(%run_scoped3A : memref<!tpu.dma_semaphore, #tpu.memory_space<semaphore_mem>>) src(%arg3 : memref<632x128xf32, #tpu.memory_space<hbm>>) dst(%dma_wait3A_56 : memref<632x128xf32, #tpu.memory_space<vmem_shared>>)
        tpu.yield
      }) : () -> ()
    } else {
    }
    %eq3A = arith.constant 15 : i32
    %eq3A_5 = arith.cmpi eq, %arg1, %eq3A : i32
    %convert_element_type3A_6 = arith.extui %eq3A_5 : i1 to i32
    %cond3A_7 = arith.constant 0 : i32
    %cond3A_8 = arith.cmpi ne, %convert_element_type3A_6, %cond3A_7 : i32
    scf.if %cond3A_8 {
      %mul3A_51 = arith.constant 632 : i32
      %mul3A_52 = arith.muli %arg1, %mul3A_51 : i32
      "tpu.region"() ({
        %run_scoped3A = tpu.sem_alloc : memref<!tpu.dma_semaphore, #tpu.memory_space<semaphore_mem>>
        %dma_start3A_53 = arith.constant 0 : i32
        %dma_start3A_54 = tpu.memref_slice %arg6[%mul3A_52, %dma_start3A_53] : memref<10000x128xf32, #tpu.memory_space<vmem_shared>> -> memref<520x128xf32, #tpu.memory_space<vmem_shared>>
        %dma_start3A_55 = arith.constant 0 : i32
        %dma_start3A_56 = arith.constant 0 : i32
        %dma_start3A_57 = tpu.memref_slice %arg3[%dma_start3A_55, %dma_start3A_56] : memref<632x128xf32, #tpu.memory_space<hbm>> -> memref<520x128xf32, #tpu.memory_space<hbm>>
        tpu.enqueue_dma source(%dma_start3A_57 : memref<520x128xf32, #tpu.memory_space<hbm>>) target(%dma_start3A_54 : memref<520x128xf32, #tpu.memory_space<vmem_shared>>) target_semaphore(%run_scoped3A : memref<!tpu.dma_semaphore, #tpu.memory_space<semaphore_mem>>)
        %dma_wait3A_58 = arith.constant 0 : i32
        %dma_wait3A_59 = tpu.memref_slice %arg6[%mul3A_52, %dma_wait3A_58] : memref<10000x128xf32, #tpu.memory_space<vmem_shared>> -> memref<520x128xf32, #tpu.memory_space<vmem_shared>>
        %dma_wait3A_60 = arith.constant 0 : i32
        %dma_wait3A_61 = arith.constant 0 : i32
        %dma_wait3A_62 = tpu.memref_slice %arg3[%dma_wait3A_60, %dma_wait3A_61] : memref<632x128xf32, #tpu.memory_space<hbm>> -> memref<520x128xf32, #tpu.memory_space<hbm>>
        tpu.wait_dma2 semaphore(%run_scoped3A : memref<!tpu.dma_semaphore, #tpu.memory_space<semaphore_mem>>) src(%dma_wait3A_62 : memref<520x128xf32, #tpu.memory_space<hbm>>) dst(%dma_wait3A_59 : memref<520x128xf32, #tpu.memory_space<vmem_shared>>)
        tpu.yield
      }) : () -> ()
    } else {
    }
    %add3A_9 = arith.constant 0 : i32
    %add3A_10 = arith.addi %mul3A_2, %add3A_9 : i32
    %dma_start3A = tpu.memref_slice %arg2[%add3A_10] : memref<320000xi32, #tpu.memory_space<hbm>> -> memref<80xi32, #tpu.memory_space<hbm>>
    %dma_start3A_11 = tpu.memref_slice %arg2[%add3A_10] : memref<320000xi32, #tpu.memory_space<hbm>> -> memref<80xi32, #tpu.memory_space<hbm>>
    tpu.enqueue_dma source(%dma_start3A_11 : memref<80xi32, #tpu.memory_space<hbm>>) target(%arg7 : memref<80xi32, #tpu.memory_space<vmem>>) target_semaphore(%arg16 : memref<!tpu.dma_semaphore, #tpu.memory_space<semaphore_mem>>)
    %add3A_12 = arith.constant 80 : i32
    %add3A_13 = arith.addi %mul3A_2, %add3A_12 : i32
    %dma_start3A_14 = tpu.memref_slice %arg2[%add3A_13] : memref<320000xi32, #tpu.memory_space<hbm>> -> memref<80xi32, #tpu.memory_space<hbm>>
    %dma_start3A_15 = tpu.memref_slice %arg2[%add3A_13] : memref<320000xi32, #tpu.memory_space<hbm>> -> memref<80xi32, #tpu.memory_space<hbm>>
    tpu.enqueue_dma source(%dma_start3A_15 : memref<80xi32, #tpu.memory_space<hbm>>) target(%arg8 : memref<80xi32, #tpu.memory_space<vmem>>) target_semaphore(%arg17 : memref<!tpu.dma_semaphore, #tpu.memory_space<semaphore_mem>>)
    %add3A_16 = arith.constant 160 : i32
    %add3A_17 = arith.addi %mul3A_2, %add3A_16 : i32
    %dma_start3A_18 = tpu.memref_slice %arg2[%add3A_17] : memref<320000xi32, #tpu.memory_space<hbm>> -> memref<80xi32, #tpu.memory_space<hbm>>
    %dma_start3A_19 = tpu.memref_slice %arg2[%add3A_17] : memref<320000xi32, #tpu.memory_space<hbm>> -> memref<80xi32, #tpu.memory_space<hbm>>
    tpu.enqueue_dma source(%dma_start3A_19 : memref<80xi32, #tpu.memory_space<hbm>>) target(%arg9 : memref<80xi32, #tpu.memory_space<vmem>>) target_semaphore(%arg18 : memref<!tpu.dma_semaphore, #tpu.memory_space<semaphore_mem>>)
    %add3A_20 = arith.constant 240 : i32
    %add3A_21 = arith.addi %mul3A_2, %add3A_20 : i32
    %dma_start3A_22 = tpu.memref_slice %arg2[%add3A_21] : memref<320000xi32, #tpu.memory_space<hbm>> -> memref<80xi32, #tpu.memory_space<hbm>>
    %dma_start3A_23 = tpu.memref_slice %arg2[%add3A_21] : memref<320000xi32, #tpu.memory_space<hbm>> -> memref<80xi32, #tpu.memory_space<hbm>>
    tpu.enqueue_dma source(%dma_start3A_23 : memref<80xi32, #tpu.memory_space<hbm>>) target(%arg10 : memref<80xi32, #tpu.memory_space<vmem>>) target_semaphore(%arg19 : memref<!tpu.dma_semaphore, #tpu.memory_space<semaphore_mem>>)
    %barrier3A = arith.constant 0 : index
    tpu.barrier barrier_id(%barrier3A)
    %scan3A = arith.constant 0 : i32
    %scan3A_24 = arith.constant 0 : i32
    %scan3A_25 = arith.constant 16 : i32
    %scan3A_26 = arith.addi %scan3A_24, %scan3A_25 : i32
    %scan3A_27 = arith.constant 1 : i32
    scf.for %scan3A_51 = %scan3A_24 to %scan3A_26 step %scan3A_27  : i32 {
      %mul3A_52 = arith.constant 8 : i32
      %mul3A_53 = arith.muli %scan3A_51, %mul3A_52 : i32
      %add3A_54 = arith.constant 0 : i32
      %add3A_55 = arith.addi %mul3A_53, %add3A_54 : i32
      %lt3A_56 = arith.constant 125 : i32
      %lt3A_57 = arith.cmpi slt, %add3A_55, %lt3A_56 : i32
      %convert_element_type3A_58 = arith.extui %lt3A_57 : i1 to i32
      %cond3A_59 = arith.constant 0 : i32
      %cond3A_60 = arith.cmpi ne, %convert_element_type3A_58, %cond3A_59 : i32
      scf.if %cond3A_60 {
        %ge3A = arith.constant 4 : i32
        %ge3A_124 = arith.cmpi sge, %add3A_55, %ge3A : i32
        %convert_element_type3A_125 = arith.extui %ge3A_124 : i1 to i32
        %cond3A_126 = arith.constant 0 : i32
        %cond3A_127 = arith.cmpi ne, %convert_element_type3A_125, %cond3A_126 : i32
        scf.if %cond3A_127 {
          %dma_wait3A_143 = arith.constant 0 : i32
          %dma_wait3A_144 = arith.constant 0 : i32
          %dma_wait3A_145 = tpu.memref_slice %arg6[%dma_wait3A_143, %dma_wait3A_144] : memref<10000x128xf32, #tpu.memory_space<vmem_shared>> -> memref<10000x128xf32, #tpu.memory_space<vmem_shared>>
          tpu.wait_indirect_dma semaphore(%arg28 : memref<!tpu.dma_semaphore, #tpu.memory_space<semaphore_mem>>) src(%arg15 : memref<80x128xf32, #tpu.memory_space<vmem>>) dst(%dma_wait3A_145 : memref<10000x128xf32, #tpu.memory_space<vmem_shared>>)
        } else {
        }
        %add3A_128 = arith.constant 4 : i32
        %add3A_129 = arith.addi %add3A_55, %add3A_128 : i32
        %lt3A_130 = arith.constant 125 : i32
        %lt3A_131 = arith.cmpi slt, %add3A_129, %lt3A_130 : i32
        %convert_element_type3A_132 = arith.extui %lt3A_131 : i1 to i32
        %cond3A_133 = arith.constant 0 : i32
        %cond3A_134 = arith.cmpi ne, %convert_element_type3A_132, %cond3A_133 : i32
        scf.if %cond3A_134 {
          %add3A_143 = arith.constant 4 : i32
          %add3A_144 = arith.addi %add3A_55, %add3A_143 : i32
          %mul3A_145 = arith.constant 80 : i32
          %mul3A_146 = arith.muli %add3A_144, %mul3A_145 : i32
          %add3A_147 = arith.addi %mul3A_2, %mul3A_146 : i32
          %dma_start3A_148 = tpu.memref_slice %arg2[%add3A_147] : memref<320000xi32, #tpu.memory_space<hbm>> -> memref<80xi32, #tpu.memory_space<hbm>>
          %dma_start3A_149 = tpu.memref_slice %arg2[%add3A_147] : memref<320000xi32, #tpu.memory_space<hbm>> -> memref<80xi32, #tpu.memory_space<hbm>>
          tpu.enqueue_dma source(%dma_start3A_149 : memref<80xi32, #tpu.memory_space<hbm>>) target(%arg11 : memref<80xi32, #tpu.memory_space<vmem>>) target_semaphore(%arg20 : memref<!tpu.dma_semaphore, #tpu.memory_space<semaphore_mem>>)
        } else {
        }
        %mul3A_135 = arith.constant 80 : i32
        %mul3A_136 = arith.muli %add3A_55, %mul3A_135 : i32
        %add3A_137 = arith.addi %mul3A_2, %mul3A_136 : i32
        %dma_wait3A_138 = tpu.memref_slice %arg2[%add3A_137] : memref<320000xi32, #tpu.memory_space<hbm>> -> memref<80xi32, #tpu.memory_space<hbm>>
        %dma_wait3A_139 = tpu.memref_slice %arg2[%add3A_137] : memref<320000xi32, #tpu.memory_space<hbm>> -> memref<80xi32, #tpu.memory_space<hbm>>
        tpu.wait_dma2 semaphore(%arg16 : memref<!tpu.dma_semaphore, #tpu.memory_space<semaphore_mem>>) src(%dma_wait3A_139 : memref<80xi32, #tpu.memory_space<hbm>>) dst(%arg7 : memref<80xi32, #tpu.memory_space<vmem>>)
        %dma_start3A_140 = arith.constant 0 : i32
        %dma_start3A_141 = arith.constant 0 : i32
        %dma_start3A_142 = tpu.memref_slice %arg6[%dma_start3A_140, %dma_start3A_141] : memref<10000x128xf32, #tpu.memory_space<vmem_shared>> -> memref<10000x128xf32, #tpu.memory_space<vmem_shared>>
        tpu.enqueue_indirect_dma source(%arg15 : memref<80x128xf32, #tpu.memory_space<vmem>>) target(%dma_start3A_142 : memref<10000x128xf32, #tpu.memory_space<vmem_shared>>) offsets(%arg7 : memref<80xi32, #tpu.memory_space<vmem>>) semaphore(%arg24 : memref<!tpu.dma_semaphore, #tpu.memory_space<semaphore_mem>>) {add = true}
      } else {
      }
      %mul3A_61 = arith.constant 8 : i32
      %mul3A_62 = arith.muli %scan3A_51, %mul3A_61 : i32
      %add3A_63 = arith.constant 1 : i32
      %add3A_64 = arith.addi %mul3A_62, %add3A_63 : i32
      %lt3A_65 = arith.constant 125 : i32
      %lt3A_66 = arith.cmpi slt, %add3A_64, %lt3A_65 : i32
      %convert_element_type3A_67 = arith.extui %lt3A_66 : i1 to i32
      %cond3A_68 = arith.constant 0 : i32
      %cond3A_69 = arith.cmpi ne, %convert_element_type3A_67, %cond3A_68 : i32
      scf.if %cond3A_69 {
        %ge3A = arith.constant 4 : i32
        %ge3A_124 = arith.cmpi sge, %add3A_64, %ge3A : i32
        %convert_element_type3A_125 = arith.extui %ge3A_124 : i1 to i32
        %cond3A_126 = arith.constant 0 : i32
        %cond3A_127 = arith.cmpi ne, %convert_element_type3A_125, %cond3A_126 : i32
        scf.if %cond3A_127 {
          %dma_wait3A_143 = arith.constant 0 : i32
          %dma_wait3A_144 = arith.constant 0 : i32
          %dma_wait3A_145 = tpu.memref_slice %arg6[%dma_wait3A_143, %dma_wait3A_144] : memref<10000x128xf32, #tpu.memory_space<vmem_shared>> -> memref<10000x128xf32, #tpu.memory_space<vmem_shared>>
          tpu.wait_indirect_dma semaphore(%arg29 : memref<!tpu.dma_semaphore, #tpu.memory_space<semaphore_mem>>) src(%arg15 : memref<80x128xf32, #tpu.memory_space<vmem>>) dst(%dma_wait3A_145 : memref<10000x128xf32, #tpu.memory_space<vmem_shared>>)
        } else {
        }
        %add3A_128 = arith.constant 4 : i32
        %add3A_129 = arith.addi %add3A_64, %add3A_128 : i32
        %lt3A_130 = arith.constant 125 : i32
        %lt3A_131 = arith.cmpi slt, %add3A_129, %lt3A_130 : i32
        %convert_element_type3A_132 = arith.extui %lt3A_131 : i1 to i32
        %cond3A_133 = arith.constant 0 : i32
        %cond3A_134 = arith.cmpi ne, %convert_element_type3A_132, %cond3A_133 : i32
        scf.if %cond3A_134 {
          %add3A_143 = arith.constant 4 : i32
          %add3A_144 = arith.addi %add3A_64, %add3A_143 : i32
          %mul3A_145 = arith.constant 80 : i32
          %mul3A_146 = arith.muli %add3A_144, %mul3A_145 : i32
          %add3A_147 = arith.addi %mul3A_2, %mul3A_146 : i32
          %dma_start3A_148 = tpu.memref_slice %arg2[%add3A_147] : memref<320000xi32, #tpu.memory_space<hbm>> -> memref<80xi32, #tpu.memory_space<hbm>>
          %dma_start3A_149 = tpu.memref_slice %arg2[%add3A_147] : memref<320000xi32, #tpu.memory_space<hbm>> -> memref<80xi32, #tpu.memory_space<hbm>>
          tpu.enqueue_dma source(%dma_start3A_149 : memref<80xi32, #tpu.memory_space<hbm>>) target(%arg12 : memref<80xi32, #tpu.memory_space<vmem>>) target_semaphore(%arg21 : memref<!tpu.dma_semaphore, #tpu.memory_space<semaphore_mem>>)
        } else {
        }
        %mul3A_135 = arith.constant 80 : i32
        %mul3A_136 = arith.muli %add3A_64, %mul3A_135 : i32
        %add3A_137 = arith.addi %mul3A_2, %mul3A_136 : i32
        %dma_wait3A_138 = tpu.memref_slice %arg2[%add3A_137] : memref<320000xi32, #tpu.memory_space<hbm>> -> memref<80xi32, #tpu.memory_space<hbm>>
        %dma_wait3A_139 = tpu.memref_slice %arg2[%add3A_137] : memref<320000xi32, #tpu.memory_space<hbm>> -> memref<80xi32, #tpu.memory_space<hbm>>
        tpu.wait_dma2 semaphore(%arg17 : memref<!tpu.dma_semaphore, #tpu.memory_space<semaphore_mem>>) src(%dma_wait3A_139 : memref<80xi32, #tpu.memory_space<hbm>>) dst(%arg8 : memref<80xi32, #tpu.memory_space<vmem>>)
        %dma_start3A_140 = arith.constant 0 : i32
        %dma_start3A_141 = arith.constant 0 : i32
        %dma_start3A_142 = tpu.memref_slice %arg6[%dma_start3A_140, %dma_start3A_141] : memref<10000x128xf32, #tpu.memory_space<vmem_shared>> -> memref<10000x128xf32, #tpu.memory_space<vmem_shared>>
        tpu.enqueue_indirect_dma source(%arg15 : memref<80x128xf32, #tpu.memory_space<vmem>>) target(%dma_start3A_142 : memref<10000x128xf32, #tpu.memory_space<vmem_shared>>) offsets(%arg8 : memref<80xi32, #tpu.memory_space<vmem>>) semaphore(%arg25 : memref<!tpu.dma_semaphore, #tpu.memory_space<semaphore_mem>>) {add = true}
      } else {
      }
      %mul3A_70 = arith.constant 8 : i32
      %mul3A_71 = arith.muli %scan3A_51, %mul3A_70 : i32
      %add3A_72 = arith.constant 2 : i32
      %add3A_73 = arith.addi %mul3A_71, %add3A_72 : i32
      %lt3A_74 = arith.constant 125 : i32
      %lt3A_75 = arith.cmpi slt, %add3A_73, %lt3A_74 : i32
      %convert_element_type3A_76 = arith.extui %lt3A_75 : i1 to i32
      %cond3A_77 = arith.constant 0 : i32
      %cond3A_78 = arith.cmpi ne, %convert_element_type3A_76, %cond3A_77 : i32
      scf.if %cond3A_78 {
        %ge3A = arith.constant 4 : i32
        %ge3A_124 = arith.cmpi sge, %add3A_73, %ge3A : i32
        %convert_element_type3A_125 = arith.extui %ge3A_124 : i1 to i32
        %cond3A_126 = arith.constant 0 : i32
        %cond3A_127 = arith.cmpi ne, %convert_element_type3A_125, %cond3A_126 : i32
        scf.if %cond3A_127 {
          %dma_wait3A_143 = arith.constant 0 : i32
          %dma_wait3A_144 = arith.constant 0 : i32
          %dma_wait3A_145 = tpu.memref_slice %arg6[%dma_wait3A_143, %dma_wait3A_144] : memref<10000x128xf32, #tpu.memory_space<vmem_shared>> -> memref<10000x128xf32, #tpu.memory_space<vmem_shared>>
          tpu.wait_indirect_dma semaphore(%arg30 : memref<!tpu.dma_semaphore, #tpu.memory_space<semaphore_mem>>) src(%arg15 : memref<80x128xf32, #tpu.memory_space<vmem>>) dst(%dma_wait3A_145 : memref<10000x128xf32, #tpu.memory_space<vmem_shared>>)
        } else {
        }
        %add3A_128 = arith.constant 4 : i32
        %add3A_129 = arith.addi %add3A_73, %add3A_128 : i32
        %lt3A_130 = arith.constant 125 : i32
        %lt3A_131 = arith.cmpi slt, %add3A_129, %lt3A_130 : i32
        %convert_element_type3A_132 = arith.extui %lt3A_131 : i1 to i32
        %cond3A_133 = arith.constant 0 : i32
        %cond3A_134 = arith.cmpi ne, %convert_element_type3A_132, %cond3A_133 : i32
        scf.if %cond3A_134 {
          %add3A_143 = arith.constant 4 : i32
          %add3A_144 = arith.addi %add3A_73, %add3A_143 : i32
          %mul3A_145 = arith.constant 80 : i32
          %mul3A_146 = arith.muli %add3A_144, %mul3A_145 : i32
          %add3A_147 = arith.addi %mul3A_2, %mul3A_146 : i32
          %dma_start3A_148 = tpu.memref_slice %arg2[%add3A_147] : memref<320000xi32, #tpu.memory_space<hbm>> -> memref<80xi32, #tpu.memory_space<hbm>>
          %dma_start3A_149 = tpu.memref_slice %arg2[%add3A_147] : memref<320000xi32, #tpu.memory_space<hbm>> -> memref<80xi32, #tpu.memory_space<hbm>>
          tpu.enqueue_dma source(%dma_start3A_149 : memref<80xi32, #tpu.memory_space<hbm>>) target(%arg13 : memref<80xi32, #tpu.memory_space<vmem>>) target_semaphore(%arg22 : memref<!tpu.dma_semaphore, #tpu.memory_space<semaphore_mem>>)
        } else {
        }
        %mul3A_135 = arith.constant 80 : i32
        %mul3A_136 = arith.muli %add3A_73, %mul3A_135 : i32
        %add3A_137 = arith.addi %mul3A_2, %mul3A_136 : i32
        %dma_wait3A_138 = tpu.memref_slice %arg2[%add3A_137] : memref<320000xi32, #tpu.memory_space<hbm>> -> memref<80xi32, #tpu.memory_space<hbm>>
        %dma_wait3A_139 = tpu.memref_slice %arg2[%add3A_137] : memref<320000xi32, #tpu.memory_space<hbm>> -> memref<80xi32, #tpu.memory_space<hbm>>
        tpu.wait_dma2 semaphore(%arg18 : memref<!tpu.dma_semaphore, #tpu.memory_space<semaphore_mem>>) src(%dma_wait3A_139 : memref<80xi32, #tpu.memory_space<hbm>>) dst(%arg9 : memref<80xi32, #tpu.memory_space<vmem>>)
        %dma_start3A_140 = arith.constant 0 : i32
        %dma_start3A_141 = arith.constant 0 : i32
        %dma_start3A_142 = tpu.memref_slice %arg6[%dma_start3A_140, %dma_start3A_141] : memref<10000x128xf32, #tpu.memory_space<vmem_shared>> -> memref<10000x128xf32, #tpu.memory_space<vmem_shared>>
        tpu.enqueue_indirect_dma source(%arg15 : memref<80x128xf32, #tpu.memory_space<vmem>>) target(%dma_start3A_142 : memref<10000x128xf32, #tpu.memory_space<vmem_shared>>) offsets(%arg9 : memref<80xi32, #tpu.memory_space<vmem>>) semaphore(%arg26 : memref<!tpu.dma_semaphore, #tpu.memory_space<semaphore_mem>>) {add = true}
      } else {
      }
      %mul3A_79 = arith.constant 8 : i32
      %mul3A_80 = arith.muli %scan3A_51, %mul3A_79 : i32
      %add3A_81 = arith.constant 3 : i32
      %add3A_82 = arith.addi %mul3A_80, %add3A_81 : i32
      %lt3A_83 = arith.constant 125 : i32
      %lt3A_84 = arith.cmpi slt, %add3A_82, %lt3A_83 : i32
      %convert_element_type3A_85 = arith.extui %lt3A_84 : i1 to i32
      %cond3A_86 = arith.constant 0 : i32
      %cond3A_87 = arith.cmpi ne, %convert_element_type3A_85, %cond3A_86 : i32
      scf.if %cond3A_87 {
        %ge3A = arith.constant 4 : i32
        %ge3A_124 = arith.cmpi sge, %add3A_82, %ge3A : i32
        %convert_element_type3A_125 = arith.extui %ge3A_124 : i1 to i32
        %cond3A_126 = arith.constant 0 : i32
        %cond3A_127 = arith.cmpi ne, %convert_element_type3A_125, %cond3A_126 : i32
        scf.if %cond3A_127 {
          %dma_wait3A_143 = arith.constant 0 : i32
          %dma_wait3A_144 = arith.constant 0 : i32
          %dma_wait3A_145 = tpu.memref_slice %arg6[%dma_wait3A_143, %dma_wait3A_144] : memref<10000x128xf32, #tpu.memory_space<vmem_shared>> -> memref<10000x128xf32, #tpu.memory_space<vmem_shared>>
          tpu.wait_indirect_dma semaphore(%arg31 : memref<!tpu.dma_semaphore, #tpu.memory_space<semaphore_mem>>) src(%arg15 : memref<80x128xf32, #tpu.memory_space<vmem>>) dst(%dma_wait3A_145 : memref<10000x128xf32, #tpu.memory_space<vmem_shared>>)
        } else {
        }
        %add3A_128 = arith.constant 4 : i32
        %add3A_129 = arith.addi %add3A_82, %add3A_128 : i32
        %lt3A_130 = arith.constant 125 : i32
        %lt3A_131 = arith.cmpi slt, %add3A_129, %lt3A_130 : i32
        %convert_element_type3A_132 = arith.extui %lt3A_131 : i1 to i32
        %cond3A_133 = arith.constant 0 : i32
        %cond3A_134 = arith.cmpi ne, %convert_element_type3A_132, %cond3A_133 : i32
        scf.if %cond3A_134 {
          %add3A_143 = arith.constant 4 : i32
          %add3A_144 = arith.addi %add3A_82, %add3A_143 : i32
          %mul3A_145 = arith.constant 80 : i32
          %mul3A_146 = arith.muli %add3A_144, %mul3A_145 : i32
          %add3A_147 = arith.addi %mul3A_2, %mul3A_146 : i32
          %dma_start3A_148 = tpu.memref_slice %arg2[%add3A_147] : memref<320000xi32, #tpu.memory_space<hbm>> -> memref<80xi32, #tpu.memory_space<hbm>>
          %dma_start3A_149 = tpu.memref_slice %arg2[%add3A_147] : memref<320000xi32, #tpu.memory_space<hbm>> -> memref<80xi32, #tpu.memory_space<hbm>>
          tpu.enqueue_dma source(%dma_start3A_149 : memref<80xi32, #tpu.memory_space<hbm>>) target(%arg14 : memref<80xi32, #tpu.memory_space<vmem>>) target_semaphore(%arg23 : memref<!tpu.dma_semaphore, #tpu.memory_space<semaphore_mem>>)
        } else {
        }
        %mul3A_135 = arith.constant 80 : i32
        %mul3A_136 = arith.muli %add3A_82, %mul3A_135 : i32
        %add3A_137 = arith.addi %mul3A_2, %mul3A_136 : i32
        %dma_wait3A_138 = tpu.memref_slice %arg2[%add3A_137] : memref<320000xi32, #tpu.memory_space<hbm>> -> memref<80xi32, #tpu.memory_space<hbm>>
        %dma_wait3A_139 = tpu.memref_slice %arg2[%add3A_137] : memref<320000xi32, #tpu.memory_space<hbm>> -> memref<80xi32, #tpu.memory_space<hbm>>
        tpu.wait_dma2 semaphore(%arg19 : memref<!tpu.dma_semaphore, #tpu.memory_space<semaphore_mem>>) src(%dma_wait3A_139 : memref<80xi32, #tpu.memory_space<hbm>>) dst(%arg10 : memref<80xi32, #tpu.memory_space<vmem>>)
        %dma_start3A_140 = arith.constant 0 : i32
        %dma_start3A_141 = arith.constant 0 : i32
        %dma_start3A_142 = tpu.memref_slice %arg6[%dma_start3A_140, %dma_start3A_141] : memref<10000x128xf32, #tpu.memory_space<vmem_shared>> -> memref<10000x128xf32, #tpu.memory_space<vmem_shared>>
        tpu.enqueue_indirect_dma source(%arg15 : memref<80x128xf32, #tpu.memory_space<vmem>>) target(%dma_start3A_142 : memref<10000x128xf32, #tpu.memory_space<vmem_shared>>) offsets(%arg10 : memref<80xi32, #tpu.memory_space<vmem>>) semaphore(%arg27 : memref<!tpu.dma_semaphore, #tpu.memory_space<semaphore_mem>>) {add = true}
      } else {
      }
      %mul3A_88 = arith.constant 8 : i32
      %mul3A_89 = arith.muli %scan3A_51, %mul3A_88 : i32
      %add3A_90 = arith.constant 4 : i32
      %add3A_91 = arith.addi %mul3A_89, %add3A_90 : i32
      %lt3A_92 = arith.constant 125 : i32
      %lt3A_93 = arith.cmpi slt, %add3A_91, %lt3A_92 : i32
      %convert_element_type3A_94 = arith.extui %lt3A_93 : i1 to i32
      %cond3A_95 = arith.constant 0 : i32
      %cond3A_96 = arith.cmpi ne, %convert_element_type3A_94, %cond3A_95 : i32
      scf.if %cond3A_96 {
        %ge3A = arith.constant 4 : i32
        %ge3A_124 = arith.cmpi sge, %add3A_91, %ge3A : i32
        %convert_element_type3A_125 = arith.extui %ge3A_124 : i1 to i32
        %cond3A_126 = arith.constant 0 : i32
        %cond3A_127 = arith.cmpi ne, %convert_element_type3A_125, %cond3A_126 : i32
        scf.if %cond3A_127 {
          %dma_wait3A_143 = arith.constant 0 : i32
          %dma_wait3A_144 = arith.constant 0 : i32
          %dma_wait3A_145 = tpu.memref_slice %arg6[%dma_wait3A_143, %dma_wait3A_144] : memref<10000x128xf32, #tpu.memory_space<vmem_shared>> -> memref<10000x128xf32, #tpu.memory_space<vmem_shared>>
          tpu.wait_indirect_dma semaphore(%arg24 : memref<!tpu.dma_semaphore, #tpu.memory_space<semaphore_mem>>) src(%arg15 : memref<80x128xf32, #tpu.memory_space<vmem>>) dst(%dma_wait3A_145 : memref<10000x128xf32, #tpu.memory_space<vmem_shared>>)
        } else {
        }
        %add3A_128 = arith.constant 4 : i32
        %add3A_129 = arith.addi %add3A_91, %add3A_128 : i32
        %lt3A_130 = arith.constant 125 : i32
        %lt3A_131 = arith.cmpi slt, %add3A_129, %lt3A_130 : i32
        %convert_element_type3A_132 = arith.extui %lt3A_131 : i1 to i32
        %cond3A_133 = arith.constant 0 : i32
        %cond3A_134 = arith.cmpi ne, %convert_element_type3A_132, %cond3A_133 : i32
        scf.if %cond3A_134 {
          %add3A_143 = arith.constant 4 : i32
          %add3A_144 = arith.addi %add3A_91, %add3A_143 : i32
          %mul3A_145 = arith.constant 80 : i32
          %mul3A_146 = arith.muli %add3A_144, %mul3A_145 : i32
          %add3A_147 = arith.addi %mul3A_2, %mul3A_146 : i32
          %dma_start3A_148 = tpu.memref_slice %arg2[%add3A_147] : memref<320000xi32, #tpu.memory_space<hbm>> -> memref<80xi32, #tpu.memory_space<hbm>>
          %dma_start3A_149 = tpu.memref_slice %arg2[%add3A_147] : memref<320000xi32, #tpu.memory_space<hbm>> -> memref<80xi32, #tpu.memory_space<hbm>>
          tpu.enqueue_dma source(%dma_start3A_149 : memref<80xi32, #tpu.memory_space<hbm>>) target(%arg7 : memref<80xi32, #tpu.memory_space<vmem>>) target_semaphore(%arg16 : memref<!tpu.dma_semaphore, #tpu.memory_space<semaphore_mem>>)
        } else {
        }
        %mul3A_135 = arith.constant 80 : i32
        %mul3A_136 = arith.muli %add3A_91, %mul3A_135 : i32
        %add3A_137 = arith.addi %mul3A_2, %mul3A_136 : i32
        %dma_wait3A_138 = tpu.memref_slice %arg2[%add3A_137] : memref<320000xi32, #tpu.memory_space<hbm>> -> memref<80xi32, #tpu.memory_space<hbm>>
        %dma_wait3A_139 = tpu.memref_slice %arg2[%add3A_137] : memref<320000xi32, #tpu.memory_space<hbm>> -> memref<80xi32, #tpu.memory_space<hbm>>
        tpu.wait_dma2 semaphore(%arg20 : memref<!tpu.dma_semaphore, #tpu.memory_space<semaphore_mem>>) src(%dma_wait3A_139 : memref<80xi32, #tpu.memory_space<hbm>>) dst(%arg11 : memref<80xi32, #tpu.memory_space<vmem>>)
        %dma_start3A_140 = arith.constant 0 : i32
        %dma_start3A_141 = arith.constant 0 : i32
        %dma_start3A_142 = tpu.memref_slice %arg6[%dma_start3A_140, %dma_start3A_141] : memref<10000x128xf32, #tpu.memory_space<vmem_shared>> -> memref<10000x128xf32, #tpu.memory_space<vmem_shared>>
        tpu.enqueue_indirect_dma source(%arg15 : memref<80x128xf32, #tpu.memory_space<vmem>>) target(%dma_start3A_142 : memref<10000x128xf32, #tpu.memory_space<vmem_shared>>) offsets(%arg11 : memref<80xi32, #tpu.memory_space<vmem>>) semaphore(%arg28 : memref<!tpu.dma_semaphore, #tpu.memory_space<semaphore_mem>>) {add = true}
      } else {
      }
      %mul3A_97 = arith.constant 8 : i32
      %mul3A_98 = arith.muli %scan3A_51, %mul3A_97 : i32
      %add3A_99 = arith.constant 5 : i32
      %add3A_100 = arith.addi %mul3A_98, %add3A_99 : i32
      %lt3A_101 = arith.constant 125 : i32
      %lt3A_102 = arith.cmpi slt, %add3A_100, %lt3A_101 : i32
      %convert_element_type3A_103 = arith.extui %lt3A_102 : i1 to i32
      %cond3A_104 = arith.constant 0 : i32
      %cond3A_105 = arith.cmpi ne, %convert_element_type3A_103, %cond3A_104 : i32
      scf.if %cond3A_105 {
        %ge3A = arith.constant 4 : i32
        %ge3A_124 = arith.cmpi sge, %add3A_100, %ge3A : i32
        %convert_element_type3A_125 = arith.extui %ge3A_124 : i1 to i32
        %cond3A_126 = arith.constant 0 : i32
        %cond3A_127 = arith.cmpi ne, %convert_element_type3A_125, %cond3A_126 : i32
        scf.if %cond3A_127 {
          %dma_wait3A_143 = arith.constant 0 : i32
          %dma_wait3A_144 = arith.constant 0 : i32
          %dma_wait3A_145 = tpu.memref_slice %arg6[%dma_wait3A_143, %dma_wait3A_144] : memref<10000x128xf32, #tpu.memory_space<vmem_shared>> -> memref<10000x128xf32, #tpu.memory_space<vmem_shared>>
          tpu.wait_indirect_dma semaphore(%arg25 : memref<!tpu.dma_semaphore, #tpu.memory_space<semaphore_mem>>) src(%arg15 : memref<80x128xf32, #tpu.memory_space<vmem>>) dst(%dma_wait3A_145 : memref<10000x128xf32, #tpu.memory_space<vmem_shared>>)
        } else {
        }
        %add3A_128 = arith.constant 4 : i32
        %add3A_129 = arith.addi %add3A_100, %add3A_128 : i32
        %lt3A_130 = arith.constant 125 : i32
        %lt3A_131 = arith.cmpi slt, %add3A_129, %lt3A_130 : i32
        %convert_element_type3A_132 = arith.extui %lt3A_131 : i1 to i32
        %cond3A_133 = arith.constant 0 : i32
        %cond3A_134 = arith.cmpi ne, %convert_element_type3A_132, %cond3A_133 : i32
        scf.if %cond3A_134 {
          %add3A_143 = arith.constant 4 : i32
          %add3A_144 = arith.addi %add3A_100, %add3A_143 : i32
          %mul3A_145 = arith.constant 80 : i32
          %mul3A_146 = arith.muli %add3A_144, %mul3A_145 : i32
          %add3A_147 = arith.addi %mul3A_2, %mul3A_146 : i32
          %dma_start3A_148 = tpu.memref_slice %arg2[%add3A_147] : memref<320000xi32, #tpu.memory_space<hbm>> -> memref<80xi32, #tpu.memory_space<hbm>>
          %dma_start3A_149 = tpu.memref_slice %arg2[%add3A_147] : memref<320000xi32, #tpu.memory_space<hbm>> -> memref<80xi32, #tpu.memory_space<hbm>>
          tpu.enqueue_dma source(%dma_start3A_149 : memref<80xi32, #tpu.memory_space<hbm>>) target(%arg8 : memref<80xi32, #tpu.memory_space<vmem>>) target_semaphore(%arg17 : memref<!tpu.dma_semaphore, #tpu.memory_space<semaphore_mem>>)
        } else {
        }
        %mul3A_135 = arith.constant 80 : i32
        %mul3A_136 = arith.muli %add3A_100, %mul3A_135 : i32
        %add3A_137 = arith.addi %mul3A_2, %mul3A_136 : i32
        %dma_wait3A_138 = tpu.memref_slice %arg2[%add3A_137] : memref<320000xi32, #tpu.memory_space<hbm>> -> memref<80xi32, #tpu.memory_space<hbm>>
        %dma_wait3A_139 = tpu.memref_slice %arg2[%add3A_137] : memref<320000xi32, #tpu.memory_space<hbm>> -> memref<80xi32, #tpu.memory_space<hbm>>
        tpu.wait_dma2 semaphore(%arg21 : memref<!tpu.dma_semaphore, #tpu.memory_space<semaphore_mem>>) src(%dma_wait3A_139 : memref<80xi32, #tpu.memory_space<hbm>>) dst(%arg12 : memref<80xi32, #tpu.memory_space<vmem>>)
        %dma_start3A_140 = arith.constant 0 : i32
        %dma_start3A_141 = arith.constant 0 : i32
        %dma_start3A_142 = tpu.memref_slice %arg6[%dma_start3A_140, %dma_start3A_141] : memref<10000x128xf32, #tpu.memory_space<vmem_shared>> -> memref<10000x128xf32, #tpu.memory_space<vmem_shared>>
        tpu.enqueue_indirect_dma source(%arg15 : memref<80x128xf32, #tpu.memory_space<vmem>>) target(%dma_start3A_142 : memref<10000x128xf32, #tpu.memory_space<vmem_shared>>) offsets(%arg12 : memref<80xi32, #tpu.memory_space<vmem>>) semaphore(%arg29 : memref<!tpu.dma_semaphore, #tpu.memory_space<semaphore_mem>>) {add = true}
      } else {
      }
      %mul3A_106 = arith.constant 8 : i32
      %mul3A_107 = arith.muli %scan3A_51, %mul3A_106 : i32
      %add3A_108 = arith.constant 6 : i32
      %add3A_109 = arith.addi %mul3A_107, %add3A_108 : i32
      %lt3A_110 = arith.constant 125 : i32
      %lt3A_111 = arith.cmpi slt, %add3A_109, %lt3A_110 : i32
      %convert_element_type3A_112 = arith.extui %lt3A_111 : i1 to i32
      %cond3A_113 = arith.constant 0 : i32
      %cond3A_114 = arith.cmpi ne, %convert_element_type3A_112, %cond3A_113 : i32
      scf.if %cond3A_114 {
        %ge3A = arith.constant 4 : i32
        %ge3A_124 = arith.cmpi sge, %add3A_109, %ge3A : i32
        %convert_element_type3A_125 = arith.extui %ge3A_124 : i1 to i32
        %cond3A_126 = arith.constant 0 : i32
        %cond3A_127 = arith.cmpi ne, %convert_element_type3A_125, %cond3A_126 : i32
        scf.if %cond3A_127 {
          %dma_wait3A_143 = arith.constant 0 : i32
          %dma_wait3A_144 = arith.constant 0 : i32
          %dma_wait3A_145 = tpu.memref_slice %arg6[%dma_wait3A_143, %dma_wait3A_144] : memref<10000x128xf32, #tpu.memory_space<vmem_shared>> -> memref<10000x128xf32, #tpu.memory_space<vmem_shared>>
          tpu.wait_indirect_dma semaphore(%arg26 : memref<!tpu.dma_semaphore, #tpu.memory_space<semaphore_mem>>) src(%arg15 : memref<80x128xf32, #tpu.memory_space<vmem>>) dst(%dma_wait3A_145 : memref<10000x128xf32, #tpu.memory_space<vmem_shared>>)
        } else {
        }
        %add3A_128 = arith.constant 4 : i32
        %add3A_129 = arith.addi %add3A_109, %add3A_128 : i32
        %lt3A_130 = arith.constant 125 : i32
        %lt3A_131 = arith.cmpi slt, %add3A_129, %lt3A_130 : i32
        %convert_element_type3A_132 = arith.extui %lt3A_131 : i1 to i32
        %cond3A_133 = arith.constant 0 : i32
        %cond3A_134 = arith.cmpi ne, %convert_element_type3A_132, %cond3A_133 : i32
        scf.if %cond3A_134 {
          %add3A_143 = arith.constant 4 : i32
          %add3A_144 = arith.addi %add3A_109, %add3A_143 : i32
          %mul3A_145 = arith.constant 80 : i32
          %mul3A_146 = arith.muli %add3A_144, %mul3A_145 : i32
          %add3A_147 = arith.addi %mul3A_2, %mul3A_146 : i32
          %dma_start3A_148 = tpu.memref_slice %arg2[%add3A_147] : memref<320000xi32, #tpu.memory_space<hbm>> -> memref<80xi32, #tpu.memory_space<hbm>>
          %dma_start3A_149 = tpu.memref_slice %arg2[%add3A_147] : memref<320000xi32, #tpu.memory_space<hbm>> -> memref<80xi32, #tpu.memory_space<hbm>>
          tpu.enqueue_dma source(%dma_start3A_149 : memref<80xi32, #tpu.memory_space<hbm>>) target(%arg9 : memref<80xi32, #tpu.memory_space<vmem>>) target_semaphore(%arg18 : memref<!tpu.dma_semaphore, #tpu.memory_space<semaphore_mem>>)
        } else {
        }
        %mul3A_135 = arith.constant 80 : i32
        %mul3A_136 = arith.muli %add3A_109, %mul3A_135 : i32
        %add3A_137 = arith.addi %mul3A_2, %mul3A_136 : i32
        %dma_wait3A_138 = tpu.memref_slice %arg2[%add3A_137] : memref<320000xi32, #tpu.memory_space<hbm>> -> memref<80xi32, #tpu.memory_space<hbm>>
        %dma_wait3A_139 = tpu.memref_slice %arg2[%add3A_137] : memref<320000xi32, #tpu.memory_space<hbm>> -> memref<80xi32, #tpu.memory_space<hbm>>
        tpu.wait_dma2 semaphore(%arg22 : memref<!tpu.dma_semaphore, #tpu.memory_space<semaphore_mem>>) src(%dma_wait3A_139 : memref<80xi32, #tpu.memory_space<hbm>>) dst(%arg13 : memref<80xi32, #tpu.memory_space<vmem>>)
        %dma_start3A_140 = arith.constant 0 : i32
        %dma_start3A_141 = arith.constant 0 : i32
        %dma_start3A_142 = tpu.memref_slice %arg6[%dma_start3A_140, %dma_start3A_141] : memref<10000x128xf32, #tpu.memory_space<vmem_shared>> -> memref<10000x128xf32, #tpu.memory_space<vmem_shared>>
        tpu.enqueue_indirect_dma source(%arg15 : memref<80x128xf32, #tpu.memory_space<vmem>>) target(%dma_start3A_142 : memref<10000x128xf32, #tpu.memory_space<vmem_shared>>) offsets(%arg13 : memref<80xi32, #tpu.memory_space<vmem>>) semaphore(%arg30 : memref<!tpu.dma_semaphore, #tpu.memory_space<semaphore_mem>>) {add = true}
      } else {
      }
      %mul3A_115 = arith.constant 8 : i32
      %mul3A_116 = arith.muli %scan3A_51, %mul3A_115 : i32
      %add3A_117 = arith.constant 7 : i32
      %add3A_118 = arith.addi %mul3A_116, %add3A_117 : i32
      %lt3A_119 = arith.constant 125 : i32
      %lt3A_120 = arith.cmpi slt, %add3A_118, %lt3A_119 : i32
      %convert_element_type3A_121 = arith.extui %lt3A_120 : i1 to i32
      %cond3A_122 = arith.constant 0 : i32
      %cond3A_123 = arith.cmpi ne, %convert_element_type3A_121, %cond3A_122 : i32
      scf.if %cond3A_123 {
        %ge3A = arith.constant 4 : i32
        %ge3A_124 = arith.cmpi sge, %add3A_118, %ge3A : i32
        %convert_element_type3A_125 = arith.extui %ge3A_124 : i1 to i32
        %cond3A_126 = arith.constant 0 : i32
        %cond3A_127 = arith.cmpi ne, %convert_element_type3A_125, %cond3A_126 : i32
        scf.if %cond3A_127 {
          %dma_wait3A_143 = arith.constant 0 : i32
          %dma_wait3A_144 = arith.constant 0 : i32
          %dma_wait3A_145 = tpu.memref_slice %arg6[%dma_wait3A_143, %dma_wait3A_144] : memref<10000x128xf32, #tpu.memory_space<vmem_shared>> -> memref<10000x128xf32, #tpu.memory_space<vmem_shared>>
          tpu.wait_indirect_dma semaphore(%arg27 : memref<!tpu.dma_semaphore, #tpu.memory_space<semaphore_mem>>) src(%arg15 : memref<80x128xf32, #tpu.memory_space<vmem>>) dst(%dma_wait3A_145 : memref<10000x128xf32, #tpu.memory_space<vmem_shared>>)
        } else {
        }
        %add3A_128 = arith.constant 4 : i32
        %add3A_129 = arith.addi %add3A_118, %add3A_128 : i32
        %lt3A_130 = arith.constant 125 : i32
        %lt3A_131 = arith.cmpi slt, %add3A_129, %lt3A_130 : i32
        %convert_element_type3A_132 = arith.extui %lt3A_131 : i1 to i32
        %cond3A_133 = arith.constant 0 : i32
        %cond3A_134 = arith.cmpi ne, %convert_element_type3A_132, %cond3A_133 : i32
        scf.if %cond3A_134 {
          %add3A_143 = arith.constant 4 : i32
          %add3A_144 = arith.addi %add3A_118, %add3A_143 : i32
          %mul3A_145 = arith.constant 80 : i32
          %mul3A_146 = arith.muli %add3A_144, %mul3A_145 : i32
          %add3A_147 = arith.addi %mul3A_2, %mul3A_146 : i32
          %dma_start3A_148 = tpu.memref_slice %arg2[%add3A_147] : memref<320000xi32, #tpu.memory_space<hbm>> -> memref<80xi32, #tpu.memory_space<hbm>>
          %dma_start3A_149 = tpu.memref_slice %arg2[%add3A_147] : memref<320000xi32, #tpu.memory_space<hbm>> -> memref<80xi32, #tpu.memory_space<hbm>>
          tpu.enqueue_dma source(%dma_start3A_149 : memref<80xi32, #tpu.memory_space<hbm>>) target(%arg10 : memref<80xi32, #tpu.memory_space<vmem>>) target_semaphore(%arg19 : memref<!tpu.dma_semaphore, #tpu.memory_space<semaphore_mem>>)
        } else {
        }
        %mul3A_135 = arith.constant 80 : i32
        %mul3A_136 = arith.muli %add3A_118, %mul3A_135 : i32
        %add3A_137 = arith.addi %mul3A_2, %mul3A_136 : i32
        %dma_wait3A_138 = tpu.memref_slice %arg2[%add3A_137] : memref<320000xi32, #tpu.memory_space<hbm>> -> memref<80xi32, #tpu.memory_space<hbm>>
        %dma_wait3A_139 = tpu.memref_slice %arg2[%add3A_137] : memref<320000xi32, #tpu.memory_space<hbm>> -> memref<80xi32, #tpu.memory_space<hbm>>
        tpu.wait_dma2 semaphore(%arg23 : memref<!tpu.dma_semaphore, #tpu.memory_space<semaphore_mem>>) src(%dma_wait3A_139 : memref<80xi32, #tpu.memory_space<hbm>>) dst(%arg14 : memref<80xi32, #tpu.memory_space<vmem>>)
        %dma_start3A_140 = arith.constant 0 : i32
        %dma_start3A_141 = arith.constant 0 : i32
        %dma_start3A_142 = tpu.memref_slice %arg6[%dma_start3A_140, %dma_start3A_141] : memref<10000x128xf32, #tpu.memory_space<vmem_shared>> -> memref<10000x128xf32, #tpu.memory_space<vmem_shared>>
        tpu.enqueue_indirect_dma source(%arg15 : memref<80x128xf32, #tpu.memory_space<vmem>>) target(%dma_start3A_142 : memref<10000x128xf32, #tpu.memory_space<vmem_shared>>) offsets(%arg14 : memref<80xi32, #tpu.memory_space<vmem>>) semaphore(%arg31 : memref<!tpu.dma_semaphore, #tpu.memory_space<semaphore_mem>>) {add = true}
      } else {
      }
    }
    %scan3A_28 = arith.constant 16 : i32
    %dma_wait3A = arith.constant 0 : i32
    %dma_wait3A_29 = arith.constant 0 : i32
    %dma_wait3A_30 = tpu.memref_slice %arg6[%dma_wait3A, %dma_wait3A_29] : memref<10000x128xf32, #tpu.memory_space<vmem_shared>> -> memref<10000x128xf32, #tpu.memory_space<vmem_shared>>
    tpu.wait_indirect_dma semaphore(%arg25 : memref<!tpu.dma_semaphore, #tpu.memory_space<semaphore_mem>>) src(%arg15 : memref<80x128xf32, #tpu.memory_space<vmem>>) dst(%dma_wait3A_30 : memref<10000x128xf32, #tpu.memory_space<vmem_shared>>)
    %dma_wait3A_31 = arith.constant 0 : i32
    %dma_wait3A_32 = arith.constant 0 : i32
    %dma_wait3A_33 = tpu.memref_slice %arg6[%dma_wait3A_31, %dma_wait3A_32] : memref<10000x128xf32, #tpu.memory_space<vmem_shared>> -> memref<10000x128xf32, #tpu.memory_space<vmem_shared>>
    tpu.wait_indirect_dma semaphore(%arg26 : memref<!tpu.dma_semaphore, #tpu.memory_space<semaphore_mem>>) src(%arg15 : memref<80x128xf32, #tpu.memory_space<vmem>>) dst(%dma_wait3A_33 : memref<10000x128xf32, #tpu.memory_space<vmem_shared>>)
    %dma_wait3A_34 = arith.constant 0 : i32
    %dma_wait3A_35 = arith.constant 0 : i32
    %dma_wait3A_36 = tpu.memref_slice %arg6[%dma_wait3A_34, %dma_wait3A_35] : memref<10000x128xf32, #tpu.memory_space<vmem_shared>> -> memref<10000x128xf32, #tpu.memory_space<vmem_shared>>
    tpu.wait_indirect_dma semaphore(%arg27 : memref<!tpu.dma_semaphore, #tpu.memory_space<semaphore_mem>>) src(%arg15 : memref<80x128xf32, #tpu.memory_space<vmem>>) dst(%dma_wait3A_36 : memref<10000x128xf32, #tpu.memory_space<vmem_shared>>)
    %dma_wait3A_37 = arith.constant 0 : i32
    %dma_wait3A_38 = arith.constant 0 : i32
    %dma_wait3A_39 = tpu.memref_slice %arg6[%dma_wait3A_37, %dma_wait3A_38] : memref<10000x128xf32, #tpu.memory_space<vmem_shared>> -> memref<10000x128xf32, #tpu.memory_space<vmem_shared>>
    tpu.wait_indirect_dma semaphore(%arg28 : memref<!tpu.dma_semaphore, #tpu.memory_space<semaphore_mem>>) src(%arg15 : memref<80x128xf32, #tpu.memory_space<vmem>>) dst(%dma_wait3A_39 : memref<10000x128xf32, #tpu.memory_space<vmem_shared>>)
    %barrier3A_40 = arith.constant 0 : index
    tpu.barrier barrier_id(%barrier3A_40)
    %lt3A_41 = arith.constant 15 : i32
    %lt3A_42 = arith.cmpi slt, %arg1, %lt3A_41 : i32
    %convert_element_type3A_43 = arith.extui %lt3A_42 : i1 to i32
    %cond3A_44 = arith.constant 0 : i32
    %cond3A_45 = arith.cmpi ne, %convert_element_type3A_43, %cond3A_44 : i32
    scf.if %cond3A_45 {
      %mul3A_51 = arith.constant 632 : i32
      %mul3A_52 = arith.muli %arg1, %mul3A_51 : i32
      %mul3A_53 = arith.constant 632 : i32
      %mul3A_54 = arith.muli %arg1, %mul3A_53 : i32
      "tpu.region"() ({
        %run_scoped3A = tpu.sem_alloc : memref<!tpu.dma_semaphore, #tpu.memory_space<semaphore_mem>>
        %dma_start3A_55 = arith.constant 0 : i32
        %dma_start3A_56 = arith.constant 0 : i32
        %dma_start3A_57 = tpu.memref_slice %arg5[%arg0, %dma_start3A_55, %dma_start3A_56] : memref<2x10000x128xf32, #tpu.memory_space<hbm>> -> memref<1x10000x128xf32, #tpu.memory_space<hbm>>
        %dma_start3A_58 = tpu.memref_squeeze %dma_start3A_57 : memref<1x10000x128xf32, #tpu.memory_space<hbm>> -> memref<10000x128xf32, #tpu.memory_space<hbm>>
        %dma_start3A_59 = arith.constant 0 : i32
        %dma_start3A_60 = tpu.memref_slice %dma_start3A_58[%mul3A_54, %dma_start3A_59] : memref<10000x128xf32, #tpu.memory_space<hbm>> -> memref<632x128xf32, #tpu.memory_space<hbm>>
        %dma_start3A_61 = arith.constant 0 : i32
        %dma_start3A_62 = tpu.memref_slice %arg6[%mul3A_52, %dma_start3A_61] : memref<10000x128xf32, #tpu.memory_space<vmem_shared>> -> memref<632x128xf32, #tpu.memory_space<vmem_shared>>
        tpu.enqueue_dma source(%dma_start3A_62 : memref<632x128xf32, #tpu.memory_space<vmem_shared>>) target(%dma_start3A_60 : memref<632x128xf32, #tpu.memory_space<hbm>>) target_semaphore(%run_scoped3A : memref<!tpu.dma_semaphore, #tpu.memory_space<semaphore_mem>>)
        %dma_wait3A_63 = arith.constant 0 : i32
        %dma_wait3A_64 = arith.constant 0 : i32
        %dma_wait3A_65 = tpu.memref_slice %arg5[%arg0, %dma_wait3A_63, %dma_wait3A_64] : memref<2x10000x128xf32, #tpu.memory_space<hbm>> -> memref<1x10000x128xf32, #tpu.memory_space<hbm>>
        %dma_wait3A_66 = tpu.memref_squeeze %dma_wait3A_65 : memref<1x10000x128xf32, #tpu.memory_space<hbm>> -> memref<10000x128xf32, #tpu.memory_space<hbm>>
        %dma_wait3A_67 = arith.constant 0 : i32
        %dma_wait3A_68 = tpu.memref_slice %dma_wait3A_66[%mul3A_54, %dma_wait3A_67] : memref<10000x128xf32, #tpu.memory_space<hbm>> -> memref<632x128xf32, #tpu.memory_space<hbm>>
        %dma_wait3A_69 = arith.constant 0 : i32
        %dma_wait3A_70 = tpu.memref_slice %arg6[%mul3A_52, %dma_wait3A_69] : memref<10000x128xf32, #tpu.memory_space<vmem_shared>> -> memref<632x128xf32, #tpu.memory_space<vmem_shared>>
        tpu.wait_dma2 semaphore(%run_scoped3A : memref<!tpu.dma_semaphore, #tpu.memory_space<semaphore_mem>>) src(%dma_wait3A_70 : memref<632x128xf32, #tpu.memory_space<vmem_shared>>) dst(%dma_wait3A_68 : memref<632x128xf32, #tpu.memory_space<hbm>>)
        tpu.yield
      }) : () -> ()
    } else {
    }
    %eq3A_46 = arith.constant 15 : i32
    %eq3A_47 = arith.cmpi eq, %arg1, %eq3A_46 : i32
    %convert_element_type3A_48 = arith.extui %eq3A_47 : i1 to i32
    %cond3A_49 = arith.constant 0 : i32
    %cond3A_50 = arith.cmpi ne, %convert_element_type3A_48, %cond3A_49 : i32
    scf.if %cond3A_50 {
      %mul3A_51 = arith.constant 632 : i32
      %mul3A_52 = arith.muli %arg1, %mul3A_51 : i32
      %mul3A_53 = arith.constant 632 : i32
      %mul3A_54 = arith.muli %arg1, %mul3A_53 : i32
      "tpu.region"() ({
        %run_scoped3A = tpu.sem_alloc : memref<!tpu.dma_semaphore, #tpu.memory_space<semaphore_mem>>
        %dma_start3A_55 = arith.constant 0 : i32
        %dma_start3A_56 = arith.constant 0 : i32
        %dma_start3A_57 = tpu.memref_slice %arg5[%arg0, %dma_start3A_55, %dma_start3A_56] : memref<2x10000x128xf32, #tpu.memory_space<hbm>> -> memref<1x10000x128xf32, #tpu.memory_space<hbm>>
        %dma_start3A_58 = tpu.memref_squeeze %dma_start3A_57 : memref<1x10000x128xf32, #tpu.memory_space<hbm>> -> memref<10000x128xf32, #tpu.memory_space<hbm>>
        %dma_start3A_59 = arith.constant 0 : i32
        %dma_start3A_60 = tpu.memref_slice %dma_start3A_58[%mul3A_54, %dma_start3A_59] : memref<10000x128xf32, #tpu.memory_space<hbm>> -> memref<520x128xf32, #tpu.memory_space<hbm>>
        %dma_start3A_61 = arith.constant 0 : i32
        %dma_start3A_62 = tpu.memref_slice %arg6[%mul3A_52, %dma_start3A_61] : memref<10000x128xf32, #tpu.memory_space<vmem_shared>> -> memref<520x128xf32, #tpu.memory_space<vmem_shared>>
        tpu.enqueue_dma source(%dma_start3A_62 : memref<520x128xf32, #tpu.memory_space<vmem_shared>>) target(%dma_start3A_60 : memref<520x128xf32, #tpu.memory_space<hbm>>) target_semaphore(%run_scoped3A : memref<!tpu.dma_semaphore, #tpu.memory_space<semaphore_mem>>)
        %dma_wait3A_63 = arith.constant 0 : i32
        %dma_wait3A_64 = arith.constant 0 : i32
        %dma_wait3A_65 = tpu.memref_slice %arg5[%arg0, %dma_wait3A_63, %dma_wait3A_64] : memref<2x10000x128xf32, #tpu.memory_space<hbm>> -> memref<1x10000x128xf32, #tpu.memory_space<hbm>>
        %dma_wait3A_66 = tpu.memref_squeeze %dma_wait3A_65 : memref<1x10000x128xf32, #tpu.memory_space<hbm>> -> memref<10000x128xf32, #tpu.memory_space<hbm>>
        %dma_wait3A_67 = arith.constant 0 : i32
        %dma_wait3A_68 = tpu.memref_slice %dma_wait3A_66[%mul3A_54, %dma_wait3A_67] : memref<10000x128xf32, #tpu.memory_space<hbm>> -> memref<520x128xf32, #tpu.memory_space<hbm>>
        %dma_wait3A_69 = arith.constant 0 : i32
        %dma_wait3A_70 = tpu.memref_slice %arg6[%mul3A_52, %dma_wait3A_69] : memref<10000x128xf32, #tpu.memory_space<vmem_shared>> -> memref<520x128xf32, #tpu.memory_space<vmem_shared>>
        tpu.wait_dma2 semaphore(%run_scoped3A : memref<!tpu.dma_semaphore, #tpu.memory_space<semaphore_mem>>) src(%dma_wait3A_70 : memref<520x128xf32, #tpu.memory_space<vmem_shared>>) dst(%dma_wait3A_68 : memref<520x128xf32, #tpu.memory_space<hbm>>)
        tpu.yield
      }) : () -> ()
    } else {
    }
    return
  }
}

#map = affine_map<(d0, d1) -> (0, 0)>
#map1 = affine_map<(d0, d1) -> (0)>
#map2 = affine_map<(d0, d1) -> (0, 0, 0)>
module attributes {stable_mosaic.version = 14 : i64} {
  func.func @sc_edge_agg_128(%arg0: i32, %arg1: i32, %arg2: memref<10000x128xf32, #tpu.memory_space<hbm>>, %arg3: memref<320000xi32, #tpu.memory_space<hbm>>, %arg4: memref<320000xi32, #tpu.memory_space<hbm>>, %arg5: memref<632x128xf32, #tpu.memory_space<hbm>>, %arg6: memref<2x10000x128xf32, #tpu.memory_space<hbm>>, %arg7: memref<10000x128xf32, #tpu.memory_space<vmem_shared>>, %arg8: memref<80xi32, #tpu.memory_space<vmem>>, %arg9: memref<80xi32, #tpu.memory_space<vmem>>, %arg10: memref<80xi32, #tpu.memory_space<vmem>>, %arg11: memref<80xi32, #tpu.memory_space<vmem>>, %arg12: memref<80xi32, #tpu.memory_space<vmem>>, %arg13: memref<80xi32, #tpu.memory_space<vmem>>, %arg14: memref<80xi32, #tpu.memory_space<vmem>>, %arg15: memref<80xi32, #tpu.memory_space<vmem>>, %arg16: memref<80xi32, #tpu.memory_space<vmem>>, %arg17: memref<80xi32, #tpu.memory_space<vmem>>, %arg18: memref<80xi32, #tpu.memory_space<vmem>>, %arg19: memref<80xi32, #tpu.memory_space<vmem>>, %arg20: memref<80x128xf32, #tpu.memory_space<vmem>>, %arg21: memref<80x128xf32, #tpu.memory_space<vmem>>, %arg22: memref<80x128xf32, #tpu.memory_space<vmem>>, %arg23: memref<!tpu.dma_semaphore, #tpu.memory_space<semaphore_mem>>, %arg24: memref<!tpu.dma_semaphore, #tpu.memory_space<semaphore_mem>>, %arg25: memref<!tpu.dma_semaphore, #tpu.memory_space<semaphore_mem>>, %arg26: memref<!tpu.dma_semaphore, #tpu.memory_space<semaphore_mem>>, %arg27: memref<!tpu.dma_semaphore, #tpu.memory_space<semaphore_mem>>, %arg28: memref<!tpu.dma_semaphore, #tpu.memory_space<semaphore_mem>>, %arg29: memref<!tpu.dma_semaphore, #tpu.memory_space<semaphore_mem>>, %arg30: memref<!tpu.dma_semaphore, #tpu.memory_space<semaphore_mem>>, %arg31: memref<!tpu.dma_semaphore, #tpu.memory_space<semaphore_mem>>, %arg32: memref<!tpu.dma_semaphore, #tpu.memory_space<semaphore_mem>>, %arg33: memref<!tpu.dma_semaphore, #tpu.memory_space<semaphore_mem>>, %arg34: memref<!tpu.dma_semaphore, #tpu.memory_space<semaphore_mem>>) attributes {dimension_semantics = [#tpu.dimension_semantics<core_parallel>, #tpu.dimension_semantics<subcore_parallel>], iteration_bounds = array<i64: 2, 16>, scalar_prefetch = 0 : i64, scratch_operands = 28 : i64, tpu.core_type = #tpu.core_type<sc_vector_subcore>, window_params = [{transform_indices = #map}, {transform_indices = #map1}, {transform_indices = #map1}, {transform_indices = #map}, {transform_indices = #map2}]} {
    %mul3A = arith.constant 2 : i32
    %mul3A_0 = arith.muli %arg1, %mul3A : i32
    %add3A = arith.addi %mul3A_0, %arg0 : i32
    %mul3A_1 = arith.constant 10000 : i32
    %mul3A_2 = arith.muli %add3A, %mul3A_1 : i32
    %lt3A = arith.constant 15 : i32
    %lt3A_3 = arith.cmpi slt, %arg1, %lt3A : i32
    %convert_element_type3A = arith.extui %lt3A_3 : i1 to i32
    %cond3A = arith.constant 0 : i32
    %cond3A_4 = arith.cmpi ne, %convert_element_type3A, %cond3A : i32
    scf.if %cond3A_4 {
      %mul3A_62 = arith.constant 632 : i32
      %mul3A_63 = arith.muli %arg1, %mul3A_62 : i32
      "tpu.region"() ({
        %run_scoped3A = tpu.sem_alloc : memref<!tpu.dma_semaphore, #tpu.memory_space<semaphore_mem>>
        %dma_start3A_64 = arith.constant 0 : i32
        %dma_start3A_65 = tpu.memref_slice %arg7[%mul3A_63, %dma_start3A_64] : memref<10000x128xf32, #tpu.memory_space<vmem_shared>> -> memref<632x128xf32, #tpu.memory_space<vmem_shared>>
        tpu.enqueue_dma source(%arg5 : memref<632x128xf32, #tpu.memory_space<hbm>>) target(%dma_start3A_65 : memref<632x128xf32, #tpu.memory_space<vmem_shared>>) target_semaphore(%run_scoped3A : memref<!tpu.dma_semaphore, #tpu.memory_space<semaphore_mem>>)
        %dma_wait3A_66 = arith.constant 0 : i32
        %dma_wait3A_67 = tpu.memref_slice %arg7[%mul3A_63, %dma_wait3A_66] : memref<10000x128xf32, #tpu.memory_space<vmem_shared>> -> memref<632x128xf32, #tpu.memory_space<vmem_shared>>
        tpu.wait_dma2 semaphore(%run_scoped3A : memref<!tpu.dma_semaphore, #tpu.memory_space<semaphore_mem>>) src(%arg5 : memref<632x128xf32, #tpu.memory_space<hbm>>) dst(%dma_wait3A_67 : memref<632x128xf32, #tpu.memory_space<vmem_shared>>)
        tpu.yield
      }) : () -> ()
    } else {
    }
    %eq3A = arith.constant 15 : i32
    %eq3A_5 = arith.cmpi eq, %arg1, %eq3A : i32
    %convert_element_type3A_6 = arith.extui %eq3A_5 : i1 to i32
    %cond3A_7 = arith.constant 0 : i32
    %cond3A_8 = arith.cmpi ne, %convert_element_type3A_6, %cond3A_7 : i32
    scf.if %cond3A_8 {
      %mul3A_62 = arith.constant 632 : i32
      %mul3A_63 = arith.muli %arg1, %mul3A_62 : i32
      "tpu.region"() ({
        %run_scoped3A = tpu.sem_alloc : memref<!tpu.dma_semaphore, #tpu.memory_space<semaphore_mem>>
        %dma_start3A_64 = arith.constant 0 : i32
        %dma_start3A_65 = tpu.memref_slice %arg7[%mul3A_63, %dma_start3A_64] : memref<10000x128xf32, #tpu.memory_space<vmem_shared>> -> memref<520x128xf32, #tpu.memory_space<vmem_shared>>
        %dma_start3A_66 = arith.constant 0 : i32
        %dma_start3A_67 = arith.constant 0 : i32
        %dma_start3A_68 = tpu.memref_slice %arg5[%dma_start3A_66, %dma_start3A_67] : memref<632x128xf32, #tpu.memory_space<hbm>> -> memref<520x128xf32, #tpu.memory_space<hbm>>
        tpu.enqueue_dma source(%dma_start3A_68 : memref<520x128xf32, #tpu.memory_space<hbm>>) target(%dma_start3A_65 : memref<520x128xf32, #tpu.memory_space<vmem_shared>>) target_semaphore(%run_scoped3A : memref<!tpu.dma_semaphore, #tpu.memory_space<semaphore_mem>>)
        %dma_wait3A_69 = arith.constant 0 : i32
        %dma_wait3A_70 = tpu.memref_slice %arg7[%mul3A_63, %dma_wait3A_69] : memref<10000x128xf32, #tpu.memory_space<vmem_shared>> -> memref<520x128xf32, #tpu.memory_space<vmem_shared>>
        %dma_wait3A_71 = arith.constant 0 : i32
        %dma_wait3A_72 = arith.constant 0 : i32
        %dma_wait3A_73 = tpu.memref_slice %arg5[%dma_wait3A_71, %dma_wait3A_72] : memref<632x128xf32, #tpu.memory_space<hbm>> -> memref<520x128xf32, #tpu.memory_space<hbm>>
        tpu.wait_dma2 semaphore(%run_scoped3A : memref<!tpu.dma_semaphore, #tpu.memory_space<semaphore_mem>>) src(%dma_wait3A_73 : memref<520x128xf32, #tpu.memory_space<hbm>>) dst(%dma_wait3A_70 : memref<520x128xf32, #tpu.memory_space<vmem_shared>>)
        tpu.yield
      }) : () -> ()
    } else {
    }
    %add3A_9 = arith.constant 0 : i32
    %add3A_10 = arith.addi %mul3A_2, %add3A_9 : i32
    %dma_start3A = tpu.memref_slice %arg3[%add3A_10] : memref<320000xi32, #tpu.memory_space<hbm>> -> memref<80xi32, #tpu.memory_space<hbm>>
    %dma_start3A_11 = tpu.memref_slice %arg3[%add3A_10] : memref<320000xi32, #tpu.memory_space<hbm>> -> memref<80xi32, #tpu.memory_space<hbm>>
    tpu.enqueue_dma source(%dma_start3A_11 : memref<80xi32, #tpu.memory_space<hbm>>) target(%arg8 : memref<80xi32, #tpu.memory_space<vmem>>) target_semaphore(%arg23 : memref<!tpu.dma_semaphore, #tpu.memory_space<semaphore_mem>>)
    %add3A_12 = arith.constant 0 : i32
    %add3A_13 = arith.addi %mul3A_2, %add3A_12 : i32
    %dma_start3A_14 = tpu.memref_slice %arg4[%add3A_13] : memref<320000xi32, #tpu.memory_space<hbm>> -> memref<80xi32, #tpu.memory_space<hbm>>
    %dma_start3A_15 = tpu.memref_slice %arg4[%add3A_13] : memref<320000xi32, #tpu.memory_space<hbm>> -> memref<80xi32, #tpu.memory_space<hbm>>
    tpu.enqueue_dma source(%dma_start3A_15 : memref<80xi32, #tpu.memory_space<hbm>>) target(%arg14 : memref<80xi32, #tpu.memory_space<vmem>>) target_semaphore(%arg23 : memref<!tpu.dma_semaphore, #tpu.memory_space<semaphore_mem>>)
    %add3A_16 = arith.constant 80 : i32
    %add3A_17 = arith.addi %mul3A_2, %add3A_16 : i32
    %dma_start3A_18 = tpu.memref_slice %arg3[%add3A_17] : memref<320000xi32, #tpu.memory_space<hbm>> -> memref<80xi32, #tpu.memory_space<hbm>>
    %dma_start3A_19 = tpu.memref_slice %arg3[%add3A_17] : memref<320000xi32, #tpu.memory_space<hbm>> -> memref<80xi32, #tpu.memory_space<hbm>>
    tpu.enqueue_dma source(%dma_start3A_19 : memref<80xi32, #tpu.memory_space<hbm>>) target(%arg9 : memref<80xi32, #tpu.memory_space<vmem>>) target_semaphore(%arg24 : memref<!tpu.dma_semaphore, #tpu.memory_space<semaphore_mem>>)
    %add3A_20 = arith.constant 80 : i32
    %add3A_21 = arith.addi %mul3A_2, %add3A_20 : i32
    %dma_start3A_22 = tpu.memref_slice %arg4[%add3A_21] : memref<320000xi32, #tpu.memory_space<hbm>> -> memref<80xi32, #tpu.memory_space<hbm>>
    %dma_start3A_23 = tpu.memref_slice %arg4[%add3A_21] : memref<320000xi32, #tpu.memory_space<hbm>> -> memref<80xi32, #tpu.memory_space<hbm>>
    tpu.enqueue_dma source(%dma_start3A_23 : memref<80xi32, #tpu.memory_space<hbm>>) target(%arg15 : memref<80xi32, #tpu.memory_space<vmem>>) target_semaphore(%arg24 : memref<!tpu.dma_semaphore, #tpu.memory_space<semaphore_mem>>)
    %add3A_24 = arith.constant 160 : i32
    %add3A_25 = arith.addi %mul3A_2, %add3A_24 : i32
    %dma_start3A_26 = tpu.memref_slice %arg3[%add3A_25] : memref<320000xi32, #tpu.memory_space<hbm>> -> memref<80xi32, #tpu.memory_space<hbm>>
    %dma_start3A_27 = tpu.memref_slice %arg3[%add3A_25] : memref<320000xi32, #tpu.memory_space<hbm>> -> memref<80xi32, #tpu.memory_space<hbm>>
    tpu.enqueue_dma source(%dma_start3A_27 : memref<80xi32, #tpu.memory_space<hbm>>) target(%arg10 : memref<80xi32, #tpu.memory_space<vmem>>) target_semaphore(%arg25 : memref<!tpu.dma_semaphore, #tpu.memory_space<semaphore_mem>>)
    %add3A_28 = arith.constant 160 : i32
    %add3A_29 = arith.addi %mul3A_2, %add3A_28 : i32
    %dma_start3A_30 = tpu.memref_slice %arg4[%add3A_29] : memref<320000xi32, #tpu.memory_space<hbm>> -> memref<80xi32, #tpu.memory_space<hbm>>
    %dma_start3A_31 = tpu.memref_slice %arg4[%add3A_29] : memref<320000xi32, #tpu.memory_space<hbm>> -> memref<80xi32, #tpu.memory_space<hbm>>
    tpu.enqueue_dma source(%dma_start3A_31 : memref<80xi32, #tpu.memory_space<hbm>>) target(%arg16 : memref<80xi32, #tpu.memory_space<vmem>>) target_semaphore(%arg25 : memref<!tpu.dma_semaphore, #tpu.memory_space<semaphore_mem>>)
    %barrier3A = arith.constant 0 : index
    tpu.barrier barrier_id(%barrier3A)
    %scan3A = arith.constant 0 : i32
    %scan3A_32 = arith.constant 0 : i32
    %scan3A_33 = arith.constant 21 : i32
    %scan3A_34 = arith.addi %scan3A_32, %scan3A_33 : i32
    %scan3A_35 = arith.constant 1 : i32
    scf.for %scan3A_62 = %scan3A_32 to %scan3A_34 step %scan3A_35  : i32 {
      %mul3A_63 = arith.constant 6 : i32
      %mul3A_64 = arith.muli %scan3A_62, %mul3A_63 : i32
      %add3A_65 = arith.constant 0 : i32
      %add3A_66 = arith.addi %mul3A_64, %add3A_65 : i32
      %lt3A_67 = arith.constant 125 : i32
      %lt3A_68 = arith.cmpi slt, %add3A_66, %lt3A_67 : i32
      %convert_element_type3A_69 = arith.extui %lt3A_68 : i1 to i32
      %cond3A_70 = arith.constant 0 : i32
      %cond3A_71 = arith.cmpi ne, %convert_element_type3A_69, %cond3A_70 : i32
      scf.if %cond3A_71 {
        %ge3A = arith.constant 3 : i32
        %ge3A_117 = arith.cmpi sge, %add3A_66, %ge3A : i32
        %convert_element_type3A_118 = arith.extui %ge3A_117 : i1 to i32
        %cond3A_119 = arith.constant 0 : i32
        %cond3A_120 = arith.cmpi ne, %convert_element_type3A_118, %cond3A_119 : i32
        scf.if %cond3A_120 {
          %dma_wait3A_146 = arith.constant 0 : i32
          %dma_wait3A_147 = arith.constant 0 : i32
          %dma_wait3A_148 = tpu.memref_slice %arg7[%dma_wait3A_146, %dma_wait3A_147] : memref<10000x128xf32, #tpu.memory_space<vmem_shared>> -> memref<10000x128xf32, #tpu.memory_space<vmem_shared>>
          tpu.wait_indirect_dma semaphore(%arg32 : memref<!tpu.dma_semaphore, #tpu.memory_space<semaphore_mem>>) src(%arg20 : memref<80x128xf32, #tpu.memory_space<vmem>>) dst(%dma_wait3A_148 : memref<10000x128xf32, #tpu.memory_space<vmem_shared>>)
        } else {
        }
        %add3A_121 = arith.constant 3 : i32
        %add3A_122 = arith.addi %add3A_66, %add3A_121 : i32
        %lt3A_123 = arith.constant 125 : i32
        %lt3A_124 = arith.cmpi slt, %add3A_122, %lt3A_123 : i32
        %convert_element_type3A_125 = arith.extui %lt3A_124 : i1 to i32
        %cond3A_126 = arith.constant 0 : i32
        %cond3A_127 = arith.cmpi ne, %convert_element_type3A_125, %cond3A_126 : i32
        scf.if %cond3A_127 {
          %add3A_146 = arith.constant 3 : i32
          %add3A_147 = arith.addi %add3A_66, %add3A_146 : i32
          %mul3A_148 = arith.constant 80 : i32
          %mul3A_149 = arith.muli %add3A_147, %mul3A_148 : i32
          %add3A_150 = arith.addi %mul3A_2, %mul3A_149 : i32
          %dma_start3A_151 = tpu.memref_slice %arg3[%add3A_150] : memref<320000xi32, #tpu.memory_space<hbm>> -> memref<80xi32, #tpu.memory_space<hbm>>
          %dma_start3A_152 = tpu.memref_slice %arg3[%add3A_150] : memref<320000xi32, #tpu.memory_space<hbm>> -> memref<80xi32, #tpu.memory_space<hbm>>
          tpu.enqueue_dma source(%dma_start3A_152 : memref<80xi32, #tpu.memory_space<hbm>>) target(%arg11 : memref<80xi32, #tpu.memory_space<vmem>>) target_semaphore(%arg26 : memref<!tpu.dma_semaphore, #tpu.memory_space<semaphore_mem>>)
          %mul3A_153 = arith.constant 80 : i32
          %mul3A_154 = arith.muli %add3A_147, %mul3A_153 : i32
          %add3A_155 = arith.addi %mul3A_2, %mul3A_154 : i32
          %dma_start3A_156 = tpu.memref_slice %arg4[%add3A_155] : memref<320000xi32, #tpu.memory_space<hbm>> -> memref<80xi32, #tpu.memory_space<hbm>>
          %dma_start3A_157 = tpu.memref_slice %arg4[%add3A_155] : memref<320000xi32, #tpu.memory_space<hbm>> -> memref<80xi32, #tpu.memory_space<hbm>>
          tpu.enqueue_dma source(%dma_start3A_157 : memref<80xi32, #tpu.memory_space<hbm>>) target(%arg17 : memref<80xi32, #tpu.memory_space<vmem>>) target_semaphore(%arg26 : memref<!tpu.dma_semaphore, #tpu.memory_space<semaphore_mem>>)
        } else {
        }
        %mul3A_128 = arith.constant 80 : i32
        %mul3A_129 = arith.muli %add3A_66, %mul3A_128 : i32
        %add3A_130 = arith.addi %mul3A_2, %mul3A_129 : i32
        %dma_wait3A_131 = tpu.memref_slice %arg3[%add3A_130] : memref<320000xi32, #tpu.memory_space<hbm>> -> memref<80xi32, #tpu.memory_space<hbm>>
        %dma_wait3A_132 = tpu.memref_slice %arg3[%add3A_130] : memref<320000xi32, #tpu.memory_space<hbm>> -> memref<80xi32, #tpu.memory_space<hbm>>
        tpu.wait_dma2 semaphore(%arg23 : memref<!tpu.dma_semaphore, #tpu.memory_space<semaphore_mem>>) src(%dma_wait3A_132 : memref<80xi32, #tpu.memory_space<hbm>>) dst(%arg8 : memref<80xi32, #tpu.memory_space<vmem>>)
        %mul3A_133 = arith.constant 80 : i32
        %mul3A_134 = arith.muli %add3A_66, %mul3A_133 : i32
        %add3A_135 = arith.addi %mul3A_2, %mul3A_134 : i32
        %dma_wait3A_136 = tpu.memref_slice %arg4[%add3A_135] : memref<320000xi32, #tpu.memory_space<hbm>> -> memref<80xi32, #tpu.memory_space<hbm>>
        %dma_wait3A_137 = tpu.memref_slice %arg4[%add3A_135] : memref<320000xi32, #tpu.memory_space<hbm>> -> memref<80xi32, #tpu.memory_space<hbm>>
        tpu.wait_dma2 semaphore(%arg23 : memref<!tpu.dma_semaphore, #tpu.memory_space<semaphore_mem>>) src(%dma_wait3A_137 : memref<80xi32, #tpu.memory_space<hbm>>) dst(%arg14 : memref<80xi32, #tpu.memory_space<vmem>>)
        %dma_start3A_138 = arith.constant 0 : i32
        %dma_start3A_139 = arith.constant 0 : i32
        %dma_start3A_140 = tpu.memref_slice %arg2[%dma_start3A_138, %dma_start3A_139] : memref<10000x128xf32, #tpu.memory_space<hbm>> -> memref<10000x128xf32, #tpu.memory_space<hbm>>
        tpu.enqueue_indirect_dma source(%dma_start3A_140 : memref<10000x128xf32, #tpu.memory_space<hbm>>) target(%arg20 : memref<80x128xf32, #tpu.memory_space<vmem>>) offsets(%arg8 : memref<80xi32, #tpu.memory_space<vmem>>) semaphore(%arg29 : memref<!tpu.dma_semaphore, #tpu.memory_space<semaphore_mem>>)
        %ge3A_141 = arith.constant 1 : i32
        %ge3A_142 = arith.cmpi sge, %add3A_66, %ge3A_141 : i32
        %convert_element_type3A_143 = arith.extui %ge3A_142 : i1 to i32
        %cond3A_144 = arith.constant 0 : i32
        %cond3A_145 = arith.cmpi ne, %convert_element_type3A_143, %cond3A_144 : i32
        scf.if %cond3A_145 {
          %dma_wait3A_146 = arith.constant 0 : i32
          %dma_wait3A_147 = arith.constant 0 : i32
          %dma_wait3A_148 = tpu.memref_slice %arg2[%dma_wait3A_146, %dma_wait3A_147] : memref<10000x128xf32, #tpu.memory_space<hbm>> -> memref<10000x128xf32, #tpu.memory_space<hbm>>
          tpu.wait_indirect_dma semaphore(%arg31 : memref<!tpu.dma_semaphore, #tpu.memory_space<semaphore_mem>>) src(%dma_wait3A_148 : memref<10000x128xf32, #tpu.memory_space<hbm>>) dst(%arg22 : memref<80x128xf32, #tpu.memory_space<vmem>>)
          %dma_start3A_149 = arith.constant 0 : i32
          %dma_start3A_150 = arith.constant 0 : i32
          %dma_start3A_151 = tpu.memref_slice %arg7[%dma_start3A_149, %dma_start3A_150] : memref<10000x128xf32, #tpu.memory_space<vmem_shared>> -> memref<10000x128xf32, #tpu.memory_space<vmem_shared>>
          tpu.enqueue_indirect_dma source(%arg22 : memref<80x128xf32, #tpu.memory_space<vmem>>) target(%dma_start3A_151 : memref<10000x128xf32, #tpu.memory_space<vmem_shared>>) offsets(%arg19 : memref<80xi32, #tpu.memory_space<vmem>>) semaphore(%arg34 : memref<!tpu.dma_semaphore, #tpu.memory_space<semaphore_mem>>) {add = true}
        } else {
        }
      } else {
      }
      %mul3A_72 = arith.constant 6 : i32
      %mul3A_73 = arith.muli %scan3A_62, %mul3A_72 : i32
      %add3A_74 = arith.constant 1 : i32
      %add3A_75 = arith.addi %mul3A_73, %add3A_74 : i32
      %lt3A_76 = arith.constant 125 : i32
      %lt3A_77 = arith.cmpi slt, %add3A_75, %lt3A_76 : i32
      %convert_element_type3A_78 = arith.extui %lt3A_77 : i1 to i32
      %cond3A_79 = arith.constant 0 : i32
      %cond3A_80 = arith.cmpi ne, %convert_element_type3A_78, %cond3A_79 : i32
      scf.if %cond3A_80 {
        %ge3A = arith.constant 3 : i32
        %ge3A_117 = arith.cmpi sge, %add3A_75, %ge3A : i32
        %convert_element_type3A_118 = arith.extui %ge3A_117 : i1 to i32
        %cond3A_119 = arith.constant 0 : i32
        %cond3A_120 = arith.cmpi ne, %convert_element_type3A_118, %cond3A_119 : i32
        scf.if %cond3A_120 {
          %dma_wait3A_146 = arith.constant 0 : i32
          %dma_wait3A_147 = arith.constant 0 : i32
          %dma_wait3A_148 = tpu.memref_slice %arg7[%dma_wait3A_146, %dma_wait3A_147] : memref<10000x128xf32, #tpu.memory_space<vmem_shared>> -> memref<10000x128xf32, #tpu.memory_space<vmem_shared>>
          tpu.wait_indirect_dma semaphore(%arg33 : memref<!tpu.dma_semaphore, #tpu.memory_space<semaphore_mem>>) src(%arg21 : memref<80x128xf32, #tpu.memory_space<vmem>>) dst(%dma_wait3A_148 : memref<10000x128xf32, #tpu.memory_space<vmem_shared>>)
        } else {
        }
        %add3A_121 = arith.constant 3 : i32
        %add3A_122 = arith.addi %add3A_75, %add3A_121 : i32
        %lt3A_123 = arith.constant 125 : i32
        %lt3A_124 = arith.cmpi slt, %add3A_122, %lt3A_123 : i32
        %convert_element_type3A_125 = arith.extui %lt3A_124 : i1 to i32
        %cond3A_126 = arith.constant 0 : i32
        %cond3A_127 = arith.cmpi ne, %convert_element_type3A_125, %cond3A_126 : i32
        scf.if %cond3A_127 {
          %add3A_146 = arith.constant 3 : i32
          %add3A_147 = arith.addi %add3A_75, %add3A_146 : i32
          %mul3A_148 = arith.constant 80 : i32
          %mul3A_149 = arith.muli %add3A_147, %mul3A_148 : i32
          %add3A_150 = arith.addi %mul3A_2, %mul3A_149 : i32
          %dma_start3A_151 = tpu.memref_slice %arg3[%add3A_150] : memref<320000xi32, #tpu.memory_space<hbm>> -> memref<80xi32, #tpu.memory_space<hbm>>
          %dma_start3A_152 = tpu.memref_slice %arg3[%add3A_150] : memref<320000xi32, #tpu.memory_space<hbm>> -> memref<80xi32, #tpu.memory_space<hbm>>
          tpu.enqueue_dma source(%dma_start3A_152 : memref<80xi32, #tpu.memory_space<hbm>>) target(%arg12 : memref<80xi32, #tpu.memory_space<vmem>>) target_semaphore(%arg27 : memref<!tpu.dma_semaphore, #tpu.memory_space<semaphore_mem>>)
          %mul3A_153 = arith.constant 80 : i32
          %mul3A_154 = arith.muli %add3A_147, %mul3A_153 : i32
          %add3A_155 = arith.addi %mul3A_2, %mul3A_154 : i32
          %dma_start3A_156 = tpu.memref_slice %arg4[%add3A_155] : memref<320000xi32, #tpu.memory_space<hbm>> -> memref<80xi32, #tpu.memory_space<hbm>>
          %dma_start3A_157 = tpu.memref_slice %arg4[%add3A_155] : memref<320000xi32, #tpu.memory_space<hbm>> -> memref<80xi32, #tpu.memory_space<hbm>>
          tpu.enqueue_dma source(%dma_start3A_157 : memref<80xi32, #tpu.memory_space<hbm>>) target(%arg18 : memref<80xi32, #tpu.memory_space<vmem>>) target_semaphore(%arg27 : memref<!tpu.dma_semaphore, #tpu.memory_space<semaphore_mem>>)
        } else {
        }
        %mul3A_128 = arith.constant 80 : i32
        %mul3A_129 = arith.muli %add3A_75, %mul3A_128 : i32
        %add3A_130 = arith.addi %mul3A_2, %mul3A_129 : i32
        %dma_wait3A_131 = tpu.memref_slice %arg3[%add3A_130] : memref<320000xi32, #tpu.memory_space<hbm>> -> memref<80xi32, #tpu.memory_space<hbm>>
        %dma_wait3A_132 = tpu.memref_slice %arg3[%add3A_130] : memref<320000xi32, #tpu.memory_space<hbm>> -> memref<80xi32, #tpu.memory_space<hbm>>
        tpu.wait_dma2 semaphore(%arg24 : memref<!tpu.dma_semaphore, #tpu.memory_space<semaphore_mem>>) src(%dma_wait3A_132 : memref<80xi32, #tpu.memory_space<hbm>>) dst(%arg9 : memref<80xi32, #tpu.memory_space<vmem>>)
        %mul3A_133 = arith.constant 80 : i32
        %mul3A_134 = arith.muli %add3A_75, %mul3A_133 : i32
        %add3A_135 = arith.addi %mul3A_2, %mul3A_134 : i32
        %dma_wait3A_136 = tpu.memref_slice %arg4[%add3A_135] : memref<320000xi32, #tpu.memory_space<hbm>> -> memref<80xi32, #tpu.memory_space<hbm>>
        %dma_wait3A_137 = tpu.memref_slice %arg4[%add3A_135] : memref<320000xi32, #tpu.memory_space<hbm>> -> memref<80xi32, #tpu.memory_space<hbm>>
        tpu.wait_dma2 semaphore(%arg24 : memref<!tpu.dma_semaphore, #tpu.memory_space<semaphore_mem>>) src(%dma_wait3A_137 : memref<80xi32, #tpu.memory_space<hbm>>) dst(%arg15 : memref<80xi32, #tpu.memory_space<vmem>>)
        %dma_start3A_138 = arith.constant 0 : i32
        %dma_start3A_139 = arith.constant 0 : i32
        %dma_start3A_140 = tpu.memref_slice %arg2[%dma_start3A_138, %dma_start3A_139] : memref<10000x128xf32, #tpu.memory_space<hbm>> -> memref<10000x128xf32, #tpu.memory_space<hbm>>
        tpu.enqueue_indirect_dma source(%dma_start3A_140 : memref<10000x128xf32, #tpu.memory_space<hbm>>) target(%arg21 : memref<80x128xf32, #tpu.memory_space<vmem>>) offsets(%arg9 : memref<80xi32, #tpu.memory_space<vmem>>) semaphore(%arg30 : memref<!tpu.dma_semaphore, #tpu.memory_space<semaphore_mem>>)
        %ge3A_141 = arith.constant 1 : i32
        %ge3A_142 = arith.cmpi sge, %add3A_75, %ge3A_141 : i32
        %convert_element_type3A_143 = arith.extui %ge3A_142 : i1 to i32
        %cond3A_144 = arith.constant 0 : i32
        %cond3A_145 = arith.cmpi ne, %convert_element_type3A_143, %cond3A_144 : i32
        scf.if %cond3A_145 {
          %dma_wait3A_146 = arith.constant 0 : i32
          %dma_wait3A_147 = arith.constant 0 : i32
          %dma_wait3A_148 = tpu.memref_slice %arg2[%dma_wait3A_146, %dma_wait3A_147] : memref<10000x128xf32, #tpu.memory_space<hbm>> -> memref<10000x128xf32, #tpu.memory_space<hbm>>
          tpu.wait_indirect_dma semaphore(%arg29 : memref<!tpu.dma_semaphore, #tpu.memory_space<semaphore_mem>>) src(%dma_wait3A_148 : memref<10000x128xf32, #tpu.memory_space<hbm>>) dst(%arg20 : memref<80x128xf32, #tpu.memory_space<vmem>>)
          %dma_start3A_149 = arith.constant 0 : i32
          %dma_start3A_150 = arith.constant 0 : i32
          %dma_start3A_151 = tpu.memref_slice %arg7[%dma_start3A_149, %dma_start3A_150] : memref<10000x128xf32, #tpu.memory_space<vmem_shared>> -> memref<10000x128xf32, #tpu.memory_space<vmem_shared>>
          tpu.enqueue_indirect_dma source(%arg20 : memref<80x128xf32, #tpu.memory_space<vmem>>) target(%dma_start3A_151 : memref<10000x128xf32, #tpu.memory_space<vmem_shared>>) offsets(%arg14 : memref<80xi32, #tpu.memory_space<vmem>>) semaphore(%arg32 : memref<!tpu.dma_semaphore, #tpu.memory_space<semaphore_mem>>) {add = true}
        } else {
        }
      } else {
      }
      %mul3A_81 = arith.constant 6 : i32
      %mul3A_82 = arith.muli %scan3A_62, %mul3A_81 : i32
      %add3A_83 = arith.constant 2 : i32
      %add3A_84 = arith.addi %mul3A_82, %add3A_83 : i32
      %lt3A_85 = arith.constant 125 : i32
      %lt3A_86 = arith.cmpi slt, %add3A_84, %lt3A_85 : i32
      %convert_element_type3A_87 = arith.extui %lt3A_86 : i1 to i32
      %cond3A_88 = arith.constant 0 : i32
      %cond3A_89 = arith.cmpi ne, %convert_element_type3A_87, %cond3A_88 : i32
      scf.if %cond3A_89 {
        %ge3A = arith.constant 3 : i32
        %ge3A_117 = arith.cmpi sge, %add3A_84, %ge3A : i32
        %convert_element_type3A_118 = arith.extui %ge3A_117 : i1 to i32
        %cond3A_119 = arith.constant 0 : i32
        %cond3A_120 = arith.cmpi ne, %convert_element_type3A_118, %cond3A_119 : i32
        scf.if %cond3A_120 {
          %dma_wait3A_146 = arith.constant 0 : i32
          %dma_wait3A_147 = arith.constant 0 : i32
          %dma_wait3A_148 = tpu.memref_slice %arg7[%dma_wait3A_146, %dma_wait3A_147] : memref<10000x128xf32, #tpu.memory_space<vmem_shared>> -> memref<10000x128xf32, #tpu.memory_space<vmem_shared>>
          tpu.wait_indirect_dma semaphore(%arg34 : memref<!tpu.dma_semaphore, #tpu.memory_space<semaphore_mem>>) src(%arg22 : memref<80x128xf32, #tpu.memory_space<vmem>>) dst(%dma_wait3A_148 : memref<10000x128xf32, #tpu.memory_space<vmem_shared>>)
        } else {
        }
        %add3A_121 = arith.constant 3 : i32
        %add3A_122 = arith.addi %add3A_84, %add3A_121 : i32
        %lt3A_123 = arith.constant 125 : i32
        %lt3A_124 = arith.cmpi slt, %add3A_122, %lt3A_123 : i32
        %convert_element_type3A_125 = arith.extui %lt3A_124 : i1 to i32
        %cond3A_126 = arith.constant 0 : i32
        %cond3A_127 = arith.cmpi ne, %convert_element_type3A_125, %cond3A_126 : i32
        scf.if %cond3A_127 {
          %add3A_146 = arith.constant 3 : i32
          %add3A_147 = arith.addi %add3A_84, %add3A_146 : i32
          %mul3A_148 = arith.constant 80 : i32
          %mul3A_149 = arith.muli %add3A_147, %mul3A_148 : i32
          %add3A_150 = arith.addi %mul3A_2, %mul3A_149 : i32
          %dma_start3A_151 = tpu.memref_slice %arg3[%add3A_150] : memref<320000xi32, #tpu.memory_space<hbm>> -> memref<80xi32, #tpu.memory_space<hbm>>
          %dma_start3A_152 = tpu.memref_slice %arg3[%add3A_150] : memref<320000xi32, #tpu.memory_space<hbm>> -> memref<80xi32, #tpu.memory_space<hbm>>
          tpu.enqueue_dma source(%dma_start3A_152 : memref<80xi32, #tpu.memory_space<hbm>>) target(%arg13 : memref<80xi32, #tpu.memory_space<vmem>>) target_semaphore(%arg28 : memref<!tpu.dma_semaphore, #tpu.memory_space<semaphore_mem>>)
          %mul3A_153 = arith.constant 80 : i32
          %mul3A_154 = arith.muli %add3A_147, %mul3A_153 : i32
          %add3A_155 = arith.addi %mul3A_2, %mul3A_154 : i32
          %dma_start3A_156 = tpu.memref_slice %arg4[%add3A_155] : memref<320000xi32, #tpu.memory_space<hbm>> -> memref<80xi32, #tpu.memory_space<hbm>>
          %dma_start3A_157 = tpu.memref_slice %arg4[%add3A_155] : memref<320000xi32, #tpu.memory_space<hbm>> -> memref<80xi32, #tpu.memory_space<hbm>>
          tpu.enqueue_dma source(%dma_start3A_157 : memref<80xi32, #tpu.memory_space<hbm>>) target(%arg19 : memref<80xi32, #tpu.memory_space<vmem>>) target_semaphore(%arg28 : memref<!tpu.dma_semaphore, #tpu.memory_space<semaphore_mem>>)
        } else {
        }
        %mul3A_128 = arith.constant 80 : i32
        %mul3A_129 = arith.muli %add3A_84, %mul3A_128 : i32
        %add3A_130 = arith.addi %mul3A_2, %mul3A_129 : i32
        %dma_wait3A_131 = tpu.memref_slice %arg3[%add3A_130] : memref<320000xi32, #tpu.memory_space<hbm>> -> memref<80xi32, #tpu.memory_space<hbm>>
        %dma_wait3A_132 = tpu.memref_slice %arg3[%add3A_130] : memref<320000xi32, #tpu.memory_space<hbm>> -> memref<80xi32, #tpu.memory_space<hbm>>
        tpu.wait_dma2 semaphore(%arg25 : memref<!tpu.dma_semaphore, #tpu.memory_space<semaphore_mem>>) src(%dma_wait3A_132 : memref<80xi32, #tpu.memory_space<hbm>>) dst(%arg10 : memref<80xi32, #tpu.memory_space<vmem>>)
        %mul3A_133 = arith.constant 80 : i32
        %mul3A_134 = arith.muli %add3A_84, %mul3A_133 : i32
        %add3A_135 = arith.addi %mul3A_2, %mul3A_134 : i32
        %dma_wait3A_136 = tpu.memref_slice %arg4[%add3A_135] : memref<320000xi32, #tpu.memory_space<hbm>> -> memref<80xi32, #tpu.memory_space<hbm>>
        %dma_wait3A_137 = tpu.memref_slice %arg4[%add3A_135] : memref<320000xi32, #tpu.memory_space<hbm>> -> memref<80xi32, #tpu.memory_space<hbm>>
        tpu.wait_dma2 semaphore(%arg25 : memref<!tpu.dma_semaphore, #tpu.memory_space<semaphore_mem>>) src(%dma_wait3A_137 : memref<80xi32, #tpu.memory_space<hbm>>) dst(%arg16 : memref<80xi32, #tpu.memory_space<vmem>>)
        %dma_start3A_138 = arith.constant 0 : i32
        %dma_start3A_139 = arith.constant 0 : i32
        %dma_start3A_140 = tpu.memref_slice %arg2[%dma_start3A_138, %dma_start3A_139] : memref<10000x128xf32, #tpu.memory_space<hbm>> -> memref<10000x128xf32, #tpu.memory_space<hbm>>
        tpu.enqueue_indirect_dma source(%dma_start3A_140 : memref<10000x128xf32, #tpu.memory_space<hbm>>) target(%arg22 : memref<80x128xf32, #tpu.memory_space<vmem>>) offsets(%arg10 : memref<80xi32, #tpu.memory_space<vmem>>) semaphore(%arg31 : memref<!tpu.dma_semaphore, #tpu.memory_space<semaphore_mem>>)
        %ge3A_141 = arith.constant 1 : i32
        %ge3A_142 = arith.cmpi sge, %add3A_84, %ge3A_141 : i32
        %convert_element_type3A_143 = arith.extui %ge3A_142 : i1 to i32
        %cond3A_144 = arith.constant 0 : i32
        %cond3A_145 = arith.cmpi ne, %convert_element_type3A_143, %cond3A_144 : i32
        scf.if %cond3A_145 {
          %dma_wait3A_146 = arith.constant 0 : i32
          %dma_wait3A_147 = arith.constant 0 : i32
          %dma_wait3A_148 = tpu.memref_slice %arg2[%dma_wait3A_146, %dma_wait3A_147] : memref<10000x128xf32, #tpu.memory_space<hbm>> -> memref<10000x128xf32, #tpu.memory_space<hbm>>
          tpu.wait_indirect_dma semaphore(%arg30 : memref<!tpu.dma_semaphore, #tpu.memory_space<semaphore_mem>>) src(%dma_wait3A_148 : memref<10000x128xf32, #tpu.memory_space<hbm>>) dst(%arg21 : memref<80x128xf32, #tpu.memory_space<vmem>>)
          %dma_start3A_149 = arith.constant 0 : i32
          %dma_start3A_150 = arith.constant 0 : i32
          %dma_start3A_151 = tpu.memref_slice %arg7[%dma_start3A_149, %dma_start3A_150] : memref<10000x128xf32, #tpu.memory_space<vmem_shared>> -> memref<10000x128xf32, #tpu.memory_space<vmem_shared>>
          tpu.enqueue_indirect_dma source(%arg21 : memref<80x128xf32, #tpu.memory_space<vmem>>) target(%dma_start3A_151 : memref<10000x128xf32, #tpu.memory_space<vmem_shared>>) offsets(%arg15 : memref<80xi32, #tpu.memory_space<vmem>>) semaphore(%arg33 : memref<!tpu.dma_semaphore, #tpu.memory_space<semaphore_mem>>) {add = true}
        } else {
        }
      } else {
      }
      %mul3A_90 = arith.constant 6 : i32
      %mul3A_91 = arith.muli %scan3A_62, %mul3A_90 : i32
      %add3A_92 = arith.constant 3 : i32
      %add3A_93 = arith.addi %mul3A_91, %add3A_92 : i32
      %lt3A_94 = arith.constant 125 : i32
      %lt3A_95 = arith.cmpi slt, %add3A_93, %lt3A_94 : i32
      %convert_element_type3A_96 = arith.extui %lt3A_95 : i1 to i32
      %cond3A_97 = arith.constant 0 : i32
      %cond3A_98 = arith.cmpi ne, %convert_element_type3A_96, %cond3A_97 : i32
      scf.if %cond3A_98 {
        %ge3A = arith.constant 3 : i32
        %ge3A_117 = arith.cmpi sge, %add3A_93, %ge3A : i32
        %convert_element_type3A_118 = arith.extui %ge3A_117 : i1 to i32
        %cond3A_119 = arith.constant 0 : i32
        %cond3A_120 = arith.cmpi ne, %convert_element_type3A_118, %cond3A_119 : i32
        scf.if %cond3A_120 {
          %dma_wait3A_146 = arith.constant 0 : i32
          %dma_wait3A_147 = arith.constant 0 : i32
          %dma_wait3A_148 = tpu.memref_slice %arg7[%dma_wait3A_146, %dma_wait3A_147] : memref<10000x128xf32, #tpu.memory_space<vmem_shared>> -> memref<10000x128xf32, #tpu.memory_space<vmem_shared>>
          tpu.wait_indirect_dma semaphore(%arg32 : memref<!tpu.dma_semaphore, #tpu.memory_space<semaphore_mem>>) src(%arg20 : memref<80x128xf32, #tpu.memory_space<vmem>>) dst(%dma_wait3A_148 : memref<10000x128xf32, #tpu.memory_space<vmem_shared>>)
        } else {
        }
        %add3A_121 = arith.constant 3 : i32
        %add3A_122 = arith.addi %add3A_93, %add3A_121 : i32
        %lt3A_123 = arith.constant 125 : i32
        %lt3A_124 = arith.cmpi slt, %add3A_122, %lt3A_123 : i32
        %convert_element_type3A_125 = arith.extui %lt3A_124 : i1 to i32
        %cond3A_126 = arith.constant 0 : i32
        %cond3A_127 = arith.cmpi ne, %convert_element_type3A_125, %cond3A_126 : i32
        scf.if %cond3A_127 {
          %add3A_146 = arith.constant 3 : i32
          %add3A_147 = arith.addi %add3A_93, %add3A_146 : i32
          %mul3A_148 = arith.constant 80 : i32
          %mul3A_149 = arith.muli %add3A_147, %mul3A_148 : i32
          %add3A_150 = arith.addi %mul3A_2, %mul3A_149 : i32
          %dma_start3A_151 = tpu.memref_slice %arg3[%add3A_150] : memref<320000xi32, #tpu.memory_space<hbm>> -> memref<80xi32, #tpu.memory_space<hbm>>
          %dma_start3A_152 = tpu.memref_slice %arg3[%add3A_150] : memref<320000xi32, #tpu.memory_space<hbm>> -> memref<80xi32, #tpu.memory_space<hbm>>
          tpu.enqueue_dma source(%dma_start3A_152 : memref<80xi32, #tpu.memory_space<hbm>>) target(%arg8 : memref<80xi32, #tpu.memory_space<vmem>>) target_semaphore(%arg23 : memref<!tpu.dma_semaphore, #tpu.memory_space<semaphore_mem>>)
          %mul3A_153 = arith.constant 80 : i32
          %mul3A_154 = arith.muli %add3A_147, %mul3A_153 : i32
          %add3A_155 = arith.addi %mul3A_2, %mul3A_154 : i32
          %dma_start3A_156 = tpu.memref_slice %arg4[%add3A_155] : memref<320000xi32, #tpu.memory_space<hbm>> -> memref<80xi32, #tpu.memory_space<hbm>>
          %dma_start3A_157 = tpu.memref_slice %arg4[%add3A_155] : memref<320000xi32, #tpu.memory_space<hbm>> -> memref<80xi32, #tpu.memory_space<hbm>>
          tpu.enqueue_dma source(%dma_start3A_157 : memref<80xi32, #tpu.memory_space<hbm>>) target(%arg14 : memref<80xi32, #tpu.memory_space<vmem>>) target_semaphore(%arg23 : memref<!tpu.dma_semaphore, #tpu.memory_space<semaphore_mem>>)
        } else {
        }
        %mul3A_128 = arith.constant 80 : i32
        %mul3A_129 = arith.muli %add3A_93, %mul3A_128 : i32
        %add3A_130 = arith.addi %mul3A_2, %mul3A_129 : i32
        %dma_wait3A_131 = tpu.memref_slice %arg3[%add3A_130] : memref<320000xi32, #tpu.memory_space<hbm>> -> memref<80xi32, #tpu.memory_space<hbm>>
        %dma_wait3A_132 = tpu.memref_slice %arg3[%add3A_130] : memref<320000xi32, #tpu.memory_space<hbm>> -> memref<80xi32, #tpu.memory_space<hbm>>
        tpu.wait_dma2 semaphore(%arg26 : memref<!tpu.dma_semaphore, #tpu.memory_space<semaphore_mem>>) src(%dma_wait3A_132 : memref<80xi32, #tpu.memory_space<hbm>>) dst(%arg11 : memref<80xi32, #tpu.memory_space<vmem>>)
        %mul3A_133 = arith.constant 80 : i32
        %mul3A_134 = arith.muli %add3A_93, %mul3A_133 : i32
        %add3A_135 = arith.addi %mul3A_2, %mul3A_134 : i32
        %dma_wait3A_136 = tpu.memref_slice %arg4[%add3A_135] : memref<320000xi32, #tpu.memory_space<hbm>> -> memref<80xi32, #tpu.memory_space<hbm>>
        %dma_wait3A_137 = tpu.memref_slice %arg4[%add3A_135] : memref<320000xi32, #tpu.memory_space<hbm>> -> memref<80xi32, #tpu.memory_space<hbm>>
        tpu.wait_dma2 semaphore(%arg26 : memref<!tpu.dma_semaphore, #tpu.memory_space<semaphore_mem>>) src(%dma_wait3A_137 : memref<80xi32, #tpu.memory_space<hbm>>) dst(%arg17 : memref<80xi32, #tpu.memory_space<vmem>>)
        %dma_start3A_138 = arith.constant 0 : i32
        %dma_start3A_139 = arith.constant 0 : i32
        %dma_start3A_140 = tpu.memref_slice %arg2[%dma_start3A_138, %dma_start3A_139] : memref<10000x128xf32, #tpu.memory_space<hbm>> -> memref<10000x128xf32, #tpu.memory_space<hbm>>
        tpu.enqueue_indirect_dma source(%dma_start3A_140 : memref<10000x128xf32, #tpu.memory_space<hbm>>) target(%arg20 : memref<80x128xf32, #tpu.memory_space<vmem>>) offsets(%arg11 : memref<80xi32, #tpu.memory_space<vmem>>) semaphore(%arg29 : memref<!tpu.dma_semaphore, #tpu.memory_space<semaphore_mem>>)
        %ge3A_141 = arith.constant 1 : i32
        %ge3A_142 = arith.cmpi sge, %add3A_93, %ge3A_141 : i32
        %convert_element_type3A_143 = arith.extui %ge3A_142 : i1 to i32
        %cond3A_144 = arith.constant 0 : i32
        %cond3A_145 = arith.cmpi ne, %convert_element_type3A_143, %cond3A_144 : i32
        scf.if %cond3A_145 {
          %dma_wait3A_146 = arith.constant 0 : i32
          %dma_wait3A_147 = arith.constant 0 : i32
          %dma_wait3A_148 = tpu.memref_slice %arg2[%dma_wait3A_146, %dma_wait3A_147] : memref<10000x128xf32, #tpu.memory_space<hbm>> -> memref<10000x128xf32, #tpu.memory_space<hbm>>
          tpu.wait_indirect_dma semaphore(%arg31 : memref<!tpu.dma_semaphore, #tpu.memory_space<semaphore_mem>>) src(%dma_wait3A_148 : memref<10000x128xf32, #tpu.memory_space<hbm>>) dst(%arg22 : memref<80x128xf32, #tpu.memory_space<vmem>>)
          %dma_start3A_149 = arith.constant 0 : i32
          %dma_start3A_150 = arith.constant 0 : i32
          %dma_start3A_151 = tpu.memref_slice %arg7[%dma_start3A_149, %dma_start3A_150] : memref<10000x128xf32, #tpu.memory_space<vmem_shared>> -> memref<10000x128xf32, #tpu.memory_space<vmem_shared>>
          tpu.enqueue_indirect_dma source(%arg22 : memref<80x128xf32, #tpu.memory_space<vmem>>) target(%dma_start3A_151 : memref<10000x128xf32, #tpu.memory_space<vmem_shared>>) offsets(%arg16 : memref<80xi32, #tpu.memory_space<vmem>>) semaphore(%arg34 : memref<!tpu.dma_semaphore, #tpu.memory_space<semaphore_mem>>) {add = true}
        } else {
        }
      } else {
      }
      %mul3A_99 = arith.constant 6 : i32
      %mul3A_100 = arith.muli %scan3A_62, %mul3A_99 : i32
      %add3A_101 = arith.constant 4 : i32
      %add3A_102 = arith.addi %mul3A_100, %add3A_101 : i32
      %lt3A_103 = arith.constant 125 : i32
      %lt3A_104 = arith.cmpi slt, %add3A_102, %lt3A_103 : i32
      %convert_element_type3A_105 = arith.extui %lt3A_104 : i1 to i32
      %cond3A_106 = arith.constant 0 : i32
      %cond3A_107 = arith.cmpi ne, %convert_element_type3A_105, %cond3A_106 : i32
      scf.if %cond3A_107 {
        %ge3A = arith.constant 3 : i32
        %ge3A_117 = arith.cmpi sge, %add3A_102, %ge3A : i32
        %convert_element_type3A_118 = arith.extui %ge3A_117 : i1 to i32
        %cond3A_119 = arith.constant 0 : i32
        %cond3A_120 = arith.cmpi ne, %convert_element_type3A_118, %cond3A_119 : i32
        scf.if %cond3A_120 {
          %dma_wait3A_146 = arith.constant 0 : i32
          %dma_wait3A_147 = arith.constant 0 : i32
          %dma_wait3A_148 = tpu.memref_slice %arg7[%dma_wait3A_146, %dma_wait3A_147] : memref<10000x128xf32, #tpu.memory_space<vmem_shared>> -> memref<10000x128xf32, #tpu.memory_space<vmem_shared>>
          tpu.wait_indirect_dma semaphore(%arg33 : memref<!tpu.dma_semaphore, #tpu.memory_space<semaphore_mem>>) src(%arg21 : memref<80x128xf32, #tpu.memory_space<vmem>>) dst(%dma_wait3A_148 : memref<10000x128xf32, #tpu.memory_space<vmem_shared>>)
        } else {
        }
        %add3A_121 = arith.constant 3 : i32
        %add3A_122 = arith.addi %add3A_102, %add3A_121 : i32
        %lt3A_123 = arith.constant 125 : i32
        %lt3A_124 = arith.cmpi slt, %add3A_122, %lt3A_123 : i32
        %convert_element_type3A_125 = arith.extui %lt3A_124 : i1 to i32
        %cond3A_126 = arith.constant 0 : i32
        %cond3A_127 = arith.cmpi ne, %convert_element_type3A_125, %cond3A_126 : i32
        scf.if %cond3A_127 {
          %add3A_146 = arith.constant 3 : i32
          %add3A_147 = arith.addi %add3A_102, %add3A_146 : i32
          %mul3A_148 = arith.constant 80 : i32
          %mul3A_149 = arith.muli %add3A_147, %mul3A_148 : i32
          %add3A_150 = arith.addi %mul3A_2, %mul3A_149 : i32
          %dma_start3A_151 = tpu.memref_slice %arg3[%add3A_150] : memref<320000xi32, #tpu.memory_space<hbm>> -> memref<80xi32, #tpu.memory_space<hbm>>
          %dma_start3A_152 = tpu.memref_slice %arg3[%add3A_150] : memref<320000xi32, #tpu.memory_space<hbm>> -> memref<80xi32, #tpu.memory_space<hbm>>
          tpu.enqueue_dma source(%dma_start3A_152 : memref<80xi32, #tpu.memory_space<hbm>>) target(%arg9 : memref<80xi32, #tpu.memory_space<vmem>>) target_semaphore(%arg24 : memref<!tpu.dma_semaphore, #tpu.memory_space<semaphore_mem>>)
          %mul3A_153 = arith.constant 80 : i32
          %mul3A_154 = arith.muli %add3A_147, %mul3A_153 : i32
          %add3A_155 = arith.addi %mul3A_2, %mul3A_154 : i32
          %dma_start3A_156 = tpu.memref_slice %arg4[%add3A_155] : memref<320000xi32, #tpu.memory_space<hbm>> -> memref<80xi32, #tpu.memory_space<hbm>>
          %dma_start3A_157 = tpu.memref_slice %arg4[%add3A_155] : memref<320000xi32, #tpu.memory_space<hbm>> -> memref<80xi32, #tpu.memory_space<hbm>>
          tpu.enqueue_dma source(%dma_start3A_157 : memref<80xi32, #tpu.memory_space<hbm>>) target(%arg15 : memref<80xi32, #tpu.memory_space<vmem>>) target_semaphore(%arg24 : memref<!tpu.dma_semaphore, #tpu.memory_space<semaphore_mem>>)
        } else {
        }
        %mul3A_128 = arith.constant 80 : i32
        %mul3A_129 = arith.muli %add3A_102, %mul3A_128 : i32
        %add3A_130 = arith.addi %mul3A_2, %mul3A_129 : i32
        %dma_wait3A_131 = tpu.memref_slice %arg3[%add3A_130] : memref<320000xi32, #tpu.memory_space<hbm>> -> memref<80xi32, #tpu.memory_space<hbm>>
        %dma_wait3A_132 = tpu.memref_slice %arg3[%add3A_130] : memref<320000xi32, #tpu.memory_space<hbm>> -> memref<80xi32, #tpu.memory_space<hbm>>
        tpu.wait_dma2 semaphore(%arg27 : memref<!tpu.dma_semaphore, #tpu.memory_space<semaphore_mem>>) src(%dma_wait3A_132 : memref<80xi32, #tpu.memory_space<hbm>>) dst(%arg12 : memref<80xi32, #tpu.memory_space<vmem>>)
        %mul3A_133 = arith.constant 80 : i32
        %mul3A_134 = arith.muli %add3A_102, %mul3A_133 : i32
        %add3A_135 = arith.addi %mul3A_2, %mul3A_134 : i32
        %dma_wait3A_136 = tpu.memref_slice %arg4[%add3A_135] : memref<320000xi32, #tpu.memory_space<hbm>> -> memref<80xi32, #tpu.memory_space<hbm>>
        %dma_wait3A_137 = tpu.memref_slice %arg4[%add3A_135] : memref<320000xi32, #tpu.memory_space<hbm>> -> memref<80xi32, #tpu.memory_space<hbm>>
        tpu.wait_dma2 semaphore(%arg27 : memref<!tpu.dma_semaphore, #tpu.memory_space<semaphore_mem>>) src(%dma_wait3A_137 : memref<80xi32, #tpu.memory_space<hbm>>) dst(%arg18 : memref<80xi32, #tpu.memory_space<vmem>>)
        %dma_start3A_138 = arith.constant 0 : i32
        %dma_start3A_139 = arith.constant 0 : i32
        %dma_start3A_140 = tpu.memref_slice %arg2[%dma_start3A_138, %dma_start3A_139] : memref<10000x128xf32, #tpu.memory_space<hbm>> -> memref<10000x128xf32, #tpu.memory_space<hbm>>
        tpu.enqueue_indirect_dma source(%dma_start3A_140 : memref<10000x128xf32, #tpu.memory_space<hbm>>) target(%arg21 : memref<80x128xf32, #tpu.memory_space<vmem>>) offsets(%arg12 : memref<80xi32, #tpu.memory_space<vmem>>) semaphore(%arg30 : memref<!tpu.dma_semaphore, #tpu.memory_space<semaphore_mem>>)
        %ge3A_141 = arith.constant 1 : i32
        %ge3A_142 = arith.cmpi sge, %add3A_102, %ge3A_141 : i32
        %convert_element_type3A_143 = arith.extui %ge3A_142 : i1 to i32
        %cond3A_144 = arith.constant 0 : i32
        %cond3A_145 = arith.cmpi ne, %convert_element_type3A_143, %cond3A_144 : i32
        scf.if %cond3A_145 {
          %dma_wait3A_146 = arith.constant 0 : i32
          %dma_wait3A_147 = arith.constant 0 : i32
          %dma_wait3A_148 = tpu.memref_slice %arg2[%dma_wait3A_146, %dma_wait3A_147] : memref<10000x128xf32, #tpu.memory_space<hbm>> -> memref<10000x128xf32, #tpu.memory_space<hbm>>
          tpu.wait_indirect_dma semaphore(%arg29 : memref<!tpu.dma_semaphore, #tpu.memory_space<semaphore_mem>>) src(%dma_wait3A_148 : memref<10000x128xf32, #tpu.memory_space<hbm>>) dst(%arg20 : memref<80x128xf32, #tpu.memory_space<vmem>>)
          %dma_start3A_149 = arith.constant 0 : i32
          %dma_start3A_150 = arith.constant 0 : i32
          %dma_start3A_151 = tpu.memref_slice %arg7[%dma_start3A_149, %dma_start3A_150] : memref<10000x128xf32, #tpu.memory_space<vmem_shared>> -> memref<10000x128xf32, #tpu.memory_space<vmem_shared>>
          tpu.enqueue_indirect_dma source(%arg20 : memref<80x128xf32, #tpu.memory_space<vmem>>) target(%dma_start3A_151 : memref<10000x128xf32, #tpu.memory_space<vmem_shared>>) offsets(%arg17 : memref<80xi32, #tpu.memory_space<vmem>>) semaphore(%arg32 : memref<!tpu.dma_semaphore, #tpu.memory_space<semaphore_mem>>) {add = true}
        } else {
        }
      } else {
      }
      %mul3A_108 = arith.constant 6 : i32
      %mul3A_109 = arith.muli %scan3A_62, %mul3A_108 : i32
      %add3A_110 = arith.constant 5 : i32
      %add3A_111 = arith.addi %mul3A_109, %add3A_110 : i32
      %lt3A_112 = arith.constant 125 : i32
      %lt3A_113 = arith.cmpi slt, %add3A_111, %lt3A_112 : i32
      %convert_element_type3A_114 = arith.extui %lt3A_113 : i1 to i32
      %cond3A_115 = arith.constant 0 : i32
      %cond3A_116 = arith.cmpi ne, %convert_element_type3A_114, %cond3A_115 : i32
      scf.if %cond3A_116 {
        %ge3A = arith.constant 3 : i32
        %ge3A_117 = arith.cmpi sge, %add3A_111, %ge3A : i32
        %convert_element_type3A_118 = arith.extui %ge3A_117 : i1 to i32
        %cond3A_119 = arith.constant 0 : i32
        %cond3A_120 = arith.cmpi ne, %convert_element_type3A_118, %cond3A_119 : i32
        scf.if %cond3A_120 {
          %dma_wait3A_146 = arith.constant 0 : i32
          %dma_wait3A_147 = arith.constant 0 : i32
          %dma_wait3A_148 = tpu.memref_slice %arg7[%dma_wait3A_146, %dma_wait3A_147] : memref<10000x128xf32, #tpu.memory_space<vmem_shared>> -> memref<10000x128xf32, #tpu.memory_space<vmem_shared>>
          tpu.wait_indirect_dma semaphore(%arg34 : memref<!tpu.dma_semaphore, #tpu.memory_space<semaphore_mem>>) src(%arg22 : memref<80x128xf32, #tpu.memory_space<vmem>>) dst(%dma_wait3A_148 : memref<10000x128xf32, #tpu.memory_space<vmem_shared>>)
        } else {
        }
        %add3A_121 = arith.constant 3 : i32
        %add3A_122 = arith.addi %add3A_111, %add3A_121 : i32
        %lt3A_123 = arith.constant 125 : i32
        %lt3A_124 = arith.cmpi slt, %add3A_122, %lt3A_123 : i32
        %convert_element_type3A_125 = arith.extui %lt3A_124 : i1 to i32
        %cond3A_126 = arith.constant 0 : i32
        %cond3A_127 = arith.cmpi ne, %convert_element_type3A_125, %cond3A_126 : i32
        scf.if %cond3A_127 {
          %add3A_146 = arith.constant 3 : i32
          %add3A_147 = arith.addi %add3A_111, %add3A_146 : i32
          %mul3A_148 = arith.constant 80 : i32
          %mul3A_149 = arith.muli %add3A_147, %mul3A_148 : i32
          %add3A_150 = arith.addi %mul3A_2, %mul3A_149 : i32
          %dma_start3A_151 = tpu.memref_slice %arg3[%add3A_150] : memref<320000xi32, #tpu.memory_space<hbm>> -> memref<80xi32, #tpu.memory_space<hbm>>
          %dma_start3A_152 = tpu.memref_slice %arg3[%add3A_150] : memref<320000xi32, #tpu.memory_space<hbm>> -> memref<80xi32, #tpu.memory_space<hbm>>
          tpu.enqueue_dma source(%dma_start3A_152 : memref<80xi32, #tpu.memory_space<hbm>>) target(%arg10 : memref<80xi32, #tpu.memory_space<vmem>>) target_semaphore(%arg25 : memref<!tpu.dma_semaphore, #tpu.memory_space<semaphore_mem>>)
          %mul3A_153 = arith.constant 80 : i32
          %mul3A_154 = arith.muli %add3A_147, %mul3A_153 : i32
          %add3A_155 = arith.addi %mul3A_2, %mul3A_154 : i32
          %dma_start3A_156 = tpu.memref_slice %arg4[%add3A_155] : memref<320000xi32, #tpu.memory_space<hbm>> -> memref<80xi32, #tpu.memory_space<hbm>>
          %dma_start3A_157 = tpu.memref_slice %arg4[%add3A_155] : memref<320000xi32, #tpu.memory_space<hbm>> -> memref<80xi32, #tpu.memory_space<hbm>>
          tpu.enqueue_dma source(%dma_start3A_157 : memref<80xi32, #tpu.memory_space<hbm>>) target(%arg16 : memref<80xi32, #tpu.memory_space<vmem>>) target_semaphore(%arg25 : memref<!tpu.dma_semaphore, #tpu.memory_space<semaphore_mem>>)
        } else {
        }
        %mul3A_128 = arith.constant 80 : i32
        %mul3A_129 = arith.muli %add3A_111, %mul3A_128 : i32
        %add3A_130 = arith.addi %mul3A_2, %mul3A_129 : i32
        %dma_wait3A_131 = tpu.memref_slice %arg3[%add3A_130] : memref<320000xi32, #tpu.memory_space<hbm>> -> memref<80xi32, #tpu.memory_space<hbm>>
        %dma_wait3A_132 = tpu.memref_slice %arg3[%add3A_130] : memref<320000xi32, #tpu.memory_space<hbm>> -> memref<80xi32, #tpu.memory_space<hbm>>
        tpu.wait_dma2 semaphore(%arg28 : memref<!tpu.dma_semaphore, #tpu.memory_space<semaphore_mem>>) src(%dma_wait3A_132 : memref<80xi32, #tpu.memory_space<hbm>>) dst(%arg13 : memref<80xi32, #tpu.memory_space<vmem>>)
        %mul3A_133 = arith.constant 80 : i32
        %mul3A_134 = arith.muli %add3A_111, %mul3A_133 : i32
        %add3A_135 = arith.addi %mul3A_2, %mul3A_134 : i32
        %dma_wait3A_136 = tpu.memref_slice %arg4[%add3A_135] : memref<320000xi32, #tpu.memory_space<hbm>> -> memref<80xi32, #tpu.memory_space<hbm>>
        %dma_wait3A_137 = tpu.memref_slice %arg4[%add3A_135] : memref<320000xi32, #tpu.memory_space<hbm>> -> memref<80xi32, #tpu.memory_space<hbm>>
        tpu.wait_dma2 semaphore(%arg28 : memref<!tpu.dma_semaphore, #tpu.memory_space<semaphore_mem>>) src(%dma_wait3A_137 : memref<80xi32, #tpu.memory_space<hbm>>) dst(%arg19 : memref<80xi32, #tpu.memory_space<vmem>>)
        %dma_start3A_138 = arith.constant 0 : i32
        %dma_start3A_139 = arith.constant 0 : i32
        %dma_start3A_140 = tpu.memref_slice %arg2[%dma_start3A_138, %dma_start3A_139] : memref<10000x128xf32, #tpu.memory_space<hbm>> -> memref<10000x128xf32, #tpu.memory_space<hbm>>
        tpu.enqueue_indirect_dma source(%dma_start3A_140 : memref<10000x128xf32, #tpu.memory_space<hbm>>) target(%arg22 : memref<80x128xf32, #tpu.memory_space<vmem>>) offsets(%arg13 : memref<80xi32, #tpu.memory_space<vmem>>) semaphore(%arg31 : memref<!tpu.dma_semaphore, #tpu.memory_space<semaphore_mem>>)
        %ge3A_141 = arith.constant 1 : i32
        %ge3A_142 = arith.cmpi sge, %add3A_111, %ge3A_141 : i32
        %convert_element_type3A_143 = arith.extui %ge3A_142 : i1 to i32
        %cond3A_144 = arith.constant 0 : i32
        %cond3A_145 = arith.cmpi ne, %convert_element_type3A_143, %cond3A_144 : i32
        scf.if %cond3A_145 {
          %dma_wait3A_146 = arith.constant 0 : i32
          %dma_wait3A_147 = arith.constant 0 : i32
          %dma_wait3A_148 = tpu.memref_slice %arg2[%dma_wait3A_146, %dma_wait3A_147] : memref<10000x128xf32, #tpu.memory_space<hbm>> -> memref<10000x128xf32, #tpu.memory_space<hbm>>
          tpu.wait_indirect_dma semaphore(%arg30 : memref<!tpu.dma_semaphore, #tpu.memory_space<semaphore_mem>>) src(%dma_wait3A_148 : memref<10000x128xf32, #tpu.memory_space<hbm>>) dst(%arg21 : memref<80x128xf32, #tpu.memory_space<vmem>>)
          %dma_start3A_149 = arith.constant 0 : i32
          %dma_start3A_150 = arith.constant 0 : i32
          %dma_start3A_151 = tpu.memref_slice %arg7[%dma_start3A_149, %dma_start3A_150] : memref<10000x128xf32, #tpu.memory_space<vmem_shared>> -> memref<10000x128xf32, #tpu.memory_space<vmem_shared>>
          tpu.enqueue_indirect_dma source(%arg21 : memref<80x128xf32, #tpu.memory_space<vmem>>) target(%dma_start3A_151 : memref<10000x128xf32, #tpu.memory_space<vmem_shared>>) offsets(%arg18 : memref<80xi32, #tpu.memory_space<vmem>>) semaphore(%arg33 : memref<!tpu.dma_semaphore, #tpu.memory_space<semaphore_mem>>) {add = true}
        } else {
        }
      } else {
      }
    }
    %scan3A_36 = arith.constant 21 : i32
    %dma_wait3A = arith.constant 0 : i32
    %dma_wait3A_37 = arith.constant 0 : i32
    %dma_wait3A_38 = tpu.memref_slice %arg2[%dma_wait3A, %dma_wait3A_37] : memref<10000x128xf32, #tpu.memory_space<hbm>> -> memref<10000x128xf32, #tpu.memory_space<hbm>>
    tpu.wait_indirect_dma semaphore(%arg30 : memref<!tpu.dma_semaphore, #tpu.memory_space<semaphore_mem>>) src(%dma_wait3A_38 : memref<10000x128xf32, #tpu.memory_space<hbm>>) dst(%arg21 : memref<80x128xf32, #tpu.memory_space<vmem>>)
    %dma_start3A_39 = arith.constant 0 : i32
    %dma_start3A_40 = arith.constant 0 : i32
    %dma_start3A_41 = tpu.memref_slice %arg7[%dma_start3A_39, %dma_start3A_40] : memref<10000x128xf32, #tpu.memory_space<vmem_shared>> -> memref<10000x128xf32, #tpu.memory_space<vmem_shared>>
    tpu.enqueue_indirect_dma source(%arg21 : memref<80x128xf32, #tpu.memory_space<vmem>>) target(%dma_start3A_41 : memref<10000x128xf32, #tpu.memory_space<vmem_shared>>) offsets(%arg18 : memref<80xi32, #tpu.memory_space<vmem>>) semaphore(%arg33 : memref<!tpu.dma_semaphore, #tpu.memory_space<semaphore_mem>>) {add = true}
    %dma_wait3A_42 = arith.constant 0 : i32
    %dma_wait3A_43 = arith.constant 0 : i32
    %dma_wait3A_44 = tpu.memref_slice %arg7[%dma_wait3A_42, %dma_wait3A_43] : memref<10000x128xf32, #tpu.memory_space<vmem_shared>> -> memref<10000x128xf32, #tpu.memory_space<vmem_shared>>
    tpu.wait_indirect_dma semaphore(%arg34 : memref<!tpu.dma_semaphore, #tpu.memory_space<semaphore_mem>>) src(%arg22 : memref<80x128xf32, #tpu.memory_space<vmem>>) dst(%dma_wait3A_44 : memref<10000x128xf32, #tpu.memory_space<vmem_shared>>)
    %dma_wait3A_45 = arith.constant 0 : i32
    %dma_wait3A_46 = arith.constant 0 : i32
    %dma_wait3A_47 = tpu.memref_slice %arg7[%dma_wait3A_45, %dma_wait3A_46] : memref<10000x128xf32, #tpu.memory_space<vmem_shared>> -> memref<10000x128xf32, #tpu.memory_space<vmem_shared>>
    tpu.wait_indirect_dma semaphore(%arg32 : memref<!tpu.dma_semaphore, #tpu.memory_space<semaphore_mem>>) src(%arg20 : memref<80x128xf32, #tpu.memory_space<vmem>>) dst(%dma_wait3A_47 : memref<10000x128xf32, #tpu.memory_space<vmem_shared>>)
    %dma_wait3A_48 = arith.constant 0 : i32
    %dma_wait3A_49 = arith.constant 0 : i32
    %dma_wait3A_50 = tpu.memref_slice %arg7[%dma_wait3A_48, %dma_wait3A_49] : memref<10000x128xf32, #tpu.memory_space<vmem_shared>> -> memref<10000x128xf32, #tpu.memory_space<vmem_shared>>
    tpu.wait_indirect_dma semaphore(%arg33 : memref<!tpu.dma_semaphore, #tpu.memory_space<semaphore_mem>>) src(%arg21 : memref<80x128xf32, #tpu.memory_space<vmem>>) dst(%dma_wait3A_50 : memref<10000x128xf32, #tpu.memory_space<vmem_shared>>)
    %barrier3A_51 = arith.constant 0 : index
    tpu.barrier barrier_id(%barrier3A_51)
    %lt3A_52 = arith.constant 15 : i32
    %lt3A_53 = arith.cmpi slt, %arg1, %lt3A_52 : i32
    %convert_element_type3A_54 = arith.extui %lt3A_53 : i1 to i32
    %cond3A_55 = arith.constant 0 : i32
    %cond3A_56 = arith.cmpi ne, %convert_element_type3A_54, %cond3A_55 : i32
    scf.if %cond3A_56 {
      %mul3A_62 = arith.constant 632 : i32
      %mul3A_63 = arith.muli %arg1, %mul3A_62 : i32
      %mul3A_64 = arith.constant 632 : i32
      %mul3A_65 = arith.muli %arg1, %mul3A_64 : i32
      "tpu.region"() ({
        %run_scoped3A = tpu.sem_alloc : memref<!tpu.dma_semaphore, #tpu.memory_space<semaphore_mem>>
        %dma_start3A_66 = arith.constant 0 : i32
        %dma_start3A_67 = arith.constant 0 : i32
        %dma_start3A_68 = tpu.memref_slice %arg6[%arg0, %dma_start3A_66, %dma_start3A_67] : memref<2x10000x128xf32, #tpu.memory_space<hbm>> -> memref<1x10000x128xf32, #tpu.memory_space<hbm>>
        %dma_start3A_69 = tpu.memref_squeeze %dma_start3A_68 : memref<1x10000x128xf32, #tpu.memory_space<hbm>> -> memref<10000x128xf32, #tpu.memory_space<hbm>>
        %dma_start3A_70 = arith.constant 0 : i32
        %dma_start3A_71 = tpu.memref_slice %dma_start3A_69[%mul3A_65, %dma_start3A_70] : memref<10000x128xf32, #tpu.memory_space<hbm>> -> memref<632x128xf32, #tpu.memory_space<hbm>>
        %dma_start3A_72 = arith.constant 0 : i32
        %dma_start3A_73 = tpu.memref_slice %arg7[%mul3A_63, %dma_start3A_72] : memref<10000x128xf32, #tpu.memory_space<vmem_shared>> -> memref<632x128xf32, #tpu.memory_space<vmem_shared>>
        tpu.enqueue_dma source(%dma_start3A_73 : memref<632x128xf32, #tpu.memory_space<vmem_shared>>) target(%dma_start3A_71 : memref<632x128xf32, #tpu.memory_space<hbm>>) target_semaphore(%run_scoped3A : memref<!tpu.dma_semaphore, #tpu.memory_space<semaphore_mem>>)
        %dma_wait3A_74 = arith.constant 0 : i32
        %dma_wait3A_75 = arith.constant 0 : i32
        %dma_wait3A_76 = tpu.memref_slice %arg6[%arg0, %dma_wait3A_74, %dma_wait3A_75] : memref<2x10000x128xf32, #tpu.memory_space<hbm>> -> memref<1x10000x128xf32, #tpu.memory_space<hbm>>
        %dma_wait3A_77 = tpu.memref_squeeze %dma_wait3A_76 : memref<1x10000x128xf32, #tpu.memory_space<hbm>> -> memref<10000x128xf32, #tpu.memory_space<hbm>>
        %dma_wait3A_78 = arith.constant 0 : i32
        %dma_wait3A_79 = tpu.memref_slice %dma_wait3A_77[%mul3A_65, %dma_wait3A_78] : memref<10000x128xf32, #tpu.memory_space<hbm>> -> memref<632x128xf32, #tpu.memory_space<hbm>>
        %dma_wait3A_80 = arith.constant 0 : i32
        %dma_wait3A_81 = tpu.memref_slice %arg7[%mul3A_63, %dma_wait3A_80] : memref<10000x128xf32, #tpu.memory_space<vmem_shared>> -> memref<632x128xf32, #tpu.memory_space<vmem_shared>>
        tpu.wait_dma2 semaphore(%run_scoped3A : memref<!tpu.dma_semaphore, #tpu.memory_space<semaphore_mem>>) src(%dma_wait3A_81 : memref<632x128xf32, #tpu.memory_space<vmem_shared>>) dst(%dma_wait3A_79 : memref<632x128xf32, #tpu.memory_space<hbm>>)
        tpu.yield
      }) : () -> ()
    } else {
    }
    %eq3A_57 = arith.constant 15 : i32
    %eq3A_58 = arith.cmpi eq, %arg1, %eq3A_57 : i32
    %convert_element_type3A_59 = arith.extui %eq3A_58 : i1 to i32
    %cond3A_60 = arith.constant 0 : i32
    %cond3A_61 = arith.cmpi ne, %convert_element_type3A_59, %cond3A_60 : i32
    scf.if %cond3A_61 {
      %mul3A_62 = arith.constant 632 : i32
      %mul3A_63 = arith.muli %arg1, %mul3A_62 : i32
      %mul3A_64 = arith.constant 632 : i32
      %mul3A_65 = arith.muli %arg1, %mul3A_64 : i32
      "tpu.region"() ({
        %run_scoped3A = tpu.sem_alloc : memref<!tpu.dma_semaphore, #tpu.memory_space<semaphore_mem>>
        %dma_start3A_66 = arith.constant 0 : i32
        %dma_start3A_67 = arith.constant 0 : i32
        %dma_start3A_68 = tpu.memref_slice %arg6[%arg0, %dma_start3A_66, %dma_start3A_67] : memref<2x10000x128xf32, #tpu.memory_space<hbm>> -> memref<1x10000x128xf32, #tpu.memory_space<hbm>>
        %dma_start3A_69 = tpu.memref_squeeze %dma_start3A_68 : memref<1x10000x128xf32, #tpu.memory_space<hbm>> -> memref<10000x128xf32, #tpu.memory_space<hbm>>
        %dma_start3A_70 = arith.constant 0 : i32
        %dma_start3A_71 = tpu.memref_slice %dma_start3A_69[%mul3A_65, %dma_start3A_70] : memref<10000x128xf32, #tpu.memory_space<hbm>> -> memref<520x128xf32, #tpu.memory_space<hbm>>
        %dma_start3A_72 = arith.constant 0 : i32
        %dma_start3A_73 = tpu.memref_slice %arg7[%mul3A_63, %dma_start3A_72] : memref<10000x128xf32, #tpu.memory_space<vmem_shared>> -> memref<520x128xf32, #tpu.memory_space<vmem_shared>>
        tpu.enqueue_dma source(%dma_start3A_73 : memref<520x128xf32, #tpu.memory_space<vmem_shared>>) target(%dma_start3A_71 : memref<520x128xf32, #tpu.memory_space<hbm>>) target_semaphore(%run_scoped3A : memref<!tpu.dma_semaphore, #tpu.memory_space<semaphore_mem>>)
        %dma_wait3A_74 = arith.constant 0 : i32
        %dma_wait3A_75 = arith.constant 0 : i32
        %dma_wait3A_76 = tpu.memref_slice %arg6[%arg0, %dma_wait3A_74, %dma_wait3A_75] : memref<2x10000x128xf32, #tpu.memory_space<hbm>> -> memref<1x10000x128xf32, #tpu.memory_space<hbm>>
        %dma_wait3A_77 = tpu.memref_squeeze %dma_wait3A_76 : memref<1x10000x128xf32, #tpu.memory_space<hbm>> -> memref<10000x128xf32, #tpu.memory_space<hbm>>
        %dma_wait3A_78 = arith.constant 0 : i32
        %dma_wait3A_79 = tpu.memref_slice %dma_wait3A_77[%mul3A_65, %dma_wait3A_78] : memref<10000x128xf32, #tpu.memory_space<hbm>> -> memref<520x128xf32, #tpu.memory_space<hbm>>
        %dma_wait3A_80 = arith.constant 0 : i32
        %dma_wait3A_81 = tpu.memref_slice %arg7[%mul3A_63, %dma_wait3A_80] : memref<10000x128xf32, #tpu.memory_space<vmem_shared>> -> memref<520x128xf32, #tpu.memory_space<vmem_shared>>
        tpu.wait_dma2 semaphore(%run_scoped3A : memref<!tpu.dma_semaphore, #tpu.memory_space<semaphore_mem>>) src(%dma_wait3A_81 : memref<520x128xf32, #tpu.memory_space<vmem_shared>>) dst(%dma_wait3A_79 : memref<520x128xf32, #tpu.memory_space<hbm>>)
        tpu.yield
      }) : () -> ()
    } else {
    }
    return
  }
}

#map = affine_map<(d0, d1) -> (0, 0)>
#map1 = affine_map<(d0, d1) -> (0)>
#map2 = affine_map<(d0, d1) -> (0, 0, 0)>
module attributes {stable_mosaic.version = 14 : i64} {
  func.func @sc_edge_agg_128(%arg0: i32, %arg1: i32, %arg2: memref<10000x128xf32, #tpu.memory_space<hbm>>, %arg3: memref<320000xi32, #tpu.memory_space<hbm>>, %arg4: memref<320000xi32, #tpu.memory_space<hbm>>, %arg5: memref<632x128xf32, #tpu.memory_space<hbm>>, %arg6: memref<2x10000x128xf32, #tpu.memory_space<hbm>>, %arg7: memref<10000x128xf32, #tpu.memory_space<vmem_shared>>, %arg8: memref<80xi32, #tpu.memory_space<vmem>>, %arg9: memref<80xi32, #tpu.memory_space<vmem>>, %arg10: memref<80xi32, #tpu.memory_space<vmem>>, %arg11: memref<80xi32, #tpu.memory_space<vmem>>, %arg12: memref<80xi32, #tpu.memory_space<vmem>>, %arg13: memref<80xi32, #tpu.memory_space<vmem>>, %arg14: memref<80xi32, #tpu.memory_space<vmem>>, %arg15: memref<80xi32, #tpu.memory_space<vmem>>, %arg16: memref<80xi32, #tpu.memory_space<vmem>>, %arg17: memref<80xi32, #tpu.memory_space<vmem>>, %arg18: memref<80xi32, #tpu.memory_space<vmem>>, %arg19: memref<80xi32, #tpu.memory_space<vmem>>, %arg20: memref<80x128xf32, #tpu.memory_space<vmem>>, %arg21: memref<80x128xf32, #tpu.memory_space<vmem>>, %arg22: memref<80x128xf32, #tpu.memory_space<vmem>>, %arg23: memref<!tpu.dma_semaphore, #tpu.memory_space<semaphore_mem>>, %arg24: memref<!tpu.dma_semaphore, #tpu.memory_space<semaphore_mem>>, %arg25: memref<!tpu.dma_semaphore, #tpu.memory_space<semaphore_mem>>, %arg26: memref<!tpu.dma_semaphore, #tpu.memory_space<semaphore_mem>>, %arg27: memref<!tpu.dma_semaphore, #tpu.memory_space<semaphore_mem>>, %arg28: memref<!tpu.dma_semaphore, #tpu.memory_space<semaphore_mem>>, %arg29: memref<!tpu.dma_semaphore, #tpu.memory_space<semaphore_mem>>, %arg30: memref<!tpu.dma_semaphore, #tpu.memory_space<semaphore_mem>>, %arg31: memref<!tpu.dma_semaphore, #tpu.memory_space<semaphore_mem>>, %arg32: memref<!tpu.dma_semaphore, #tpu.memory_space<semaphore_mem>>, %arg33: memref<!tpu.dma_semaphore, #tpu.memory_space<semaphore_mem>>, %arg34: memref<!tpu.dma_semaphore, #tpu.memory_space<semaphore_mem>>) attributes {dimension_semantics = [#tpu.dimension_semantics<core_parallel>, #tpu.dimension_semantics<subcore_parallel>], iteration_bounds = array<i64: 2, 16>, scalar_prefetch = 0 : i64, scratch_operands = 28 : i64, tpu.core_type = #tpu.core_type<sc_vector_subcore>, window_params = [{transform_indices = #map}, {transform_indices = #map1}, {transform_indices = #map1}, {transform_indices = #map}, {transform_indices = #map2}]} {
    %mul3A = arith.constant 2 : i32
    %mul3A_0 = arith.muli %arg1, %mul3A : i32
    %add3A = arith.addi %mul3A_0, %arg0 : i32
    %mul3A_1 = arith.constant 10000 : i32
    %mul3A_2 = arith.muli %add3A, %mul3A_1 : i32
    %lt3A = arith.constant 15 : i32
    %lt3A_3 = arith.cmpi slt, %arg1, %lt3A : i32
    %convert_element_type3A = arith.extui %lt3A_3 : i1 to i32
    %cond3A = arith.constant 0 : i32
    %cond3A_4 = arith.cmpi ne, %convert_element_type3A, %cond3A : i32
    scf.if %cond3A_4 {
      %mul3A_62 = arith.constant 632 : i32
      %mul3A_63 = arith.muli %arg1, %mul3A_62 : i32
      "tpu.region"() ({
        %run_scoped3A = tpu.sem_alloc : memref<!tpu.dma_semaphore, #tpu.memory_space<semaphore_mem>>
        %dma_start3A_64 = arith.constant 0 : i32
        %dma_start3A_65 = tpu.memref_slice %arg7[%mul3A_63, %dma_start3A_64] : memref<10000x128xf32, #tpu.memory_space<vmem_shared>> -> memref<632x128xf32, #tpu.memory_space<vmem_shared>>
        tpu.enqueue_dma source(%arg5 : memref<632x128xf32, #tpu.memory_space<hbm>>) target(%dma_start3A_65 : memref<632x128xf32, #tpu.memory_space<vmem_shared>>) target_semaphore(%run_scoped3A : memref<!tpu.dma_semaphore, #tpu.memory_space<semaphore_mem>>)
        %dma_wait3A_66 = arith.constant 0 : i32
        %dma_wait3A_67 = tpu.memref_slice %arg7[%mul3A_63, %dma_wait3A_66] : memref<10000x128xf32, #tpu.memory_space<vmem_shared>> -> memref<632x128xf32, #tpu.memory_space<vmem_shared>>
        tpu.wait_dma2 semaphore(%run_scoped3A : memref<!tpu.dma_semaphore, #tpu.memory_space<semaphore_mem>>) src(%arg5 : memref<632x128xf32, #tpu.memory_space<hbm>>) dst(%dma_wait3A_67 : memref<632x128xf32, #tpu.memory_space<vmem_shared>>)
        tpu.yield
      }) : () -> ()
    } else {
    }
    %eq3A = arith.constant 15 : i32
    %eq3A_5 = arith.cmpi eq, %arg1, %eq3A : i32
    %convert_element_type3A_6 = arith.extui %eq3A_5 : i1 to i32
    %cond3A_7 = arith.constant 0 : i32
    %cond3A_8 = arith.cmpi ne, %convert_element_type3A_6, %cond3A_7 : i32
    scf.if %cond3A_8 {
      %mul3A_62 = arith.constant 632 : i32
      %mul3A_63 = arith.muli %arg1, %mul3A_62 : i32
      "tpu.region"() ({
        %run_scoped3A = tpu.sem_alloc : memref<!tpu.dma_semaphore, #tpu.memory_space<semaphore_mem>>
        %dma_start3A_64 = arith.constant 0 : i32
        %dma_start3A_65 = tpu.memref_slice %arg7[%mul3A_63, %dma_start3A_64] : memref<10000x128xf32, #tpu.memory_space<vmem_shared>> -> memref<520x128xf32, #tpu.memory_space<vmem_shared>>
        %dma_start3A_66 = arith.constant 0 : i32
        %dma_start3A_67 = arith.constant 0 : i32
        %dma_start3A_68 = tpu.memref_slice %arg5[%dma_start3A_66, %dma_start3A_67] : memref<632x128xf32, #tpu.memory_space<hbm>> -> memref<520x128xf32, #tpu.memory_space<hbm>>
        tpu.enqueue_dma source(%dma_start3A_68 : memref<520x128xf32, #tpu.memory_space<hbm>>) target(%dma_start3A_65 : memref<520x128xf32, #tpu.memory_space<vmem_shared>>) target_semaphore(%run_scoped3A : memref<!tpu.dma_semaphore, #tpu.memory_space<semaphore_mem>>)
        %dma_wait3A_69 = arith.constant 0 : i32
        %dma_wait3A_70 = tpu.memref_slice %arg7[%mul3A_63, %dma_wait3A_69] : memref<10000x128xf32, #tpu.memory_space<vmem_shared>> -> memref<520x128xf32, #tpu.memory_space<vmem_shared>>
        %dma_wait3A_71 = arith.constant 0 : i32
        %dma_wait3A_72 = arith.constant 0 : i32
        %dma_wait3A_73 = tpu.memref_slice %arg5[%dma_wait3A_71, %dma_wait3A_72] : memref<632x128xf32, #tpu.memory_space<hbm>> -> memref<520x128xf32, #tpu.memory_space<hbm>>
        tpu.wait_dma2 semaphore(%run_scoped3A : memref<!tpu.dma_semaphore, #tpu.memory_space<semaphore_mem>>) src(%dma_wait3A_73 : memref<520x128xf32, #tpu.memory_space<hbm>>) dst(%dma_wait3A_70 : memref<520x128xf32, #tpu.memory_space<vmem_shared>>)
        tpu.yield
      }) : () -> ()
    } else {
    }
    %add3A_9 = arith.constant 0 : i32
    %add3A_10 = arith.addi %mul3A_2, %add3A_9 : i32
    %dma_start3A = tpu.memref_slice %arg3[%add3A_10] : memref<320000xi32, #tpu.memory_space<hbm>> -> memref<80xi32, #tpu.memory_space<hbm>>
    %dma_start3A_11 = tpu.memref_slice %arg3[%add3A_10] : memref<320000xi32, #tpu.memory_space<hbm>> -> memref<80xi32, #tpu.memory_space<hbm>>
    tpu.enqueue_dma source(%dma_start3A_11 : memref<80xi32, #tpu.memory_space<hbm>>) target(%arg8 : memref<80xi32, #tpu.memory_space<vmem>>) target_semaphore(%arg23 : memref<!tpu.dma_semaphore, #tpu.memory_space<semaphore_mem>>)
    %add3A_12 = arith.constant 0 : i32
    %add3A_13 = arith.addi %mul3A_2, %add3A_12 : i32
    %dma_start3A_14 = tpu.memref_slice %arg4[%add3A_13] : memref<320000xi32, #tpu.memory_space<hbm>> -> memref<80xi32, #tpu.memory_space<hbm>>
    %dma_start3A_15 = tpu.memref_slice %arg4[%add3A_13] : memref<320000xi32, #tpu.memory_space<hbm>> -> memref<80xi32, #tpu.memory_space<hbm>>
    tpu.enqueue_dma source(%dma_start3A_15 : memref<80xi32, #tpu.memory_space<hbm>>) target(%arg14 : memref<80xi32, #tpu.memory_space<vmem>>) target_semaphore(%arg23 : memref<!tpu.dma_semaphore, #tpu.memory_space<semaphore_mem>>)
    %add3A_16 = arith.constant 80 : i32
    %add3A_17 = arith.addi %mul3A_2, %add3A_16 : i32
    %dma_start3A_18 = tpu.memref_slice %arg3[%add3A_17] : memref<320000xi32, #tpu.memory_space<hbm>> -> memref<80xi32, #tpu.memory_space<hbm>>
    %dma_start3A_19 = tpu.memref_slice %arg3[%add3A_17] : memref<320000xi32, #tpu.memory_space<hbm>> -> memref<80xi32, #tpu.memory_space<hbm>>
    tpu.enqueue_dma source(%dma_start3A_19 : memref<80xi32, #tpu.memory_space<hbm>>) target(%arg9 : memref<80xi32, #tpu.memory_space<vmem>>) target_semaphore(%arg24 : memref<!tpu.dma_semaphore, #tpu.memory_space<semaphore_mem>>)
    %add3A_20 = arith.constant 80 : i32
    %add3A_21 = arith.addi %mul3A_2, %add3A_20 : i32
    %dma_start3A_22 = tpu.memref_slice %arg4[%add3A_21] : memref<320000xi32, #tpu.memory_space<hbm>> -> memref<80xi32, #tpu.memory_space<hbm>>
    %dma_start3A_23 = tpu.memref_slice %arg4[%add3A_21] : memref<320000xi32, #tpu.memory_space<hbm>> -> memref<80xi32, #tpu.memory_space<hbm>>
    tpu.enqueue_dma source(%dma_start3A_23 : memref<80xi32, #tpu.memory_space<hbm>>) target(%arg15 : memref<80xi32, #tpu.memory_space<vmem>>) target_semaphore(%arg24 : memref<!tpu.dma_semaphore, #tpu.memory_space<semaphore_mem>>)
    %add3A_24 = arith.constant 160 : i32
    %add3A_25 = arith.addi %mul3A_2, %add3A_24 : i32
    %dma_start3A_26 = tpu.memref_slice %arg3[%add3A_25] : memref<320000xi32, #tpu.memory_space<hbm>> -> memref<80xi32, #tpu.memory_space<hbm>>
    %dma_start3A_27 = tpu.memref_slice %arg3[%add3A_25] : memref<320000xi32, #tpu.memory_space<hbm>> -> memref<80xi32, #tpu.memory_space<hbm>>
    tpu.enqueue_dma source(%dma_start3A_27 : memref<80xi32, #tpu.memory_space<hbm>>) target(%arg10 : memref<80xi32, #tpu.memory_space<vmem>>) target_semaphore(%arg25 : memref<!tpu.dma_semaphore, #tpu.memory_space<semaphore_mem>>)
    %add3A_28 = arith.constant 160 : i32
    %add3A_29 = arith.addi %mul3A_2, %add3A_28 : i32
    %dma_start3A_30 = tpu.memref_slice %arg4[%add3A_29] : memref<320000xi32, #tpu.memory_space<hbm>> -> memref<80xi32, #tpu.memory_space<hbm>>
    %dma_start3A_31 = tpu.memref_slice %arg4[%add3A_29] : memref<320000xi32, #tpu.memory_space<hbm>> -> memref<80xi32, #tpu.memory_space<hbm>>
    tpu.enqueue_dma source(%dma_start3A_31 : memref<80xi32, #tpu.memory_space<hbm>>) target(%arg16 : memref<80xi32, #tpu.memory_space<vmem>>) target_semaphore(%arg25 : memref<!tpu.dma_semaphore, #tpu.memory_space<semaphore_mem>>)
    %barrier3A = arith.constant 0 : index
    tpu.barrier barrier_id(%barrier3A)
    %scan3A = arith.constant 0 : i32
    %scan3A_32 = arith.constant 0 : i32
    %scan3A_33 = arith.constant 21 : i32
    %scan3A_34 = arith.addi %scan3A_32, %scan3A_33 : i32
    %scan3A_35 = arith.constant 1 : i32
    scf.for %scan3A_62 = %scan3A_32 to %scan3A_34 step %scan3A_35  : i32 {
      %mul3A_63 = arith.constant 6 : i32
      %mul3A_64 = arith.muli %scan3A_62, %mul3A_63 : i32
      %add3A_65 = arith.constant 0 : i32
      %add3A_66 = arith.addi %mul3A_64, %add3A_65 : i32
      %lt3A_67 = arith.constant 125 : i32
      %lt3A_68 = arith.cmpi slt, %add3A_66, %lt3A_67 : i32
      %convert_element_type3A_69 = arith.extui %lt3A_68 : i1 to i32
      %cond3A_70 = arith.constant 0 : i32
      %cond3A_71 = arith.cmpi ne, %convert_element_type3A_69, %cond3A_70 : i32
      scf.if %cond3A_71 {
        %ge3A = arith.constant 3 : i32
        %ge3A_117 = arith.cmpi sge, %add3A_66, %ge3A : i32
        %convert_element_type3A_118 = arith.extui %ge3A_117 : i1 to i32
        %cond3A_119 = arith.constant 0 : i32
        %cond3A_120 = arith.cmpi ne, %convert_element_type3A_118, %cond3A_119 : i32
        scf.if %cond3A_120 {
          %dma_wait3A_146 = arith.constant 0 : i32
          %dma_wait3A_147 = arith.constant 0 : i32
          %dma_wait3A_148 = tpu.memref_slice %arg7[%dma_wait3A_146, %dma_wait3A_147] : memref<10000x128xf32, #tpu.memory_space<vmem_shared>> -> memref<10000x128xf32, #tpu.memory_space<vmem_shared>>
          tpu.wait_indirect_dma semaphore(%arg32 : memref<!tpu.dma_semaphore, #tpu.memory_space<semaphore_mem>>) src(%arg20 : memref<80x128xf32, #tpu.memory_space<vmem>>) dst(%dma_wait3A_148 : memref<10000x128xf32, #tpu.memory_space<vmem_shared>>)
        } else {
        }
        %add3A_121 = arith.constant 3 : i32
        %add3A_122 = arith.addi %add3A_66, %add3A_121 : i32
        %lt3A_123 = arith.constant 125 : i32
        %lt3A_124 = arith.cmpi slt, %add3A_122, %lt3A_123 : i32
        %convert_element_type3A_125 = arith.extui %lt3A_124 : i1 to i32
        %cond3A_126 = arith.constant 0 : i32
        %cond3A_127 = arith.cmpi ne, %convert_element_type3A_125, %cond3A_126 : i32
        scf.if %cond3A_127 {
          %add3A_146 = arith.constant 3 : i32
          %add3A_147 = arith.addi %add3A_66, %add3A_146 : i32
          %mul3A_148 = arith.constant 80 : i32
          %mul3A_149 = arith.muli %add3A_147, %mul3A_148 : i32
          %add3A_150 = arith.addi %mul3A_2, %mul3A_149 : i32
          %dma_start3A_151 = tpu.memref_slice %arg3[%add3A_150] : memref<320000xi32, #tpu.memory_space<hbm>> -> memref<80xi32, #tpu.memory_space<hbm>>
          %dma_start3A_152 = tpu.memref_slice %arg3[%add3A_150] : memref<320000xi32, #tpu.memory_space<hbm>> -> memref<80xi32, #tpu.memory_space<hbm>>
          tpu.enqueue_dma source(%dma_start3A_152 : memref<80xi32, #tpu.memory_space<hbm>>) target(%arg11 : memref<80xi32, #tpu.memory_space<vmem>>) target_semaphore(%arg26 : memref<!tpu.dma_semaphore, #tpu.memory_space<semaphore_mem>>)
          %mul3A_153 = arith.constant 80 : i32
          %mul3A_154 = arith.muli %add3A_147, %mul3A_153 : i32
          %add3A_155 = arith.addi %mul3A_2, %mul3A_154 : i32
          %dma_start3A_156 = tpu.memref_slice %arg4[%add3A_155] : memref<320000xi32, #tpu.memory_space<hbm>> -> memref<80xi32, #tpu.memory_space<hbm>>
          %dma_start3A_157 = tpu.memref_slice %arg4[%add3A_155] : memref<320000xi32, #tpu.memory_space<hbm>> -> memref<80xi32, #tpu.memory_space<hbm>>
          tpu.enqueue_dma source(%dma_start3A_157 : memref<80xi32, #tpu.memory_space<hbm>>) target(%arg17 : memref<80xi32, #tpu.memory_space<vmem>>) target_semaphore(%arg26 : memref<!tpu.dma_semaphore, #tpu.memory_space<semaphore_mem>>)
        } else {
        }
        %mul3A_128 = arith.constant 80 : i32
        %mul3A_129 = arith.muli %add3A_66, %mul3A_128 : i32
        %add3A_130 = arith.addi %mul3A_2, %mul3A_129 : i32
        %dma_wait3A_131 = tpu.memref_slice %arg3[%add3A_130] : memref<320000xi32, #tpu.memory_space<hbm>> -> memref<80xi32, #tpu.memory_space<hbm>>
        %dma_wait3A_132 = tpu.memref_slice %arg3[%add3A_130] : memref<320000xi32, #tpu.memory_space<hbm>> -> memref<80xi32, #tpu.memory_space<hbm>>
        tpu.wait_dma2 semaphore(%arg23 : memref<!tpu.dma_semaphore, #tpu.memory_space<semaphore_mem>>) src(%dma_wait3A_132 : memref<80xi32, #tpu.memory_space<hbm>>) dst(%arg8 : memref<80xi32, #tpu.memory_space<vmem>>)
        %mul3A_133 = arith.constant 80 : i32
        %mul3A_134 = arith.muli %add3A_66, %mul3A_133 : i32
        %add3A_135 = arith.addi %mul3A_2, %mul3A_134 : i32
        %dma_wait3A_136 = tpu.memref_slice %arg4[%add3A_135] : memref<320000xi32, #tpu.memory_space<hbm>> -> memref<80xi32, #tpu.memory_space<hbm>>
        %dma_wait3A_137 = tpu.memref_slice %arg4[%add3A_135] : memref<320000xi32, #tpu.memory_space<hbm>> -> memref<80xi32, #tpu.memory_space<hbm>>
        tpu.wait_dma2 semaphore(%arg23 : memref<!tpu.dma_semaphore, #tpu.memory_space<semaphore_mem>>) src(%dma_wait3A_137 : memref<80xi32, #tpu.memory_space<hbm>>) dst(%arg14 : memref<80xi32, #tpu.memory_space<vmem>>)
        %dma_start3A_138 = arith.constant 0 : i32
        %dma_start3A_139 = arith.constant 0 : i32
        %dma_start3A_140 = tpu.memref_slice %arg2[%dma_start3A_138, %dma_start3A_139] : memref<10000x128xf32, #tpu.memory_space<hbm>> -> memref<10000x128xf32, #tpu.memory_space<hbm>>
        tpu.enqueue_indirect_dma source(%dma_start3A_140 : memref<10000x128xf32, #tpu.memory_space<hbm>>) target(%arg20 : memref<80x128xf32, #tpu.memory_space<vmem>>) offsets(%arg8 : memref<80xi32, #tpu.memory_space<vmem>>) semaphore(%arg29 : memref<!tpu.dma_semaphore, #tpu.memory_space<semaphore_mem>>)
        %ge3A_141 = arith.constant 1 : i32
        %ge3A_142 = arith.cmpi sge, %add3A_66, %ge3A_141 : i32
        %convert_element_type3A_143 = arith.extui %ge3A_142 : i1 to i32
        %cond3A_144 = arith.constant 0 : i32
        %cond3A_145 = arith.cmpi ne, %convert_element_type3A_143, %cond3A_144 : i32
        scf.if %cond3A_145 {
          %dma_wait3A_146 = arith.constant 0 : i32
          %dma_wait3A_147 = arith.constant 0 : i32
          %dma_wait3A_148 = tpu.memref_slice %arg2[%dma_wait3A_146, %dma_wait3A_147] : memref<10000x128xf32, #tpu.memory_space<hbm>> -> memref<10000x128xf32, #tpu.memory_space<hbm>>
          tpu.wait_indirect_dma semaphore(%arg31 : memref<!tpu.dma_semaphore, #tpu.memory_space<semaphore_mem>>) src(%dma_wait3A_148 : memref<10000x128xf32, #tpu.memory_space<hbm>>) dst(%arg22 : memref<80x128xf32, #tpu.memory_space<vmem>>)
          %dma_start3A_149 = arith.constant 0 : i32
          %dma_start3A_150 = arith.constant 0 : i32
          %dma_start3A_151 = tpu.memref_slice %arg7[%dma_start3A_149, %dma_start3A_150] : memref<10000x128xf32, #tpu.memory_space<vmem_shared>> -> memref<10000x128xf32, #tpu.memory_space<vmem_shared>>
          tpu.enqueue_indirect_dma source(%arg22 : memref<80x128xf32, #tpu.memory_space<vmem>>) target(%dma_start3A_151 : memref<10000x128xf32, #tpu.memory_space<vmem_shared>>) offsets(%arg19 : memref<80xi32, #tpu.memory_space<vmem>>) semaphore(%arg34 : memref<!tpu.dma_semaphore, #tpu.memory_space<semaphore_mem>>) {add = true}
        } else {
        }
      } else {
      }
      %mul3A_72 = arith.constant 6 : i32
      %mul3A_73 = arith.muli %scan3A_62, %mul3A_72 : i32
      %add3A_74 = arith.constant 1 : i32
      %add3A_75 = arith.addi %mul3A_73, %add3A_74 : i32
      %lt3A_76 = arith.constant 125 : i32
      %lt3A_77 = arith.cmpi slt, %add3A_75, %lt3A_76 : i32
      %convert_element_type3A_78 = arith.extui %lt3A_77 : i1 to i32
      %cond3A_79 = arith.constant 0 : i32
      %cond3A_80 = arith.cmpi ne, %convert_element_type3A_78, %cond3A_79 : i32
      scf.if %cond3A_80 {
        %ge3A = arith.constant 3 : i32
        %ge3A_117 = arith.cmpi sge, %add3A_75, %ge3A : i32
        %convert_element_type3A_118 = arith.extui %ge3A_117 : i1 to i32
        %cond3A_119 = arith.constant 0 : i32
        %cond3A_120 = arith.cmpi ne, %convert_element_type3A_118, %cond3A_119 : i32
        scf.if %cond3A_120 {
          %dma_wait3A_146 = arith.constant 0 : i32
          %dma_wait3A_147 = arith.constant 0 : i32
          %dma_wait3A_148 = tpu.memref_slice %arg7[%dma_wait3A_146, %dma_wait3A_147] : memref<10000x128xf32, #tpu.memory_space<vmem_shared>> -> memref<10000x128xf32, #tpu.memory_space<vmem_shared>>
          tpu.wait_indirect_dma semaphore(%arg33 : memref<!tpu.dma_semaphore, #tpu.memory_space<semaphore_mem>>) src(%arg21 : memref<80x128xf32, #tpu.memory_space<vmem>>) dst(%dma_wait3A_148 : memref<10000x128xf32, #tpu.memory_space<vmem_shared>>)
        } else {
        }
        %add3A_121 = arith.constant 3 : i32
        %add3A_122 = arith.addi %add3A_75, %add3A_121 : i32
        %lt3A_123 = arith.constant 125 : i32
        %lt3A_124 = arith.cmpi slt, %add3A_122, %lt3A_123 : i32
        %convert_element_type3A_125 = arith.extui %lt3A_124 : i1 to i32
        %cond3A_126 = arith.constant 0 : i32
        %cond3A_127 = arith.cmpi ne, %convert_element_type3A_125, %cond3A_126 : i32
        scf.if %cond3A_127 {
          %add3A_146 = arith.constant 3 : i32
          %add3A_147 = arith.addi %add3A_75, %add3A_146 : i32
          %mul3A_148 = arith.constant 80 : i32
          %mul3A_149 = arith.muli %add3A_147, %mul3A_148 : i32
          %add3A_150 = arith.addi %mul3A_2, %mul3A_149 : i32
          %dma_start3A_151 = tpu.memref_slice %arg3[%add3A_150] : memref<320000xi32, #tpu.memory_space<hbm>> -> memref<80xi32, #tpu.memory_space<hbm>>
          %dma_start3A_152 = tpu.memref_slice %arg3[%add3A_150] : memref<320000xi32, #tpu.memory_space<hbm>> -> memref<80xi32, #tpu.memory_space<hbm>>
          tpu.enqueue_dma source(%dma_start3A_152 : memref<80xi32, #tpu.memory_space<hbm>>) target(%arg12 : memref<80xi32, #tpu.memory_space<vmem>>) target_semaphore(%arg27 : memref<!tpu.dma_semaphore, #tpu.memory_space<semaphore_mem>>)
          %mul3A_153 = arith.constant 80 : i32
          %mul3A_154 = arith.muli %add3A_147, %mul3A_153 : i32
          %add3A_155 = arith.addi %mul3A_2, %mul3A_154 : i32
          %dma_start3A_156 = tpu.memref_slice %arg4[%add3A_155] : memref<320000xi32, #tpu.memory_space<hbm>> -> memref<80xi32, #tpu.memory_space<hbm>>
          %dma_start3A_157 = tpu.memref_slice %arg4[%add3A_155] : memref<320000xi32, #tpu.memory_space<hbm>> -> memref<80xi32, #tpu.memory_space<hbm>>
          tpu.enqueue_dma source(%dma_start3A_157 : memref<80xi32, #tpu.memory_space<hbm>>) target(%arg18 : memref<80xi32, #tpu.memory_space<vmem>>) target_semaphore(%arg27 : memref<!tpu.dma_semaphore, #tpu.memory_space<semaphore_mem>>)
        } else {
        }
        %mul3A_128 = arith.constant 80 : i32
        %mul3A_129 = arith.muli %add3A_75, %mul3A_128 : i32
        %add3A_130 = arith.addi %mul3A_2, %mul3A_129 : i32
        %dma_wait3A_131 = tpu.memref_slice %arg3[%add3A_130] : memref<320000xi32, #tpu.memory_space<hbm>> -> memref<80xi32, #tpu.memory_space<hbm>>
        %dma_wait3A_132 = tpu.memref_slice %arg3[%add3A_130] : memref<320000xi32, #tpu.memory_space<hbm>> -> memref<80xi32, #tpu.memory_space<hbm>>
        tpu.wait_dma2 semaphore(%arg24 : memref<!tpu.dma_semaphore, #tpu.memory_space<semaphore_mem>>) src(%dma_wait3A_132 : memref<80xi32, #tpu.memory_space<hbm>>) dst(%arg9 : memref<80xi32, #tpu.memory_space<vmem>>)
        %mul3A_133 = arith.constant 80 : i32
        %mul3A_134 = arith.muli %add3A_75, %mul3A_133 : i32
        %add3A_135 = arith.addi %mul3A_2, %mul3A_134 : i32
        %dma_wait3A_136 = tpu.memref_slice %arg4[%add3A_135] : memref<320000xi32, #tpu.memory_space<hbm>> -> memref<80xi32, #tpu.memory_space<hbm>>
        %dma_wait3A_137 = tpu.memref_slice %arg4[%add3A_135] : memref<320000xi32, #tpu.memory_space<hbm>> -> memref<80xi32, #tpu.memory_space<hbm>>
        tpu.wait_dma2 semaphore(%arg24 : memref<!tpu.dma_semaphore, #tpu.memory_space<semaphore_mem>>) src(%dma_wait3A_137 : memref<80xi32, #tpu.memory_space<hbm>>) dst(%arg15 : memref<80xi32, #tpu.memory_space<vmem>>)
        %dma_start3A_138 = arith.constant 0 : i32
        %dma_start3A_139 = arith.constant 0 : i32
        %dma_start3A_140 = tpu.memref_slice %arg2[%dma_start3A_138, %dma_start3A_139] : memref<10000x128xf32, #tpu.memory_space<hbm>> -> memref<10000x128xf32, #tpu.memory_space<hbm>>
        tpu.enqueue_indirect_dma source(%dma_start3A_140 : memref<10000x128xf32, #tpu.memory_space<hbm>>) target(%arg21 : memref<80x128xf32, #tpu.memory_space<vmem>>) offsets(%arg9 : memref<80xi32, #tpu.memory_space<vmem>>) semaphore(%arg30 : memref<!tpu.dma_semaphore, #tpu.memory_space<semaphore_mem>>)
        %ge3A_141 = arith.constant 1 : i32
        %ge3A_142 = arith.cmpi sge, %add3A_75, %ge3A_141 : i32
        %convert_element_type3A_143 = arith.extui %ge3A_142 : i1 to i32
        %cond3A_144 = arith.constant 0 : i32
        %cond3A_145 = arith.cmpi ne, %convert_element_type3A_143, %cond3A_144 : i32
        scf.if %cond3A_145 {
          %dma_wait3A_146 = arith.constant 0 : i32
          %dma_wait3A_147 = arith.constant 0 : i32
          %dma_wait3A_148 = tpu.memref_slice %arg2[%dma_wait3A_146, %dma_wait3A_147] : memref<10000x128xf32, #tpu.memory_space<hbm>> -> memref<10000x128xf32, #tpu.memory_space<hbm>>
          tpu.wait_indirect_dma semaphore(%arg29 : memref<!tpu.dma_semaphore, #tpu.memory_space<semaphore_mem>>) src(%dma_wait3A_148 : memref<10000x128xf32, #tpu.memory_space<hbm>>) dst(%arg20 : memref<80x128xf32, #tpu.memory_space<vmem>>)
          %dma_start3A_149 = arith.constant 0 : i32
          %dma_start3A_150 = arith.constant 0 : i32
          %dma_start3A_151 = tpu.memref_slice %arg7[%dma_start3A_149, %dma_start3A_150] : memref<10000x128xf32, #tpu.memory_space<vmem_shared>> -> memref<10000x128xf32, #tpu.memory_space<vmem_shared>>
          tpu.enqueue_indirect_dma source(%arg20 : memref<80x128xf32, #tpu.memory_space<vmem>>) target(%dma_start3A_151 : memref<10000x128xf32, #tpu.memory_space<vmem_shared>>) offsets(%arg14 : memref<80xi32, #tpu.memory_space<vmem>>) semaphore(%arg32 : memref<!tpu.dma_semaphore, #tpu.memory_space<semaphore_mem>>) {add = true}
        } else {
        }
      } else {
      }
      %mul3A_81 = arith.constant 6 : i32
      %mul3A_82 = arith.muli %scan3A_62, %mul3A_81 : i32
      %add3A_83 = arith.constant 2 : i32
      %add3A_84 = arith.addi %mul3A_82, %add3A_83 : i32
      %lt3A_85 = arith.constant 125 : i32
      %lt3A_86 = arith.cmpi slt, %add3A_84, %lt3A_85 : i32
      %convert_element_type3A_87 = arith.extui %lt3A_86 : i1 to i32
      %cond3A_88 = arith.constant 0 : i32
      %cond3A_89 = arith.cmpi ne, %convert_element_type3A_87, %cond3A_88 : i32
      scf.if %cond3A_89 {
        %ge3A = arith.constant 3 : i32
        %ge3A_117 = arith.cmpi sge, %add3A_84, %ge3A : i32
        %convert_element_type3A_118 = arith.extui %ge3A_117 : i1 to i32
        %cond3A_119 = arith.constant 0 : i32
        %cond3A_120 = arith.cmpi ne, %convert_element_type3A_118, %cond3A_119 : i32
        scf.if %cond3A_120 {
          %dma_wait3A_146 = arith.constant 0 : i32
          %dma_wait3A_147 = arith.constant 0 : i32
          %dma_wait3A_148 = tpu.memref_slice %arg7[%dma_wait3A_146, %dma_wait3A_147] : memref<10000x128xf32, #tpu.memory_space<vmem_shared>> -> memref<10000x128xf32, #tpu.memory_space<vmem_shared>>
          tpu.wait_indirect_dma semaphore(%arg34 : memref<!tpu.dma_semaphore, #tpu.memory_space<semaphore_mem>>) src(%arg22 : memref<80x128xf32, #tpu.memory_space<vmem>>) dst(%dma_wait3A_148 : memref<10000x128xf32, #tpu.memory_space<vmem_shared>>)
        } else {
        }
        %add3A_121 = arith.constant 3 : i32
        %add3A_122 = arith.addi %add3A_84, %add3A_121 : i32
        %lt3A_123 = arith.constant 125 : i32
        %lt3A_124 = arith.cmpi slt, %add3A_122, %lt3A_123 : i32
        %convert_element_type3A_125 = arith.extui %lt3A_124 : i1 to i32
        %cond3A_126 = arith.constant 0 : i32
        %cond3A_127 = arith.cmpi ne, %convert_element_type3A_125, %cond3A_126 : i32
        scf.if %cond3A_127 {
          %add3A_146 = arith.constant 3 : i32
          %add3A_147 = arith.addi %add3A_84, %add3A_146 : i32
          %mul3A_148 = arith.constant 80 : i32
          %mul3A_149 = arith.muli %add3A_147, %mul3A_148 : i32
          %add3A_150 = arith.addi %mul3A_2, %mul3A_149 : i32
          %dma_start3A_151 = tpu.memref_slice %arg3[%add3A_150] : memref<320000xi32, #tpu.memory_space<hbm>> -> memref<80xi32, #tpu.memory_space<hbm>>
          %dma_start3A_152 = tpu.memref_slice %arg3[%add3A_150] : memref<320000xi32, #tpu.memory_space<hbm>> -> memref<80xi32, #tpu.memory_space<hbm>>
          tpu.enqueue_dma source(%dma_start3A_152 : memref<80xi32, #tpu.memory_space<hbm>>) target(%arg13 : memref<80xi32, #tpu.memory_space<vmem>>) target_semaphore(%arg28 : memref<!tpu.dma_semaphore, #tpu.memory_space<semaphore_mem>>)
          %mul3A_153 = arith.constant 80 : i32
          %mul3A_154 = arith.muli %add3A_147, %mul3A_153 : i32
          %add3A_155 = arith.addi %mul3A_2, %mul3A_154 : i32
          %dma_start3A_156 = tpu.memref_slice %arg4[%add3A_155] : memref<320000xi32, #tpu.memory_space<hbm>> -> memref<80xi32, #tpu.memory_space<hbm>>
          %dma_start3A_157 = tpu.memref_slice %arg4[%add3A_155] : memref<320000xi32, #tpu.memory_space<hbm>> -> memref<80xi32, #tpu.memory_space<hbm>>
          tpu.enqueue_dma source(%dma_start3A_157 : memref<80xi32, #tpu.memory_space<hbm>>) target(%arg19 : memref<80xi32, #tpu.memory_space<vmem>>) target_semaphore(%arg28 : memref<!tpu.dma_semaphore, #tpu.memory_space<semaphore_mem>>)
        } else {
        }
        %mul3A_128 = arith.constant 80 : i32
        %mul3A_129 = arith.muli %add3A_84, %mul3A_128 : i32
        %add3A_130 = arith.addi %mul3A_2, %mul3A_129 : i32
        %dma_wait3A_131 = tpu.memref_slice %arg3[%add3A_130] : memref<320000xi32, #tpu.memory_space<hbm>> -> memref<80xi32, #tpu.memory_space<hbm>>
        %dma_wait3A_132 = tpu.memref_slice %arg3[%add3A_130] : memref<320000xi32, #tpu.memory_space<hbm>> -> memref<80xi32, #tpu.memory_space<hbm>>
        tpu.wait_dma2 semaphore(%arg25 : memref<!tpu.dma_semaphore, #tpu.memory_space<semaphore_mem>>) src(%dma_wait3A_132 : memref<80xi32, #tpu.memory_space<hbm>>) dst(%arg10 : memref<80xi32, #tpu.memory_space<vmem>>)
        %mul3A_133 = arith.constant 80 : i32
        %mul3A_134 = arith.muli %add3A_84, %mul3A_133 : i32
        %add3A_135 = arith.addi %mul3A_2, %mul3A_134 : i32
        %dma_wait3A_136 = tpu.memref_slice %arg4[%add3A_135] : memref<320000xi32, #tpu.memory_space<hbm>> -> memref<80xi32, #tpu.memory_space<hbm>>
        %dma_wait3A_137 = tpu.memref_slice %arg4[%add3A_135] : memref<320000xi32, #tpu.memory_space<hbm>> -> memref<80xi32, #tpu.memory_space<hbm>>
        tpu.wait_dma2 semaphore(%arg25 : memref<!tpu.dma_semaphore, #tpu.memory_space<semaphore_mem>>) src(%dma_wait3A_137 : memref<80xi32, #tpu.memory_space<hbm>>) dst(%arg16 : memref<80xi32, #tpu.memory_space<vmem>>)
        %dma_start3A_138 = arith.constant 0 : i32
        %dma_start3A_139 = arith.constant 0 : i32
        %dma_start3A_140 = tpu.memref_slice %arg2[%dma_start3A_138, %dma_start3A_139] : memref<10000x128xf32, #tpu.memory_space<hbm>> -> memref<10000x128xf32, #tpu.memory_space<hbm>>
        tpu.enqueue_indirect_dma source(%dma_start3A_140 : memref<10000x128xf32, #tpu.memory_space<hbm>>) target(%arg22 : memref<80x128xf32, #tpu.memory_space<vmem>>) offsets(%arg10 : memref<80xi32, #tpu.memory_space<vmem>>) semaphore(%arg31 : memref<!tpu.dma_semaphore, #tpu.memory_space<semaphore_mem>>)
        %ge3A_141 = arith.constant 1 : i32
        %ge3A_142 = arith.cmpi sge, %add3A_84, %ge3A_141 : i32
        %convert_element_type3A_143 = arith.extui %ge3A_142 : i1 to i32
        %cond3A_144 = arith.constant 0 : i32
        %cond3A_145 = arith.cmpi ne, %convert_element_type3A_143, %cond3A_144 : i32
        scf.if %cond3A_145 {
          %dma_wait3A_146 = arith.constant 0 : i32
          %dma_wait3A_147 = arith.constant 0 : i32
          %dma_wait3A_148 = tpu.memref_slice %arg2[%dma_wait3A_146, %dma_wait3A_147] : memref<10000x128xf32, #tpu.memory_space<hbm>> -> memref<10000x128xf32, #tpu.memory_space<hbm>>
          tpu.wait_indirect_dma semaphore(%arg30 : memref<!tpu.dma_semaphore, #tpu.memory_space<semaphore_mem>>) src(%dma_wait3A_148 : memref<10000x128xf32, #tpu.memory_space<hbm>>) dst(%arg21 : memref<80x128xf32, #tpu.memory_space<vmem>>)
          %dma_start3A_149 = arith.constant 0 : i32
          %dma_start3A_150 = arith.constant 0 : i32
          %dma_start3A_151 = tpu.memref_slice %arg7[%dma_start3A_149, %dma_start3A_150] : memref<10000x128xf32, #tpu.memory_space<vmem_shared>> -> memref<10000x128xf32, #tpu.memory_space<vmem_shared>>
          tpu.enqueue_indirect_dma source(%arg21 : memref<80x128xf32, #tpu.memory_space<vmem>>) target(%dma_start3A_151 : memref<10000x128xf32, #tpu.memory_space<vmem_shared>>) offsets(%arg15 : memref<80xi32, #tpu.memory_space<vmem>>) semaphore(%arg33 : memref<!tpu.dma_semaphore, #tpu.memory_space<semaphore_mem>>) {add = true}
        } else {
        }
      } else {
      }
      %mul3A_90 = arith.constant 6 : i32
      %mul3A_91 = arith.muli %scan3A_62, %mul3A_90 : i32
      %add3A_92 = arith.constant 3 : i32
      %add3A_93 = arith.addi %mul3A_91, %add3A_92 : i32
      %lt3A_94 = arith.constant 125 : i32
      %lt3A_95 = arith.cmpi slt, %add3A_93, %lt3A_94 : i32
      %convert_element_type3A_96 = arith.extui %lt3A_95 : i1 to i32
      %cond3A_97 = arith.constant 0 : i32
      %cond3A_98 = arith.cmpi ne, %convert_element_type3A_96, %cond3A_97 : i32
      scf.if %cond3A_98 {
        %ge3A = arith.constant 3 : i32
        %ge3A_117 = arith.cmpi sge, %add3A_93, %ge3A : i32
        %convert_element_type3A_118 = arith.extui %ge3A_117 : i1 to i32
        %cond3A_119 = arith.constant 0 : i32
        %cond3A_120 = arith.cmpi ne, %convert_element_type3A_118, %cond3A_119 : i32
        scf.if %cond3A_120 {
          %dma_wait3A_146 = arith.constant 0 : i32
          %dma_wait3A_147 = arith.constant 0 : i32
          %dma_wait3A_148 = tpu.memref_slice %arg7[%dma_wait3A_146, %dma_wait3A_147] : memref<10000x128xf32, #tpu.memory_space<vmem_shared>> -> memref<10000x128xf32, #tpu.memory_space<vmem_shared>>
          tpu.wait_indirect_dma semaphore(%arg32 : memref<!tpu.dma_semaphore, #tpu.memory_space<semaphore_mem>>) src(%arg20 : memref<80x128xf32, #tpu.memory_space<vmem>>) dst(%dma_wait3A_148 : memref<10000x128xf32, #tpu.memory_space<vmem_shared>>)
        } else {
        }
        %add3A_121 = arith.constant 3 : i32
        %add3A_122 = arith.addi %add3A_93, %add3A_121 : i32
        %lt3A_123 = arith.constant 125 : i32
        %lt3A_124 = arith.cmpi slt, %add3A_122, %lt3A_123 : i32
        %convert_element_type3A_125 = arith.extui %lt3A_124 : i1 to i32
        %cond3A_126 = arith.constant 0 : i32
        %cond3A_127 = arith.cmpi ne, %convert_element_type3A_125, %cond3A_126 : i32
        scf.if %cond3A_127 {
          %add3A_146 = arith.constant 3 : i32
          %add3A_147 = arith.addi %add3A_93, %add3A_146 : i32
          %mul3A_148 = arith.constant 80 : i32
          %mul3A_149 = arith.muli %add3A_147, %mul3A_148 : i32
          %add3A_150 = arith.addi %mul3A_2, %mul3A_149 : i32
          %dma_start3A_151 = tpu.memref_slice %arg3[%add3A_150] : memref<320000xi32, #tpu.memory_space<hbm>> -> memref<80xi32, #tpu.memory_space<hbm>>
          %dma_start3A_152 = tpu.memref_slice %arg3[%add3A_150] : memref<320000xi32, #tpu.memory_space<hbm>> -> memref<80xi32, #tpu.memory_space<hbm>>
          tpu.enqueue_dma source(%dma_start3A_152 : memref<80xi32, #tpu.memory_space<hbm>>) target(%arg8 : memref<80xi32, #tpu.memory_space<vmem>>) target_semaphore(%arg23 : memref<!tpu.dma_semaphore, #tpu.memory_space<semaphore_mem>>)
          %mul3A_153 = arith.constant 80 : i32
          %mul3A_154 = arith.muli %add3A_147, %mul3A_153 : i32
          %add3A_155 = arith.addi %mul3A_2, %mul3A_154 : i32
          %dma_start3A_156 = tpu.memref_slice %arg4[%add3A_155] : memref<320000xi32, #tpu.memory_space<hbm>> -> memref<80xi32, #tpu.memory_space<hbm>>
          %dma_start3A_157 = tpu.memref_slice %arg4[%add3A_155] : memref<320000xi32, #tpu.memory_space<hbm>> -> memref<80xi32, #tpu.memory_space<hbm>>
          tpu.enqueue_dma source(%dma_start3A_157 : memref<80xi32, #tpu.memory_space<hbm>>) target(%arg14 : memref<80xi32, #tpu.memory_space<vmem>>) target_semaphore(%arg23 : memref<!tpu.dma_semaphore, #tpu.memory_space<semaphore_mem>>)
        } else {
        }
        %mul3A_128 = arith.constant 80 : i32
        %mul3A_129 = arith.muli %add3A_93, %mul3A_128 : i32
        %add3A_130 = arith.addi %mul3A_2, %mul3A_129 : i32
        %dma_wait3A_131 = tpu.memref_slice %arg3[%add3A_130] : memref<320000xi32, #tpu.memory_space<hbm>> -> memref<80xi32, #tpu.memory_space<hbm>>
        %dma_wait3A_132 = tpu.memref_slice %arg3[%add3A_130] : memref<320000xi32, #tpu.memory_space<hbm>> -> memref<80xi32, #tpu.memory_space<hbm>>
        tpu.wait_dma2 semaphore(%arg26 : memref<!tpu.dma_semaphore, #tpu.memory_space<semaphore_mem>>) src(%dma_wait3A_132 : memref<80xi32, #tpu.memory_space<hbm>>) dst(%arg11 : memref<80xi32, #tpu.memory_space<vmem>>)
        %mul3A_133 = arith.constant 80 : i32
        %mul3A_134 = arith.muli %add3A_93, %mul3A_133 : i32
        %add3A_135 = arith.addi %mul3A_2, %mul3A_134 : i32
        %dma_wait3A_136 = tpu.memref_slice %arg4[%add3A_135] : memref<320000xi32, #tpu.memory_space<hbm>> -> memref<80xi32, #tpu.memory_space<hbm>>
        %dma_wait3A_137 = tpu.memref_slice %arg4[%add3A_135] : memref<320000xi32, #tpu.memory_space<hbm>> -> memref<80xi32, #tpu.memory_space<hbm>>
        tpu.wait_dma2 semaphore(%arg26 : memref<!tpu.dma_semaphore, #tpu.memory_space<semaphore_mem>>) src(%dma_wait3A_137 : memref<80xi32, #tpu.memory_space<hbm>>) dst(%arg17 : memref<80xi32, #tpu.memory_space<vmem>>)
        %dma_start3A_138 = arith.constant 0 : i32
        %dma_start3A_139 = arith.constant 0 : i32
        %dma_start3A_140 = tpu.memref_slice %arg2[%dma_start3A_138, %dma_start3A_139] : memref<10000x128xf32, #tpu.memory_space<hbm>> -> memref<10000x128xf32, #tpu.memory_space<hbm>>
        tpu.enqueue_indirect_dma source(%dma_start3A_140 : memref<10000x128xf32, #tpu.memory_space<hbm>>) target(%arg20 : memref<80x128xf32, #tpu.memory_space<vmem>>) offsets(%arg11 : memref<80xi32, #tpu.memory_space<vmem>>) semaphore(%arg29 : memref<!tpu.dma_semaphore, #tpu.memory_space<semaphore_mem>>)
        %ge3A_141 = arith.constant 1 : i32
        %ge3A_142 = arith.cmpi sge, %add3A_93, %ge3A_141 : i32
        %convert_element_type3A_143 = arith.extui %ge3A_142 : i1 to i32
        %cond3A_144 = arith.constant 0 : i32
        %cond3A_145 = arith.cmpi ne, %convert_element_type3A_143, %cond3A_144 : i32
        scf.if %cond3A_145 {
          %dma_wait3A_146 = arith.constant 0 : i32
          %dma_wait3A_147 = arith.constant 0 : i32
          %dma_wait3A_148 = tpu.memref_slice %arg2[%dma_wait3A_146, %dma_wait3A_147] : memref<10000x128xf32, #tpu.memory_space<hbm>> -> memref<10000x128xf32, #tpu.memory_space<hbm>>
          tpu.wait_indirect_dma semaphore(%arg31 : memref<!tpu.dma_semaphore, #tpu.memory_space<semaphore_mem>>) src(%dma_wait3A_148 : memref<10000x128xf32, #tpu.memory_space<hbm>>) dst(%arg22 : memref<80x128xf32, #tpu.memory_space<vmem>>)
          %dma_start3A_149 = arith.constant 0 : i32
          %dma_start3A_150 = arith.constant 0 : i32
          %dma_start3A_151 = tpu.memref_slice %arg7[%dma_start3A_149, %dma_start3A_150] : memref<10000x128xf32, #tpu.memory_space<vmem_shared>> -> memref<10000x128xf32, #tpu.memory_space<vmem_shared>>
          tpu.enqueue_indirect_dma source(%arg22 : memref<80x128xf32, #tpu.memory_space<vmem>>) target(%dma_start3A_151 : memref<10000x128xf32, #tpu.memory_space<vmem_shared>>) offsets(%arg16 : memref<80xi32, #tpu.memory_space<vmem>>) semaphore(%arg34 : memref<!tpu.dma_semaphore, #tpu.memory_space<semaphore_mem>>) {add = true}
        } else {
        }
      } else {
      }
      %mul3A_99 = arith.constant 6 : i32
      %mul3A_100 = arith.muli %scan3A_62, %mul3A_99 : i32
      %add3A_101 = arith.constant 4 : i32
      %add3A_102 = arith.addi %mul3A_100, %add3A_101 : i32
      %lt3A_103 = arith.constant 125 : i32
      %lt3A_104 = arith.cmpi slt, %add3A_102, %lt3A_103 : i32
      %convert_element_type3A_105 = arith.extui %lt3A_104 : i1 to i32
      %cond3A_106 = arith.constant 0 : i32
      %cond3A_107 = arith.cmpi ne, %convert_element_type3A_105, %cond3A_106 : i32
      scf.if %cond3A_107 {
        %ge3A = arith.constant 3 : i32
        %ge3A_117 = arith.cmpi sge, %add3A_102, %ge3A : i32
        %convert_element_type3A_118 = arith.extui %ge3A_117 : i1 to i32
        %cond3A_119 = arith.constant 0 : i32
        %cond3A_120 = arith.cmpi ne, %convert_element_type3A_118, %cond3A_119 : i32
        scf.if %cond3A_120 {
          %dma_wait3A_146 = arith.constant 0 : i32
          %dma_wait3A_147 = arith.constant 0 : i32
          %dma_wait3A_148 = tpu.memref_slice %arg7[%dma_wait3A_146, %dma_wait3A_147] : memref<10000x128xf32, #tpu.memory_space<vmem_shared>> -> memref<10000x128xf32, #tpu.memory_space<vmem_shared>>
          tpu.wait_indirect_dma semaphore(%arg33 : memref<!tpu.dma_semaphore, #tpu.memory_space<semaphore_mem>>) src(%arg21 : memref<80x128xf32, #tpu.memory_space<vmem>>) dst(%dma_wait3A_148 : memref<10000x128xf32, #tpu.memory_space<vmem_shared>>)
        } else {
        }
        %add3A_121 = arith.constant 3 : i32
        %add3A_122 = arith.addi %add3A_102, %add3A_121 : i32
        %lt3A_123 = arith.constant 125 : i32
        %lt3A_124 = arith.cmpi slt, %add3A_122, %lt3A_123 : i32
        %convert_element_type3A_125 = arith.extui %lt3A_124 : i1 to i32
        %cond3A_126 = arith.constant 0 : i32
        %cond3A_127 = arith.cmpi ne, %convert_element_type3A_125, %cond3A_126 : i32
        scf.if %cond3A_127 {
          %add3A_146 = arith.constant 3 : i32
          %add3A_147 = arith.addi %add3A_102, %add3A_146 : i32
          %mul3A_148 = arith.constant 80 : i32
          %mul3A_149 = arith.muli %add3A_147, %mul3A_148 : i32
          %add3A_150 = arith.addi %mul3A_2, %mul3A_149 : i32
          %dma_start3A_151 = tpu.memref_slice %arg3[%add3A_150] : memref<320000xi32, #tpu.memory_space<hbm>> -> memref<80xi32, #tpu.memory_space<hbm>>
          %dma_start3A_152 = tpu.memref_slice %arg3[%add3A_150] : memref<320000xi32, #tpu.memory_space<hbm>> -> memref<80xi32, #tpu.memory_space<hbm>>
          tpu.enqueue_dma source(%dma_start3A_152 : memref<80xi32, #tpu.memory_space<hbm>>) target(%arg9 : memref<80xi32, #tpu.memory_space<vmem>>) target_semaphore(%arg24 : memref<!tpu.dma_semaphore, #tpu.memory_space<semaphore_mem>>)
          %mul3A_153 = arith.constant 80 : i32
          %mul3A_154 = arith.muli %add3A_147, %mul3A_153 : i32
          %add3A_155 = arith.addi %mul3A_2, %mul3A_154 : i32
          %dma_start3A_156 = tpu.memref_slice %arg4[%add3A_155] : memref<320000xi32, #tpu.memory_space<hbm>> -> memref<80xi32, #tpu.memory_space<hbm>>
          %dma_start3A_157 = tpu.memref_slice %arg4[%add3A_155] : memref<320000xi32, #tpu.memory_space<hbm>> -> memref<80xi32, #tpu.memory_space<hbm>>
          tpu.enqueue_dma source(%dma_start3A_157 : memref<80xi32, #tpu.memory_space<hbm>>) target(%arg15 : memref<80xi32, #tpu.memory_space<vmem>>) target_semaphore(%arg24 : memref<!tpu.dma_semaphore, #tpu.memory_space<semaphore_mem>>)
        } else {
        }
        %mul3A_128 = arith.constant 80 : i32
        %mul3A_129 = arith.muli %add3A_102, %mul3A_128 : i32
        %add3A_130 = arith.addi %mul3A_2, %mul3A_129 : i32
        %dma_wait3A_131 = tpu.memref_slice %arg3[%add3A_130] : memref<320000xi32, #tpu.memory_space<hbm>> -> memref<80xi32, #tpu.memory_space<hbm>>
        %dma_wait3A_132 = tpu.memref_slice %arg3[%add3A_130] : memref<320000xi32, #tpu.memory_space<hbm>> -> memref<80xi32, #tpu.memory_space<hbm>>
        tpu.wait_dma2 semaphore(%arg27 : memref<!tpu.dma_semaphore, #tpu.memory_space<semaphore_mem>>) src(%dma_wait3A_132 : memref<80xi32, #tpu.memory_space<hbm>>) dst(%arg12 : memref<80xi32, #tpu.memory_space<vmem>>)
        %mul3A_133 = arith.constant 80 : i32
        %mul3A_134 = arith.muli %add3A_102, %mul3A_133 : i32
        %add3A_135 = arith.addi %mul3A_2, %mul3A_134 : i32
        %dma_wait3A_136 = tpu.memref_slice %arg4[%add3A_135] : memref<320000xi32, #tpu.memory_space<hbm>> -> memref<80xi32, #tpu.memory_space<hbm>>
        %dma_wait3A_137 = tpu.memref_slice %arg4[%add3A_135] : memref<320000xi32, #tpu.memory_space<hbm>> -> memref<80xi32, #tpu.memory_space<hbm>>
        tpu.wait_dma2 semaphore(%arg27 : memref<!tpu.dma_semaphore, #tpu.memory_space<semaphore_mem>>) src(%dma_wait3A_137 : memref<80xi32, #tpu.memory_space<hbm>>) dst(%arg18 : memref<80xi32, #tpu.memory_space<vmem>>)
        %dma_start3A_138 = arith.constant 0 : i32
        %dma_start3A_139 = arith.constant 0 : i32
        %dma_start3A_140 = tpu.memref_slice %arg2[%dma_start3A_138, %dma_start3A_139] : memref<10000x128xf32, #tpu.memory_space<hbm>> -> memref<10000x128xf32, #tpu.memory_space<hbm>>
        tpu.enqueue_indirect_dma source(%dma_start3A_140 : memref<10000x128xf32, #tpu.memory_space<hbm>>) target(%arg21 : memref<80x128xf32, #tpu.memory_space<vmem>>) offsets(%arg12 : memref<80xi32, #tpu.memory_space<vmem>>) semaphore(%arg30 : memref<!tpu.dma_semaphore, #tpu.memory_space<semaphore_mem>>)
        %ge3A_141 = arith.constant 1 : i32
        %ge3A_142 = arith.cmpi sge, %add3A_102, %ge3A_141 : i32
        %convert_element_type3A_143 = arith.extui %ge3A_142 : i1 to i32
        %cond3A_144 = arith.constant 0 : i32
        %cond3A_145 = arith.cmpi ne, %convert_element_type3A_143, %cond3A_144 : i32
        scf.if %cond3A_145 {
          %dma_wait3A_146 = arith.constant 0 : i32
          %dma_wait3A_147 = arith.constant 0 : i32
          %dma_wait3A_148 = tpu.memref_slice %arg2[%dma_wait3A_146, %dma_wait3A_147] : memref<10000x128xf32, #tpu.memory_space<hbm>> -> memref<10000x128xf32, #tpu.memory_space<hbm>>
          tpu.wait_indirect_dma semaphore(%arg29 : memref<!tpu.dma_semaphore, #tpu.memory_space<semaphore_mem>>) src(%dma_wait3A_148 : memref<10000x128xf32, #tpu.memory_space<hbm>>) dst(%arg20 : memref<80x128xf32, #tpu.memory_space<vmem>>)
          %dma_start3A_149 = arith.constant 0 : i32
          %dma_start3A_150 = arith.constant 0 : i32
          %dma_start3A_151 = tpu.memref_slice %arg7[%dma_start3A_149, %dma_start3A_150] : memref<10000x128xf32, #tpu.memory_space<vmem_shared>> -> memref<10000x128xf32, #tpu.memory_space<vmem_shared>>
          tpu.enqueue_indirect_dma source(%arg20 : memref<80x128xf32, #tpu.memory_space<vmem>>) target(%dma_start3A_151 : memref<10000x128xf32, #tpu.memory_space<vmem_shared>>) offsets(%arg17 : memref<80xi32, #tpu.memory_space<vmem>>) semaphore(%arg32 : memref<!tpu.dma_semaphore, #tpu.memory_space<semaphore_mem>>) {add = true}
        } else {
        }
      } else {
      }
      %mul3A_108 = arith.constant 6 : i32
      %mul3A_109 = arith.muli %scan3A_62, %mul3A_108 : i32
      %add3A_110 = arith.constant 5 : i32
      %add3A_111 = arith.addi %mul3A_109, %add3A_110 : i32
      %lt3A_112 = arith.constant 125 : i32
      %lt3A_113 = arith.cmpi slt, %add3A_111, %lt3A_112 : i32
      %convert_element_type3A_114 = arith.extui %lt3A_113 : i1 to i32
      %cond3A_115 = arith.constant 0 : i32
      %cond3A_116 = arith.cmpi ne, %convert_element_type3A_114, %cond3A_115 : i32
      scf.if %cond3A_116 {
        %ge3A = arith.constant 3 : i32
        %ge3A_117 = arith.cmpi sge, %add3A_111, %ge3A : i32
        %convert_element_type3A_118 = arith.extui %ge3A_117 : i1 to i32
        %cond3A_119 = arith.constant 0 : i32
        %cond3A_120 = arith.cmpi ne, %convert_element_type3A_118, %cond3A_119 : i32
        scf.if %cond3A_120 {
          %dma_wait3A_146 = arith.constant 0 : i32
          %dma_wait3A_147 = arith.constant 0 : i32
          %dma_wait3A_148 = tpu.memref_slice %arg7[%dma_wait3A_146, %dma_wait3A_147] : memref<10000x128xf32, #tpu.memory_space<vmem_shared>> -> memref<10000x128xf32, #tpu.memory_space<vmem_shared>>
          tpu.wait_indirect_dma semaphore(%arg34 : memref<!tpu.dma_semaphore, #tpu.memory_space<semaphore_mem>>) src(%arg22 : memref<80x128xf32, #tpu.memory_space<vmem>>) dst(%dma_wait3A_148 : memref<10000x128xf32, #tpu.memory_space<vmem_shared>>)
        } else {
        }
        %add3A_121 = arith.constant 3 : i32
        %add3A_122 = arith.addi %add3A_111, %add3A_121 : i32
        %lt3A_123 = arith.constant 125 : i32
        %lt3A_124 = arith.cmpi slt, %add3A_122, %lt3A_123 : i32
        %convert_element_type3A_125 = arith.extui %lt3A_124 : i1 to i32
        %cond3A_126 = arith.constant 0 : i32
        %cond3A_127 = arith.cmpi ne, %convert_element_type3A_125, %cond3A_126 : i32
        scf.if %cond3A_127 {
          %add3A_146 = arith.constant 3 : i32
          %add3A_147 = arith.addi %add3A_111, %add3A_146 : i32
          %mul3A_148 = arith.constant 80 : i32
          %mul3A_149 = arith.muli %add3A_147, %mul3A_148 : i32
          %add3A_150 = arith.addi %mul3A_2, %mul3A_149 : i32
          %dma_start3A_151 = tpu.memref_slice %arg3[%add3A_150] : memref<320000xi32, #tpu.memory_space<hbm>> -> memref<80xi32, #tpu.memory_space<hbm>>
          %dma_start3A_152 = tpu.memref_slice %arg3[%add3A_150] : memref<320000xi32, #tpu.memory_space<hbm>> -> memref<80xi32, #tpu.memory_space<hbm>>
          tpu.enqueue_dma source(%dma_start3A_152 : memref<80xi32, #tpu.memory_space<hbm>>) target(%arg10 : memref<80xi32, #tpu.memory_space<vmem>>) target_semaphore(%arg25 : memref<!tpu.dma_semaphore, #tpu.memory_space<semaphore_mem>>)
          %mul3A_153 = arith.constant 80 : i32
          %mul3A_154 = arith.muli %add3A_147, %mul3A_153 : i32
          %add3A_155 = arith.addi %mul3A_2, %mul3A_154 : i32
          %dma_start3A_156 = tpu.memref_slice %arg4[%add3A_155] : memref<320000xi32, #tpu.memory_space<hbm>> -> memref<80xi32, #tpu.memory_space<hbm>>
          %dma_start3A_157 = tpu.memref_slice %arg4[%add3A_155] : memref<320000xi32, #tpu.memory_space<hbm>> -> memref<80xi32, #tpu.memory_space<hbm>>
          tpu.enqueue_dma source(%dma_start3A_157 : memref<80xi32, #tpu.memory_space<hbm>>) target(%arg16 : memref<80xi32, #tpu.memory_space<vmem>>) target_semaphore(%arg25 : memref<!tpu.dma_semaphore, #tpu.memory_space<semaphore_mem>>)
        } else {
        }
        %mul3A_128 = arith.constant 80 : i32
        %mul3A_129 = arith.muli %add3A_111, %mul3A_128 : i32
        %add3A_130 = arith.addi %mul3A_2, %mul3A_129 : i32
        %dma_wait3A_131 = tpu.memref_slice %arg3[%add3A_130] : memref<320000xi32, #tpu.memory_space<hbm>> -> memref<80xi32, #tpu.memory_space<hbm>>
        %dma_wait3A_132 = tpu.memref_slice %arg3[%add3A_130] : memref<320000xi32, #tpu.memory_space<hbm>> -> memref<80xi32, #tpu.memory_space<hbm>>
        tpu.wait_dma2 semaphore(%arg28 : memref<!tpu.dma_semaphore, #tpu.memory_space<semaphore_mem>>) src(%dma_wait3A_132 : memref<80xi32, #tpu.memory_space<hbm>>) dst(%arg13 : memref<80xi32, #tpu.memory_space<vmem>>)
        %mul3A_133 = arith.constant 80 : i32
        %mul3A_134 = arith.muli %add3A_111, %mul3A_133 : i32
        %add3A_135 = arith.addi %mul3A_2, %mul3A_134 : i32
        %dma_wait3A_136 = tpu.memref_slice %arg4[%add3A_135] : memref<320000xi32, #tpu.memory_space<hbm>> -> memref<80xi32, #tpu.memory_space<hbm>>
        %dma_wait3A_137 = tpu.memref_slice %arg4[%add3A_135] : memref<320000xi32, #tpu.memory_space<hbm>> -> memref<80xi32, #tpu.memory_space<hbm>>
        tpu.wait_dma2 semaphore(%arg28 : memref<!tpu.dma_semaphore, #tpu.memory_space<semaphore_mem>>) src(%dma_wait3A_137 : memref<80xi32, #tpu.memory_space<hbm>>) dst(%arg19 : memref<80xi32, #tpu.memory_space<vmem>>)
        %dma_start3A_138 = arith.constant 0 : i32
        %dma_start3A_139 = arith.constant 0 : i32
        %dma_start3A_140 = tpu.memref_slice %arg2[%dma_start3A_138, %dma_start3A_139] : memref<10000x128xf32, #tpu.memory_space<hbm>> -> memref<10000x128xf32, #tpu.memory_space<hbm>>
        tpu.enqueue_indirect_dma source(%dma_start3A_140 : memref<10000x128xf32, #tpu.memory_space<hbm>>) target(%arg22 : memref<80x128xf32, #tpu.memory_space<vmem>>) offsets(%arg13 : memref<80xi32, #tpu.memory_space<vmem>>) semaphore(%arg31 : memref<!tpu.dma_semaphore, #tpu.memory_space<semaphore_mem>>)
        %ge3A_141 = arith.constant 1 : i32
        %ge3A_142 = arith.cmpi sge, %add3A_111, %ge3A_141 : i32
        %convert_element_type3A_143 = arith.extui %ge3A_142 : i1 to i32
        %cond3A_144 = arith.constant 0 : i32
        %cond3A_145 = arith.cmpi ne, %convert_element_type3A_143, %cond3A_144 : i32
        scf.if %cond3A_145 {
          %dma_wait3A_146 = arith.constant 0 : i32
          %dma_wait3A_147 = arith.constant 0 : i32
          %dma_wait3A_148 = tpu.memref_slice %arg2[%dma_wait3A_146, %dma_wait3A_147] : memref<10000x128xf32, #tpu.memory_space<hbm>> -> memref<10000x128xf32, #tpu.memory_space<hbm>>
          tpu.wait_indirect_dma semaphore(%arg30 : memref<!tpu.dma_semaphore, #tpu.memory_space<semaphore_mem>>) src(%dma_wait3A_148 : memref<10000x128xf32, #tpu.memory_space<hbm>>) dst(%arg21 : memref<80x128xf32, #tpu.memory_space<vmem>>)
          %dma_start3A_149 = arith.constant 0 : i32
          %dma_start3A_150 = arith.constant 0 : i32
          %dma_start3A_151 = tpu.memref_slice %arg7[%dma_start3A_149, %dma_start3A_150] : memref<10000x128xf32, #tpu.memory_space<vmem_shared>> -> memref<10000x128xf32, #tpu.memory_space<vmem_shared>>
          tpu.enqueue_indirect_dma source(%arg21 : memref<80x128xf32, #tpu.memory_space<vmem>>) target(%dma_start3A_151 : memref<10000x128xf32, #tpu.memory_space<vmem_shared>>) offsets(%arg18 : memref<80xi32, #tpu.memory_space<vmem>>) semaphore(%arg33 : memref<!tpu.dma_semaphore, #tpu.memory_space<semaphore_mem>>) {add = true}
        } else {
        }
      } else {
      }
    }
    %scan3A_36 = arith.constant 21 : i32
    %dma_wait3A = arith.constant 0 : i32
    %dma_wait3A_37 = arith.constant 0 : i32
    %dma_wait3A_38 = tpu.memref_slice %arg2[%dma_wait3A, %dma_wait3A_37] : memref<10000x128xf32, #tpu.memory_space<hbm>> -> memref<10000x128xf32, #tpu.memory_space<hbm>>
    tpu.wait_indirect_dma semaphore(%arg30 : memref<!tpu.dma_semaphore, #tpu.memory_space<semaphore_mem>>) src(%dma_wait3A_38 : memref<10000x128xf32, #tpu.memory_space<hbm>>) dst(%arg21 : memref<80x128xf32, #tpu.memory_space<vmem>>)
    %dma_start3A_39 = arith.constant 0 : i32
    %dma_start3A_40 = arith.constant 0 : i32
    %dma_start3A_41 = tpu.memref_slice %arg7[%dma_start3A_39, %dma_start3A_40] : memref<10000x128xf32, #tpu.memory_space<vmem_shared>> -> memref<10000x128xf32, #tpu.memory_space<vmem_shared>>
    tpu.enqueue_indirect_dma source(%arg21 : memref<80x128xf32, #tpu.memory_space<vmem>>) target(%dma_start3A_41 : memref<10000x128xf32, #tpu.memory_space<vmem_shared>>) offsets(%arg18 : memref<80xi32, #tpu.memory_space<vmem>>) semaphore(%arg33 : memref<!tpu.dma_semaphore, #tpu.memory_space<semaphore_mem>>) {add = true}
    %dma_wait3A_42 = arith.constant 0 : i32
    %dma_wait3A_43 = arith.constant 0 : i32
    %dma_wait3A_44 = tpu.memref_slice %arg7[%dma_wait3A_42, %dma_wait3A_43] : memref<10000x128xf32, #tpu.memory_space<vmem_shared>> -> memref<10000x128xf32, #tpu.memory_space<vmem_shared>>
    tpu.wait_indirect_dma semaphore(%arg34 : memref<!tpu.dma_semaphore, #tpu.memory_space<semaphore_mem>>) src(%arg22 : memref<80x128xf32, #tpu.memory_space<vmem>>) dst(%dma_wait3A_44 : memref<10000x128xf32, #tpu.memory_space<vmem_shared>>)
    %dma_wait3A_45 = arith.constant 0 : i32
    %dma_wait3A_46 = arith.constant 0 : i32
    %dma_wait3A_47 = tpu.memref_slice %arg7[%dma_wait3A_45, %dma_wait3A_46] : memref<10000x128xf32, #tpu.memory_space<vmem_shared>> -> memref<10000x128xf32, #tpu.memory_space<vmem_shared>>
    tpu.wait_indirect_dma semaphore(%arg32 : memref<!tpu.dma_semaphore, #tpu.memory_space<semaphore_mem>>) src(%arg20 : memref<80x128xf32, #tpu.memory_space<vmem>>) dst(%dma_wait3A_47 : memref<10000x128xf32, #tpu.memory_space<vmem_shared>>)
    %dma_wait3A_48 = arith.constant 0 : i32
    %dma_wait3A_49 = arith.constant 0 : i32
    %dma_wait3A_50 = tpu.memref_slice %arg7[%dma_wait3A_48, %dma_wait3A_49] : memref<10000x128xf32, #tpu.memory_space<vmem_shared>> -> memref<10000x128xf32, #tpu.memory_space<vmem_shared>>
    tpu.wait_indirect_dma semaphore(%arg33 : memref<!tpu.dma_semaphore, #tpu.memory_space<semaphore_mem>>) src(%arg21 : memref<80x128xf32, #tpu.memory_space<vmem>>) dst(%dma_wait3A_50 : memref<10000x128xf32, #tpu.memory_space<vmem_shared>>)
    %barrier3A_51 = arith.constant 0 : index
    tpu.barrier barrier_id(%barrier3A_51)
    %lt3A_52 = arith.constant 15 : i32
    %lt3A_53 = arith.cmpi slt, %arg1, %lt3A_52 : i32
    %convert_element_type3A_54 = arith.extui %lt3A_53 : i1 to i32
    %cond3A_55 = arith.constant 0 : i32
    %cond3A_56 = arith.cmpi ne, %convert_element_type3A_54, %cond3A_55 : i32
    scf.if %cond3A_56 {
      %mul3A_62 = arith.constant 632 : i32
      %mul3A_63 = arith.muli %arg1, %mul3A_62 : i32
      %mul3A_64 = arith.constant 632 : i32
      %mul3A_65 = arith.muli %arg1, %mul3A_64 : i32
      "tpu.region"() ({
        %run_scoped3A = tpu.sem_alloc : memref<!tpu.dma_semaphore, #tpu.memory_space<semaphore_mem>>
        %dma_start3A_66 = arith.constant 0 : i32
        %dma_start3A_67 = arith.constant 0 : i32
        %dma_start3A_68 = tpu.memref_slice %arg6[%arg0, %dma_start3A_66, %dma_start3A_67] : memref<2x10000x128xf32, #tpu.memory_space<hbm>> -> memref<1x10000x128xf32, #tpu.memory_space<hbm>>
        %dma_start3A_69 = tpu.memref_squeeze %dma_start3A_68 : memref<1x10000x128xf32, #tpu.memory_space<hbm>> -> memref<10000x128xf32, #tpu.memory_space<hbm>>
        %dma_start3A_70 = arith.constant 0 : i32
        %dma_start3A_71 = tpu.memref_slice %dma_start3A_69[%mul3A_65, %dma_start3A_70] : memref<10000x128xf32, #tpu.memory_space<hbm>> -> memref<632x128xf32, #tpu.memory_space<hbm>>
        %dma_start3A_72 = arith.constant 0 : i32
        %dma_start3A_73 = tpu.memref_slice %arg7[%mul3A_63, %dma_start3A_72] : memref<10000x128xf32, #tpu.memory_space<vmem_shared>> -> memref<632x128xf32, #tpu.memory_space<vmem_shared>>
        tpu.enqueue_dma source(%dma_start3A_73 : memref<632x128xf32, #tpu.memory_space<vmem_shared>>) target(%dma_start3A_71 : memref<632x128xf32, #tpu.memory_space<hbm>>) target_semaphore(%run_scoped3A : memref<!tpu.dma_semaphore, #tpu.memory_space<semaphore_mem>>)
        %dma_wait3A_74 = arith.constant 0 : i32
        %dma_wait3A_75 = arith.constant 0 : i32
        %dma_wait3A_76 = tpu.memref_slice %arg6[%arg0, %dma_wait3A_74, %dma_wait3A_75] : memref<2x10000x128xf32, #tpu.memory_space<hbm>> -> memref<1x10000x128xf32, #tpu.memory_space<hbm>>
        %dma_wait3A_77 = tpu.memref_squeeze %dma_wait3A_76 : memref<1x10000x128xf32, #tpu.memory_space<hbm>> -> memref<10000x128xf32, #tpu.memory_space<hbm>>
        %dma_wait3A_78 = arith.constant 0 : i32
        %dma_wait3A_79 = tpu.memref_slice %dma_wait3A_77[%mul3A_65, %dma_wait3A_78] : memref<10000x128xf32, #tpu.memory_space<hbm>> -> memref<632x128xf32, #tpu.memory_space<hbm>>
        %dma_wait3A_80 = arith.constant 0 : i32
        %dma_wait3A_81 = tpu.memref_slice %arg7[%mul3A_63, %dma_wait3A_80] : memref<10000x128xf32, #tpu.memory_space<vmem_shared>> -> memref<632x128xf32, #tpu.memory_space<vmem_shared>>
        tpu.wait_dma2 semaphore(%run_scoped3A : memref<!tpu.dma_semaphore, #tpu.memory_space<semaphore_mem>>) src(%dma_wait3A_81 : memref<632x128xf32, #tpu.memory_space<vmem_shared>>) dst(%dma_wait3A_79 : memref<632x128xf32, #tpu.memory_space<hbm>>)
        tpu.yield
      }) : () -> ()
    } else {
    }
    %eq3A_57 = arith.constant 15 : i32
    %eq3A_58 = arith.cmpi eq, %arg1, %eq3A_57 : i32
    %convert_element_type3A_59 = arith.extui %eq3A_58 : i1 to i32
    %cond3A_60 = arith.constant 0 : i32
    %cond3A_61 = arith.cmpi ne, %convert_element_type3A_59, %cond3A_60 : i32
    scf.if %cond3A_61 {
      %mul3A_62 = arith.constant 632 : i32
      %mul3A_63 = arith.muli %arg1, %mul3A_62 : i32
      %mul3A_64 = arith.constant 632 : i32
      %mul3A_65 = arith.muli %arg1, %mul3A_64 : i32
      "tpu.region"() ({
        %run_scoped3A = tpu.sem_alloc : memref<!tpu.dma_semaphore, #tpu.memory_space<semaphore_mem>>
        %dma_start3A_66 = arith.constant 0 : i32
        %dma_start3A_67 = arith.constant 0 : i32
        %dma_start3A_68 = tpu.memref_slice %arg6[%arg0, %dma_start3A_66, %dma_start3A_67] : memref<2x10000x128xf32, #tpu.memory_space<hbm>> -> memref<1x10000x128xf32, #tpu.memory_space<hbm>>
        %dma_start3A_69 = tpu.memref_squeeze %dma_start3A_68 : memref<1x10000x128xf32, #tpu.memory_space<hbm>> -> memref<10000x128xf32, #tpu.memory_space<hbm>>
        %dma_start3A_70 = arith.constant 0 : i32
        %dma_start3A_71 = tpu.memref_slice %dma_start3A_69[%mul3A_65, %dma_start3A_70] : memref<10000x128xf32, #tpu.memory_space<hbm>> -> memref<520x128xf32, #tpu.memory_space<hbm>>
        %dma_start3A_72 = arith.constant 0 : i32
        %dma_start3A_73 = tpu.memref_slice %arg7[%mul3A_63, %dma_start3A_72] : memref<10000x128xf32, #tpu.memory_space<vmem_shared>> -> memref<520x128xf32, #tpu.memory_space<vmem_shared>>
        tpu.enqueue_dma source(%dma_start3A_73 : memref<520x128xf32, #tpu.memory_space<vmem_shared>>) target(%dma_start3A_71 : memref<520x128xf32, #tpu.memory_space<hbm>>) target_semaphore(%run_scoped3A : memref<!tpu.dma_semaphore, #tpu.memory_space<semaphore_mem>>)
        %dma_wait3A_74 = arith.constant 0 : i32
        %dma_wait3A_75 = arith.constant 0 : i32
        %dma_wait3A_76 = tpu.memref_slice %arg6[%arg0, %dma_wait3A_74, %dma_wait3A_75] : memref<2x10000x128xf32, #tpu.memory_space<hbm>> -> memref<1x10000x128xf32, #tpu.memory_space<hbm>>
        %dma_wait3A_77 = tpu.memref_squeeze %dma_wait3A_76 : memref<1x10000x128xf32, #tpu.memory_space<hbm>> -> memref<10000x128xf32, #tpu.memory_space<hbm>>
        %dma_wait3A_78 = arith.constant 0 : i32
        %dma_wait3A_79 = tpu.memref_slice %dma_wait3A_77[%mul3A_65, %dma_wait3A_78] : memref<10000x128xf32, #tpu.memory_space<hbm>> -> memref<520x128xf32, #tpu.memory_space<hbm>>
        %dma_wait3A_80 = arith.constant 0 : i32
        %dma_wait3A_81 = tpu.memref_slice %arg7[%mul3A_63, %dma_wait3A_80] : memref<10000x128xf32, #tpu.memory_space<vmem_shared>> -> memref<520x128xf32, #tpu.memory_space<vmem_shared>>
        tpu.wait_dma2 semaphore(%run_scoped3A : memref<!tpu.dma_semaphore, #tpu.memory_space<semaphore_mem>>) src(%dma_wait3A_81 : memref<520x128xf32, #tpu.memory_space<vmem_shared>>) dst(%dma_wait3A_79 : memref<520x128xf32, #tpu.memory_space<hbm>>)
        tpu.yield
      }) : () -> ()
    } else {
    }
    return
  }
}

module attributes {stable_mosaic.version = 14 : i64} {
  func.func @tc_matmul0(%arg0: i32, %arg1: memref<1000x128xf32, #tpu.memory_space<vmem>>, %arg2: memref<128x128xf32, #tpu.memory_space<vmem>>, %arg3: memref<1000x128xf32, #tpu.memory_space<vmem>>) attributes {dimension_semantics = [#tpu.dimension_semantics<arbitrary>], iteration_bounds = array<i64: 10>, scalar_prefetch = 0 : i64, scratch_operands = 0 : i64, tpu.core_type = #tpu.core_type<tc>, window_params = [{transform_indices = @transform_0, window_bounds = array<i64: 1000, 128>}, {pipeline_mode = #tpu.pipeline_mode<synchronous>, transform_indices = @transform_1, window_bounds = array<i64: 128, 128>}, {transform_indices = @transform_2, window_bounds = array<i64: 1000, 128>}]} {
    %get3A = arith.constant 0 : index
    %get3A_0 = arith.constant 0 : index
    %get3A_1 = vector.load %arg1[%get3A, %get3A_0] : memref<1000x128xf32, #tpu.memory_space<vmem>>, vector<1000x128xf32>
    %get3A_2 = arith.constant 0 : index
    %get3A_3 = arith.constant 0 : index
    %get3A_4 = vector.load %arg2[%get3A_2, %get3A_3] : memref<128x128xf32, #tpu.memory_space<vmem>>, vector<128x128xf32>
    %dot_general3A = arith.constant dense<0.000000e+00> : vector<1000x128xf32>
    %dot_general3A_5 = tpu.matmul %get3A_1, %get3A_4, %dot_general3A {dimension_numbers = #tpu.dot_dimension_numbers<[1], [0], [0], [1], [0, 0, 1, 1], [], []>, transpose_lhs_hint = false} : vector<1000x128xf32>, vector<128x128xf32>, vector<1000x128xf32> -> vector<1000x128xf32>
    %swap3A = arith.constant 0 : index
    %swap3A_6 = arith.constant 0 : index
    %swap3A_7 = vector.load %arg3[%swap3A, %swap3A_6] : memref<1000x128xf32, #tpu.memory_space<vmem>>, vector<1000x128xf32>
    tpu.vector_store %arg3[%swap3A, %swap3A_6], %dot_general3A_5 {strides = array<i32>} : memref<1000x128xf32, #tpu.memory_space<vmem>>, vector<1000x128xf32>,
    return
  }
  func.func @transform_0(%arg0: i32) -> (i32, i32) {
    %c0_i32 = arith.constant 0 : i32
    %c0_i32_0 = arith.constant 0 : i32
    return %arg0, %c0_i32 : i32, i32
  }
  func.func @transform_1(%arg0: i32) -> (i32, i32) {
    %c0_i32 = arith.constant 0 : i32
    %c0_i32_0 = arith.constant 0 : i32
    %c0_i32_1 = arith.constant 0 : i32
    return %c0_i32, %c0_i32_0 : i32, i32
  }
  func.func @transform_2(%arg0: i32) -> (i32, i32) {
    %c0_i32 = arith.constant 0 : i32
    %c0_i32_0 = arith.constant 0 : i32
    return %arg0, %c0_i32 : i32, i32
  }
}

module attributes {stable_mosaic.version = 14 : i64} {
  func.func @tc_combine(%arg0: i32, %arg1: memref<2x1000x128xf32, #tpu.memory_space<vmem>>, %arg2: memref<1000x128xf32, #tpu.memory_space<vmem>>, %arg3: memref<1000x1xf32, #tpu.memory_space<vmem>>, %arg4: memref<1000x1xf32, #tpu.memory_space<vmem>>, %arg5: memref<1x128xf32, #tpu.memory_space<vmem>>, %arg6: memref<128x128xf32, #tpu.memory_space<vmem>>, %arg7: memref<1000x128xf32, #tpu.memory_space<vmem>>, %arg8: memref<1000x128xf32, #tpu.memory_space<vmem>>) attributes {dimension_semantics = [#tpu.dimension_semantics<arbitrary>], iteration_bounds = array<i64: 10>, scalar_prefetch = 0 : i64, scratch_operands = 0 : i64, tpu.core_type = #tpu.core_type<tc>, window_params = [{transform_indices = @transform_0, window_bounds = array<i64: 2, 1000, 128>}, {transform_indices = @transform_1, window_bounds = array<i64: 1000, 128>}, {transform_indices = @transform_2, window_bounds = array<i64: 1000, 1>}, {transform_indices = @transform_3, window_bounds = array<i64: 1000, 1>}, {pipeline_mode = #tpu.pipeline_mode<synchronous>, transform_indices = @transform_4, window_bounds = array<i64: 1, 128>}, {pipeline_mode = #tpu.pipeline_mode<synchronous>, transform_indices = @transform_5, window_bounds = array<i64: 128, 128>}, {transform_indices = @transform_6, window_bounds = array<i64: 1000, 128>}, {transform_indices = @transform_7, window_bounds = array<i64: 1000, 128>}]} {
    %get3A = arith.constant 0 : index
    %get3A_0 = arith.constant 0 : index
    %get3A_1 = arith.constant 0 : index
    %get3A_2 = vector.load %arg1[%get3A, %get3A_0, %get3A_1] : memref<2x1000x128xf32, #tpu.memory_space<vmem>>, vector<1x1000x128xf32>
    %get3A_3 = vector.shape_cast %get3A_2 : vector<1x1000x128xf32> to vector<1000x128xf32>
    %get3A_4 = arith.constant 1 : index
    %get3A_5 = arith.constant 0 : index
    %get3A_6 = arith.constant 0 : index
    %get3A_7 = vector.load %arg1[%get3A_4, %get3A_5, %get3A_6] : memref<2x1000x128xf32, #tpu.memory_space<vmem>>, vector<1x1000x128xf32>
    %get3A_8 = vector.shape_cast %get3A_7 : vector<1x1000x128xf32> to vector<1000x128xf32>
    %add3A = arith.addf %get3A_3, %get3A_8 : vector<1000x128xf32>
    %get3A_9 = arith.constant 0 : index
    %get3A_10 = arith.constant 0 : index
    %get3A_11 = vector.load %arg3[%get3A_9, %get3A_10] : memref<1000x1xf32, #tpu.memory_space<vmem>>, vector<1000x1xf32>
    %mul3A = vector.broadcast %get3A_11 : vector<1000x1xf32> to vector<1000x128xf32>
    %mul3A_12 = arith.mulf %add3A, %mul3A : vector<1000x128xf32>
    %get3A_13 = arith.constant 0 : index
    %get3A_14 = arith.constant 0 : index
    %get3A_15 = vector.load %arg2[%get3A_13, %get3A_14] : memref<1000x128xf32, #tpu.memory_space<vmem>>, vector<1000x128xf32>
    %get3A_16 = arith.constant 0 : index
    %get3A_17 = arith.constant 0 : index
    %get3A_18 = vector.load %arg4[%get3A_16, %get3A_17] : memref<1000x1xf32, #tpu.memory_space<vmem>>, vector<1000x1xf32>
    %mul3A_19 = vector.broadcast %get3A_18 : vector<1000x1xf32> to vector<1000x128xf32>
    %mul3A_20 = arith.mulf %get3A_15, %mul3A_19 : vector<1000x128xf32>
    %add3A_21 = arith.addf %mul3A_12, %mul3A_20 : vector<1000x128xf32>
    %get3A_22 = arith.constant 0 : index
    %get3A_23 = arith.constant 0 : index
    %get3A_24 = vector.load %arg5[%get3A_22, %get3A_23] : memref<1x128xf32, #tpu.memory_space<vmem>>, vector<1x128xf32>
    %add3A_25 = vector.broadcast %get3A_24 : vector<1x128xf32> to vector<1000x128xf32>
    %add3A_26 = arith.addf %add3A_21, %add3A_25 : vector<1000x128xf32>
    %max3A = arith.constant 0.000000e+00 : f32
    %max3A_27 = vector.broadcast %max3A : f32 to vector<1000x128xf32>
    %max3A_28 = arith.maximumf %add3A_26, %max3A_27 : vector<1000x128xf32>
    %get3A_29 = arith.constant 0 : index
    %get3A_30 = arith.constant 0 : index
    %get3A_31 = vector.load %arg6[%get3A_29, %get3A_30] : memref<128x128xf32, #tpu.memory_space<vmem>>, vector<128x128xf32>
    %dot_general3A = arith.constant dense<0.000000e+00> : vector<1000x128xf32>
    %dot_general3A_32 = tpu.matmul %max3A_28, %get3A_31, %dot_general3A {dimension_numbers = #tpu.dot_dimension_numbers<[1], [0], [0], [1], [0, 0, 1, 1], [], []>, transpose_lhs_hint = false} : vector<1000x128xf32>, vector<128x128xf32>, vector<1000x128xf32> -> vector<1000x128xf32>
    %swap3A = arith.constant 0 : index
    %swap3A_33 = arith.constant 0 : index
    %swap3A_34 = vector.load %arg7[%swap3A, %swap3A_33] : memref<1000x128xf32, #tpu.memory_space<vmem>>, vector<1000x128xf32>
    tpu.vector_store %arg7[%swap3A, %swap3A_33], %dot_general3A_32 {strides = array<i32>} : memref<1000x128xf32, #tpu.memory_space<vmem>>, vector<1000x128xf32>,
    %mul3A_35 = vector.broadcast %get3A_11 : vector<1000x1xf32> to vector<1000x128xf32>
    %mul3A_36 = arith.mulf %dot_general3A_32, %mul3A_35 : vector<1000x128xf32>
    %swap3A_37 = arith.constant 0 : index
    %swap3A_38 = arith.constant 0 : index
    %swap3A_39 = vector.load %arg8[%swap3A_37, %swap3A_38] : memref<1000x128xf32, #tpu.memory_space<vmem>>, vector<1000x128xf32>
    tpu.vector_store %arg8[%swap3A_37, %swap3A_38], %mul3A_36 {strides = array<i32>} : memref<1000x128xf32, #tpu.memory_space<vmem>>, vector<1000x128xf32>,
    return
  }
  func.func @transform_0(%arg0: i32) -> (i32, i32, i32) {
    %c0_i32 = arith.constant 0 : i32
    %c0_i32_0 = arith.constant 0 : i32
    %c0_i32_1 = arith.constant 0 : i32
    return %c0_i32, %arg0, %c0_i32_0 : i32, i32, i32
  }
  func.func @transform_1(%arg0: i32) -> (i32, i32) {
    %c0_i32 = arith.constant 0 : i32
    %c0_i32_0 = arith.constant 0 : i32
    return %arg0, %c0_i32 : i32, i32
  }
  func.func @transform_2(%arg0: i32) -> (i32, i32) {
    %c0_i32 = arith.constant 0 : i32
    %c0_i32_0 = arith.constant 0 : i32
    return %arg0, %c0_i32 : i32, i32
  }
  func.func @transform_3(%arg0: i32) -> (i32, i32) {
    %c0_i32 = arith.constant 0 : i32
    %c0_i32_0 = arith.constant 0 : i32
    return %arg0, %c0_i32 : i32, i32
  }
  func.func @transform_4(%arg0: i32) -> (i32, i32) {
    %c0_i32 = arith.constant 0 : i32
    %c0_i32_0 = arith.constant 0 : i32
    %c0_i32_1 = arith.constant 0 : i32
    return %c0_i32, %c0_i32_0 : i32, i32
  }
  func.func @transform_5(%arg0: i32) -> (i32, i32) {
    %c0_i32 = arith.constant 0 : i32
    %c0_i32_0 = arith.constant 0 : i32
    %c0_i32_1 = arith.constant 0 : i32
    return %c0_i32, %c0_i32_0 : i32, i32
  }
  func.func @transform_6(%arg0: i32) -> (i32, i32) {
    %c0_i32 = arith.constant 0 : i32
    %c0_i32_0 = arith.constant 0 : i32
    return %arg0, %c0_i32 : i32, i32
  }
  func.func @transform_7(%arg0: i32) -> (i32, i32) {
    %c0_i32 = arith.constant 0 : i32
    %c0_i32_0 = arith.constant 0 : i32
    return %arg0, %c0_i32 : i32, i32
  }
}

module attributes {stable_mosaic.version = 14 : i64} {
  func.func @tc_stage0(%arg0: i32, %arg1: memref<2x1000x128xf32, #tpu.memory_space<vmem>>, %arg2: memref<1000x128xf32, #tpu.memory_space<vmem>>, %arg3: memref<1000x1xf32, #tpu.memory_space<vmem>>, %arg4: memref<1000x1xf32, #tpu.memory_space<vmem>>, %arg5: memref<1000x128xf32, #tpu.memory_space<vmem>>) attributes {dimension_semantics = [#tpu.dimension_semantics<arbitrary>], iteration_bounds = array<i64: 10>, scalar_prefetch = 0 : i64, scratch_operands = 0 : i64, tpu.core_type = #tpu.core_type<tc>, window_params = [{transform_indices = @transform_0, window_bounds = array<i64: 2, 1000, 128>}, {transform_indices = @transform_1, window_bounds = array<i64: 1000, 128>}, {transform_indices = @transform_2, window_bounds = array<i64: 1000, 1>}, {transform_indices = @transform_3, window_bounds = array<i64: 1000, 1>}, {transform_indices = @transform_4, window_bounds = array<i64: 1000, 128>}]} {
    %get3A = arith.constant 0 : index
    %get3A_0 = arith.constant 0 : index
    %get3A_1 = arith.constant 0 : index
    %get3A_2 = vector.load %arg1[%get3A, %get3A_0, %get3A_1] : memref<2x1000x128xf32, #tpu.memory_space<vmem>>, vector<1x1000x1xf32>
    %get3A_3 = vector.shape_cast %get3A_2 : vector<1x1000x1xf32> to vector<1000x1xf32>
    %get3A_4 = arith.constant 1 : index
    %get3A_5 = arith.constant 0 : index
    %get3A_6 = arith.constant 0 : index
    %get3A_7 = vector.load %arg1[%get3A_4, %get3A_5, %get3A_6] : memref<2x1000x128xf32, #tpu.memory_space<vmem>>, vector<1x1000x1xf32>
    %get3A_8 = vector.shape_cast %get3A_7 : vector<1x1000x1xf32> to vector<1000x1xf32>
    %add3A = arith.addf %get3A_3, %get3A_8 : vector<1000x1xf32>
    %add3A_9 = arith.constant 1.000000e+00 : f32
    %add3A_10 = vector.broadcast %add3A_9 : f32 to vector<1000x1xf32>
    %add3A_11 = arith.addf %add3A, %add3A_10 : vector<1000x1xf32>
    %rsqrt3A = math.rsqrt %add3A_11 : vector<1000x1xf32>
    %swap3A = arith.constant 0 : index
    %swap3A_12 = arith.constant 0 : index
    %swap3A_13 = vector.load %arg3[%swap3A, %swap3A_12] : memref<1000x1xf32, #tpu.memory_space<vmem>>, vector<1000x1xf32>
    tpu.vector_store %arg3[%swap3A, %swap3A_12], %rsqrt3A {strides = array<i32>} : memref<1000x1xf32, #tpu.memory_space<vmem>>, vector<1000x1xf32>,
    %mul3A = arith.mulf %rsqrt3A, %rsqrt3A : vector<1000x1xf32>
    %swap3A_14 = arith.constant 0 : index
    %swap3A_15 = arith.constant 0 : index
    %swap3A_16 = vector.load %arg4[%swap3A_14, %swap3A_15] : memref<1000x1xf32, #tpu.memory_space<vmem>>, vector<1000x1xf32>
    tpu.vector_store %arg4[%swap3A_14, %swap3A_15], %mul3A {strides = array<i32>} : memref<1000x1xf32, #tpu.memory_space<vmem>>, vector<1000x1xf32>,
    %get3A_17 = arith.constant 0 : index
    %get3A_18 = arith.constant 0 : index
    %get3A_19 = vector.load %arg2[%get3A_17, %get3A_18] : memref<1000x128xf32, #tpu.memory_space<vmem>>, vector<1000x128xf32>
    %mul3A_20 = vector.broadcast %rsqrt3A : vector<1000x1xf32> to vector<1000x128xf32>
    %mul3A_21 = arith.mulf %get3A_19, %mul3A_20 : vector<1000x128xf32>
    %swap3A_22 = arith.constant 0 : index
    %swap3A_23 = arith.constant 0 : index
    %swap3A_24 = vector.load %arg5[%swap3A_22, %swap3A_23] : memref<1000x128xf32, #tpu.memory_space<vmem>>, vector<1000x128xf32>
    tpu.vector_store %arg5[%swap3A_22, %swap3A_23], %mul3A_21 {strides = array<i32>} : memref<1000x128xf32, #tpu.memory_space<vmem>>, vector<1000x128xf32>,
    return
  }
  func.func @transform_0(%arg0: i32) -> (i32, i32, i32) {
    %c0_i32 = arith.constant 0 : i32
    %c0_i32_0 = arith.constant 0 : i32
    %c0_i32_1 = arith.constant 0 : i32
    return %c0_i32, %arg0, %c0_i32_0 : i32, i32, i32
  }
  func.func @transform_1(%arg0: i32) -> (i32, i32) {
    %c0_i32 = arith.constant 0 : i32
    %c0_i32_0 = arith.constant 0 : i32
    return %arg0, %c0_i32 : i32, i32
  }
  func.func @transform_2(%arg0: i32) -> (i32, i32) {
    %c0_i32 = arith.constant 0 : i32
    %c0_i32_0 = arith.constant 0 : i32
    return %arg0, %c0_i32 : i32, i32
  }
  func.func @transform_3(%arg0: i32) -> (i32, i32) {
    %c0_i32 = arith.constant 0 : i32
    %c0_i32_0 = arith.constant 0 : i32
    return %arg0, %c0_i32 : i32, i32
  }
  func.func @transform_4(%arg0: i32) -> (i32, i32) {
    %c0_i32 = arith.constant 0 : i32
    %c0_i32_0 = arith.constant 0 : i32
    return %arg0, %c0_i32 : i32, i32
  }
}

module attributes {stable_mosaic.version = 14 : i64} {
  func.func @tc_final(%arg0: i32, %arg1: memref<2x1000x128xf32, #tpu.memory_space<vmem>>, %arg2: memref<1000x128xf32, #tpu.memory_space<vmem>>, %arg3: memref<1000x1xf32, #tpu.memory_space<vmem>>, %arg4: memref<1000x1xf32, #tpu.memory_space<vmem>>, %arg5: memref<1x64xf32, #tpu.memory_space<vmem>>, %arg6: memref<1000x64xf32, #tpu.memory_space<vmem>>) attributes {dimension_semantics = [#tpu.dimension_semantics<arbitrary>], iteration_bounds = array<i64: 10>, scalar_prefetch = 0 : i64, scratch_operands = 0 : i64, tpu.core_type = #tpu.core_type<tc>, window_params = [{transform_indices = @transform_0, window_bounds = array<i64: 2, 1000, 128>}, {transform_indices = @transform_1, window_bounds = array<i64: 1000, 128>}, {transform_indices = @transform_2, window_bounds = array<i64: 1000, 1>}, {transform_indices = @transform_3, window_bounds = array<i64: 1000, 1>}, {pipeline_mode = #tpu.pipeline_mode<synchronous>, transform_indices = @transform_4, window_bounds = array<i64: 1, 64>}, {transform_indices = @transform_5, window_bounds = array<i64: 1000, 64>}]} {
    %get3A = arith.constant 0 : index
    %get3A_0 = arith.constant 0 : index
    %get3A_1 = arith.constant 0 : index
    %get3A_2 = vector.load %arg1[%get3A, %get3A_0, %get3A_1] : memref<2x1000x128xf32, #tpu.memory_space<vmem>>, vector<1x1000x128xf32>
    %get3A_3 = vector.shape_cast %get3A_2 : vector<1x1000x128xf32> to vector<1000x128xf32>
    %get3A_4 = arith.constant 1 : index
    %get3A_5 = arith.constant 0 : index
    %get3A_6 = arith.constant 0 : index
    %get3A_7 = vector.load %arg1[%get3A_4, %get3A_5, %get3A_6] : memref<2x1000x128xf32, #tpu.memory_space<vmem>>, vector<1x1000x128xf32>
    %get3A_8 = vector.shape_cast %get3A_7 : vector<1x1000x128xf32> to vector<1000x128xf32>
    %add3A = arith.addf %get3A_3, %get3A_8 : vector<1000x128xf32>
    %get3A_9 = arith.constant 0 : index
    %get3A_10 = arith.constant 0 : index
    %get3A_11 = vector.load %arg3[%get3A_9, %get3A_10] : memref<1000x1xf32, #tpu.memory_space<vmem>>, vector<1000x1xf32>
    %mul3A = vector.broadcast %get3A_11 : vector<1000x1xf32> to vector<1000x128xf32>
    %mul3A_12 = arith.mulf %add3A, %mul3A : vector<1000x128xf32>
    %get3A_13 = arith.constant 0 : index
    %get3A_14 = arith.constant 0 : index
    %get3A_15 = vector.load %arg2[%get3A_13, %get3A_14] : memref<1000x128xf32, #tpu.memory_space<vmem>>, vector<1000x128xf32>
    %get3A_16 = arith.constant 0 : index
    %get3A_17 = arith.constant 0 : index
    %get3A_18 = vector.load %arg4[%get3A_16, %get3A_17] : memref<1000x1xf32, #tpu.memory_space<vmem>>, vector<1000x1xf32>
    %mul3A_19 = vector.broadcast %get3A_18 : vector<1000x1xf32> to vector<1000x128xf32>
    %mul3A_20 = arith.mulf %get3A_15, %mul3A_19 : vector<1000x128xf32>
    %add3A_21 = arith.addf %mul3A_12, %mul3A_20 : vector<1000x128xf32>
    %slice3A = vector.extract_strided_slice %add3A_21 {offsets = [0, 0], sizes = [1000, 64], strides = [1, 1]} : vector<1000x128xf32> to vector<1000x64xf32>
    %get3A_22 = arith.constant 0 : index
    %get3A_23 = arith.constant 0 : index
    %get3A_24 = vector.load %arg5[%get3A_22, %get3A_23] : memref<1x64xf32, #tpu.memory_space<vmem>>, vector<1x64xf32>
    %add3A_25 = vector.broadcast %get3A_24 : vector<1x64xf32> to vector<1000x64xf32>
    %add3A_26 = arith.addf %slice3A, %add3A_25 : vector<1000x64xf32>
    %swap3A = arith.constant 0 : index
    %swap3A_27 = arith.constant 0 : index
    %swap3A_28 = vector.load %arg6[%swap3A, %swap3A_27] : memref<1000x64xf32, #tpu.memory_space<vmem>>, vector<1000x64xf32>
    tpu.vector_store %arg6[%swap3A, %swap3A_27], %add3A_26 {strides = array<i32>} : memref<1000x64xf32, #tpu.memory_space<vmem>>, vector<1000x64xf32>,
    return
  }
  func.func @transform_0(%arg0: i32) -> (i32, i32, i32) {
    %c0_i32 = arith.constant 0 : i32
    %c0_i32_0 = arith.constant 0 : i32
    %c0_i32_1 = arith.constant 0 : i32
    return %c0_i32, %arg0, %c0_i32_0 : i32, i32, i32
  }
  func.func @transform_1(%arg0: i32) -> (i32, i32) {
    %c0_i32 = arith.constant 0 : i32
    %c0_i32_0 = arith.constant 0 : i32
    return %arg0, %c0_i32 : i32, i32
  }
  func.func @transform_2(%arg0: i32) -> (i32, i32) {
    %c0_i32 = arith.constant 0 : i32
    %c0_i32_0 = arith.constant 0 : i32
    return %arg0, %c0_i32 : i32, i32
  }
  func.func @transform_3(%arg0: i32) -> (i32, i32) {
    %c0_i32 = arith.constant 0 : i32
    %c0_i32_0 = arith.constant 0 : i32
    return %arg0, %c0_i32 : i32, i32
  }
  func.func @transform_4(%arg0: i32) -> (i32, i32) {
    %c0_i32 = arith.constant 0 : i32
    %c0_i32_0 = arith.constant 0 : i32
    %c0_i32_1 = arith.constant 0 : i32
    return %c0_i32, %c0_i32_0 : i32, i32
  }
  func.func @transform_5(%arg0: i32) -> (i32, i32) {
    %c0_i32 = arith.constant 0 : i32
    %c0_i32_0 = arith.constant 0 : i32
    return %arg0, %c0_i32 : i32, i32
  }
}

</mosaic_0001>

<sc_bundles>
// kernel: sc_degree.3.cloned.1.call-start
scs
__scs_entry_jumppad:
0x0: {  	(pc) =	sbr.rel $0x88, $3  }
0x1: {  	(tag) =	ssettag $0x0;
	lr =	simm.s32 $0x1  }
0x2: {  	[smem:$0x3F99] =	sst lr;
	_ =	strace $0xD0000000  }
0x3: {  	_ = 	snop  }
0x4: {  	_ = 	snop  }
0x5: {  	_ = 	snop  }
0x6: {  	_ = 	snop  }
0x7: {  	_ = 	snop  }
__scs_overlays_trampoline_lowered:
0x8: {  	[smem:$0x3FA8] =	sst s0  }
0x9: {  	[smem:$0x3FA9] =	sst s1  }
0xa: {  	[smem:$0x3FAA] =	sst s2  }
0xb: {  	[smem:$0x3FAB] =	sst s3  }
0xc: {  	[smem:$0x3FAC] =	sst s4  }
0xd: {  	[smem:$0x3FAD] =	sst s5  }
0xe: {  	[smem:$0x3FAE] =	sst s6  }
0xf: {  	[smem:$0x3FAF] =	sst s7  }
0x10: {  	[smem:$0x3FB0] =	sst s8  }
0x11: {  	[smem:$0x3FB1] =	sst s9;
	s0 =	simm.s32 @!p0 $0x0  }
0x12: {  	s1 =	sld [smem:$0x3F97];
	s0 =	simm.s32 @p0 $0x1  }
0x13: {  	[smem:$0x3FB2] =	sst s0;
	s0 =	simm.s32 @!p1 $0x0  }
0x14: {  	s2 =	sld [smem:$0x3F96];
	s0 =	simm.s32 @p1 $0x1  }
0x15: {  	[smem:$0x3FB3] =	sst s0;
	s0 =	simm.s32 @!p2 $0x0  }
0x16: {  	s3 =	sld [smem:$0x3FDB];
	s0 =	simm.s32 @p2 $0x1  }
0x17: {  	s4 =	simm.s32 $0x1BF5;
	[smem:$0x3FB5] =	sst s0  }
0x18: {  	s0 =	sld [smem:$0x3F98];
	_ =	swait.ge [sflag:s4], $0x0  }
0x19: {  	s7 =	sld [smem:$0x3F99]  }
0x1a: {  	s8 =	sadd.s32 $0xFFFFE003, lr  }
0x1b: {  	s9 =	sadd.s32 $0xFFFFFEF7, lr;
	s5 =	simm.s32 $0xFFFFFFFF;
	p2 =	slt.u32 s8, $0xFFFFF086  }
0x1c: {  	p1 =	slt.u32 s9, $0xF7A;
	s5 =	simm.s32 @!p2 $0x0  }
0x1d: {  	s5 =	simm.s32 @p1 $0x1;
	p0 =	seq.s32 s7, s2  }
0x1e: {  	s7 =	smul.u32 @!p0 $0xF7A, s2;
	p2 =	seq.s32 @!p0 s5, $0x0  }
0x1f: {  	s9 =	smul.u32 $0xF7A, s1;
	s8 =	simm.s32 @!p0 $0x1BF5;
	p2 =	por !p2, p0  }
0x20: {  	[sflag:s8] =	ssyncset.s32 @!p0 $0xFFFFF086;
	s6 =	sadd.s32 @!p0 s3, s7;
	s7 =	simm.s32 @!p0 $0x108  }
0x21: {  	s3 =	sadd.s32 s3, s9;
	s6 =	sadd.s32 @!p0 $0x88, s6;
	s7 =	simm.s32 @p2 $0x1082  }
0x22: {  	[simem:s7], [sflag:s8] =	dma.local @!p0 [hbm:s6], $0xF7A  }
0x23: {  	s9 =	sor.u32 $0xD0000000, s2;
	s6 =	simm.s32 $0x108;
	_ =	swait.ge @!p0 [sflag:s8], $0x0  }
0x24: {  	s3 =	sadd.s32 $0x88, s3;
	s6 =	simm.s32 @!p1 $0x1082;
	[sflag:s4] =	ssyncset.s32 $0xFFFFF086  }
0x25: {  	[simem:s6], [sflag:s4] =	dma.local [hbm:s3], $0xF7A  }
0x26: {  	[smem:$0x3F99] =	sst s1;
	(tag) =	ssettag s2;
	_ =	strace s9  }
0x27: {  	s1 =	sld [smem:$0x3FA9]  }
0x28: {  	s2 =	sld [smem:$0x3FAA]  }
0x29: {  	s4 =	sld [smem:$0x3FAC]  }
0x2a: {  	p0 =	seq.s32 s5, $0x0;
	s5 =	sld [smem:$0x3FAD]  }
0x2b: {  	s6 =	sld [smem:$0x3FAE]  }
0x2c: {  	s7 =	sld [smem:$0x3FAF]  }
0x2d: {  	s3 =	simm.s32 $0x108;
	s8 =	sld [smem:$0x3FB0]  }
0x2e: {  	s3 =	simm.s32 @!p0 $0x1082;
	s9 =	sld [smem:$0x3FB1]  }
0x2f: {  	lr =	sadd.s32 s0, s3;
	s0 =	sld [smem:$0x3FA8]  }
0x30: {  	s3 =	sld [smem:$0x3FAB]  }
0x31: {  	[smem:$0x3FB4] =	sst s10  }
0x32: {  	s10 =	sld [smem:$0x3FB2];
	_ =	sdelay $0x3  }
0x33: {  	p0 =	seq.s32 s10, $0x1;
	s10 =	sld [smem:$0x3FB4];
	_ =	sdelay $0x3  }
0x34: {  	[smem:$0x3FB4] =	sst s10  }
0x35: {  	s10 =	sld [smem:$0x3FB3];
	_ =	sdelay $0x3  }
0x36: {  	p1 =	seq.s32 s10, $0x1;
	s10 =	sld [smem:$0x3FB4];
	_ =	sdelay $0x3  }
0x37: {  	[smem:$0x3FB4] =	sst s10  }
0x38: {  	s10 =	sld [smem:$0x3FB5]  }
0x39: {  	_ = 	snop;
	(pc) =	sbr.ind lr, $3  }
0x3a: {  	_ = 	snop  }
0x3b: {  	_ = 	snop  }
0x3c: {  	p2 =	seq.s32 s10, $0x1;
	s10 =	sld [smem:$0x3FB4]  }
0x3d: {  	_ =	shalt  }
0x3e: {  	_ =	shalt  }
0x3f: {  	_ =	shalt  }
0x40: {  	_ =	shalt  }
0x41: {  	_ =	shalt  }
0x42: {  	_ =	shalt  }
0x43: {  	_ =	shalt  }
0x44: {  	_ =	shalt  }
0x45: {  	_ =	shalt  }
0x46: {  	_ =	shalt  }
0x47: {  	_ =	shalt  }
0x48: {  	_ =	shalt  }
0x49: {  	_ =	shalt  }
0x4a: {  	_ =	shalt  }
0x4b: {  	_ =	shalt  }
0x4c: {  	_ =	shalt  }
0x4d: {  	_ =	shalt  }
0x4e: {  	_ =	shalt  }
0x4f: {  	_ =	shalt  }
0x50: {  	_ =	shalt  }
0x51: {  	_ =	shalt  }
0x52: {  	_ =	shalt  }
0x53: {  	_ =	shalt  }
0x54: {  	_ =	shalt  }
0x55: {  	_ =	shalt  }
0x56: {  	_ =	shalt  }
0x57: {  	_ =	shalt  }
0x58: {  	_ =	shalt  }
0x59: {  	_ =	shalt  }
0x5a: {  	_ =	shalt  }
0x5b: {  	_ =	shalt  }
0x5c: {  	_ =	shalt  }
0x5d: {  	_ =	shalt  }
0x5e: {  	_ =	shalt  }
0x5f: {  	_ =	shalt  }
0x60: {  	_ =	shalt  }
0x61: {  	_ =	shalt  }
0x62: {  	_ =	shalt  }
0x63: {  	_ =	shalt  }
0x64: {  	_ =	shalt  }
0x65: {  	_ =	shalt  }
0x66: {  	_ =	shalt  }
0x67: {  	_ =	shalt  }
0x68: {  	_ =	shalt  }
0x69: {  	_ =	shalt  }
0x6a: {  	_ =	shalt  }
0x6b: {  	_ =	shalt  }
0x6c: {  	_ =	shalt  }
0x6d: {  	_ =	shalt  }
0x6e: {  	_ =	shalt  }
0x6f: {  	_ =	shalt  }
0x70: {  	_ =	shalt  }
0x71: {  	_ =	shalt  }
0x72: {  	_ =	shalt  }
0x73: {  	_ =	shalt  }
0x74: {  	_ =	shalt  }
0x75: {  	_ =	shalt  }
0x76: {  	_ =	shalt  }
0x77: {  	_ =	shalt  }
0x78: {  	_ =	shalt  }
0x79: {  	_ =	shalt  }
0x7a: {  	_ =	shalt  }
0x7b: {  	_ =	shalt  }
0x7c: {  	_ =	shalt  }
0x7d: {  	_ =	shalt  }
0x7e: {  	_ =	shalt  }
0x7f: {  	_ =	shalt  }
0x80: {  	_ =	shalt  }
0x81: {  	_ =	shalt  }
0x82: {  	_ =	shalt  }
0x83: {  	_ =	shalt  }
0x84: {  	_ =	shalt  }
0x85: {  	_ =	shalt  }
0x86: {  	_ =	shalt  }
0x87: {  	_ =	shalt  }
.Lfunc_end0:
.L_simem_size_0:
called_computation_lowered:
.L_overlay_start_0:
0x88: {  	s2 =	sld [smem:$0x3FD9]  }
0x89: {  	s3 =	sld [smem:$0x3FFE];
	_ =	sdelay $0x1  }
0x8a: {  	s1 =	srdreg.scid  }
0x8b: {  	s0 =	sand.u32 $0x1, s1  }
0x8c: {  	s16 =	sshll.u32 s0, $0xA;
	s2 =	sadd.s32 s3, s2  }
0x8d: {  	s2 =	sadd.s32 s2, s16  }
0x8e: {  	[smem:$0x3FC0] =	sst s2  }
0x8f: {  	_ = 	snop  }
0x90: {  	(tm) =	ssettm $0x1  }
0x91: {  	s17 =	sld [smem:$0x3FFB];
	_ =	sdelay $0x3  }
0x92: {  	_ =	strace s17  }
0x93: {  	s2 =	sld [smem:$0x3FFC];
	_ =	sdelay $0x3  }
0x94: {  	_ =	strace s2  }
0x95: {  	s2 =	sld [smem:$0x3FFD];
	_ =	sdelay $0x3  }
0x96: {  	_ =	strace s2  }
0x97: {  	_ =	strace $0x8FFFFFFF  }
0x98: {  	s18 =	sld [smem:$0x3FDB];
	_ =	sdelay $0x1  }
0x99: {  	s19 =	simm.s32 $_scs_section_size  }
0x9a: {  	s4 =	simm.s32 $_size__tile_overlayer_lowered;
	s5 =	simm.s32 $_tile_overlayer_lowered  }
0x9b: {  	s22 =	simm.s32 $0x1BFF;
	s21 =	sshll.u32 s5, $0x1;
	s2 =	sadd.s32 s19, s18  }
0x9c: {  	s6 =	simm.s32 $0x0;
	s20 =	sshll.u32 s4, $0x1;
	s4 =	sadd.s32 s21, s2  }
0x9d: {  	[timem:s6], [sflag:s22] =	dma.local [hbm:s4], s20  }
0x9e: {  	_ =	swait.ge [sflag:s22], s20  }
0x9f: {  	s3 =	ssub.s32 $0x0, s20;
	[sflag:s22] =	ssyncset.done $0x0  }
0xa0: {  	[sflag:s22] =	ssyncadd.s32 s3;
	_ =	sdelay $0x1  }
0xa1: {  	s23 =	simm.s32 $0x1B8B  }
0xa2: {  	_ =	swait.ge [sflag:s23], $0x1  }
0xa3: {  	[sflag:s23] =	ssyncset.done $0x0  }
0xa4: {  	s25 =	simm.s32 $0x1B8E;
	s24 =	sld [smem:$0x3FFE];
	[sflag:s23] =	ssyncadd.s32 $0xFFFFFFFF  }
0xa5: {  	s26 =	simm.s32 $execute0_lowered;
	[smem:$0x3FD2] =	sst s25  }
0xa6: {  	s4 =	sshll.u32 s26, $0x1;
	_ =	strace $0x80000046;
	[dreg:$0x1] =	wrdreg $0xFFFFFFFF  }
0xa7: {  	s28 =	simm.s32 $_size_execute0_lowered;
	s2 =	sadd.s32 s2, s4;
	[dreg:$0x0] =	wrdreg $0x0  }
0xa8: {  	s4 =	sshll.u32 s28, $0x1;
	[dreg:$0x2] =	wrdreg s2  }
0xa9: {  	[dreg:$0x3] =	wrdreg s4  }
0xaa: {  	[dreg:$0x4] =	wrdreg $0xC0  }
0xab: {  	_ =	task [dreg:s6], $0x5FFFF  }
0xac: {  	[dreg:$0x1] =	wrdreg $0xFFFFFFFF  }
0xad: {  	[dreg:$0x0] =	wrdreg $0x60  }
0xae: {  	[dreg:$0x2] =	wrdreg s24  }
0xaf: {  	[dreg:$0x3] =	wrdreg $0x0  }
0xb0: {  	[dreg:$0x4] =	wrdreg $0x9  }
0xb1: {  	_ =	task.clear_ibuf [dreg:s6], $0x5FFFF;
	_ =	strace $0x90000046  }
0xb2: {  	s29 =	simm.s32 $0x9;
	_ =	strace $0x80000048  }
0xb3: {  	_ =	swait.ge [sflag:s29], $0x1  }
0xb4: {  	[sflag:s29] =	ssyncadd.s32 $0xFFFFFFFF  }
0xb5: {  	_ =	strace $0x90000048  }
0xb6: {  	_ =	sfence  }
0xb7: {  	s30 =	sld [smem:$0x0];
	_ =	sdelay $0x2  }
0xb8: {  	s31 =	sshll.u32 s1, $0xD;
	s1 =	sshrl.u32 s1, $0x2  }
0xb9: {  	s3 =	sand.u32 $0x4000, s31;
	s1 =	sadd.s32 s1, s30  }
0xba: {  	s0 =	sor.u32 s3, s0;
	s1 =	sshll.u32 s1, $0x11  }
0xbb: {  	s0 =	sor.u32 s1, s0  }
0xbc: {  	s0 =	sadd.s32 $0x8F2B, s0  }
0xbd: {  	[sflag:s0] =	ssyncadd.remote.s32 $0x1  }
0xbe: {  	_ =	sfence.sel $0xFFFF  }
0xbf: {  	[dreg:$0x0] =	wrdreg $0xFFFFFFFF;
	(pc) =	sbr.abs _section_cstart, $3  }
0xc0: {  	[dreg:$0x1] =	wrdreg $0xFFFFFFFF  }
0xc1: {  	_ =	task.clear_ibuf [dreg:s6], $0x2FFFF;
	_ =	strace $0x9FFFFFFF  }
0xc2: {  	(tm) =	ssettm $0x7FFFFFFF  }
0xc3: {  	_ =	shalt  }
tec
execute0_lowered:
.L_overlay_start_1:
0x0: {  	(tag) =	ssettag $0x1  }
0x1: {  	s0 =	rddreg [dreg:$0x0]  }
0x2: {  	s2 =	rddreg [dreg:$0x1];
	s3 =	simm.s32 $0x0;
	s1 =	srdreg.scid  }
0x3: {  	s10 =	stileid.u32;
	s28 =	simm.s32 $0x13A00;
	s29 =	simm.s32 $0x13A80  }
0x4: {  	s30 =	simm.s32 $0x1;
	s31 =	simm.s32 $0x50;
	[smem:$0x7FF] =	sst s3  }
0x5: {  	s1 =	sand.u32 $0x1, s1;
	s4 =	sshll.u32 s10, $0x1;
	s9 =	smul.u32 $0x4F000, s10  }
0x6: {  	s8 =	sadd.s32 $0xD600, s0;
	s11 =	sadd.s32 $0xD000, s0;
	s18 =	smul.u32 $0x4E20, s10  }
0x7: {  	p0 =	seq.s32 s10, $0xF;
	_ =	strace $0x80000047;
	s6 =	smul.u32 $0x27100, s1  }
0x8: {  	s5 =	sor.u32 s1, s4;
	s4 =	sadd.s32 $0x3200, s0;
	[dreg:$0x3] =	wrdreg s8  }
0x9: {  	s7 =	ssub.s32 $0x2, s1;
	[dreg:$0x4] =	wrdreg s11;
	s1 =	smul.u32 $0x2710, s1  }
0xa: {  	s8 =	sadd.s32 $0x128400, s2;
	s5 =	smul.u32 $0x2710, s5;
	s14 =	sshrl.u32 s7, $0x1  }
0xb: {  	s16 =	sshrl.u32 s9, $0x2;
	s0 =	sadd.s32 s6, s0;
	s15 =	ssub.s32 s7, s14  }
0xc: {  	s7 =	sadd.s32 s16, s2;
	s13 =	sadd.s32 s1, s18;
	s18 =	simm.s32 $0x13C80  }
0xd: {  	s14 =	simm.s32 $0x4;
	s17 =	sshrl.u32 s5, $0x3;
	s21 =	smax.u32 s15, $0x1  }
0xe: {  	s22 =	sadd.s32 $0x370, s13;
	s23 =	sadd.s32 $0x320, s13;
	s9 =	sadd.s32 $0x2D0, s13  }
0xf: {  	s15 =	sshrl.u32 @p0 s8, $0x3;
	s19 =	sadd.s32 s4, s17;
	[dreg:$0xa] =	wrdreg s21  }
0x10: {  	s1 =	sshrl.u32 s22, $0x3;
	s24 =	sshrl.u32 s23, $0x3;
	[dreg:$0xe] =	wrdreg s15  }
0x11: {  	s25 =	sshrl.u32 s9, $0x3;
	s17 =	sshrl.u32 @!p0 s7, $0x3;
	[dreg:$0x5] =	wrdreg s19  }
0x12: {  	s23 =	simm.s32 $0x13880;
	s12 =	sadd.s32 $0xA, s19;
	[dreg:$0x10] =	wrdreg s17  }
0x13: {  	s7 =	simm.s32 $0x2;
	s20 =	sadd.s32 $0x14, s19;
	[dreg:$0x6] =	wrdreg s12  }
0x14: {  	s9 =	simm.s32 $0x13B80;
	s11 =	sadd.s32 $0x1E, s19;
	[dreg:$0x7] =	wrdreg s20  }
0x15: {  	s1 =	sadd.s32 s1, s4;
	s26 =	sadd.s32 s25, s4;
	[dreg:$0x8] =	wrdreg s11  }
0x16: {  	s19 =	simm.s32 $0x0;
	s11 =	sadd.s32 $0xFE00, s0;
	[dreg:$0xb] =	wrdreg s1  }
0x17: {  	s0 =	smul.u32 $0x2780, s10;
	s1 =	sadd.s32 s24, s4;
	[dreg:$0xd] =	wrdreg s26  }
.Ltmp0:
0x18: {  	s24 =	simm.s32 $0x13900;
	s26 =	simm.s32 $0x13980;
	(pc) =	sbr.rel .LBB2_1-.Ltmp0, $4  }
0x19: {  	s12 =	simm.s32 $0x9;
	[dreg:$0xc] =	wrdreg s1;
	s1 =	sshll.u32 @!p0 s10, $0x6  }
0x1a: {  	[dreg:$0x9] =	wrdreg s11;
	s10 =	simm.s32 $0x3;
	s0 =	sadd.s32 @!p0 s0, s11  }
0x1b: {  	s16 =	sor.u32 @!p0 $0x1C11, s1;
	s1 =	simm.s32 $0x13B00;
	[dreg:$0x11] =	wrdreg s0  }
0x1c: {  	s11 =	simm.s32 $0x13C00;
	s0 =	simm.s32 $0x5;
	[dreg:$0xf] =	wrdreg s16  }
.LBB2_9:
0x1d: {  	s6 =	simm.s32 $0xA  }
0x1e: {  	_ =	swait.ge [sflag:s6], $0x2800  }
0x1f: {  	[sflag:s6] =	ssyncset.done $0x0  }
0x20: {  	s20 =	simm.s32 $0xB;
	[sflag:s6] =	ssyncadd.s32 $0xFFFFD800  }
0x21: {  	_ =	swait.ge [sflag:s20], $0x2800  }
0x22: {  	[sflag:s20] =	ssyncset.done $0x0  }
0x23: {  	s21 =	simm.s32 $0xC;
	[sflag:s20] =	ssyncadd.s32 $0xFFFFD800  }
0x24: {  	_ =	swait.ge [sflag:s21], $0x2800  }
0x25: {  	[sflag:s21] =	ssyncset.done $0x0  }
0x26: {  	s22 =	simm.s32 $0xD;
	[sflag:s21] =	ssyncadd.s32 $0xFFFFD800  }
0x27: {  	_ =	swait.ge [sflag:s22], $0x2800  }
0x28: {  	[sflag:s22] =	ssyncset.done $0x0  }
0x29: {  	[sflag:s22] =	ssyncadd.s32 $0xFFFFD800  }
0x2a: {  	[bflag:$0x0] =	sbarrier.arrive $0xFFFF  }
0x2b: {  	s6 =	rddreg [dreg:$0x9]  }
0x2c: {  	s8 =	simm.s32 @p0 $0x1FD1;
	s15 =	rddreg [dreg:$0xe];
	s6 =	sadd.s32 @p0 $0x25080, s6  }
0x2d: {  	[hbm:s6], [sflag:s8] =	dma.local @p0 [spmem:s15], $0x2080  }
0x2e: {  	s6 =	simm.s32 @p0 $0x11  }
0x2f: {  	_ =	swait.ge @p0 [sflag:s6], $0x2080  }
0x30: {  	s16 =	rddreg [dreg:$0xf]  }
0x31: {  	[sflag:s6] =	ssyncset.done @p0 $0x0;
	s17 =	rddreg [dreg:$0x10]  }
0x32: {  	[sflag:s6] =	ssyncadd.s32 @p0 $0xFFFFDF80;
	s6 =	rddreg [dreg:$0x11]  }
0x33: {  	[hbm:s6], [sflag:s16] =	dma.local @!p0 [spmem:s17], $0x2780  }
0x34: {  	s6 =	simm.s32 @!p0 $0x11  }
0x35: {  	_ =	swait.ge @!p0 [sflag:s6], $0x2780  }
0x36: {  	s19 =	rddreg [dreg:$0x12]  }
0x37: {  	s25 =	rddreg [dreg:$0xa];
	s19 =	sadd.s32 $0x1, s19  }
0x38: {  	p1 =	sne.s32 s19, s25  }
.Ltmp1:
0x39: {  	_ = 	snop;
	(pc) =	sbr.rel @!p1 .LBB2_10-.Ltmp1, $3  }
0x3a: {  	_ =	sdelay $0x1  }
0x3b: {  	[sflag:s6] =	ssyncset.done @!p0 $0x0  }
0x3c: {  	[sflag:s6] =	ssyncadd.s32 @!p0 $0xFFFFD880  }
.LBB2_1:
0x3d: {  	[dreg:$0x12] =	wrdreg s19  }
0x3e: {  	s6 =	rddreg [dreg:$0x4];
	s19 =	simm.s32 $0x11  }
0x3f: {  	[tilespmem:s18], [sflag:$0x11] =	stream.linear.gather [hbm4b:s6+s3], $0x2800, $0x38;
	[tilespmem:$0x16480] =	vst v63  }
0x40: {  	_ =	swait.ge [sflag:s19], $0x2800  }
0x41: {  	[sflag:s19] =	ssyncset.done $0x0  }
0x42: {  	s6 =	simm.s32 @p0 $0x1FD1;
	s8 =	rddreg [dreg:$0x3];
	[sflag:s19] =	ssyncadd.s32 $0xFFFFD800  }
0x43: {  	[spmem:s15], [sflag:s6] =	dma.local @p0 [hbm:s8], $0x2080  }
0x44: {  	s6 =	simm.s32 @p0 $0x11  }
0x45: {  	_ =	swait.ge @p0 [sflag:s6], $0x2080  }
0x46: {  	[sflag:s6] =	ssyncset.done @p0 $0x0  }
0x47: {  	[sflag:s6] =	ssyncadd.s32 @p0 $0xFFFFDF80;
	s6 =	simm.s32 @!p0 $0x11  }
0x48: {  	[spmem:s17], [sflag:s16] =	dma.local @!p0 [hbm:s8], $0x2780  }
0x49: {  	_ =	swait.ge @!p0 [sflag:s6], $0x2780  }
0x4a: {  	[sflag:s6] =	ssyncset.done @!p0 $0x0  }
0x4b: {  	s20 =	rddreg [dreg:$0x5];
	[sflag:s6] =	ssyncadd.s32 @!p0 $0xFFFFD880  }
0x4c: {  	[tilespmem:s23], [sflag:$0x1] =	stream.linear.gather [hbm4b:s20+s3], $0x50, $0x38;
	[tilespmem:$0x16480] =	vst v63  }
0x4d: {  	s21 =	rddreg [dreg:$0x6]  }
0x4e: {  	[tilespmem:s24], [sflag:$0x2] =	stream.linear.gather [hbm4b:s21+s3], $0x50, $0x38;
	[tilespmem:$0x16480] =	vst v63  }
0x4f: {  	s22 =	rddreg [dreg:$0x7]  }
0x50: {  	[tilespmem:s26], [sflag:$0x3] =	stream.linear.gather [hbm4b:s22+s3], $0x50, $0x38;
	[tilespmem:$0x16480] =	vst v63  }
0x51: {  	s25 =	rddreg [dreg:$0x8]  }
0x52: {  	[tilespmem:s28], [sflag:$0x4] =	stream.linear.gather [hbm4b:s25+s3], $0x50, $0x38;
	[tilespmem:$0x16480] =	vst v63  }
.Ltmp2:
0x53: {  	_ = 	snop;
	(pc) =	sbr.rel .LBB2_2-.Ltmp2, $4  }
0x54: {  	[bflag:$0x0] =	sbarrier.arrive $0xFFFF  }
0x55: {  	s16 =	rddreg [dreg:$0xd]  }
0x56: {  	s19 =	simm.s32 $0x280;
	s17 =	rddreg [dreg:$0xc]  }
0x57: {  	s15 =	simm.s32 $0x7;
	s6 =	simm.s32 $0x0;
	s8 =	rddreg [dreg:$0xb]  }
.LBB2_8:
0x58: {  	_ =	swait.ge [sflag:s14], $0x50  }
0x59: {  	[sflag:s14] =	ssyncset.done $0x0  }
0x5a: {  	p1 =	seq.s32 s15, $0x7F;
	[sflag:s14] =	ssyncadd.s32 $0xFFFFFFB0  }
0x5b: {  	[spmem:s2] =	stream.indirect.scatter.add.f32 [tilespmem:s18], [sflag:$0xC], $0x80, s28, s31, $0xb8;
	[tilespmem:$0x16480] =	vst v63  }
0x5c: {  	s20 =	sadd.s32 @!p1 s19, s13;
	_ =	swait.ge [sflag:s12], $0x2800  }
0x5d: {  	s21 =	simm.s32 @!p1 $0x0;
	s20 =	sshrl.u32 @!p1 s20, $0x3;
	[sflag:s12] =	ssyncset.done $0x0  }
0x5e: {  	s22 =	simm.s32 @!p1 $0x13880;
	s20 =	sadd.s32 @!p1 s4, s20;
	[sflag:s12] =	ssyncadd.s32 $0xFFFFD800  }
0x5f: {  	[tilespmem:s22], [sflag:$0x1] =	stream.linear.gather @!p1 [hbm4b:s20+s21], $0x50, $0x38;
	[tilespmem:$0x16480] =	vst v63  }
0x60: {  	_ =	swait.ge [sflag:s0], $0x50  }
0x61: {  	p1 =	sgt.u32 s6, $0xE;
	[sflag:s0] =	ssyncset.done $0x0  }
0x62: {  	s20 =	simm.s32 @!p1 $0xA;
	[sflag:s0] =	ssyncadd.s32 $0xFFFFFFB0  }
0x63: {  	[spmem:s2] =	stream.indirect.scatter.add.f32 [tilespmem:s18], [sflag:$0xD], $0x80, s29, s31, $0xb8;
	[tilespmem:$0x16480] =	vst v63  }
0x64: {  	_ =	swait.ge @!p1 [sflag:s20], $0x2800  }
0x65: {  	[sflag:s20] =	ssyncset.done @!p1 $0x0  }
0x66: {  	s21 =	simm.s32 @!p1 $0x13900;
	[sflag:s20] =	ssyncadd.s32 @!p1 $0xFFFFD800;
	s20 =	simm.s32 @!p1 $0x0  }
0x67: {  	[tilespmem:s21], [sflag:$0x2] =	stream.linear.gather @!p1 [hbm4b:s16+s20], $0x50, $0x38;
	[tilespmem:$0x16480] =	vst v63  }
0x68: {  	s21 =	simm.s32 @!p1 $0x6  }
0x69: {  	_ =	swait.ge @!p1 [sflag:s21], $0x50  }
0x6a: {  	s22 =	simm.s32 @!p1 $0x13B00;
	[sflag:s21] =	ssyncset.done @!p1 $0x0  }
0x6b: {  	s25 =	simm.s32 @!p1 $0x13C80;
	[sflag:s21] =	ssyncadd.s32 @!p1 $0xFFFFFFB0;
	s21 =	simm.s32 @!p1 $0x50  }
0x6c: {  	[spmem:s2] =	stream.indirect.scatter.add.f32 @!p1 [tilespmem:s25], [sflag:$0xE], $0x80, s22, s21, $0xb8;
	[tilespmem:$0x16480] =	vst v63  }
0x6d: {  	s22 =	simm.s32 @!p1 $0xB  }
0x6e: {  	_ =	swait.ge @!p1 [sflag:s22], $0x2800  }
0x6f: {  	[sflag:s22] =	ssyncset.done @!p1 $0x0  }
0x70: {  	[sflag:s22] =	ssyncadd.s32 @!p1 $0xFFFFD800;
	s22 =	simm.s32 @!p1 $0x13980  }
0x71: {  	[tilespmem:s22], [sflag:$0x3] =	stream.linear.gather @!p1 [hbm4b:s17+s20], $0x50, $0x38;
	[tilespmem:$0x16480] =	vst v63  }
0x72: {  	s22 =	simm.s32 @!p1 $0x7  }
0x73: {  	_ =	swait.ge @!p1 [sflag:s22], $0x50  }
0x74: {  	[sflag:s22] =	ssyncset.done @!p1 $0x0  }
0x75: {  	[sflag:s22] =	ssyncadd.s32 @!p1 $0xFFFFFFB0;
	s22 =	simm.s32 @!p1 $0x13B80  }
0x76: {  	[spmem:s2] =	stream.indirect.scatter.add.f32 @!p1 [tilespmem:s25], [sflag:$0xF], $0x80, s22, s21, $0xb8;
	[tilespmem:$0x16480] =	vst v63  }
0x77: {  	s22 =	simm.s32 @!p1 $0xC  }
0x78: {  	_ =	swait.ge @!p1 [sflag:s22], $0x2800  }
0x79: {  	[sflag:s22] =	ssyncset.done @!p1 $0x0  }
0x7a: {  	[sflag:s22] =	ssyncadd.s32 @!p1 $0xFFFFD800;
	s22 =	simm.s32 @!p1 $0x13A00  }
0x7b: {  	[tilespmem:s22], [sflag:$0x4] =	stream.linear.gather @!p1 [hbm4b:s8+s20], $0x50, $0x38;
	[tilespmem:$0x16480] =	vst v63  }
0x7c: {  	s20 =	simm.s32 @!p1 $0x8  }
0x7d: {  	_ =	swait.ge @!p1 [sflag:s20], $0x50  }
0x7e: {  	[sflag:s20] =	ssyncset.done @!p1 $0x0  }
0x7f: {  	s15 =	sadd.s32 $0x8, s15;
	[sflag:s20] =	ssyncadd.s32 @!p1 $0xFFFFFFB0;
	s20 =	simm.s32 @!p1 $0x13C00  }
0x80: {  	[spmem:s2] =	stream.indirect.scatter.add.f32 @!p1 [tilespmem:s25], [sflag:$0x10], $0x80, s20, s21, $0xb8;
	[tilespmem:$0x16480] =	vst v63  }
0x81: {  	p1 =	sne.s32 s15, $0x87  }
.Ltmp3:
0x82: {  	_ = 	snop;
	(pc) =	sbr.rel @!p1 .LBB2_9-.Ltmp3, $3  }
0x83: {  	_ =	sdelay $0x1  }
0x84: {  	s19 =	sadd.s32 $0x280, s19;
	s6 =	sadd.s32 $0x1, s6  }
0x85: {  	s16 =	sadd.s32 $0x50, s16;
	s17 =	sadd.s32 $0x50, s17;
	s8 =	sadd.s32 $0x50, s8  }
.LBB2_2:
0x86: {  	p1 =	seq.s32 s15, $0x7  }
0x87: {  	s20 =	sadd.s32 @!p1 $0xFFFFFEC0, s19  }
0x88: {  	s21 =	simm.s32 @!p1 $0xD;
	s20 =	simm.s32 @p1 $0x140  }
0x89: {  	_ =	swait.ge @!p1 [sflag:s21], $0x2800;
	s20 =	sadd.s32 s5, s20  }
0x8a: {  	[sflag:s21] =	ssyncset.done @!p1 $0x0;
	s20 =	sshrl.u32 s20, $0x3  }
0x8b: {  	[sflag:s21] =	ssyncadd.s32 @!p1 $0xFFFFD800;
	s20 =	sadd.s32 s4, s20  }
0x8c: {  	[tilespmem:s29], [sflag:$0x5] =	stream.linear.gather [hbm4b:s20+s3], $0x50, $0x38;
	[tilespmem:$0x16480] =	vst v63  }
0x8d: {  	s20 =	sadd.s32 @!p1 $0xFFFFFFFE, s15  }
0x8e: {  	_ =	swait.ge [sflag:s30], $0x50;
	p2 =	sgt.u32 @!p1 s20, $0x7C  }
0x8f: {  	[sflag:s30] =	ssyncset.done $0x0;
	p2 =	por p1, !p2  }
.Ltmp4:
0x90: {  	s21 =	simm.s32 @!p1 $0xE;
	[sflag:s30] =	ssyncadd.s32 $0xFFFFFFB0;
	(pc) =	sbr.rel @!p2 .LBB2_4-.Ltmp4, $4  }
0x91: {  	[spmem:s2] =	stream.indirect.scatter.add.f32 [tilespmem:s18], [sflag:$0x9], $0x80, s23, s31, $0xb8;
	[tilespmem:$0x16480] =	vst v63  }
0x92: {  	_ =	swait.ge @!p1 [sflag:s21], $0x2800  }
0x93: {  	[sflag:s21] =	ssyncset.done @!p1 $0x0  }
0x94: {  	[sflag:s21] =	ssyncadd.s32 @!p1 $0xFFFFD800  }
0x95: {  	s20 =	simm.s32 @p1 $0x5  }
0x96: {  	s20 =	smul.u32 $0x50, s20;
	_ =	sdelay $0x1  }
0x97: {  	s20 =	sadd.s32 s5, s20  }
0x98: {  	s20 =	sshrl.u32 s20, $0x3  }
0x99: {  	s20 =	sadd.s32 s4, s20  }
0x9a: {  	[tilespmem:s1], [sflag:$0x6] =	stream.linear.gather [hbm4b:s20+s3], $0x50, $0x38;
	[tilespmem:$0x16480] =	vst v63  }
.LBB2_4:
0x9b: {  	s20 =	sadd.s32 @!p1 $0xFFFFFFFF, s15  }
0x9c: {  	_ =	swait.ge [sflag:s7], $0x50;
	p2 =	sgt.u32 @!p1 s20, $0x7C  }
0x9d: {  	[sflag:s7] =	ssyncset.done $0x0;
	p2 =	por p1, !p2  }
.Ltmp5:
0x9e: {  	s21 =	simm.s32 @!p1 $0xF;
	[sflag:s7] =	ssyncadd.s32 $0xFFFFFFB0;
	(pc) =	sbr.rel @!p2 .LBB2_6-.Ltmp5, $4  }
0x9f: {  	[spmem:s2] =	stream.indirect.scatter.add.f32 [tilespmem:s18], [sflag:$0xA], $0x80, s24, s31, $0xb8;
	[tilespmem:$0x16480] =	vst v63  }
0xa0: {  	_ =	swait.ge @!p1 [sflag:s21], $0x2800  }
0xa1: {  	[sflag:s21] =	ssyncset.done @!p1 $0x0  }
0xa2: {  	[sflag:s21] =	ssyncadd.s32 @!p1 $0xFFFFD800  }
0xa3: {  	s20 =	simm.s32 @p1 $0x6  }
0xa4: {  	s20 =	smul.u32 $0x50, s20;
	_ =	sdelay $0x1  }
0xa5: {  	s20 =	sadd.s32 s5, s20  }
0xa6: {  	s20 =	sshrl.u32 s20, $0x3  }
0xa7: {  	s20 =	sadd.s32 s4, s20  }
0xa8: {  	[tilespmem:s9], [sflag:$0x7] =	stream.linear.gather [hbm4b:s20+s3], $0x50, $0x38;
	[tilespmem:$0x16480] =	vst v63  }
.LBB2_6:
0xa9: {  	_ =	swait.ge [sflag:s10], $0x50;
	p2 =	sgt.u32 @!p1 s15, $0x7C  }
0xaa: {  	[sflag:s10] =	ssyncset.done $0x0;
	p2 =	por p1, !p2  }
.Ltmp6:
0xab: {  	s20 =	simm.s32 @!p1 $0x10;
	[sflag:s10] =	ssyncadd.s32 $0xFFFFFFB0;
	(pc) =	sbr.rel @!p2 .LBB2_8-.Ltmp6, $4  }
0xac: {  	[spmem:s2] =	stream.indirect.scatter.add.f32 [tilespmem:s18], [sflag:$0xB], $0x80, s26, s31, $0xb8;
	[tilespmem:$0x16480] =	vst v63  }
0xad: {  	_ =	swait.ge @!p1 [sflag:s20], $0x2800  }
0xae: {  	[sflag:s20] =	ssyncset.done @!p1 $0x0  }
0xaf: {  	[sflag:s20] =	ssyncadd.s32 @!p1 $0xFFFFD800  }
0xb0: {  	s20 =	smov.u32 s15  }
0xb1: {  	s20 =	simm.s32 @p1 $0x7  }
0xb2: {  	s20 =	smul.u32 $0x50, s20  }
.Ltmp7:
0xb3: {  	_ = 	snop;
	(pc) =	sbr.rel .LBB2_8-.Ltmp7, $4  }
0xb4: {  	s20 =	sadd.s32 s5, s20  }
0xb5: {  	s20 =	sshrl.u32 s20, $0x3  }
0xb6: {  	s20 =	sadd.s32 s4, s20  }
0xb7: {  	[tilespmem:s11], [sflag:$0x8] =	stream.linear.gather [hbm4b:s20+s3], $0x50, $0x38;
	[tilespmem:$0x16480] =	vst v63  }
.LBB2_10:
0xb8: {  	_ =	sfence.sel $0x180000  }
0xb9: {  	[bflag:$0x0] =	sbarrier.arrive $0xFFFF  }
0xba: {  	_ =	strace $0x90000047  }
0xbb: {  	s0 =	stileid.u32;
	[bflag:$0x2] =	sbarrier.arrive $0xFFFF  }
0xbc: {  	p0 =	sne.s32 s0, $0x0;
	s0 =	rddreg [dreg:$0x2]  }
0xbd: {  	s0 =	sadd.s32 @!p0 $0x100000, s0  }
0xbe: {  	[sflag:s0] =	ssyncadd.tile.s32 @!p0 $0x1;
	_ =	shalt  }
.Lfunc_end2:
_tile_overlayer_lowered:
.L_overlay_start_2:
0xbf: {  	(tag) =	ssettag $0x2  }
0xc0: {  	s0 =	rddreg [dreg:$0x0];
	s2 =	stileid.u32  }
0xc1: {  	s1 =	rddreg [dreg:$0x1];
	p0 =	sne.s32 s2, $0x0  }
0xc2: {  	s3 =	rddreg [dreg:$0x2];
	[bflag:$0x3] =	sbarrier.arrive $0xFFFF;
	s2 =	simm.s32 @!p0 $0x1C11  }
0xc3: {  	[timem:s3], [sflag:s2] =	dma.local @!p0 [hbm:s0], s1  }
0xc4: {  	s0 =	simm.s32 @!p0 $0x11  }
0xc5: {  	_ =	swait.ge @!p0 [sflag:s0], s1  }
0xc6: {  	s1 =	ssub.s32 @!p0 $0x0, s1;
	[sflag:s0] =	ssyncset.done @!p0 $0x0  }
0xc7: {  	[sflag:s0] =	ssyncadd.s32 @!p0 s1  }
0xc8: {  	[bflag:$0x3] =	sbarrier.arrive $0xFFFF  }
0xc9: {  	_ =	shalt  }

// kernel: sc_edge_agg_128.11.cloned.1.call-start
scs
__scs_entry_jumppad:
0x0: {  	(pc) =	sbr.rel $0x88, $3  }
0x1: {  	(tag) =	ssettag $0x0;
	lr =	simm.s32 $0x1  }
0x2: {  	[smem:$0x3F99] =	sst lr;
	_ =	strace $0xD0000000  }
0x3: {  	_ = 	snop  }
0x4: {  	_ = 	snop  }
0x5: {  	_ = 	snop  }
0x6: {  	_ = 	snop  }
0x7: {  	_ = 	snop  }
__scs_overlays_trampoline_lowered:
0x8: {  	[smem:$0x3FA8] =	sst s0  }
0x9: {  	[smem:$0x3FA9] =	sst s1  }
0xa: {  	[smem:$0x3FAA] =	sst s2  }
0xb: {  	[smem:$0x3FAB] =	sst s3  }
0xc: {  	[smem:$0x3FAC] =	sst s4  }
0xd: {  	[smem:$0x3FAD] =	sst s5  }
0xe: {  	[smem:$0x3FAE] =	sst s6  }
0xf: {  	[smem:$0x3FAF] =	sst s7  }
0x10: {  	[smem:$0x3FB0] =	sst s8  }
0x11: {  	[smem:$0x3FB1] =	sst s9;
	s0 =	simm.s32 @!p0 $0x0  }
0x12: {  	s1 =	sld [smem:$0x3F97];
	s0 =	simm.s32 @p0 $0x1  }
0x13: {  	[smem:$0x3FB2] =	sst s0;
	s0 =	simm.s32 @!p1 $0x0  }
0x14: {  	s2 =	sld [smem:$0x3F96];
	s0 =	simm.s32 @p1 $0x1  }
0x15: {  	[smem:$0x3FB3] =	sst s0;
	s0 =	simm.s32 @!p2 $0x0  }
0x16: {  	s3 =	sld [smem:$0x3FDB];
	s0 =	simm.s32 @p2 $0x1  }
0x17: {  	s4 =	simm.s32 $0x1BF5;
	[smem:$0x3FB5] =	sst s0  }
0x18: {  	s0 =	sld [smem:$0x3F98];
	_ =	swait.ge [sflag:s4], $0x0  }
0x19: {  	s7 =	sld [smem:$0x3F99]  }
0x1a: {  	s8 =	sadd.s32 $0xFFFFE003, lr  }
0x1b: {  	s9 =	sadd.s32 $0xFFFFFEF7, lr;
	s5 =	simm.s32 $0xFFFFFFFF;
	p2 =	slt.u32 s8, $0xFFFFF086  }
0x1c: {  	p1 =	slt.u32 s9, $0xF7A;
	s5 =	simm.s32 @!p2 $0x0  }
0x1d: {  	s5 =	simm.s32 @p1 $0x1;
	p0 =	seq.s32 s7, s2  }
0x1e: {  	s7 =	smul.u32 @!p0 $0xF7A, s2;
	p2 =	seq.s32 @!p0 s5, $0x0  }
0x1f: {  	s9 =	smul.u32 $0xF7A, s1;
	s8 =	simm.s32 @!p0 $0x1BF5;
	p2 =	por !p2, p0  }
0x20: {  	[sflag:s8] =	ssyncset.s32 @!p0 $0xFFFFF086;
	s6 =	sadd.s32 @!p0 s3, s7;
	s7 =	simm.s32 @!p0 $0x108  }
0x21: {  	s3 =	sadd.s32 s3, s9;
	s6 =	sadd.s32 @!p0 $0x88, s6;
	s7 =	simm.s32 @p2 $0x1082  }
0x22: {  	[simem:s7], [sflag:s8] =	dma.local @!p0 [hbm:s6], $0xF7A  }
0x23: {  	s9 =	sor.u32 $0xD0000000, s2;
	s6 =	simm.s32 $0x108;
	_ =	swait.ge @!p0 [sflag:s8], $0x0  }
0x24: {  	s3 =	sadd.s32 $0x88, s3;
	s6 =	simm.s32 @!p1 $0x1082;
	[sflag:s4] =	ssyncset.s32 $0xFFFFF086  }
0x25: {  	[simem:s6], [sflag:s4] =	dma.local [hbm:s3], $0xF7A  }
0x26: {  	[smem:$0x3F99] =	sst s1;
	(tag) =	ssettag s2;
	_ =	strace s9  }
0x27: {  	s1 =	sld [smem:$0x3FA9]  }
0x28: {  	s2 =	sld [smem:$0x3FAA]  }
0x29: {  	s4 =	sld [smem:$0x3FAC]  }
0x2a: {  	p0 =	seq.s32 s5, $0x0;
	s5 =	sld [smem:$0x3FAD]  }
0x2b: {  	s6 =	sld [smem:$0x3FAE]  }
0x2c: {  	s7 =	sld [smem:$0x3FAF]  }
0x2d: {  	s3 =	simm.s32 $0x108;
	s8 =	sld [smem:$0x3FB0]  }
0x2e: {  	s3 =	simm.s32 @!p0 $0x1082;
	s9 =	sld [smem:$0x3FB1]  }
0x2f: {  	lr =	sadd.s32 s0, s3;
	s0 =	sld [smem:$0x3FA8]  }
0x30: {  	s3 =	sld [smem:$0x3FAB]  }
0x31: {  	[smem:$0x3FB4] =	sst s10  }
0x32: {  	s10 =	sld [smem:$0x3FB2];
	_ =	sdelay $0x3  }
0x33: {  	p0 =	seq.s32 s10, $0x1;
	s10 =	sld [smem:$0x3FB4];
	_ =	sdelay $0x3  }
0x34: {  	[smem:$0x3FB4] =	sst s10  }
0x35: {  	s10 =	sld [smem:$0x3FB3];
	_ =	sdelay $0x3  }
0x36: {  	p1 =	seq.s32 s10, $0x1;
	s10 =	sld [smem:$0x3FB4];
	_ =	sdelay $0x3  }
0x37: {  	[smem:$0x3FB4] =	sst s10  }
0x38: {  	s10 =	sld [smem:$0x3FB5]  }
0x39: {  	_ = 	snop;
	(pc) =	sbr.ind lr, $3  }
0x3a: {  	_ = 	snop  }
0x3b: {  	_ = 	snop  }
0x3c: {  	p2 =	seq.s32 s10, $0x1;
	s10 =	sld [smem:$0x3FB4]  }
0x3d: {  	_ =	shalt  }
0x3e: {  	_ =	shalt  }
0x3f: {  	_ =	shalt  }
0x40: {  	_ =	shalt  }
0x41: {  	_ =	shalt  }
0x42: {  	_ =	shalt  }
0x43: {  	_ =	shalt  }
0x44: {  	_ =	shalt  }
0x45: {  	_ =	shalt  }
0x46: {  	_ =	shalt  }
0x47: {  	_ =	shalt  }
0x48: {  	_ =	shalt  }
0x49: {  	_ =	shalt  }
0x4a: {  	_ =	shalt  }
0x4b: {  	_ =	shalt  }
0x4c: {  	_ =	shalt  }
0x4d: {  	_ =	shalt  }
0x4e: {  	_ =	shalt  }
0x4f: {  	_ =	shalt  }
0x50: {  	_ =	shalt  }
0x51: {  	_ =	shalt  }
0x52: {  	_ =	shalt  }
0x53: {  	_ =	shalt  }
0x54: {  	_ =	shalt  }
0x55: {  	_ =	shalt  }
0x56: {  	_ =	shalt  }
0x57: {  	_ =	shalt  }
0x58: {  	_ =	shalt  }
0x59: {  	_ =	shalt  }
0x5a: {  	_ =	shalt  }
0x5b: {  	_ =	shalt  }
0x5c: {  	_ =	shalt  }
0x5d: {  	_ =	shalt  }
0x5e: {  	_ =	shalt  }
0x5f: {  	_ =	shalt  }
0x60: {  	_ =	shalt  }
0x61: {  	_ =	shalt  }
0x62: {  	_ =	shalt  }
0x63: {  	_ =	shalt  }
0x64: {  	_ =	shalt  }
0x65: {  	_ =	shalt  }
0x66: {  	_ =	shalt  }
0x67: {  	_ =	shalt  }
0x68: {  	_ =	shalt  }
0x69: {  	_ =	shalt  }
0x6a: {  	_ =	shalt  }
0x6b: {  	_ =	shalt  }
0x6c: {  	_ =	shalt  }
0x6d: {  	_ =	shalt  }
0x6e: {  	_ =	shalt  }
0x6f: {  	_ =	shalt  }
0x70: {  	_ =	shalt  }
0x71: {  	_ =	shalt  }
0x72: {  	_ =	shalt  }
0x73: {  	_ =	shalt  }
0x74: {  	_ =	shalt  }
0x75: {  	_ =	shalt  }
0x76: {  	_ =	shalt  }
0x77: {  	_ =	shalt  }
0x78: {  	_ =	shalt  }
0x79: {  	_ =	shalt  }
0x7a: {  	_ =	shalt  }
0x7b: {  	_ =	shalt  }
0x7c: {  	_ =	shalt  }
0x7d: {  	_ =	shalt  }
0x7e: {  	_ =	shalt  }
0x7f: {  	_ =	shalt  }
0x80: {  	_ =	shalt  }
0x81: {  	_ =	shalt  }
0x82: {  	_ =	shalt  }
0x83: {  	_ =	shalt  }
0x84: {  	_ =	shalt  }
0x85: {  	_ =	shalt  }
0x86: {  	_ =	shalt  }
0x87: {  	_ =	shalt  }
.Lfunc_end0:
.L_simem_size_0:
called_computation.3_lowered:
.L_overlay_start_0:
0x88: {  	s2 =	sld [smem:$0x3FD9]  }
0x89: {  	s3 =	sld [smem:$0x3FFE];
	_ =	sdelay $0x1  }
0x8a: {  	s1 =	srdreg.scid  }
0x8b: {  	s0 =	sand.u32 $0x1, s1  }
0x8c: {  	s17 =	sshll.u32 s0, $0xA;
	s2 =	sadd.s32 s3, s2  }
0x8d: {  	s2 =	sadd.s32 s2, s17  }
0x8e: {  	[smem:$0x3FC0] =	sst s2  }
0x8f: {  	_ = 	snop  }
0x90: {  	s2 =	sld [smem:$0x3FD0];
	(tm) =	ssettm $0x1  }
0x91: {  	s18 =	sld [smem:$0x3FFB];
	_ =	sdelay $0x3  }
0x92: {  	_ =	strace s18  }
0x93: {  	s3 =	sld [smem:$0x3FFC];
	_ =	sdelay $0x3  }
0x94: {  	_ =	strace s3  }
0x95: {  	s3 =	sld [smem:$0x3FFD];
	_ =	sdelay $0x3  }
0x96: {  	_ =	strace s3  }
0x97: {  	_ =	strace $0x8FFFFFFF  }
0x98: {  	s19 =	sld [smem:$0x3FDB];
	_ =	sdelay $0x1  }
0x99: {  	s4 =	simm.s32 $_scs_section_size  }
0x9a: {  	s5 =	simm.s32 $_size__tile_overlayer_lowered;
	s6 =	simm.s32 $_tile_overlayer_lowered  }
0x9b: {  	s22 =	simm.s32 $0x1BFF;
	s21 =	sshll.u32 s6, $0x1;
	s3 =	sadd.s32 s4, s19  }
0x9c: {  	s7 =	simm.s32 $0x0;
	s20 =	sshll.u32 s5, $0x1;
	s5 =	sadd.s32 s21, s3  }
0x9d: {  	[timem:s7], [sflag:s22] =	dma.local [hbm:s5], s20  }
0x9e: {  	_ =	swait.ge [sflag:s22], s20  }
0x9f: {  	s4 =	ssub.s32 $0x0, s20;
	[sflag:s22] =	ssyncset.done $0x0  }
0xa0: {  	[sflag:s22] =	ssyncadd.s32 s4;
	_ =	sdelay $0x1  }
0xa1: {  	s23 =	simm.s32 $0x1B8B  }
0xa2: {  	_ =	swait.ge [sflag:s23], $0x1  }
0xa3: {  	[sflag:s23] =	ssyncset.done $0x0  }
0xa4: {  	s25 =	simm.s32 $0x1B8E;
	s24 =	sld [smem:$0x3FFE];
	[sflag:s23] =	ssyncadd.s32 $0xFFFFFFFF  }
0xa5: {  	s26 =	simm.s32 $execute0_lowered;
	[smem:$0x3FD2] =	sst s25  }
0xa6: {  	s5 =	sshll.u32 s26, $0x1;
	_ =	strace $0x8000004F;
	[dreg:$0x1] =	wrdreg $0xFFFFFFFF  }
0xa7: {  	s28 =	simm.s32 $_size_execute0_lowered;
	s3 =	sadd.s32 s3, s5;
	[dreg:$0x0] =	wrdreg $0x0  }
0xa8: {  	s5 =	sshll.u32 s28, $0x1;
	[dreg:$0x2] =	wrdreg s3  }
0xa9: {  	[dreg:$0x3] =	wrdreg s5  }
0xaa: {  	[dreg:$0x4] =	wrdreg $0xC0  }
0xab: {  	_ =	task [dreg:s7], $0x5FFFF  }
0xac: {  	[dreg:$0x1] =	wrdreg $0xFFFFFFFF  }
0xad: {  	[dreg:$0x0] =	wrdreg $0x60  }
0xae: {  	[dreg:$0x2] =	wrdreg s24  }
0xaf: {  	[dreg:$0x3] =	wrdreg s2  }
0xb0: {  	[dreg:$0x4] =	wrdreg $0x0  }
0xb1: {  	[dreg:$0x5] =	wrdreg $0x9  }
0xb2: {  	_ =	task.clear_ibuf [dreg:s7], $0x6FFFF;
	_ =	strace $0x9000004F  }
0xb3: {  	s29 =	simm.s32 $0x9;
	_ =	strace $0x80000051  }
0xb4: {  	_ =	swait.ge [sflag:s29], $0x1  }
0xb5: {  	[sflag:s29] =	ssyncadd.s32 $0xFFFFFFFF  }
0xb6: {  	_ =	strace $0x90000051  }
0xb7: {  	_ =	sfence  }
0xb8: {  	s30 =	sld [smem:$0x0];
	_ =	sdelay $0x2  }
0xb9: {  	s31 =	sshll.u32 s1, $0xD;
	s1 =	sshrl.u32 s1, $0x2  }
0xba: {  	s3 =	sand.u32 $0x4000, s31;
	s1 =	sadd.s32 s1, s30  }
0xbb: {  	s0 =	sor.u32 s3, s0;
	s1 =	sshll.u32 s1, $0x11  }
0xbc: {  	s0 =	sor.u32 s1, s0  }
0xbd: {  	s0 =	sadd.s32 $0x8F2B, s0  }
0xbe: {  	[sflag:s0] =	ssyncadd.remote.s32 $0x1  }
0xbf: {  	_ =	sfence.sel $0xFFFF  }
0xc0: {  	[dreg:$0x0] =	wrdreg $0xFFFFFFFF;
	(pc) =	sbr.abs _section_cstart, $3  }
0xc1: {  	[dreg:$0x1] =	wrdreg $0xFFFFFFFF  }
0xc2: {  	_ =	task.clear_ibuf [dreg:s7], $0x2FFFF;
	_ =	strace $0x9FFFFFFF  }
0xc3: {  	(tm) =	ssettm $0x7FFFFFFF  }
tec
execute0_lowered:
.L_overlay_start_1:
0x0: {  	(tag) =	ssettag $0x1  }
0x1: {  	s0 =	rddreg [dreg:$0x0]  }
0x2: {  	s10 =	rddreg [dreg:$0x1]  }
0x3: {  	s2 =	rddreg [dreg:$0x2];
	s3 =	simm.s32 $0x0;
	s1 =	srdreg.scid  }
0x4: {  	s11 =	stileid.u32;
	s29 =	simm.s32 $0x2;
	s30 =	simm.s32 $0x16680  }
0x5: {  	s31 =	simm.s32 $0xA;
	[smem:$0x7FF] =	sst s3;
	s5 =	sadd.s32 $0xFE00, s0  }
0x6: {  	s1 =	sand.u32 $0x1, s1;
	s12 =	sadd.s32 $0x3200, s0;
	s8 =	smul.u32 $0x4F000, s11  }
0x7: {  	s6 =	sshll.u32 s11, $0x1;
	s9 =	sadd.s32 $0xD600, s0;
	s25 =	smul.u32 $0x4E20, s11  }
0x8: {  	p0 =	seq.s32 s11, $0xF;
	_ =	strace $0x80000050;
	s4 =	smul.u32 $0x27100, s1  }
0x9: {  	s7 =	ssub.s32 $0x2, s1;
	s6 =	sor.u32 s1, s6;
	[dreg:$0x5] =	wrdreg s9  }
0xa: {  	s1 =	smul.u32 $0x2710, s1;
	[dreg:$0x4] =	wrdreg s12;
	s9 =	simm.s32 $0x13980  }
0xb: {  	s22 =	sshrl.u32 s7, $0x1;
	s6 =	smul.u32 $0x2710, s6;
	s24 =	sshrl.u32 s8, $0x2  }
0xc: {  	s0 =	sadd.s32 s4, s0;
	s23 =	ssub.s32 s7, s22;
	s7 =	sadd.s32 s24, s2  }
0xd: {  	s1 =	sadd.s32 s1, s25;
	[dreg:$0x6] =	wrdreg s7;
	s6 =	sshrl.u32 s6, $0x3  }
0xe: {  	s16 =	sadd.s32 $0x280, s1;
	s4 =	smax.u32 s23, $0x1;
	s17 =	sadd.s32 $0x230, s1  }
0xf: {  	s20 =	sadd.s32 $0x190, s1;
	s21 =	sadd.s32 $0x1E0, s1;
	s22 =	sadd.s32 $0x140, s1  }
0x10: {  	s1 =	sadd.s32 $0xF0, s1;
	s7 =	simm.s32 $0x7;
	s26 =	sadd.s32 s10, s6  }
0x11: {  	s28 =	sadd.s32 $0xA, s6;
	s13 =	sadd.s32 s12, s6;
	[dreg:$0xe] =	wrdreg s4  }
0x12: {  	s6 =	sadd.s32 $0x14, s6;
	s19 =	sshrl.u32 s17, $0x3;
	[dreg:$0x13] =	wrdreg s21  }
0x13: {  	s24 =	sshrl.u32 s22, $0x3;
	s21 =	simm.s32 $0x13D80;
	[dreg:$0x7] =	wrdreg s26  }
0x14: {  	s22 =	simm.s32 $0x18E80;
	[dreg:$0x8] =	wrdreg s13;
	s14 =	sadd.s32 s10, s28  }
0x15: {  	s17 =	simm.s32 $0xC;
	s8 =	sadd.s32 s12, s28;
	[dreg:$0x9] =	wrdreg s14  }
0x16: {  	s15 =	sadd.s32 s10, s6;
	s6 =	sadd.s32 s12, s6;
	[dreg:$0xa] =	wrdreg s8  }
0x17: {  	s4 =	sadd.s32 s19, s12;
	s25 =	sadd.s32 s24, s12;
	[dreg:$0xb] =	wrdreg s15  }
0x18: {  	s26 =	sshrl.u32 s1, $0x3;
	s28 =	sadd.s32 $0x128400, s2;
	[dreg:$0xc] =	wrdreg s6  }
0x19: {  	s13 =	simm.s32 $0x1;
	s6 =	sadd.s32 $0x5E200, s0;
	[dreg:$0x11] =	wrdreg s4  }
0x1a: {  	s0 =	sshrl.u32 s16, $0x3;
	s4 =	smul.u32 $0x2780, s11;
	[dreg:$0x16] =	wrdreg s25  }
0x1b: {  	s1 =	sadd.s32 s26, s12;
	[dreg:$0x1b] =	wrdreg s28;
	s11 =	simm.s32 $0x13A00  }
0x1c: {  	s14 =	simm.s32 $0x50;
	s16 =	simm.s32 $0x13E80;
	[dreg:$0x18] =	wrdreg s1  }
0x1d: {  	s18 =	sadd.s32 s0, s12;
	s0 =	sadd.s32 s0, s10;
	[dreg:$0xd] =	wrdreg s6  }
0x1e: {  	s15 =	simm.s32 $0x13A80;
	[dreg:$0x10] =	wrdreg s0;
	s0 =	sadd.s32 s19, s10  }
0x1f: {  	s8 =	simm.s32 $0xB;
	[dreg:$0x12] =	wrdreg s0;
	s0 =	sshrl.u32 s20, $0x3  }
0x20: {  	s1 =	simm.s32 $0x3;
	[dreg:$0xf] =	wrdreg s18;
	s23 =	sadd.s32 s0, s12  }
0x21: {  	s18 =	simm.s32 $0x6;
	s0 =	sadd.s32 s0, s10;
	[dreg:$0x14] =	wrdreg s23  }
.Ltmp0:
0x22: {  	s12 =	simm.s32 $0x13D00;
	[dreg:$0x15] =	wrdreg s0;
	(pc) =	sbr.rel .LBB2_1-.Ltmp0, $4  }
0x23: {  	s0 =	sadd.s32 s24, s10;
	s23 =	simm.s32 $0x8;
	s24 =	simm.s32 $0x0  }
0x24: {  	[dreg:$0x17] =	wrdreg s0;
	s0 =	sadd.s32 s26, s10;
	s10 =	simm.s32 $0x13C80  }
0x25: {  	[dreg:$0x19] =	wrdreg s0;
	s0 =	sadd.s32 @!p0 s4, s6;
	s4 =	simm.s32 $0x9  }
0x26: {  	s6 =	simm.s32 $0x5;
	[dreg:$0x1a] =	wrdreg s0;
	s0 =	simm.s32 $0x4  }
.LBB2_4:
0x27: {  	_ =	swait.ge [sflag:s23], $0x2800  }
0x28: {  	[sflag:s23] =	ssyncset.done $0x0  }
0x29: {  	[sflag:s23] =	ssyncadd.s32 $0xFFFFD800  }
0x2a: {  	[spmem:s2] =	stream.indirect.scatter.add.f32 [tilespmem:s30], [sflag:$0xB], $0x80, s21, s14, $0xb8;
	[tilespmem:$0x1B680] =	vst v63  }
0x2b: {  	_ =	swait.ge [sflag:s17], $0x2800  }
0x2c: {  	[sflag:s17] =	ssyncset.done $0x0  }
0x2d: {  	[sflag:s17] =	ssyncadd.s32 $0xFFFFD800  }
0x2e: {  	_ =	swait.ge [sflag:s31], $0x2800  }
0x2f: {  	[sflag:s31] =	ssyncset.done $0x0  }
0x30: {  	[sflag:s31] =	ssyncadd.s32 $0xFFFFD800  }
0x31: {  	_ =	swait.ge [sflag:s8], $0x2800  }
0x32: {  	[sflag:s8] =	ssyncset.done $0x0  }
0x33: {  	[sflag:s8] =	ssyncadd.s32 $0xFFFFD800  }
0x34: {  	[bflag:$0x0] =	sbarrier.arrive $0xFFFF  }
0x35: {  	s19 =	rddreg [dreg:$0xd]  }
0x36: {  	s20 =	simm.s32 @p0 $0x1FCD;
	s24 =	rddreg [dreg:$0x1d];
	s19 =	sadd.s32 @p0 $0x25080, s19  }
0x37: {  	[hbm:s19], [sflag:s20] =	dma.local @p0 [spmem:s24], $0x2080  }
0x38: {  	s19 =	simm.s32 @p0 $0xD  }
0x39: {  	_ =	swait.ge @p0 [sflag:s19], $0x2080  }
0x3a: {  	s20 =	rddreg [dreg:$0x1e]  }
0x3b: {  	[sflag:s19] =	ssyncset.done @p0 $0x0;
	s24 =	rddreg [dreg:$0x1f]  }
0x3c: {  	[sflag:s19] =	ssyncadd.s32 @p0 $0xFFFFDF80;
	s19 =	rddreg [dreg:$0x1a]  }
0x3d: {  	[hbm:s19], [sflag:s20] =	dma.local @!p0 [spmem:s24], $0x2780  }
0x3e: {  	s19 =	simm.s32 @!p0 $0xD  }
0x3f: {  	_ =	swait.ge @!p0 [sflag:s19], $0x2780  }
0x40: {  	s26 =	rddreg [dreg:$0x1c]  }
0x41: {  	s28 =	rddreg [dreg:$0xe];
	s24 =	sadd.s32 $0x1, s26  }
0x42: {  	p1 =	sne.s32 s24, s28  }
.Ltmp1:
0x43: {  	_ = 	snop;
	(pc) =	sbr.rel @!p1 .LBB2_5-.Ltmp1, $3  }
0x44: {  	_ =	sdelay $0x1  }
0x45: {  	[sflag:s19] =	ssyncset.done @!p0 $0x0  }
0x46: {  	[sflag:s19] =	ssyncadd.s32 @!p0 $0xFFFFD880  }
.LBB2_1:
0x47: {  	[dreg:$0x1c] =	wrdreg s24  }
0x48: {  	s19 =	rddreg [dreg:$0x1b]  }
0x49: {  	s24 =	rddreg [dreg:$0x5];
	s20 =	sshrl.u32 @p0 s19, $0x3  }
0x4a: {  	s19 =	simm.s32 @p0 $0x1FCD;
	[dreg:$0x1d] =	wrdreg s20  }
0x4b: {  	[spmem:s20], [sflag:s19] =	dma.local @p0 [hbm:s24], $0x2080  }
0x4c: {  	s19 =	simm.s32 @p0 $0xD  }
0x4d: {  	s20 =	stileid.u32;
	_ =	swait.ge @p0 [sflag:s19], $0x2080  }
0x4e: {  	s20 =	sshll.u32 @!p0 s20, $0x6;
	[sflag:s19] =	ssyncset.done @p0 $0x0  }
0x4f: {  	s20 =	sor.u32 @!p0 $0x1C0D, s20;
	[sflag:s19] =	ssyncadd.s32 @p0 $0xFFFFDF80;
	s19 =	rddreg [dreg:$0x6]  }
0x50: {  	[dreg:$0x1e] =	wrdreg s20;
	s19 =	sshrl.u32 @!p0 s19, $0x3  }
0x51: {  	[dreg:$0x1f] =	wrdreg s19  }
0x52: {  	[spmem:s19], [sflag:s20] =	dma.local @!p0 [hbm:s24], $0x2780  }
0x53: {  	s19 =	simm.s32 @!p0 $0xD  }
0x54: {  	_ =	swait.ge @!p0 [sflag:s19], $0x2780  }
0x55: {  	[sflag:s19] =	ssyncset.done @!p0 $0x0  }
0x56: {  	s28 =	simm.s32 $0x13880;
	s26 =	rddreg [dreg:$0x7];
	[sflag:s19] =	ssyncadd.s32 @!p0 $0xFFFFD880  }
0x57: {  	[tilespmem:s28], [sflag:$0x1] =	stream.linear.gather [hbm4b:s26+s3], $0x50, $0x38;
	[tilespmem:$0x1B680] =	vst v63  }
0x58: {  	s25 =	simm.s32 $0x13B80;
	s24 =	rddreg [dreg:$0x8]  }
0x59: {  	[tilespmem:s25], [sflag:$0x1] =	stream.linear.gather [hbm4b:s24+s3], $0x50, $0x38;
	[tilespmem:$0x1B680] =	vst v63  }
0x5a: {  	s26 =	rddreg [dreg:$0x9];
	s28 =	simm.s32 $0x13900  }
0x5b: {  	[tilespmem:s28], [sflag:$0x2] =	stream.linear.gather [hbm4b:s26+s3], $0x50, $0x38;
	[tilespmem:$0x1B680] =	vst v63  }
0x5c: {  	s24 =	rddreg [dreg:$0xa];
	s25 =	simm.s32 $0x13C00  }
0x5d: {  	[tilespmem:s25], [sflag:$0x2] =	stream.linear.gather [hbm4b:s24+s3], $0x50, $0x38;
	[tilespmem:$0x1B680] =	vst v63  }
0x5e: {  	s26 =	rddreg [dreg:$0xb]  }
0x5f: {  	[tilespmem:s9], [sflag:$0x3] =	stream.linear.gather [hbm4b:s26+s3], $0x50, $0x38;
	[tilespmem:$0x1B680] =	vst v63  }
0x60: {  	s28 =	rddreg [dreg:$0xc]  }
0x61: {  	[tilespmem:s10], [sflag:$0x3] =	stream.linear.gather [hbm4b:s28+s3], $0x50, $0x38;
	[tilespmem:$0x1B680] =	vst v63  }
0x62: {  	[bflag:$0x0] =	sbarrier.arrive $0xFFFF  }
0x63: {  	s20 =	simm.s32 $0x0;
	s19 =	rddreg [dreg:$0x13]  }
.LBB2_2:
0x64: {  	p1 =	seq.s32 s20, $0x0  }
0x65: {  	s24 =	simm.s32 @!p1 $0xA  }
0x66: {  	_ =	swait.ge @!p1 [sflag:s24], $0x2800  }
0x67: {  	[sflag:s24] =	ssyncset.done @!p1 $0x0;
	s26 =	rddreg [dreg:$0x19]  }
0x68: {  	s28 =	rddreg [dreg:$0x18];
	[sflag:s24] =	ssyncadd.s32 @!p1 $0xFFFFD800;
	s24 =	sadd.s32 s20, s26  }
0x69: {  	[tilespmem:s11], [sflag:$0x4] =	stream.linear.gather [hbm4b:s24+s3], $0x50, $0x38;
	[tilespmem:$0x1B680] =	vst v63  }
0x6a: {  	s24 =	sadd.s32 s20, s28  }
0x6b: {  	[tilespmem:s12], [sflag:$0x4] =	stream.linear.gather [hbm4b:s24+s3], $0x50, $0x38;
	[tilespmem:$0x1B680] =	vst v63  }
0x6c: {  	_ =	swait.ge [sflag:s13], $0x50  }
0x6d: {  	[sflag:s13] =	ssyncset.done $0x0  }
0x6e: {  	[sflag:s13] =	ssyncadd.s32 $0xFFFFFFB0  }
0x6f: {  	_ =	swait.ge [sflag:s13], $0x50  }
0x70: {  	[sflag:s13] =	ssyncset.done $0x0  }
0x71: {  	s25 =	simm.s32 $0x13880;
	s24 =	simm.s32 @!p1 $0x9;
	[sflag:s13] =	ssyncadd.s32 $0xFFFFFFB0  }
0x72: {  	[tilespmem:s16], [sflag:$0x7] =	stream.indirect.gather [hbm4b:s5+s14], $0x80, s25, s14, $0xb8;
	[tilespmem:$0x1B680] =	vst v63  }
0x73: {  	_ =	swait.ge @!p1 [sflag:s24], $0x2800  }
0x74: {  	s26 =	simm.s32 @!p1 $0x18E80;
	[sflag:s24] =	ssyncset.done @!p1 $0x0  }
0x75: {  	s25 =	simm.s32 @!p1 $0x13E00;
	[sflag:s24] =	ssyncadd.s32 @!p1 $0xFFFFD800;
	s24 =	simm.s32 @!p1 $0x50  }
0x76: {  	[spmem:s2] =	stream.indirect.scatter.add.f32 @!p1 [tilespmem:s26], [sflag:$0xC], $0x80, s25, s24, $0xb8;
	[tilespmem:$0x1B680] =	vst v63  }
0x77: {  	s24 =	simm.s32 @!p1 $0xB  }
0x78: {  	_ =	swait.ge @!p1 [sflag:s24], $0x2800  }
0x79: {  	[sflag:s24] =	ssyncset.done @!p1 $0x0;
	s26 =	rddreg [dreg:$0x17]  }
0x7a: {  	s28 =	rddreg [dreg:$0x16];
	[sflag:s24] =	ssyncadd.s32 @!p1 $0xFFFFD800;
	s24 =	sadd.s32 s20, s26  }
0x7b: {  	[tilespmem:s15], [sflag:$0x5] =	stream.linear.gather [hbm4b:s24+s3], $0x50, $0x38;
	[tilespmem:$0x1B680] =	vst v63  }
0x7c: {  	s24 =	sadd.s32 s20, s28  }
0x7d: {  	[tilespmem:s21], [sflag:$0x5] =	stream.linear.gather [hbm4b:s24+s3], $0x50, $0x38;
	[tilespmem:$0x1B680] =	vst v63  }
0x7e: {  	_ =	swait.ge [sflag:s29], $0x50  }
0x7f: {  	[sflag:s29] =	ssyncset.done $0x0  }
0x80: {  	[sflag:s29] =	ssyncadd.s32 $0xFFFFFFB0  }
0x81: {  	_ =	swait.ge [sflag:s29], $0x50  }
0x82: {  	[sflag:s29] =	ssyncset.done $0x0  }
0x83: {  	s25 =	simm.s32 $0x13900;
	[sflag:s29] =	ssyncadd.s32 $0xFFFFFFB0  }
0x84: {  	[tilespmem:s30], [sflag:$0x8] =	stream.indirect.gather [hbm4b:s5+s14], $0x80, s25, s14, $0xb8;
	[tilespmem:$0x1B680] =	vst v63  }
0x85: {  	_ =	swait.ge [sflag:s7], $0x2800  }
0x86: {  	[sflag:s7] =	ssyncset.done $0x0  }
0x87: {  	s26 =	simm.s32 $0x13B80;
	s24 =	simm.s32 @!p1 $0xC;
	[sflag:s7] =	ssyncadd.s32 $0xFFFFD800  }
0x88: {  	[spmem:s2] =	stream.indirect.scatter.add.f32 [tilespmem:s16], [sflag:$0xA], $0x80, s26, s14, $0xb8;
	[tilespmem:$0x1B680] =	vst v63  }
0x89: {  	p2 =	seq.s32 @!p1 s20, $0x4B0;
	_ =	swait.ge @!p1 [sflag:s24], $0x2800  }
0x8a: {  	p2 =	por p1, !p2;
	[sflag:s24] =	ssyncset.done @!p1 $0x0  }
0x8b: {  	[sflag:s24] =	ssyncadd.s32 @!p1 $0xFFFFD800;
	s24 =	rddreg @p2 [dreg:$0x15]  }
0x8c: {  	s25 =	simm.s32 @p2 $0x13B00;
	s24 =	sadd.s32 @p2 s20, s24  }
0x8d: {  	[tilespmem:s25], [sflag:$0x6] =	stream.linear.gather @p2 [hbm4b:s24+s3], $0x50, $0x38;
	[tilespmem:$0x1B680] =	vst v63  }
0x8e: {  	s24 =	rddreg @p2 [dreg:$0x14]  }
0x8f: {  	s25 =	simm.s32 @p2 $0x13E00;
	s24 =	sadd.s32 @p2 s20, s24  }
0x90: {  	[tilespmem:s25], [sflag:$0x6] =	stream.linear.gather @p2 [hbm4b:s24+s3], $0x50, $0x38;
	[tilespmem:$0x1B680] =	vst v63  }
0x91: {  	_ =	swait.ge [sflag:s1], $0x50  }
0x92: {  	[sflag:s1] =	ssyncset.done $0x0  }
0x93: {  	[sflag:s1] =	ssyncadd.s32 $0xFFFFFFB0  }
0x94: {  	_ =	swait.ge [sflag:s1], $0x50  }
0x95: {  	[sflag:s1] =	ssyncset.done $0x0  }
0x96: {  	[sflag:s1] =	ssyncadd.s32 $0xFFFFFFB0  }
0x97: {  	[tilespmem:s22], [sflag:$0x9] =	stream.indirect.gather [hbm4b:s5+s14], $0x80, s9, s14, $0xb8;
	[tilespmem:$0x1B680] =	vst v63  }
0x98: {  	_ =	swait.ge [sflag:s23], $0x2800  }
0x99: {  	[sflag:s23] =	ssyncset.done $0x0  }
0x9a: {  	s28 =	simm.s32 $0x13C00;
	[sflag:s23] =	ssyncadd.s32 $0xFFFFD800  }
0x9b: {  	[spmem:s2] =	stream.indirect.scatter.add.f32 [tilespmem:s30], [sflag:$0xB], $0x80, s28, s14, $0xb8;
	[tilespmem:$0x1B680] =	vst v63  }
0x9c: {  	_ =	swait.ge [sflag:s31], $0x2800  }
0x9d: {  	[sflag:s31] =	ssyncset.done $0x0  }
0x9e: {  	p1 =	seq.s32 s20, $0x4B0;
	[sflag:s31] =	ssyncadd.s32 $0xFFFFD800  }
0x9f: {  	s24 =	sshrl.u32 @!p1 s19, $0x3;
	s25 =	rddreg [dreg:$0x1]  }
0xa0: {  	s26 =	simm.s32 @!p1 $0x0;
	s28 =	simm.s32 @!p1 $0x13880;
	s25 =	sadd.s32 @!p1 s25, s24  }
0xa1: {  	[tilespmem:s28], [sflag:$0x1] =	stream.linear.gather @!p1 [hbm4b:s25+s26], $0x50, $0x38;
	[tilespmem:$0x1B680] =	vst v63  }
0xa2: {  	s25 =	rddreg [dreg:$0x4]  }
0xa3: {  	s24 =	sadd.s32 @!p1 s25, s24;
	s25 =	simm.s32 @!p1 $0x13B80  }
0xa4: {  	[tilespmem:s25], [sflag:$0x1] =	stream.linear.gather @!p1 [hbm4b:s24+s26], $0x50, $0x38;
	[tilespmem:$0x1B680] =	vst v63  }
0xa5: {  	_ =	swait.ge [sflag:s0], $0x50  }
0xa6: {  	[sflag:s0] =	ssyncset.done $0x0  }
0xa7: {  	[sflag:s0] =	ssyncadd.s32 $0xFFFFFFB0  }
0xa8: {  	_ =	swait.ge [sflag:s0], $0x50  }
0xa9: {  	[sflag:s0] =	ssyncset.done $0x0  }
0xaa: {  	[sflag:s0] =	ssyncadd.s32 $0xFFFFFFB0  }
0xab: {  	[tilespmem:s16], [sflag:$0x7] =	stream.indirect.gather [hbm4b:s5+s14], $0x80, s11, s14, $0xb8;
	[tilespmem:$0x1B680] =	vst v63  }
0xac: {  	_ =	swait.ge [sflag:s4], $0x2800  }
0xad: {  	[sflag:s4] =	ssyncset.done $0x0  }
0xae: {  	[sflag:s4] =	ssyncadd.s32 $0xFFFFD800  }
0xaf: {  	[spmem:s2] =	stream.indirect.scatter.add.f32 [tilespmem:s22], [sflag:$0xC], $0x80, s10, s14, $0xb8;
	[tilespmem:$0x1B680] =	vst v63  }
0xb0: {  	_ =	swait.ge [sflag:s8], $0x2800  }
0xb1: {  	[sflag:s8] =	ssyncset.done $0x0;
	s24 =	rddreg [dreg:$0x12]  }
0xb2: {  	s25 =	simm.s32 @!p1 $0x13900;
	[sflag:s8] =	ssyncadd.s32 $0xFFFFD800;
	s24 =	sadd.s32 @!p1 s20, s24  }
0xb3: {  	[tilespmem:s25], [sflag:$0x2] =	stream.linear.gather @!p1 [hbm4b:s24+s26], $0x50, $0x38;
	[tilespmem:$0x1B680] =	vst v63  }
0xb4: {  	s24 =	rddreg [dreg:$0x11]  }
0xb5: {  	s25 =	simm.s32 @!p1 $0x13C00;
	s24 =	sadd.s32 @!p1 s20, s24  }
0xb6: {  	[tilespmem:s25], [sflag:$0x2] =	stream.linear.gather @!p1 [hbm4b:s24+s26], $0x50, $0x38;
	[tilespmem:$0x1B680] =	vst v63  }
0xb7: {  	_ =	swait.ge [sflag:s6], $0x50  }
0xb8: {  	[sflag:s6] =	ssyncset.done $0x0  }
0xb9: {  	[sflag:s6] =	ssyncadd.s32 $0xFFFFFFB0  }
0xba: {  	_ =	swait.ge [sflag:s6], $0x50  }
0xbb: {  	[sflag:s6] =	ssyncset.done $0x0  }
0xbc: {  	[sflag:s6] =	ssyncadd.s32 $0xFFFFFFB0  }
0xbd: {  	[tilespmem:s30], [sflag:$0x8] =	stream.indirect.gather [hbm4b:s5+s14], $0x80, s15, s14, $0xb8;
	[tilespmem:$0x1B680] =	vst v63  }
.Ltmp2:
0xbe: {  	_ = 	snop;
	(pc) =	sbr.rel @p1 .LBB2_4-.Ltmp2, $4  }
0xbf: {  	_ =	swait.ge [sflag:s7], $0x2800  }
0xc0: {  	[sflag:s7] =	ssyncset.done $0x0  }
0xc1: {  	[sflag:s7] =	ssyncadd.s32 $0xFFFFD800  }
0xc2: {  	[spmem:s2] =	stream.indirect.scatter.add.f32 [tilespmem:s16], [sflag:$0xA], $0x80, s12, s14, $0xb8;
	[tilespmem:$0x1B680] =	vst v63  }
0xc3: {  	_ =	swait.ge [sflag:s17], $0x2800  }
0xc4: {  	[sflag:s17] =	ssyncset.done $0x0;
	s24 =	rddreg [dreg:$0x10]  }
0xc5: {  	s26 =	rddreg [dreg:$0xf];
	[sflag:s17] =	ssyncadd.s32 $0xFFFFD800;
	s24 =	sadd.s32 s20, s24  }
0xc6: {  	[tilespmem:s9], [sflag:$0x3] =	stream.linear.gather [hbm4b:s24+s3], $0x50, $0x38;
	[tilespmem:$0x1B680] =	vst v63  }
0xc7: {  	s24 =	sadd.s32 s20, s26  }
0xc8: {  	[tilespmem:s10], [sflag:$0x3] =	stream.linear.gather [hbm4b:s24+s3], $0x50, $0x38;
	[tilespmem:$0x1B680] =	vst v63  }
0xc9: {  	_ =	swait.ge [sflag:s18], $0x50  }
0xca: {  	[sflag:s18] =	ssyncset.done $0x0  }
0xcb: {  	[sflag:s18] =	ssyncadd.s32 $0xFFFFFFB0  }
0xcc: {  	_ =	swait.ge [sflag:s18], $0x50  }
0xcd: {  	[sflag:s18] =	ssyncset.done $0x0  }
0xce: {  	s28 =	simm.s32 $0x13B00;
	[sflag:s18] =	ssyncadd.s32 $0xFFFFFFB0  }
0xcf: {  	[tilespmem:s22], [sflag:$0x9] =	stream.indirect.gather [hbm4b:s5+s14], $0x80, s28, s14, $0xb8;
	[tilespmem:$0x1B680] =	vst v63  }
.Ltmp3:
0xd0: {  	_ = 	snop;
	(pc) =	sbr.rel .LBB2_2-.Ltmp3, $4  }
0xd1: {  	_ =	swait.ge [sflag:s23], $0x2800  }
0xd2: {  	[sflag:s23] =	ssyncset.done $0x0  }
0xd3: {  	s19 =	sadd.s32 $0x1E0, s19;
	s20 =	sadd.s32 $0x3C, s20;
	[sflag:s23] =	ssyncadd.s32 $0xFFFFD800  }
0xd4: {  	[spmem:s2] =	stream.indirect.scatter.add.f32 [tilespmem:s30], [sflag:$0xB], $0x80, s21, s14, $0xb8;
	[tilespmem:$0x1B680] =	vst v63  }
.LBB2_5:
0xd5: {  	_ =	sfence.sel $0x180000  }
0xd6: {  	[bflag:$0x0] =	sbarrier.arrive $0xFFFF  }
0xd7: {  	_ =	strace $0x90000050  }
0xd8: {  	s0 =	stileid.u32;
	[bflag:$0x2] =	sbarrier.arrive $0xFFFF  }
0xd9: {  	p0 =	sne.s32 s0, $0x0;
	s0 =	rddreg [dreg:$0x3]  }
0xda: {  	s0 =	sadd.s32 @!p0 $0x100000, s0  }
0xdb: {  	[sflag:s0] =	ssyncadd.tile.s32 @!p0 $0x1;
	_ =	shalt  }
.Lfunc_end2:
_tile_overlayer_lowered:
.L_overlay_start_2:
0xdc: {  	(tag) =	ssettag $0x2  }
0xdd: {  	s0 =	rddreg [dreg:$0x0];
	s2 =	stileid.u32  }
0xde: {  	s1 =	rddreg [dreg:$0x1];
	p0 =	sne.s32 s2, $0x0  }
0xdf: {  	s3 =	rddreg [dreg:$0x2];
	[bflag:$0x3] =	sbarrier.arrive $0xFFFF;
	s2 =	simm.s32 @!p0 $0x1C0D  }
0xe0: {  	[timem:s3], [sflag:s2] =	dma.local @!p0 [hbm:s0], s1  }
0xe1: {  	s0 =	simm.s32 @!p0 $0xD  }
0xe2: {  	_ =	swait.ge @!p0 [sflag:s0], s1  }
0xe3: {  	s1 =	ssub.s32 @!p0 $0x0, s1;
	[sflag:s0] =	ssyncset.done @!p0 $0x0  }
0xe4: {  	[sflag:s0] =	ssyncadd.s32 @!p0 s1  }
0xe5: {  	[bflag:$0x3] =	sbarrier.arrive $0xFFFF  }
0xe6: {  	_ =	shalt  }

// kernel: sc_edge_agg_128.5.cloned.1.call-start
scs
__scs_entry_jumppad:
0x0: {  	(pc) =	sbr.rel $0x88, $3  }
0x1: {  	(tag) =	ssettag $0x0;
	lr =	simm.s32 $0x1  }
0x2: {  	[smem:$0x3F99] =	sst lr;
	_ =	strace $0xD0000000  }
0x3: {  	_ = 	snop  }
0x4: {  	_ = 	snop  }
0x5: {  	_ = 	snop  }
0x6: {  	_ = 	snop  }
0x7: {  	_ = 	snop  }
__scs_overlays_trampoline_lowered:
0x8: {  	[smem:$0x3FA8] =	sst s0  }
0x9: {  	[smem:$0x3FA9] =	sst s1  }
0xa: {  	[smem:$0x3FAA] =	sst s2  }
0xb: {  	[smem:$0x3FAB] =	sst s3  }
0xc: {  	[smem:$0x3FAC] =	sst s4  }
0xd: {  	[smem:$0x3FAD] =	sst s5  }
0xe: {  	[smem:$0x3FAE] =	sst s6  }
0xf: {  	[smem:$0x3FAF] =	sst s7  }
0x10: {  	[smem:$0x3FB0] =	sst s8  }
0x11: {  	[smem:$0x3FB1] =	sst s9;
	s0 =	simm.s32 @!p0 $0x0  }
0x12: {  	s1 =	sld [smem:$0x3F97];
	s0 =	simm.s32 @p0 $0x1  }
0x13: {  	[smem:$0x3FB2] =	sst s0;
	s0 =	simm.s32 @!p1 $0x0  }
0x14: {  	s2 =	sld [smem:$0x3F96];
	s0 =	simm.s32 @p1 $0x1  }
0x15: {  	[smem:$0x3FB3] =	sst s0;
	s0 =	simm.s32 @!p2 $0x0  }
0x16: {  	s3 =	sld [smem:$0x3FDB];
	s0 =	simm.s32 @p2 $0x1  }
0x17: {  	s4 =	simm.s32 $0x1BF5;
	[smem:$0x3FB5] =	sst s0  }
0x18: {  	s0 =	sld [smem:$0x3F98];
	_ =	swait.ge [sflag:s4], $0x0  }
0x19: {  	s7 =	sld [smem:$0x3F99]  }
0x1a: {  	s8 =	sadd.s32 $0xFFFFE003, lr  }
0x1b: {  	s9 =	sadd.s32 $0xFFFFFEF7, lr;
	s5 =	simm.s32 $0xFFFFFFFF;
	p2 =	slt.u32 s8, $0xFFFFF086  }
0x1c: {  	p1 =	slt.u32 s9, $0xF7A;
	s5 =	simm.s32 @!p2 $0x0  }
0x1d: {  	s5 =	simm.s32 @p1 $0x1;
	p0 =	seq.s32 s7, s2  }
0x1e: {  	s7 =	smul.u32 @!p0 $0xF7A, s2;
	p2 =	seq.s32 @!p0 s5, $0x0  }
0x1f: {  	s9 =	smul.u32 $0xF7A, s1;
	s8 =	simm.s32 @!p0 $0x1BF5;
	p2 =	por !p2, p0  }
0x20: {  	[sflag:s8] =	ssyncset.s32 @!p0 $0xFFFFF086;
	s6 =	sadd.s32 @!p0 s3, s7;
	s7 =	simm.s32 @!p0 $0x108  }
0x21: {  	s3 =	sadd.s32 s3, s9;
	s6 =	sadd.s32 @!p0 $0x88, s6;
	s7 =	simm.s32 @p2 $0x1082  }
0x22: {  	[simem:s7], [sflag:s8] =	dma.local @!p0 [hbm:s6], $0xF7A  }
0x23: {  	s9 =	sor.u32 $0xD0000000, s2;
	s6 =	simm.s32 $0x108;
	_ =	swait.ge @!p0 [sflag:s8], $0x0  }
0x24: {  	s3 =	sadd.s32 $0x88, s3;
	s6 =	simm.s32 @!p1 $0x1082;
	[sflag:s4] =	ssyncset.s32 $0xFFFFF086  }
0x25: {  	[simem:s6], [sflag:s4] =	dma.local [hbm:s3], $0xF7A  }
0x26: {  	[smem:$0x3F99] =	sst s1;
	(tag) =	ssettag s2;
	_ =	strace s9  }
0x27: {  	s1 =	sld [smem:$0x3FA9]  }
0x28: {  	s2 =	sld [smem:$0x3FAA]  }
0x29: {  	s4 =	sld [smem:$0x3FAC]  }
0x2a: {  	p0 =	seq.s32 s5, $0x0;
	s5 =	sld [smem:$0x3FAD]  }
0x2b: {  	s6 =	sld [smem:$0x3FAE]  }
0x2c: {  	s7 =	sld [smem:$0x3FAF]  }
0x2d: {  	s3 =	simm.s32 $0x108;
	s8 =	sld [smem:$0x3FB0]  }
0x2e: {  	s3 =	simm.s32 @!p0 $0x1082;
	s9 =	sld [smem:$0x3FB1]  }
0x2f: {  	lr =	sadd.s32 s0, s3;
	s0 =	sld [smem:$0x3FA8]  }
0x30: {  	s3 =	sld [smem:$0x3FAB]  }
0x31: {  	[smem:$0x3FB4] =	sst s10  }
0x32: {  	s10 =	sld [smem:$0x3FB2];
	_ =	sdelay $0x3  }
0x33: {  	p0 =	seq.s32 s10, $0x1;
	s10 =	sld [smem:$0x3FB4];
	_ =	sdelay $0x3  }
0x34: {  	[smem:$0x3FB4] =	sst s10  }
0x35: {  	s10 =	sld [smem:$0x3FB3];
	_ =	sdelay $0x3  }
0x36: {  	p1 =	seq.s32 s10, $0x1;
	s10 =	sld [smem:$0x3FB4];
	_ =	sdelay $0x3  }
0x37: {  	[smem:$0x3FB4] =	sst s10  }
0x38: {  	s10 =	sld [smem:$0x3FB5]  }
0x39: {  	_ = 	snop;
	(pc) =	sbr.ind lr, $3  }
0x3a: {  	_ = 	snop  }
0x3b: {  	_ = 	snop  }
0x3c: {  	p2 =	seq.s32 s10, $0x1;
	s10 =	sld [smem:$0x3FB4]  }
0x3d: {  	_ =	shalt  }
0x3e: {  	_ =	shalt  }
0x3f: {  	_ =	shalt  }
0x40: {  	_ =	shalt  }
0x41: {  	_ =	shalt  }
0x42: {  	_ =	shalt  }
0x43: {  	_ =	shalt  }
0x44: {  	_ =	shalt  }
0x45: {  	_ =	shalt  }
0x46: {  	_ =	shalt  }
0x47: {  	_ =	shalt  }
0x48: {  	_ =	shalt  }
0x49: {  	_ =	shalt  }
0x4a: {  	_ =	shalt  }
0x4b: {  	_ =	shalt  }
0x4c: {  	_ =	shalt  }
0x4d: {  	_ =	shalt  }
0x4e: {  	_ =	shalt  }
0x4f: {  	_ =	shalt  }
0x50: {  	_ =	shalt  }
0x51: {  	_ =	shalt  }
0x52: {  	_ =	shalt  }
0x53: {  	_ =	shalt  }
0x54: {  	_ =	shalt  }
0x55: {  	_ =	shalt  }
0x56: {  	_ =	shalt  }
0x57: {  	_ =	shalt  }
0x58: {  	_ =	shalt  }
0x59: {  	_ =	shalt  }
0x5a: {  	_ =	shalt  }
0x5b: {  	_ =	shalt  }
0x5c: {  	_ =	shalt  }
0x5d: {  	_ =	shalt  }
0x5e: {  	_ =	shalt  }
0x5f: {  	_ =	shalt  }
0x60: {  	_ =	shalt  }
0x61: {  	_ =	shalt  }
0x62: {  	_ =	shalt  }
0x63: {  	_ =	shalt  }
0x64: {  	_ =	shalt  }
0x65: {  	_ =	shalt  }
0x66: {  	_ =	shalt  }
0x67: {  	_ =	shalt  }
0x68: {  	_ =	shalt  }
0x69: {  	_ =	shalt  }
0x6a: {  	_ =	shalt  }
0x6b: {  	_ =	shalt  }
0x6c: {  	_ =	shalt  }
0x6d: {  	_ =	shalt  }
0x6e: {  	_ =	shalt  }
0x6f: {  	_ =	shalt  }
0x70: {  	_ =	shalt  }
0x71: {  	_ =	shalt  }
0x72: {  	_ =	shalt  }
0x73: {  	_ =	shalt  }
0x74: {  	_ =	shalt  }
0x75: {  	_ =	shalt  }
0x76: {  	_ =	shalt  }
0x77: {  	_ =	shalt  }
0x78: {  	_ =	shalt  }
0x79: {  	_ =	shalt  }
0x7a: {  	_ =	shalt  }
0x7b: {  	_ =	shalt  }
0x7c: {  	_ =	shalt  }
0x7d: {  	_ =	shalt  }
0x7e: {  	_ =	shalt  }
0x7f: {  	_ =	shalt  }
0x80: {  	_ =	shalt  }
0x81: {  	_ =	shalt  }
0x82: {  	_ =	shalt  }
0x83: {  	_ =	shalt  }
0x84: {  	_ =	shalt  }
0x85: {  	_ =	shalt  }
0x86: {  	_ =	shalt  }
0x87: {  	_ =	shalt  }
.Lfunc_end0:
.L_simem_size_0:
called_computation.1_lowered:
.L_overlay_start_0:
0x88: {  	s2 =	sld [smem:$0x3FD9]  }
0x89: {  	s3 =	sld [smem:$0x3FFE];
	_ =	sdelay $0x1  }
0x8a: {  	s1 =	srdreg.scid  }
0x8b: {  	s0 =	sand.u32 $0x1, s1  }
0x8c: {  	s17 =	sshll.u32 s0, $0xA;
	s2 =	sadd.s32 s3, s2  }
0x8d: {  	s2 =	sadd.s32 s2, s17  }
0x8e: {  	[smem:$0x3FC0] =	sst s2  }
0x8f: {  	_ = 	snop  }
0x90: {  	s2 =	sld [smem:$0x3FD0];
	(tm) =	ssettm $0x1  }
0x91: {  	s18 =	sld [smem:$0x3FFB];
	_ =	sdelay $0x3  }
0x92: {  	_ =	strace s18  }
0x93: {  	s3 =	sld [smem:$0x3FFC];
	_ =	sdelay $0x3  }
0x94: {  	_ =	strace s3  }
0x95: {  	s3 =	sld [smem:$0x3FFD];
	_ =	sdelay $0x3  }
0x96: {  	_ =	strace s3  }
0x97: {  	_ =	strace $0x8FFFFFFF  }
0x98: {  	s19 =	sld [smem:$0x3FDB];
	_ =	sdelay $0x1  }
0x99: {  	s4 =	simm.s32 $_scs_section_size  }
0x9a: {  	s5 =	simm.s32 $_size__tile_overlayer_lowered;
	s6 =	simm.s32 $_tile_overlayer_lowered  }
0x9b: {  	s22 =	simm.s32 $0x1BFF;
	s21 =	sshll.u32 s6, $0x1;
	s3 =	sadd.s32 s4, s19  }
0x9c: {  	s7 =	simm.s32 $0x0;
	s20 =	sshll.u32 s5, $0x1;
	s5 =	sadd.s32 s21, s3  }
0x9d: {  	[timem:s7], [sflag:s22] =	dma.local [hbm:s5], s20  }
0x9e: {  	_ =	swait.ge [sflag:s22], s20  }
0x9f: {  	s4 =	ssub.s32 $0x0, s20;
	[sflag:s22] =	ssyncset.done $0x0  }
0xa0: {  	[sflag:s22] =	ssyncadd.s32 s4;
	_ =	sdelay $0x1  }
0xa1: {  	s23 =	simm.s32 $0x1B8B  }
0xa2: {  	_ =	swait.ge [sflag:s23], $0x1  }
0xa3: {  	[sflag:s23] =	ssyncset.done $0x0  }
0xa4: {  	s25 =	simm.s32 $0x1B8E;
	s24 =	sld [smem:$0x3FFE];
	[sflag:s23] =	ssyncadd.s32 $0xFFFFFFFF  }
0xa5: {  	s26 =	simm.s32 $execute0_lowered;
	[smem:$0x3FD2] =	sst s25  }
0xa6: {  	s5 =	sshll.u32 s26, $0x1;
	_ =	strace $0x80000049;
	[dreg:$0x1] =	wrdreg $0xFFFFFFFF  }
0xa7: {  	s28 =	simm.s32 $_size_execute0_lowered;
	s3 =	sadd.s32 s3, s5;
	[dreg:$0x0] =	wrdreg $0x0  }
0xa8: {  	s5 =	sshll.u32 s28, $0x1;
	[dreg:$0x2] =	wrdreg s3  }
0xa9: {  	[dreg:$0x3] =	wrdreg s5  }
0xaa: {  	[dreg:$0x4] =	wrdreg $0xC0  }
0xab: {  	_ =	task [dreg:s7], $0x5FFFF  }
0xac: {  	[dreg:$0x1] =	wrdreg $0xFFFFFFFF  }
0xad: {  	[dreg:$0x0] =	wrdreg $0x60  }
0xae: {  	[dreg:$0x2] =	wrdreg s24  }
0xaf: {  	[dreg:$0x3] =	wrdreg s2  }
0xb0: {  	[dreg:$0x4] =	wrdreg $0x0  }
0xb1: {  	[dreg:$0x5] =	wrdreg $0x9  }
0xb2: {  	_ =	task.clear_ibuf [dreg:s7], $0x6FFFF;
	_ =	strace $0x90000049  }
0xb3: {  	s29 =	simm.s32 $0x9;
	_ =	strace $0x8000004B  }
0xb4: {  	_ =	swait.ge [sflag:s29], $0x1  }
0xb5: {  	[sflag:s29] =	ssyncadd.s32 $0xFFFFFFFF  }
0xb6: {  	_ =	strace $0x9000004B  }
0xb7: {  	_ =	sfence  }
0xb8: {  	s30 =	sld [smem:$0x0];
	_ =	sdelay $0x2  }
0xb9: {  	s31 =	sshll.u32 s1, $0xD;
	s1 =	sshrl.u32 s1, $0x2  }
0xba: {  	s3 =	sand.u32 $0x4000, s31;
	s1 =	sadd.s32 s1, s30  }
0xbb: {  	s0 =	sor.u32 s3, s0;
	s1 =	sshll.u32 s1, $0x11  }
0xbc: {  	s0 =	sor.u32 s1, s0  }
0xbd: {  	s0 =	sadd.s32 $0x8F2B, s0  }
0xbe: {  	[sflag:s0] =	ssyncadd.remote.s32 $0x1  }
0xbf: {  	_ =	sfence.sel $0xFFFF  }
0xc0: {  	[dreg:$0x0] =	wrdreg $0xFFFFFFFF;
	(pc) =	sbr.abs _section_cstart, $3  }
0xc1: {  	[dreg:$0x1] =	wrdreg $0xFFFFFFFF  }
0xc2: {  	_ =	task.clear_ibuf [dreg:s7], $0x2FFFF;
	_ =	strace $0x9FFFFFFF  }
0xc3: {  	(tm) =	ssettm $0x7FFFFFFF  }
tec
execute0_lowered:
.L_overlay_start_1:
0x0: {  	(tag) =	ssettag $0x1  }
0x1: {  	s0 =	rddreg [dreg:$0x0]  }
0x2: {  	s10 =	rddreg [dreg:$0x1]  }
0x3: {  	s2 =	rddreg [dreg:$0x2];
	s3 =	simm.s32 $0x0;
	s1 =	srdreg.scid  }
0x4: {  	s11 =	stileid.u32;
	s29 =	simm.s32 $0x2;
	s30 =	simm.s32 $0x16680  }
0x5: {  	s31 =	simm.s32 $0xA;
	[smem:$0x7FF] =	sst s3;
	s5 =	sadd.s32 $0xFE00, s0  }
0x6: {  	s1 =	sand.u32 $0x1, s1;
	s12 =	sadd.s32 $0x3200, s0;
	s8 =	smul.u32 $0x4F000, s11  }
0x7: {  	s6 =	sshll.u32 s11, $0x1;
	s9 =	sadd.s32 $0xD600, s0;
	s25 =	smul.u32 $0x4E20, s11  }
0x8: {  	p0 =	seq.s32 s11, $0xF;
	_ =	strace $0x8000004A;
	s4 =	smul.u32 $0x27100, s1  }
0x9: {  	s7 =	ssub.s32 $0x2, s1;
	s6 =	sor.u32 s1, s6;
	[dreg:$0x5] =	wrdreg s9  }
0xa: {  	s1 =	smul.u32 $0x2710, s1;
	[dreg:$0x4] =	wrdreg s12;
	s9 =	simm.s32 $0x13980  }
0xb: {  	s22 =	sshrl.u32 s7, $0x1;
	s6 =	smul.u32 $0x2710, s6;
	s24 =	sshrl.u32 s8, $0x2  }
0xc: {  	s0 =	sadd.s32 s4, s0;
	s23 =	ssub.s32 s7, s22;
	s7 =	sadd.s32 s24, s2  }
0xd: {  	s1 =	sadd.s32 s1, s25;
	[dreg:$0x6] =	wrdreg s7;
	s6 =	sshrl.u32 s6, $0x3  }
0xe: {  	s16 =	sadd.s32 $0x280, s1;
	s4 =	smax.u32 s23, $0x1;
	s17 =	sadd.s32 $0x230, s1  }
0xf: {  	s20 =	sadd.s32 $0x190, s1;
	s21 =	sadd.s32 $0x1E0, s1;
	s22 =	sadd.s32 $0x140, s1  }
0x10: {  	s1 =	sadd.s32 $0xF0, s1;
	s7 =	simm.s32 $0x7;
	s26 =	sadd.s32 s10, s6  }
0x11: {  	s28 =	sadd.s32 $0xA, s6;
	s13 =	sadd.s32 s12, s6;
	[dreg:$0xe] =	wrdreg s4  }
0x12: {  	s6 =	sadd.s32 $0x14, s6;
	s19 =	sshrl.u32 s17, $0x3;
	[dreg:$0x13] =	wrdreg s21  }
0x13: {  	s24 =	sshrl.u32 s22, $0x3;
	s21 =	simm.s32 $0x13D80;
	[dreg:$0x7] =	wrdreg s26  }
0x14: {  	s22 =	simm.s32 $0x18E80;
	[dreg:$0x8] =	wrdreg s13;
	s14 =	sadd.s32 s10, s28  }
0x15: {  	s17 =	simm.s32 $0xC;
	s8 =	sadd.s32 s12, s28;
	[dreg:$0x9] =	wrdreg s14  }
0x16: {  	s15 =	sadd.s32 s10, s6;
	s6 =	sadd.s32 s12, s6;
	[dreg:$0xa] =	wrdreg s8  }
0x17: {  	s4 =	sadd.s32 s19, s12;
	s25 =	sadd.s32 s24, s12;
	[dreg:$0xb] =	wrdreg s15  }
0x18: {  	s26 =	sshrl.u32 s1, $0x3;
	s28 =	sadd.s32 $0x128400, s2;
	[dreg:$0xc] =	wrdreg s6  }
0x19: {  	s13 =	simm.s32 $0x1;
	s6 =	sadd.s32 $0x5E200, s0;
	[dreg:$0x11] =	wrdreg s4  }
0x1a: {  	s0 =	sshrl.u32 s16, $0x3;
	s4 =	smul.u32 $0x2780, s11;
	[dreg:$0x16] =	wrdreg s25  }
0x1b: {  	s1 =	sadd.s32 s26, s12;
	[dreg:$0x1b] =	wrdreg s28;
	s11 =	simm.s32 $0x13A00  }
0x1c: {  	s14 =	simm.s32 $0x50;
	s16 =	simm.s32 $0x13E80;
	[dreg:$0x18] =	wrdreg s1  }
0x1d: {  	s18 =	sadd.s32 s0, s12;
	s0 =	sadd.s32 s0, s10;
	[dreg:$0xd] =	wrdreg s6  }
0x1e: {  	s15 =	simm.s32 $0x13A80;
	[dreg:$0x10] =	wrdreg s0;
	s0 =	sadd.s32 s19, s10  }
0x1f: {  	s8 =	simm.s32 $0xB;
	[dreg:$0x12] =	wrdreg s0;
	s0 =	sshrl.u32 s20, $0x3  }
0x20: {  	s1 =	simm.s32 $0x3;
	[dreg:$0xf] =	wrdreg s18;
	s23 =	sadd.s32 s0, s12  }
0x21: {  	s18 =	simm.s32 $0x6;
	s0 =	sadd.s32 s0, s10;
	[dreg:$0x14] =	wrdreg s23  }
.Ltmp0:
0x22: {  	s12 =	simm.s32 $0x13D00;
	[dreg:$0x15] =	wrdreg s0;
	(pc) =	sbr.rel .LBB2_1-.Ltmp0, $4  }
0x23: {  	s0 =	sadd.s32 s24, s10;
	s23 =	simm.s32 $0x8;
	s24 =	simm.s32 $0x0  }
0x24: {  	[dreg:$0x17] =	wrdreg s0;
	s0 =	sadd.s32 s26, s10;
	s10 =	simm.s32 $0x13C80  }
0x25: {  	[dreg:$0x19] =	wrdreg s0;
	s0 =	sadd.s32 @!p0 s4, s6;
	s4 =	simm.s32 $0x9  }
0x26: {  	s6 =	simm.s32 $0x5;
	[dreg:$0x1a] =	wrdreg s0;
	s0 =	simm.s32 $0x4  }
.LBB2_4:
0x27: {  	_ =	swait.ge [sflag:s23], $0x2800  }
0x28: {  	[sflag:s23] =	ssyncset.done $0x0  }
0x29: {  	[sflag:s23] =	ssyncadd.s32 $0xFFFFD800  }
0x2a: {  	[spmem:s2] =	stream.indirect.scatter.add.f32 [tilespmem:s30], [sflag:$0xB], $0x80, s21, s14, $0xb8;
	[tilespmem:$0x1B680] =	vst v63  }
0x2b: {  	_ =	swait.ge [sflag:s17], $0x2800  }
0x2c: {  	[sflag:s17] =	ssyncset.done $0x0  }
0x2d: {  	[sflag:s17] =	ssyncadd.s32 $0xFFFFD800  }
0x2e: {  	_ =	swait.ge [sflag:s31], $0x2800  }
0x2f: {  	[sflag:s31] =	ssyncset.done $0x0  }
0x30: {  	[sflag:s31] =	ssyncadd.s32 $0xFFFFD800  }
0x31: {  	_ =	swait.ge [sflag:s8], $0x2800  }
0x32: {  	[sflag:s8] =	ssyncset.done $0x0  }
0x33: {  	[sflag:s8] =	ssyncadd.s32 $0xFFFFD800  }
0x34: {  	[bflag:$0x0] =	sbarrier.arrive $0xFFFF  }
0x35: {  	s19 =	rddreg [dreg:$0xd]  }
0x36: {  	s20 =	simm.s32 @p0 $0x1FCD;
	s24 =	rddreg [dreg:$0x1d];
	s19 =	sadd.s32 @p0 $0x25080, s19  }
0x37: {  	[hbm:s19], [sflag:s20] =	dma.local @p0 [spmem:s24], $0x2080  }
0x38: {  	s19 =	simm.s32 @p0 $0xD  }
0x39: {  	_ =	swait.ge @p0 [sflag:s19], $0x2080  }
0x3a: {  	s20 =	rddreg [dreg:$0x1e]  }
0x3b: {  	[sflag:s19] =	ssyncset.done @p0 $0x0;
	s24 =	rddreg [dreg:$0x1f]  }
0x3c: {  	[sflag:s19] =	ssyncadd.s32 @p0 $0xFFFFDF80;
	s19 =	rddreg [dreg:$0x1a]  }
0x3d: {  	[hbm:s19], [sflag:s20] =	dma.local @!p0 [spmem:s24], $0x2780  }
0x3e: {  	s19 =	simm.s32 @!p0 $0xD  }
0x3f: {  	_ =	swait.ge @!p0 [sflag:s19], $0x2780  }
0x40: {  	s26 =	rddreg [dreg:$0x1c]  }
0x41: {  	s28 =	rddreg [dreg:$0xe];
	s24 =	sadd.s32 $0x1, s26  }
0x42: {  	p1 =	sne.s32 s24, s28  }
.Ltmp1:
0x43: {  	_ = 	snop;
	(pc) =	sbr.rel @!p1 .LBB2_5-.Ltmp1, $3  }
0x44: {  	_ =	sdelay $0x1  }
0x45: {  	[sflag:s19] =	ssyncset.done @!p0 $0x0  }
0x46: {  	[sflag:s19] =	ssyncadd.s32 @!p0 $0xFFFFD880  }
.LBB2_1:
0x47: {  	[dreg:$0x1c] =	wrdreg s24  }
0x48: {  	s19 =	rddreg [dreg:$0x1b]  }
0x49: {  	s24 =	rddreg [dreg:$0x5];
	s20 =	sshrl.u32 @p0 s19, $0x3  }
0x4a: {  	s19 =	simm.s32 @p0 $0x1FCD;
	[dreg:$0x1d] =	wrdreg s20  }
0x4b: {  	[spmem:s20], [sflag:s19] =	dma.local @p0 [hbm:s24], $0x2080  }
0x4c: {  	s19 =	simm.s32 @p0 $0xD  }
0x4d: {  	s20 =	stileid.u32;
	_ =	swait.ge @p0 [sflag:s19], $0x2080  }
0x4e: {  	s20 =	sshll.u32 @!p0 s20, $0x6;
	[sflag:s19] =	ssyncset.done @p0 $0x0  }
0x4f: {  	s20 =	sor.u32 @!p0 $0x1C0D, s20;
	[sflag:s19] =	ssyncadd.s32 @p0 $0xFFFFDF80;
	s19 =	rddreg [dreg:$0x6]  }
0x50: {  	[dreg:$0x1e] =	wrdreg s20;
	s19 =	sshrl.u32 @!p0 s19, $0x3  }
0x51: {  	[dreg:$0x1f] =	wrdreg s19  }
0x52: {  	[spmem:s19], [sflag:s20] =	dma.local @!p0 [hbm:s24], $0x2780  }
0x53: {  	s19 =	simm.s32 @!p0 $0xD  }
0x54: {  	_ =	swait.ge @!p0 [sflag:s19], $0x2780  }
0x55: {  	[sflag:s19] =	ssyncset.done @!p0 $0x0  }
0x56: {  	s28 =	simm.s32 $0x13880;
	s26 =	rddreg [dreg:$0x7];
	[sflag:s19] =	ssyncadd.s32 @!p0 $0xFFFFD880  }
0x57: {  	[tilespmem:s28], [sflag:$0x1] =	stream.linear.gather [hbm4b:s26+s3], $0x50, $0x38;
	[tilespmem:$0x1B680] =	vst v63  }
0x58: {  	s25 =	simm.s32 $0x13B80;
	s24 =	rddreg [dreg:$0x8]  }
0x59: {  	[tilespmem:s25], [sflag:$0x1] =	stream.linear.gather [hbm4b:s24+s3], $0x50, $0x38;
	[tilespmem:$0x1B680] =	vst v63  }
0x5a: {  	s26 =	rddreg [dreg:$0x9];
	s28 =	simm.s32 $0x13900  }
0x5b: {  	[tilespmem:s28], [sflag:$0x2] =	stream.linear.gather [hbm4b:s26+s3], $0x50, $0x38;
	[tilespmem:$0x1B680] =	vst v63  }
0x5c: {  	s24 =	rddreg [dreg:$0xa];
	s25 =	simm.s32 $0x13C00  }
0x5d: {  	[tilespmem:s25], [sflag:$0x2] =	stream.linear.gather [hbm4b:s24+s3], $0x50, $0x38;
	[tilespmem:$0x1B680] =	vst v63  }
0x5e: {  	s26 =	rddreg [dreg:$0xb]  }
0x5f: {  	[tilespmem:s9], [sflag:$0x3] =	stream.linear.gather [hbm4b:s26+s3], $0x50, $0x38;
	[tilespmem:$0x1B680] =	vst v63  }
0x60: {  	s28 =	rddreg [dreg:$0xc]  }
0x61: {  	[tilespmem:s10], [sflag:$0x3] =	stream.linear.gather [hbm4b:s28+s3], $0x50, $0x38;
	[tilespmem:$0x1B680] =	vst v63  }
0x62: {  	[bflag:$0x0] =	sbarrier.arrive $0xFFFF  }
0x63: {  	s20 =	simm.s32 $0x0;
	s19 =	rddreg [dreg:$0x13]  }
.LBB2_2:
0x64: {  	p1 =	seq.s32 s20, $0x0  }
0x65: {  	s24 =	simm.s32 @!p1 $0xA  }
0x66: {  	_ =	swait.ge @!p1 [sflag:s24], $0x2800  }
0x67: {  	[sflag:s24] =	ssyncset.done @!p1 $0x0;
	s26 =	rddreg [dreg:$0x19]  }
0x68: {  	s28 =	rddreg [dreg:$0x18];
	[sflag:s24] =	ssyncadd.s32 @!p1 $0xFFFFD800;
	s24 =	sadd.s32 s20, s26  }
0x69: {  	[tilespmem:s11], [sflag:$0x4] =	stream.linear.gather [hbm4b:s24+s3], $0x50, $0x38;
	[tilespmem:$0x1B680] =	vst v63  }
0x6a: {  	s24 =	sadd.s32 s20, s28  }
0x6b: {  	[tilespmem:s12], [sflag:$0x4] =	stream.linear.gather [hbm4b:s24+s3], $0x50, $0x38;
	[tilespmem:$0x1B680] =	vst v63  }
0x6c: {  	_ =	swait.ge [sflag:s13], $0x50  }
0x6d: {  	[sflag:s13] =	ssyncset.done $0x0  }
0x6e: {  	[sflag:s13] =	ssyncadd.s32 $0xFFFFFFB0  }
0x6f: {  	_ =	swait.ge [sflag:s13], $0x50  }
0x70: {  	[sflag:s13] =	ssyncset.done $0x0  }
0x71: {  	s25 =	simm.s32 $0x13880;
	s24 =	simm.s32 @!p1 $0x9;
	[sflag:s13] =	ssyncadd.s32 $0xFFFFFFB0  }
0x72: {  	[tilespmem:s16], [sflag:$0x7] =	stream.indirect.gather [hbm4b:s5+s14], $0x80, s25, s14, $0xb8;
	[tilespmem:$0x1B680] =	vst v63  }
0x73: {  	_ =	swait.ge @!p1 [sflag:s24], $0x2800  }
0x74: {  	s26 =	simm.s32 @!p1 $0x18E80;
	[sflag:s24] =	ssyncset.done @!p1 $0x0  }
0x75: {  	s25 =	simm.s32 @!p1 $0x13E00;
	[sflag:s24] =	ssyncadd.s32 @!p1 $0xFFFFD800;
	s24 =	simm.s32 @!p1 $0x50  }
0x76: {  	[spmem:s2] =	stream.indirect.scatter.add.f32 @!p1 [tilespmem:s26], [sflag:$0xC], $0x80, s25, s24, $0xb8;
	[tilespmem:$0x1B680] =	vst v63  }
0x77: {  	s24 =	simm.s32 @!p1 $0xB  }
0x78: {  	_ =	swait.ge @!p1 [sflag:s24], $0x2800  }
0x79: {  	[sflag:s24] =	ssyncset.done @!p1 $0x0;
	s26 =	rddreg [dreg:$0x17]  }
0x7a: {  	s28 =	rddreg [dreg:$0x16];
	[sflag:s24] =	ssyncadd.s32 @!p1 $0xFFFFD800;
	s24 =	sadd.s32 s20, s26  }
0x7b: {  	[tilespmem:s15], [sflag:$0x5] =	stream.linear.gather [hbm4b:s24+s3], $0x50, $0x38;
	[tilespmem:$0x1B680] =	vst v63  }
0x7c: {  	s24 =	sadd.s32 s20, s28  }
0x7d: {  	[tilespmem:s21], [sflag:$0x5] =	stream.linear.gather [hbm4b:s24+s3], $0x50, $0x38;
	[tilespmem:$0x1B680] =	vst v63  }
0x7e: {  	_ =	swait.ge [sflag:s29], $0x50  }
0x7f: {  	[sflag:s29] =	ssyncset.done $0x0  }
0x80: {  	[sflag:s29] =	ssyncadd.s32 $0xFFFFFFB0  }
0x81: {  	_ =	swait.ge [sflag:s29], $0x50  }
0x82: {  	[sflag:s29] =	ssyncset.done $0x0  }
0x83: {  	s25 =	simm.s32 $0x13900;
	[sflag:s29] =	ssyncadd.s32 $0xFFFFFFB0  }
0x84: {  	[tilespmem:s30], [sflag:$0x8] =	stream.indirect.gather [hbm4b:s5+s14], $0x80, s25, s14, $0xb8;
	[tilespmem:$0x1B680] =	vst v63  }
0x85: {  	_ =	swait.ge [sflag:s7], $0x2800  }
0x86: {  	[sflag:s7] =	ssyncset.done $0x0  }
0x87: {  	s26 =	simm.s32 $0x13B80;
	s24 =	simm.s32 @!p1 $0xC;
	[sflag:s7] =	ssyncadd.s32 $0xFFFFD800  }
0x88: {  	[spmem:s2] =	stream.indirect.scatter.add.f32 [tilespmem:s16], [sflag:$0xA], $0x80, s26, s14, $0xb8;
	[tilespmem:$0x1B680] =	vst v63  }
0x89: {  	p2 =	seq.s32 @!p1 s20, $0x4B0;
	_ =	swait.ge @!p1 [sflag:s24], $0x2800  }
0x8a: {  	p2 =	por p1, !p2;
	[sflag:s24] =	ssyncset.done @!p1 $0x0  }
0x8b: {  	[sflag:s24] =	ssyncadd.s32 @!p1 $0xFFFFD800;
	s24 =	rddreg @p2 [dreg:$0x15]  }
0x8c: {  	s25 =	simm.s32 @p2 $0x13B00;
	s24 =	sadd.s32 @p2 s20, s24  }
0x8d: {  	[tilespmem:s25], [sflag:$0x6] =	stream.linear.gather @p2 [hbm4b:s24+s3], $0x50, $0x38;
	[tilespmem:$0x1B680] =	vst v63  }
0x8e: {  	s24 =	rddreg @p2 [dreg:$0x14]  }
0x8f: {  	s25 =	simm.s32 @p2 $0x13E00;
	s24 =	sadd.s32 @p2 s20, s24  }
0x90: {  	[tilespmem:s25], [sflag:$0x6] =	stream.linear.gather @p2 [hbm4b:s24+s3], $0x50, $0x38;
	[tilespmem:$0x1B680] =	vst v63  }
0x91: {  	_ =	swait.ge [sflag:s1], $0x50  }
0x92: {  	[sflag:s1] =	ssyncset.done $0x0  }
0x93: {  	[sflag:s1] =	ssyncadd.s32 $0xFFFFFFB0  }
0x94: {  	_ =	swait.ge [sflag:s1], $0x50  }
0x95: {  	[sflag:s1] =	ssyncset.done $0x0  }
0x96: {  	[sflag:s1] =	ssyncadd.s32 $0xFFFFFFB0  }
0x97: {  	[tilespmem:s22], [sflag:$0x9] =	stream.indirect.gather [hbm4b:s5+s14], $0x80, s9, s14, $0xb8;
	[tilespmem:$0x1B680] =	vst v63  }
0x98: {  	_ =	swait.ge [sflag:s23], $0x2800  }
0x99: {  	[sflag:s23] =	ssyncset.done $0x0  }
0x9a: {  	s28 =	simm.s32 $0x13C00;
	[sflag:s23] =	ssyncadd.s32 $0xFFFFD800  }
0x9b: {  	[spmem:s2] =	stream.indirect.scatter.add.f32 [tilespmem:s30], [sflag:$0xB], $0x80, s28, s14, $0xb8;
	[tilespmem:$0x1B680] =	vst v63  }
0x9c: {  	_ =	swait.ge [sflag:s31], $0x2800  }
0x9d: {  	[sflag:s31] =	ssyncset.done $0x0  }
0x9e: {  	p1 =	seq.s32 s20, $0x4B0;
	[sflag:s31] =	ssyncadd.s32 $0xFFFFD800  }
0x9f: {  	s24 =	sshrl.u32 @!p1 s19, $0x3;
	s25 =	rddreg [dreg:$0x1]  }
0xa0: {  	s26 =	simm.s32 @!p1 $0x0;
	s28 =	simm.s32 @!p1 $0x13880;
	s25 =	sadd.s32 @!p1 s25, s24  }
0xa1: {  	[tilespmem:s28], [sflag:$0x1] =	stream.linear.gather @!p1 [hbm4b:s25+s26], $0x50, $0x38;
	[tilespmem:$0x1B680] =	vst v63  }
0xa2: {  	s25 =	rddreg [dreg:$0x4]  }
0xa3: {  	s24 =	sadd.s32 @!p1 s25, s24;
	s25 =	simm.s32 @!p1 $0x13B80  }
0xa4: {  	[tilespmem:s25], [sflag:$0x1] =	stream.linear.gather @!p1 [hbm4b:s24+s26], $0x50, $0x38;
	[tilespmem:$0x1B680] =	vst v63  }
0xa5: {  	_ =	swait.ge [sflag:s0], $0x50  }
0xa6: {  	[sflag:s0] =	ssyncset.done $0x0  }
0xa7: {  	[sflag:s0] =	ssyncadd.s32 $0xFFFFFFB0  }
0xa8: {  	_ =	swait.ge [sflag:s0], $0x50  }
0xa9: {  	[sflag:s0] =	ssyncset.done $0x0  }
0xaa: {  	[sflag:s0] =	ssyncadd.s32 $0xFFFFFFB0  }
0xab: {  	[tilespmem:s16], [sflag:$0x7] =	stream.indirect.gather [hbm4b:s5+s14], $0x80, s11, s14, $0xb8;
	[tilespmem:$0x1B680] =	vst v63  }
0xac: {  	_ =	swait.ge [sflag:s4], $0x2800  }
0xad: {  	[sflag:s4] =	ssyncset.done $0x0  }
0xae: {  	[sflag:s4] =	ssyncadd.s32 $0xFFFFD800  }
0xaf: {  	[spmem:s2] =	stream.indirect.scatter.add.f32 [tilespmem:s22], [sflag:$0xC], $0x80, s10, s14, $0xb8;
	[tilespmem:$0x1B680] =	vst v63  }
0xb0: {  	_ =	swait.ge [sflag:s8], $0x2800  }
0xb1: {  	[sflag:s8] =	ssyncset.done $0x0;
	s24 =	rddreg [dreg:$0x12]  }
0xb2: {  	s25 =	simm.s32 @!p1 $0x13900;
	[sflag:s8] =	ssyncadd.s32 $0xFFFFD800;
	s24 =	sadd.s32 @!p1 s20, s24  }
0xb3: {  	[tilespmem:s25], [sflag:$0x2] =	stream.linear.gather @!p1 [hbm4b:s24+s26], $0x50, $0x38;
	[tilespmem:$0x1B680] =	vst v63  }
0xb4: {  	s24 =	rddreg [dreg:$0x11]  }
0xb5: {  	s25 =	simm.s32 @!p1 $0x13C00;
	s24 =	sadd.s32 @!p1 s20, s24  }
0xb6: {  	[tilespmem:s25], [sflag:$0x2] =	stream.linear.gather @!p1 [hbm4b:s24+s26], $0x50, $0x38;
	[tilespmem:$0x1B680] =	vst v63  }
0xb7: {  	_ =	swait.ge [sflag:s6], $0x50  }
0xb8: {  	[sflag:s6] =	ssyncset.done $0x0  }
0xb9: {  	[sflag:s6] =	ssyncadd.s32 $0xFFFFFFB0  }
0xba: {  	_ =	swait.ge [sflag:s6], $0x50  }
0xbb: {  	[sflag:s6] =	ssyncset.done $0x0  }
0xbc: {  	[sflag:s6] =	ssyncadd.s32 $0xFFFFFFB0  }
0xbd: {  	[tilespmem:s30], [sflag:$0x8] =	stream.indirect.gather [hbm4b:s5+s14], $0x80, s15, s14, $0xb8;
	[tilespmem:$0x1B680] =	vst v63  }
.Ltmp2:
0xbe: {  	_ = 	snop;
	(pc) =	sbr.rel @p1 .LBB2_4-.Ltmp2, $4  }
0xbf: {  	_ =	swait.ge [sflag:s7], $0x2800  }
0xc0: {  	[sflag:s7] =	ssyncset.done $0x0  }
0xc1: {  	[sflag:s7] =	ssyncadd.s32 $0xFFFFD800  }
0xc2: {  	[spmem:s2] =	stream.indirect.scatter.add.f32 [tilespmem:s16], [sflag:$0xA], $0x80, s12, s14, $0xb8;
	[tilespmem:$0x1B680] =	vst v63  }
0xc3: {  	_ =	swait.ge [sflag:s17], $0x2800  }
0xc4: {  	[sflag:s17] =	ssyncset.done $0x0;
	s24 =	rddreg [dreg:$0x10]  }
0xc5: {  	s26 =	rddreg [dreg:$0xf];
	[sflag:s17] =	ssyncadd.s32 $0xFFFFD800;
	s24 =	sadd.s32 s20, s24  }
0xc6: {  	[tilespmem:s9], [sflag:$0x3] =	stream.linear.gather [hbm4b:s24+s3], $0x50, $0x38;
	[tilespmem:$0x1B680] =	vst v63  }
0xc7: {  	s24 =	sadd.s32 s20, s26  }
0xc8: {  	[tilespmem:s10], [sflag:$0x3] =	stream.linear.gather [hbm4b:s24+s3], $0x50, $0x38;
	[tilespmem:$0x1B680] =	vst v63  }
0xc9: {  	_ =	swait.ge [sflag:s18], $0x50  }
0xca: {  	[sflag:s18] =	ssyncset.done $0x0  }
0xcb: {  	[sflag:s18] =	ssyncadd.s32 $0xFFFFFFB0  }
0xcc: {  	_ =	swait.ge [sflag:s18], $0x50  }
0xcd: {  	[sflag:s18] =	ssyncset.done $0x0  }
0xce: {  	s28 =	simm.s32 $0x13B00;
	[sflag:s18] =	ssyncadd.s32 $0xFFFFFFB0  }
0xcf: {  	[tilespmem:s22], [sflag:$0x9] =	stream.indirect.gather [hbm4b:s5+s14], $0x80, s28, s14, $0xb8;
	[tilespmem:$0x1B680] =	vst v63  }
.Ltmp3:
0xd0: {  	_ = 	snop;
	(pc) =	sbr.rel .LBB2_2-.Ltmp3, $4  }
0xd1: {  	_ =	swait.ge [sflag:s23], $0x2800  }
0xd2: {  	[sflag:s23] =	ssyncset.done $0x0  }
0xd3: {  	s19 =	sadd.s32 $0x1E0, s19;
	s20 =	sadd.s32 $0x3C, s20;
	[sflag:s23] =	ssyncadd.s32 $0xFFFFD800  }
0xd4: {  	[spmem:s2] =	stream.indirect.scatter.add.f32 [tilespmem:s30], [sflag:$0xB], $0x80, s21, s14, $0xb8;
	[tilespmem:$0x1B680] =	vst v63  }
.LBB2_5:
0xd5: {  	_ =	sfence.sel $0x180000  }
0xd6: {  	[bflag:$0x0] =	sbarrier.arrive $0xFFFF  }
0xd7: {  	_ =	strace $0x9000004A  }
0xd8: {  	s0 =	stileid.u32;
	[bflag:$0x2] =	sbarrier.arrive $0xFFFF  }
0xd9: {  	p0 =	sne.s32 s0, $0x0;
	s0 =	rddreg [dreg:$0x3]  }
0xda: {  	s0 =	sadd.s32 @!p0 $0x100000, s0  }
0xdb: {  	[sflag:s0] =	ssyncadd.tile.s32 @!p0 $0x1;
	_ =	shalt  }
.Lfunc_end2:
_tile_overlayer_lowered:
.L_overlay_start_2:
0xdc: {  	(tag) =	ssettag $0x2  }
0xdd: {  	s0 =	rddreg [dreg:$0x0];
	s2 =	stileid.u32  }
0xde: {  	s1 =	rddreg [dreg:$0x1];
	p0 =	sne.s32 s2, $0x0  }
0xdf: {  	s3 =	rddreg [dreg:$0x2];
	[bflag:$0x3] =	sbarrier.arrive $0xFFFF;
	s2 =	simm.s32 @!p0 $0x1C0D  }
0xe0: {  	[timem:s3], [sflag:s2] =	dma.local @!p0 [hbm:s0], s1  }
0xe1: {  	s0 =	simm.s32 @!p0 $0xD  }
0xe2: {  	_ =	swait.ge @!p0 [sflag:s0], s1  }
0xe3: {  	s1 =	ssub.s32 @!p0 $0x0, s1;
	[sflag:s0] =	ssyncset.done @!p0 $0x0  }
0xe4: {  	[sflag:s0] =	ssyncadd.s32 @!p0 s1  }
0xe5: {  	[bflag:$0x3] =	sbarrier.arrive $0xFFFF  }
0xe6: {  	_ =	shalt  }

// kernel: sc_edge_agg_128.8.cloned.1.call-start
scs
__scs_entry_jumppad:
0x0: {  	(pc) =	sbr.rel $0x88, $3  }
0x1: {  	(tag) =	ssettag $0x0;
	lr =	simm.s32 $0x1  }
0x2: {  	[smem:$0x3F99] =	sst lr;
	_ =	strace $0xD0000000  }
0x3: {  	_ = 	snop  }
0x4: {  	_ = 	snop  }
0x5: {  	_ = 	snop  }
0x6: {  	_ = 	snop  }
0x7: {  	_ = 	snop  }
__scs_overlays_trampoline_lowered:
0x8: {  	[smem:$0x3FA8] =	sst s0  }
0x9: {  	[smem:$0x3FA9] =	sst s1  }
0xa: {  	[smem:$0x3FAA] =	sst s2  }
0xb: {  	[smem:$0x3FAB] =	sst s3  }
0xc: {  	[smem:$0x3FAC] =	sst s4  }
0xd: {  	[smem:$0x3FAD] =	sst s5  }
0xe: {  	[smem:$0x3FAE] =	sst s6  }
0xf: {  	[smem:$0x3FAF] =	sst s7  }
0x10: {  	[smem:$0x3FB0] =	sst s8  }
0x11: {  	[smem:$0x3FB1] =	sst s9;
	s0 =	simm.s32 @!p0 $0x0  }
0x12: {  	s1 =	sld [smem:$0x3F97];
	s0 =	simm.s32 @p0 $0x1  }
0x13: {  	[smem:$0x3FB2] =	sst s0;
	s0 =	simm.s32 @!p1 $0x0  }
0x14: {  	s2 =	sld [smem:$0x3F96];
	s0 =	simm.s32 @p1 $0x1  }
0x15: {  	[smem:$0x3FB3] =	sst s0;
	s0 =	simm.s32 @!p2 $0x0  }
0x16: {  	s3 =	sld [smem:$0x3FDB];
	s0 =	simm.s32 @p2 $0x1  }
0x17: {  	s4 =	simm.s32 $0x1BF5;
	[smem:$0x3FB5] =	sst s0  }
0x18: {  	s0 =	sld [smem:$0x3F98];
	_ =	swait.ge [sflag:s4], $0x0  }
0x19: {  	s7 =	sld [smem:$0x3F99]  }
0x1a: {  	s8 =	sadd.s32 $0xFFFFE003, lr  }
0x1b: {  	s9 =	sadd.s32 $0xFFFFFEF7, lr;
	s5 =	simm.s32 $0xFFFFFFFF;
	p2 =	slt.u32 s8, $0xFFFFF086  }
0x1c: {  	p1 =	slt.u32 s9, $0xF7A;
	s5 =	simm.s32 @!p2 $0x0  }
0x1d: {  	s5 =	simm.s32 @p1 $0x1;
	p0 =	seq.s32 s7, s2  }
0x1e: {  	s7 =	smul.u32 @!p0 $0xF7A, s2;
	p2 =	seq.s32 @!p0 s5, $0x0  }
0x1f: {  	s9 =	smul.u32 $0xF7A, s1;
	s8 =	simm.s32 @!p0 $0x1BF5;
	p2 =	por !p2, p0  }
0x20: {  	[sflag:s8] =	ssyncset.s32 @!p0 $0xFFFFF086;
	s6 =	sadd.s32 @!p0 s3, s7;
	s7 =	simm.s32 @!p0 $0x108  }
0x21: {  	s3 =	sadd.s32 s3, s9;
	s6 =	sadd.s32 @!p0 $0x88, s6;
	s7 =	simm.s32 @p2 $0x1082  }
0x22: {  	[simem:s7], [sflag:s8] =	dma.local @!p0 [hbm:s6], $0xF7A  }
0x23: {  	s9 =	sor.u32 $0xD0000000, s2;
	s6 =	simm.s32 $0x108;
	_ =	swait.ge @!p0 [sflag:s8], $0x0  }
0x24: {  	s3 =	sadd.s32 $0x88, s3;
	s6 =	simm.s32 @!p1 $0x1082;
	[sflag:s4] =	ssyncset.s32 $0xFFFFF086  }
0x25: {  	[simem:s6], [sflag:s4] =	dma.local [hbm:s3], $0xF7A  }
0x26: {  	[smem:$0x3F99] =	sst s1;
	(tag) =	ssettag s2;
	_ =	strace s9  }
0x27: {  	s1 =	sld [smem:$0x3FA9]  }
0x28: {  	s2 =	sld [smem:$0x3FAA]  }
0x29: {  	s4 =	sld [smem:$0x3FAC]  }
0x2a: {  	p0 =	seq.s32 s5, $0x0;
	s5 =	sld [smem:$0x3FAD]  }
0x2b: {  	s6 =	sld [smem:$0x3FAE]  }
0x2c: {  	s7 =	sld [smem:$0x3FAF]  }
0x2d: {  	s3 =	simm.s32 $0x108;
	s8 =	sld [smem:$0x3FB0]  }
0x2e: {  	s3 =	simm.s32 @!p0 $0x1082;
	s9 =	sld [smem:$0x3FB1]  }
0x2f: {  	lr =	sadd.s32 s0, s3;
	s0 =	sld [smem:$0x3FA8]  }
0x30: {  	s3 =	sld [smem:$0x3FAB]  }
0x31: {  	[smem:$0x3FB4] =	sst s10  }
0x32: {  	s10 =	sld [smem:$0x3FB2];
	_ =	sdelay $0x3  }
0x33: {  	p0 =	seq.s32 s10, $0x1;
	s10 =	sld [smem:$0x3FB4];
	_ =	sdelay $0x3  }
0x34: {  	[smem:$0x3FB4] =	sst s10  }
0x35: {  	s10 =	sld [smem:$0x3FB3];
	_ =	sdelay $0x3  }
0x36: {  	p1 =	seq.s32 s10, $0x1;
	s10 =	sld [smem:$0x3FB4];
	_ =	sdelay $0x3  }
0x37: {  	[smem:$0x3FB4] =	sst s10  }
0x38: {  	s10 =	sld [smem:$0x3FB5]  }
0x39: {  	_ = 	snop;
	(pc) =	sbr.ind lr, $3  }
0x3a: {  	_ = 	snop  }
0x3b: {  	_ = 	snop  }
0x3c: {  	p2 =	seq.s32 s10, $0x1;
	s10 =	sld [smem:$0x3FB4]  }
0x3d: {  	_ =	shalt  }
0x3e: {  	_ =	shalt  }
0x3f: {  	_ =	shalt  }
0x40: {  	_ =	shalt  }
0x41: {  	_ =	shalt  }
0x42: {  	_ =	shalt  }
0x43: {  	_ =	shalt  }
0x44: {  	_ =	shalt  }
0x45: {  	_ =	shalt  }
0x46: {  	_ =	shalt  }
0x47: {  	_ =	shalt  }
0x48: {  	_ =	shalt  }
0x49: {  	_ =	shalt  }
0x4a: {  	_ =	shalt  }
0x4b: {  	_ =	shalt  }
0x4c: {  	_ =	shalt  }
0x4d: {  	_ =	shalt  }
0x4e: {  	_ =	shalt  }
0x4f: {  	_ =	shalt  }
0x50: {  	_ =	shalt  }
0x51: {  	_ =	shalt  }
0x52: {  	_ =	shalt  }
0x53: {  	_ =	shalt  }
0x54: {  	_ =	shalt  }
0x55: {  	_ =	shalt  }
0x56: {  	_ =	shalt  }
0x57: {  	_ =	shalt  }
0x58: {  	_ =	shalt  }
0x59: {  	_ =	shalt  }
0x5a: {  	_ =	shalt  }
0x5b: {  	_ =	shalt  }
0x5c: {  	_ =	shalt  }
0x5d: {  	_ =	shalt  }
0x5e: {  	_ =	shalt  }
0x5f: {  	_ =	shalt  }
0x60: {  	_ =	shalt  }
0x61: {  	_ =	shalt  }
0x62: {  	_ =	shalt  }
0x63: {  	_ =	shalt  }
0x64: {  	_ =	shalt  }
0x65: {  	_ =	shalt  }
0x66: {  	_ =	shalt  }
0x67: {  	_ =	shalt  }
0x68: {  	_ =	shalt  }
0x69: {  	_ =	shalt  }
0x6a: {  	_ =	shalt  }
0x6b: {  	_ =	shalt  }
0x6c: {  	_ =	shalt  }
0x6d: {  	_ =	shalt  }
0x6e: {  	_ =	shalt  }
0x6f: {  	_ =	shalt  }
0x70: {  	_ =	shalt  }
0x71: {  	_ =	shalt  }
0x72: {  	_ =	shalt  }
0x73: {  	_ =	shalt  }
0x74: {  	_ =	shalt  }
0x75: {  	_ =	shalt  }
0x76: {  	_ =	shalt  }
0x77: {  	_ =	shalt  }
0x78: {  	_ =	shalt  }
0x79: {  	_ =	shalt  }
0x7a: {  	_ =	shalt  }
0x7b: {  	_ =	shalt  }
0x7c: {  	_ =	shalt  }
0x7d: {  	_ =	shalt  }
0x7e: {  	_ =	shalt  }
0x7f: {  	_ =	shalt  }
0x80: {  	_ =	shalt  }
0x81: {  	_ =	shalt  }
0x82: {  	_ =	shalt  }
0x83: {  	_ =	shalt  }
0x84: {  	_ =	shalt  }
0x85: {  	_ =	shalt  }
0x86: {  	_ =	shalt  }
0x87: {  	_ =	shalt  }
.Lfunc_end0:
.L_simem_size_0:
called_computation.2_lowered:
.L_overlay_start_0:
0x88: {  	s2 =	sld [smem:$0x3FD9]  }
0x89: {  	s3 =	sld [smem:$0x3FFE];
	_ =	sdelay $0x1  }
0x8a: {  	s1 =	srdreg.scid  }
0x8b: {  	s0 =	sand.u32 $0x1, s1  }
0x8c: {  	s17 =	sshll.u32 s0, $0xA;
	s2 =	sadd.s32 s3, s2  }
0x8d: {  	s2 =	sadd.s32 s2, s17  }
0x8e: {  	[smem:$0x3FC0] =	sst s2  }
0x8f: {  	_ = 	snop  }
0x90: {  	s2 =	sld [smem:$0x3FD0];
	(tm) =	ssettm $0x1  }
0x91: {  	s18 =	sld [smem:$0x3FFB];
	_ =	sdelay $0x3  }
0x92: {  	_ =	strace s18  }
0x93: {  	s3 =	sld [smem:$0x3FFC];
	_ =	sdelay $0x3  }
0x94: {  	_ =	strace s3  }
0x95: {  	s3 =	sld [smem:$0x3FFD];
	_ =	sdelay $0x3  }
0x96: {  	_ =	strace s3  }
0x97: {  	_ =	strace $0x8FFFFFFF  }
0x98: {  	s19 =	sld [smem:$0x3FDB];
	_ =	sdelay $0x1  }
0x99: {  	s4 =	simm.s32 $_scs_section_size  }
0x9a: {  	s5 =	simm.s32 $_size__tile_overlayer_lowered;
	s6 =	simm.s32 $_tile_overlayer_lowered  }
0x9b: {  	s22 =	simm.s32 $0x1BFF;
	s21 =	sshll.u32 s6, $0x1;
	s3 =	sadd.s32 s4, s19  }
0x9c: {  	s7 =	simm.s32 $0x0;
	s20 =	sshll.u32 s5, $0x1;
	s5 =	sadd.s32 s21, s3  }
0x9d: {  	[timem:s7], [sflag:s22] =	dma.local [hbm:s5], s20  }
0x9e: {  	_ =	swait.ge [sflag:s22], s20  }
0x9f: {  	s4 =	ssub.s32 $0x0, s20;
	[sflag:s22] =	ssyncset.done $0x0  }
0xa0: {  	[sflag:s22] =	ssyncadd.s32 s4;
	_ =	sdelay $0x1  }
0xa1: {  	s23 =	simm.s32 $0x1B8B  }
0xa2: {  	_ =	swait.ge [sflag:s23], $0x1  }
0xa3: {  	[sflag:s23] =	ssyncset.done $0x0  }
0xa4: {  	s25 =	simm.s32 $0x1B8E;
	s24 =	sld [smem:$0x3FFE];
	[sflag:s23] =	ssyncadd.s32 $0xFFFFFFFF  }
0xa5: {  	s26 =	simm.s32 $execute0_lowered;
	[smem:$0x3FD2] =	sst s25  }
0xa6: {  	s5 =	sshll.u32 s26, $0x1;
	_ =	strace $0x8000004C;
	[dreg:$0x1] =	wrdreg $0xFFFFFFFF  }
0xa7: {  	s28 =	simm.s32 $_size_execute0_lowered;
	s3 =	sadd.s32 s3, s5;
	[dreg:$0x0] =	wrdreg $0x0  }
0xa8: {  	s5 =	sshll.u32 s28, $0x1;
	[dreg:$0x2] =	wrdreg s3  }
0xa9: {  	[dreg:$0x3] =	wrdreg s5  }
0xaa: {  	[dreg:$0x4] =	wrdreg $0xC0  }
0xab: {  	_ =	task [dreg:s7], $0x5FFFF  }
0xac: {  	[dreg:$0x1] =	wrdreg $0xFFFFFFFF  }
0xad: {  	[dreg:$0x0] =	wrdreg $0x60  }
0xae: {  	[dreg:$0x2] =	wrdreg s24  }
0xaf: {  	[dreg:$0x3] =	wrdreg s2  }
0xb0: {  	[dreg:$0x4] =	wrdreg $0x0  }
0xb1: {  	[dreg:$0x5] =	wrdreg $0x9  }
0xb2: {  	_ =	task.clear_ibuf [dreg:s7], $0x6FFFF;
	_ =	strace $0x9000004C  }
0xb3: {  	s29 =	simm.s32 $0x9;
	_ =	strace $0x8000004E  }
0xb4: {  	_ =	swait.ge [sflag:s29], $0x1  }
0xb5: {  	[sflag:s29] =	ssyncadd.s32 $0xFFFFFFFF  }
0xb6: {  	_ =	strace $0x9000004E  }
0xb7: {  	_ =	sfence  }
0xb8: {  	s30 =	sld [smem:$0x0];
	_ =	sdelay $0x2  }
0xb9: {  	s31 =	sshll.u32 s1, $0xD;
	s1 =	sshrl.u32 s1, $0x2  }
0xba: {  	s3 =	sand.u32 $0x4000, s31;
	s1 =	sadd.s32 s1, s30  }
0xbb: {  	s0 =	sor.u32 s3, s0;
	s1 =	sshll.u32 s1, $0x11  }
0xbc: {  	s0 =	sor.u32 s1, s0  }
0xbd: {  	s0 =	sadd.s32 $0x8F2B, s0  }
0xbe: {  	[sflag:s0] =	ssyncadd.remote.s32 $0x1  }
0xbf: {  	_ =	sfence.sel $0xFFFF  }
0xc0: {  	[dreg:$0x0] =	wrdreg $0xFFFFFFFF;
	(pc) =	sbr.abs _section_cstart, $3  }
0xc1: {  	[dreg:$0x1] =	wrdreg $0xFFFFFFFF  }
0xc2: {  	_ =	task.clear_ibuf [dreg:s7], $0x2FFFF;
	_ =	strace $0x9FFFFFFF  }
0xc3: {  	(tm) =	ssettm $0x7FFFFFFF  }
tec
execute0_lowered:
.L_overlay_start_1:
0x0: {  	(tag) =	ssettag $0x1  }
0x1: {  	s0 =	rddreg [dreg:$0x0]  }
0x2: {  	s10 =	rddreg [dreg:$0x1]  }
0x3: {  	s2 =	rddreg [dreg:$0x2];
	s3 =	simm.s32 $0x0;
	s1 =	srdreg.scid  }
0x4: {  	s11 =	stileid.u32;
	s29 =	simm.s32 $0x2;
	s30 =	simm.s32 $0x16680  }
0x5: {  	s31 =	simm.s32 $0xA;
	[smem:$0x7FF] =	sst s3;
	s5 =	sadd.s32 $0xFE00, s0  }
0x6: {  	s1 =	sand.u32 $0x1, s1;
	s12 =	sadd.s32 $0x3200, s0;
	s8 =	smul.u32 $0x4F000, s11  }
0x7: {  	s6 =	sshll.u32 s11, $0x1;
	s9 =	sadd.s32 $0xD600, s0;
	s25 =	smul.u32 $0x4E20, s11  }
0x8: {  	p0 =	seq.s32 s11, $0xF;
	_ =	strace $0x8000004D;
	s4 =	smul.u32 $0x27100, s1  }
0x9: {  	s7 =	ssub.s32 $0x2, s1;
	s6 =	sor.u32 s1, s6;
	[dreg:$0x5] =	wrdreg s9  }
0xa: {  	s1 =	smul.u32 $0x2710, s1;
	[dreg:$0x4] =	wrdreg s12;
	s9 =	simm.s32 $0x13980  }
0xb: {  	s22 =	sshrl.u32 s7, $0x1;
	s6 =	smul.u32 $0x2710, s6;
	s24 =	sshrl.u32 s8, $0x2  }
0xc: {  	s0 =	sadd.s32 s4, s0;
	s23 =	ssub.s32 s7, s22;
	s7 =	sadd.s32 s24, s2  }
0xd: {  	s1 =	sadd.s32 s1, s25;
	[dreg:$0x6] =	wrdreg s7;
	s6 =	sshrl.u32 s6, $0x3  }
0xe: {  	s16 =	sadd.s32 $0x280, s1;
	s4 =	smax.u32 s23, $0x1;
	s17 =	sadd.s32 $0x230, s1  }
0xf: {  	s20 =	sadd.s32 $0x190, s1;
	s21 =	sadd.s32 $0x1E0, s1;
	s22 =	sadd.s32 $0x140, s1  }
0x10: {  	s1 =	sadd.s32 $0xF0, s1;
	s7 =	simm.s32 $0x7;
	s26 =	sadd.s32 s10, s6  }
0x11: {  	s28 =	sadd.s32 $0xA, s6;
	s13 =	sadd.s32 s12, s6;
	[dreg:$0xe] =	wrdreg s4  }
0x12: {  	s6 =	sadd.s32 $0x14, s6;
	s19 =	sshrl.u32 s17, $0x3;
	[dreg:$0x13] =	wrdreg s21  }
0x13: {  	s24 =	sshrl.u32 s22, $0x3;
	s21 =	simm.s32 $0x13D80;
	[dreg:$0x7] =	wrdreg s26  }
0x14: {  	s22 =	simm.s32 $0x18E80;
	[dreg:$0x8] =	wrdreg s13;
	s14 =	sadd.s32 s10, s28  }
0x15: {  	s17 =	simm.s32 $0xC;
	s8 =	sadd.s32 s12, s28;
	[dreg:$0x9] =	wrdreg s14  }
0x16: {  	s15 =	sadd.s32 s10, s6;
	s6 =	sadd.s32 s12, s6;
	[dreg:$0xa] =	wrdreg s8  }
0x17: {  	s4 =	sadd.s32 s19, s12;
	s25 =	sadd.s32 s24, s12;
	[dreg:$0xb] =	wrdreg s15  }
0x18: {  	s26 =	sshrl.u32 s1, $0x3;
	s28 =	sadd.s32 $0x128400, s2;
	[dreg:$0xc] =	wrdreg s6  }
0x19: {  	s13 =	simm.s32 $0x1;
	s6 =	sadd.s32 $0x5E200, s0;
	[dreg:$0x11] =	wrdreg s4  }
0x1a: {  	s0 =	sshrl.u32 s16, $0x3;
	s4 =	smul.u32 $0x2780, s11;
	[dreg:$0x16] =	wrdreg s25  }
0x1b: {  	s1 =	sadd.s32 s26, s12;
	[dreg:$0x1b] =	wrdreg s28;
	s11 =	simm.s32 $0x13A00  }
0x1c: {  	s14 =	simm.s32 $0x50;
	s16 =	simm.s32 $0x13E80;
	[dreg:$0x18] =	wrdreg s1  }
0x1d: {  	s18 =	sadd.s32 s0, s12;
	s0 =	sadd.s32 s0, s10;
	[dreg:$0xd] =	wrdreg s6  }
0x1e: {  	s15 =	simm.s32 $0x13A80;
	[dreg:$0x10] =	wrdreg s0;
	s0 =	sadd.s32 s19, s10  }
0x1f: {  	s8 =	simm.s32 $0xB;
	[dreg:$0x12] =	wrdreg s0;
	s0 =	sshrl.u32 s20, $0x3  }
0x20: {  	s1 =	simm.s32 $0x3;
	[dreg:$0xf] =	wrdreg s18;
	s23 =	sadd.s32 s0, s12  }
0x21: {  	s18 =	simm.s32 $0x6;
	s0 =	sadd.s32 s0, s10;
	[dreg:$0x14] =	wrdreg s23  }
.Ltmp0:
0x22: {  	s12 =	simm.s32 $0x13D00;
	[dreg:$0x15] =	wrdreg s0;
	(pc) =	sbr.rel .LBB2_1-.Ltmp0, $4  }
0x23: {  	s0 =	sadd.s32 s24, s10;
	s23 =	simm.s32 $0x8;
	s24 =	simm.s32 $0x0  }
0x24: {  	[dreg:$0x17] =	wrdreg s0;
	s0 =	sadd.s32 s26, s10;
	s10 =	simm.s32 $0x13C80  }
0x25: {  	[dreg:$0x19] =	wrdreg s0;
	s0 =	sadd.s32 @!p0 s4, s6;
	s4 =	simm.s32 $0x9  }
0x26: {  	s6 =	simm.s32 $0x5;
	[dreg:$0x1a] =	wrdreg s0;
	s0 =	simm.s32 $0x4  }
.LBB2_4:
0x27: {  	_ =	swait.ge [sflag:s23], $0x2800  }
0x28: {  	[sflag:s23] =	ssyncset.done $0x0  }
0x29: {  	[sflag:s23] =	ssyncadd.s32 $0xFFFFD800  }
0x2a: {  	[spmem:s2] =	stream.indirect.scatter.add.f32 [tilespmem:s30], [sflag:$0xB], $0x80, s21, s14, $0xb8;
	[tilespmem:$0x1B680] =	vst v63  }
0x2b: {  	_ =	swait.ge [sflag:s17], $0x2800  }
0x2c: {  	[sflag:s17] =	ssyncset.done $0x0  }
0x2d: {  	[sflag:s17] =	ssyncadd.s32 $0xFFFFD800  }
0x2e: {  	_ =	swait.ge [sflag:s31], $0x2800  }
0x2f: {  	[sflag:s31] =	ssyncset.done $0x0  }
0x30: {  	[sflag:s31] =	ssyncadd.s32 $0xFFFFD800  }
0x31: {  	_ =	swait.ge [sflag:s8], $0x2800  }
0x32: {  	[sflag:s8] =	ssyncset.done $0x0  }
0x33: {  	[sflag:s8] =	ssyncadd.s32 $0xFFFFD800  }
0x34: {  	[bflag:$0x0] =	sbarrier.arrive $0xFFFF  }
0x35: {  	s19 =	rddreg [dreg:$0xd]  }
0x36: {  	s20 =	simm.s32 @p0 $0x1FCD;
	s24 =	rddreg [dreg:$0x1d];
	s19 =	sadd.s32 @p0 $0x25080, s19  }
0x37: {  	[hbm:s19], [sflag:s20] =	dma.local @p0 [spmem:s24], $0x2080  }
0x38: {  	s19 =	simm.s32 @p0 $0xD  }
0x39: {  	_ =	swait.ge @p0 [sflag:s19], $0x2080  }
0x3a: {  	s20 =	rddreg [dreg:$0x1e]  }
0x3b: {  	[sflag:s19] =	ssyncset.done @p0 $0x0;
	s24 =	rddreg [dreg:$0x1f]  }
0x3c: {  	[sflag:s19] =	ssyncadd.s32 @p0 $0xFFFFDF80;
	s19 =	rddreg [dreg:$0x1a]  }
0x3d: {  	[hbm:s19], [sflag:s20] =	dma.local @!p0 [spmem:s24], $0x2780  }
0x3e: {  	s19 =	simm.s32 @!p0 $0xD  }
0x3f: {  	_ =	swait.ge @!p0 [sflag:s19], $0x2780  }
0x40: {  	s26 =	rddreg [dreg:$0x1c]  }
0x41: {  	s28 =	rddreg [dreg:$0xe];
	s24 =	sadd.s32 $0x1, s26  }
0x42: {  	p1 =	sne.s32 s24, s28  }
.Ltmp1:
0x43: {  	_ = 	snop;
	(pc) =	sbr.rel @!p1 .LBB2_5-.Ltmp1, $3  }
0x44: {  	_ =	sdelay $0x1  }
0x45: {  	[sflag:s19] =	ssyncset.done @!p0 $0x0  }
0x46: {  	[sflag:s19] =	ssyncadd.s32 @!p0 $0xFFFFD880  }
.LBB2_1:
0x47: {  	[dreg:$0x1c] =	wrdreg s24  }
0x48: {  	s19 =	rddreg [dreg:$0x1b]  }
0x49: {  	s24 =	rddreg [dreg:$0x5];
	s20 =	sshrl.u32 @p0 s19, $0x3  }
0x4a: {  	s19 =	simm.s32 @p0 $0x1FCD;
	[dreg:$0x1d] =	wrdreg s20  }
0x4b: {  	[spmem:s20], [sflag:s19] =	dma.local @p0 [hbm:s24], $0x2080  }
0x4c: {  	s19 =	simm.s32 @p0 $0xD  }
0x4d: {  	s20 =	stileid.u32;
	_ =	swait.ge @p0 [sflag:s19], $0x2080  }
0x4e: {  	s20 =	sshll.u32 @!p0 s20, $0x6;
	[sflag:s19] =	ssyncset.done @p0 $0x0  }
0x4f: {  	s20 =	sor.u32 @!p0 $0x1C0D, s20;
	[sflag:s19] =	ssyncadd.s32 @p0 $0xFFFFDF80;
	s19 =	rddreg [dreg:$0x6]  }
0x50: {  	[dreg:$0x1e] =	wrdreg s20;
	s19 =	sshrl.u32 @!p0 s19, $0x3  }
0x51: {  	[dreg:$0x1f] =	wrdreg s19  }
0x52: {  	[spmem:s19], [sflag:s20] =	dma.local @!p0 [hbm:s24], $0x2780  }
0x53: {  	s19 =	simm.s32 @!p0 $0xD  }
0x54: {  	_ =	swait.ge @!p0 [sflag:s19], $0x2780  }
0x55: {  	[sflag:s19] =	ssyncset.done @!p0 $0x0  }
0x56: {  	s28 =	simm.s32 $0x13880;
	s26 =	rddreg [dreg:$0x7];
	[sflag:s19] =	ssyncadd.s32 @!p0 $0xFFFFD880  }
0x57: {  	[tilespmem:s28], [sflag:$0x1] =	stream.linear.gather [hbm4b:s26+s3], $0x50, $0x38;
	[tilespmem:$0x1B680] =	vst v63  }
0x58: {  	s25 =	simm.s32 $0x13B80;
	s24 =	rddreg [dreg:$0x8]  }
0x59: {  	[tilespmem:s25], [sflag:$0x1] =	stream.linear.gather [hbm4b:s24+s3], $0x50, $0x38;
	[tilespmem:$0x1B680] =	vst v63  }
0x5a: {  	s26 =	rddreg [dreg:$0x9];
	s28 =	simm.s32 $0x13900  }
0x5b: {  	[tilespmem:s28], [sflag:$0x2] =	stream.linear.gather [hbm4b:s26+s3], $0x50, $0x38;
	[tilespmem:$0x1B680] =	vst v63  }
0x5c: {  	s24 =	rddreg [dreg:$0xa];
	s25 =	simm.s32 $0x13C00  }
0x5d: {  	[tilespmem:s25], [sflag:$0x2] =	stream.linear.gather [hbm4b:s24+s3], $0x50, $0x38;
	[tilespmem:$0x1B680] =	vst v63  }
0x5e: {  	s26 =	rddreg [dreg:$0xb]  }
0x5f: {  	[tilespmem:s9], [sflag:$0x3] =	stream.linear.gather [hbm4b:s26+s3], $0x50, $0x38;
	[tilespmem:$0x1B680] =	vst v63  }
0x60: {  	s28 =	rddreg [dreg:$0xc]  }
0x61: {  	[tilespmem:s10], [sflag:$0x3] =	stream.linear.gather [hbm4b:s28+s3], $0x50, $0x38;
	[tilespmem:$0x1B680] =	vst v63  }
0x62: {  	[bflag:$0x0] =	sbarrier.arrive $0xFFFF  }
0x63: {  	s20 =	simm.s32 $0x0;
	s19 =	rddreg [dreg:$0x13]  }
.LBB2_2:
0x64: {  	p1 =	seq.s32 s20, $0x0  }
0x65: {  	s24 =	simm.s32 @!p1 $0xA  }
0x66: {  	_ =	swait.ge @!p1 [sflag:s24], $0x2800  }
0x67: {  	[sflag:s24] =	ssyncset.done @!p1 $0x0;
	s26 =	rddreg [dreg:$0x19]  }
0x68: {  	s28 =	rddreg [dreg:$0x18];
	[sflag:s24] =	ssyncadd.s32 @!p1 $0xFFFFD800;
	s24 =	sadd.s32 s20, s26  }
0x69: {  	[tilespmem:s11], [sflag:$0x4] =	stream.linear.gather [hbm4b:s24+s3], $0x50, $0x38;
	[tilespmem:$0x1B680] =	vst v63  }
0x6a: {  	s24 =	sadd.s32 s20, s28  }
0x6b: {  	[tilespmem:s12], [sflag:$0x4] =	stream.linear.gather [hbm4b:s24+s3], $0x50, $0x38;
	[tilespmem:$0x1B680] =	vst v63  }
0x6c: {  	_ =	swait.ge [sflag:s13], $0x50  }
0x6d: {  	[sflag:s13] =	ssyncset.done $0x0  }
0x6e: {  	[sflag:s13] =	ssyncadd.s32 $0xFFFFFFB0  }
0x6f: {  	_ =	swait.ge [sflag:s13], $0x50  }
0x70: {  	[sflag:s13] =	ssyncset.done $0x0  }
0x71: {  	s25 =	simm.s32 $0x13880;
	s24 =	simm.s32 @!p1 $0x9;
	[sflag:s13] =	ssyncadd.s32 $0xFFFFFFB0  }
0x72: {  	[tilespmem:s16], [sflag:$0x7] =	stream.indirect.gather [hbm4b:s5+s14], $0x80, s25, s14, $0xb8;
	[tilespmem:$0x1B680] =	vst v63  }
0x73: {  	_ =	swait.ge @!p1 [sflag:s24], $0x2800  }
0x74: {  	s26 =	simm.s32 @!p1 $0x18E80;
	[sflag:s24] =	ssyncset.done @!p1 $0x0  }
0x75: {  	s25 =	simm.s32 @!p1 $0x13E00;
	[sflag:s24] =	ssyncadd.s32 @!p1 $0xFFFFD800;
	s24 =	simm.s32 @!p1 $0x50  }
0x76: {  	[spmem:s2] =	stream.indirect.scatter.add.f32 @!p1 [tilespmem:s26], [sflag:$0xC], $0x80, s25, s24, $0xb8;
	[tilespmem:$0x1B680] =	vst v63  }
0x77: {  	s24 =	simm.s32 @!p1 $0xB  }
0x78: {  	_ =	swait.ge @!p1 [sflag:s24], $0x2800  }
0x79: {  	[sflag:s24] =	ssyncset.done @!p1 $0x0;
	s26 =	rddreg [dreg:$0x17]  }
0x7a: {  	s28 =	rddreg [dreg:$0x16];
	[sflag:s24] =	ssyncadd.s32 @!p1 $0xFFFFD800;
	s24 =	sadd.s32 s20, s26  }
0x7b: {  	[tilespmem:s15], [sflag:$0x5] =	stream.linear.gather [hbm4b:s24+s3], $0x50, $0x38;
	[tilespmem:$0x1B680] =	vst v63  }
0x7c: {  	s24 =	sadd.s32 s20, s28  }
0x7d: {  	[tilespmem:s21], [sflag:$0x5] =	stream.linear.gather [hbm4b:s24+s3], $0x50, $0x38;
	[tilespmem:$0x1B680] =	vst v63  }
0x7e: {  	_ =	swait.ge [sflag:s29], $0x50  }
0x7f: {  	[sflag:s29] =	ssyncset.done $0x0  }
0x80: {  	[sflag:s29] =	ssyncadd.s32 $0xFFFFFFB0  }
0x81: {  	_ =	swait.ge [sflag:s29], $0x50  }
0x82: {  	[sflag:s29] =	ssyncset.done $0x0  }
0x83: {  	s25 =	simm.s32 $0x13900;
	[sflag:s29] =	ssyncadd.s32 $0xFFFFFFB0  }
0x84: {  	[tilespmem:s30], [sflag:$0x8] =	stream.indirect.gather [hbm4b:s5+s14], $0x80, s25, s14, $0xb8;
	[tilespmem:$0x1B680] =	vst v63  }
0x85: {  	_ =	swait.ge [sflag:s7], $0x2800  }
0x86: {  	[sflag:s7] =	ssyncset.done $0x0  }
0x87: {  	s26 =	simm.s32 $0x13B80;
	s24 =	simm.s32 @!p1 $0xC;
	[sflag:s7] =	ssyncadd.s32 $0xFFFFD800  }
0x88: {  	[spmem:s2] =	stream.indirect.scatter.add.f32 [tilespmem:s16], [sflag:$0xA], $0x80, s26, s14, $0xb8;
	[tilespmem:$0x1B680] =	vst v63  }
0x89: {  	p2 =	seq.s32 @!p1 s20, $0x4B0;
	_ =	swait.ge @!p1 [sflag:s24], $0x2800  }
0x8a: {  	p2 =	por p1, !p2;
	[sflag:s24] =	ssyncset.done @!p1 $0x0  }
0x8b: {  	[sflag:s24] =	ssyncadd.s32 @!p1 $0xFFFFD800;
	s24 =	rddreg @p2 [dreg:$0x15]  }
0x8c: {  	s25 =	simm.s32 @p2 $0x13B00;
	s24 =	sadd.s32 @p2 s20, s24  }
0x8d: {  	[tilespmem:s25], [sflag:$0x6] =	stream.linear.gather @p2 [hbm4b:s24+s3], $0x50, $0x38;
	[tilespmem:$0x1B680] =	vst v63  }
0x8e: {  	s24 =	rddreg @p2 [dreg:$0x14]  }
0x8f: {  	s25 =	simm.s32 @p2 $0x13E00;
	s24 =	sadd.s32 @p2 s20, s24  }
0x90: {  	[tilespmem:s25], [sflag:$0x6] =	stream.linear.gather @p2 [hbm4b:s24+s3], $0x50, $0x38;
	[tilespmem:$0x1B680] =	vst v63  }
0x91: {  	_ =	swait.ge [sflag:s1], $0x50  }
0x92: {  	[sflag:s1] =	ssyncset.done $0x0  }
0x93: {  	[sflag:s1] =	ssyncadd.s32 $0xFFFFFFB0  }
0x94: {  	_ =	swait.ge [sflag:s1], $0x50  }
0x95: {  	[sflag:s1] =	ssyncset.done $0x0  }
0x96: {  	[sflag:s1] =	ssyncadd.s32 $0xFFFFFFB0  }
0x97: {  	[tilespmem:s22], [sflag:$0x9] =	stream.indirect.gather [hbm4b:s5+s14], $0x80, s9, s14, $0xb8;
	[tilespmem:$0x1B680] =	vst v63  }
0x98: {  	_ =	swait.ge [sflag:s23], $0x2800  }
0x99: {  	[sflag:s23] =	ssyncset.done $0x0  }
0x9a: {  	s28 =	simm.s32 $0x13C00;
	[sflag:s23] =	ssyncadd.s32 $0xFFFFD800  }
0x9b: {  	[spmem:s2] =	stream.indirect.scatter.add.f32 [tilespmem:s30], [sflag:$0xB], $0x80, s28, s14, $0xb8;
	[tilespmem:$0x1B680] =	vst v63  }
0x9c: {  	_ =	swait.ge [sflag:s31], $0x2800  }
0x9d: {  	[sflag:s31] =	ssyncset.done $0x0  }
0x9e: {  	p1 =	seq.s32 s20, $0x4B0;
	[sflag:s31] =	ssyncadd.s32 $0xFFFFD800  }
0x9f: {  	s24 =	sshrl.u32 @!p1 s19, $0x3;
	s25 =	rddreg [dreg:$0x1]  }
0xa0: {  	s26 =	simm.s32 @!p1 $0x0;
	s28 =	simm.s32 @!p1 $0x13880;
	s25 =	sadd.s32 @!p1 s25, s24  }
0xa1: {  	[tilespmem:s28], [sflag:$0x1] =	stream.linear.gather @!p1 [hbm4b:s25+s26], $0x50, $0x38;
	[tilespmem:$0x1B680] =	vst v63  }
0xa2: {  	s25 =	rddreg [dreg:$0x4]  }
0xa3: {  	s24 =	sadd.s32 @!p1 s25, s24;
	s25 =	simm.s32 @!p1 $0x13B80  }
0xa4: {  	[tilespmem:s25], [sflag:$0x1] =	stream.linear.gather @!p1 [hbm4b:s24+s26], $0x50, $0x38;
	[tilespmem:$0x1B680] =	vst v63  }
0xa5: {  	_ =	swait.ge [sflag:s0], $0x50  }
0xa6: {  	[sflag:s0] =	ssyncset.done $0x0  }
0xa7: {  	[sflag:s0] =	ssyncadd.s32 $0xFFFFFFB0  }
0xa8: {  	_ =	swait.ge [sflag:s0], $0x50  }
0xa9: {  	[sflag:s0] =	ssyncset.done $0x0  }
0xaa: {  	[sflag:s0] =	ssyncadd.s32 $0xFFFFFFB0  }
0xab: {  	[tilespmem:s16], [sflag:$0x7] =	stream.indirect.gather [hbm4b:s5+s14], $0x80, s11, s14, $0xb8;
	[tilespmem:$0x1B680] =	vst v63  }
0xac: {  	_ =	swait.ge [sflag:s4], $0x2800  }
0xad: {  	[sflag:s4] =	ssyncset.done $0x0  }
0xae: {  	[sflag:s4] =	ssyncadd.s32 $0xFFFFD800  }
0xaf: {  	[spmem:s2] =	stream.indirect.scatter.add.f32 [tilespmem:s22], [sflag:$0xC], $0x80, s10, s14, $0xb8;
	[tilespmem:$0x1B680] =	vst v63  }
0xb0: {  	_ =	swait.ge [sflag:s8], $0x2800  }
0xb1: {  	[sflag:s8] =	ssyncset.done $0x0;
	s24 =	rddreg [dreg:$0x12]  }
0xb2: {  	s25 =	simm.s32 @!p1 $0x13900;
	[sflag:s8] =	ssyncadd.s32 $0xFFFFD800;
	s24 =	sadd.s32 @!p1 s20, s24  }
0xb3: {  	[tilespmem:s25], [sflag:$0x2] =	stream.linear.gather @!p1 [hbm4b:s24+s26], $0x50, $0x38;
	[tilespmem:$0x1B680] =	vst v63  }
0xb4: {  	s24 =	rddreg [dreg:$0x11]  }
0xb5: {  	s25 =	simm.s32 @!p1 $0x13C00;
	s24 =	sadd.s32 @!p1 s20, s24  }
0xb6: {  	[tilespmem:s25], [sflag:$0x2] =	stream.linear.gather @!p1 [hbm4b:s24+s26], $0x50, $0x38;
	[tilespmem:$0x1B680] =	vst v63  }
0xb7: {  	_ =	swait.ge [sflag:s6], $0x50  }
0xb8: {  	[sflag:s6] =	ssyncset.done $0x0  }
0xb9: {  	[sflag:s6] =	ssyncadd.s32 $0xFFFFFFB0  }
0xba: {  	_ =	swait.ge [sflag:s6], $0x50  }
0xbb: {  	[sflag:s6] =	ssyncset.done $0x0  }
0xbc: {  	[sflag:s6] =	ssyncadd.s32 $0xFFFFFFB0  }
0xbd: {  	[tilespmem:s30], [sflag:$0x8] =	stream.indirect.gather [hbm4b:s5+s14], $0x80, s15, s14, $0xb8;
	[tilespmem:$0x1B680] =	vst v63  }
.Ltmp2:
0xbe: {  	_ = 	snop;
	(pc) =	sbr.rel @p1 .LBB2_4-.Ltmp2, $4  }
0xbf: {  	_ =	swait.ge [sflag:s7], $0x2800  }
0xc0: {  	[sflag:s7] =	ssyncset.done $0x0  }
0xc1: {  	[sflag:s7] =	ssyncadd.s32 $0xFFFFD800  }
0xc2: {  	[spmem:s2] =	stream.indirect.scatter.add.f32 [tilespmem:s16], [sflag:$0xA], $0x80, s12, s14, $0xb8;
	[tilespmem:$0x1B680] =	vst v63  }
0xc3: {  	_ =	swait.ge [sflag:s17], $0x2800  }
0xc4: {  	[sflag:s17] =	ssyncset.done $0x0;
	s24 =	rddreg [dreg:$0x10]  }
0xc5: {  	s26 =	rddreg [dreg:$0xf];
	[sflag:s17] =	ssyncadd.s32 $0xFFFFD800;
	s24 =	sadd.s32 s20, s24  }
0xc6: {  	[tilespmem:s9], [sflag:$0x3] =	stream.linear.gather [hbm4b:s24+s3], $0x50, $0x38;
	[tilespmem:$0x1B680] =	vst v63  }
0xc7: {  	s24 =	sadd.s32 s20, s26  }
0xc8: {  	[tilespmem:s10], [sflag:$0x3] =	stream.linear.gather [hbm4b:s24+s3], $0x50, $0x38;
	[tilespmem:$0x1B680] =	vst v63  }
0xc9: {  	_ =	swait.ge [sflag:s18], $0x50  }
0xca: {  	[sflag:s18] =	ssyncset.done $0x0  }
0xcb: {  	[sflag:s18] =	ssyncadd.s32 $0xFFFFFFB0  }
0xcc: {  	_ =	swait.ge [sflag:s18], $0x50  }
0xcd: {  	[sflag:s18] =	ssyncset.done $0x0  }
0xce: {  	s28 =	simm.s32 $0x13B00;
	[sflag:s18] =	ssyncadd.s32 $0xFFFFFFB0  }
0xcf: {  	[tilespmem:s22], [sflag:$0x9] =	stream.indirect.gather [hbm4b:s5+s14], $0x80, s28, s14, $0xb8;
	[tilespmem:$0x1B680] =	vst v63  }
.Ltmp3:
0xd0: {  	_ = 	snop;
	(pc) =	sbr.rel .LBB2_2-.Ltmp3, $4  }
0xd1: {  	_ =	swait.ge [sflag:s23], $0x2800  }
0xd2: {  	[sflag:s23] =	ssyncset.done $0x0  }
0xd3: {  	s19 =	sadd.s32 $0x1E0, s19;
	s20 =	sadd.s32 $0x3C, s20;
	[sflag:s23] =	ssyncadd.s32 $0xFFFFD800  }
0xd4: {  	[spmem:s2] =	stream.indirect.scatter.add.f32 [tilespmem:s30], [sflag:$0xB], $0x80, s21, s14, $0xb8;
	[tilespmem:$0x1B680] =	vst v63  }
.LBB2_5:
0xd5: {  	_ =	sfence.sel $0x180000  }
0xd6: {  	[bflag:$0x0] =	sbarrier.arrive $0xFFFF  }
0xd7: {  	_ =	strace $0x9000004D  }
0xd8: {  	s0 =	stileid.u32;
	[bflag:$0x2] =	sbarrier.arrive $0xFFFF  }
0xd9: {  	p0 =	sne.s32 s0, $0x0;
	s0 =	rddreg [dreg:$0x3]  }
0xda: {  	s0 =	sadd.s32 @!p0 $0x100000, s0  }
0xdb: {  	[sflag:s0] =	ssyncadd.tile.s32 @!p0 $0x1;
	_ =	shalt  }
.Lfunc_end2:
_tile_overlayer_lowered:
.L_overlay_start_2:
0xdc: {  	(tag) =	ssettag $0x2  }
0xdd: {  	s0 =	rddreg [dreg:$0x0];
	s2 =	stileid.u32  }
0xde: {  	s1 =	rddreg [dreg:$0x1];
	p0 =	sne.s32 s2, $0x0  }
0xdf: {  	s3 =	rddreg [dreg:$0x2];
	[bflag:$0x3] =	sbarrier.arrive $0xFFFF;
	s2 =	simm.s32 @!p0 $0x1C0D  }
0xe0: {  	[timem:s3], [sflag:s2] =	dma.local @!p0 [hbm:s0], s1  }
0xe1: {  	s0 =	simm.s32 @!p0 $0xD  }
0xe2: {  	_ =	swait.ge @!p0 [sflag:s0], s1  }
0xe3: {  	s1 =	ssub.s32 @!p0 $0x0, s1;
	[sflag:s0] =	ssyncset.done @!p0 $0x0  }
0xe4: {  	[sflag:s0] =	ssyncadd.s32 @!p0 s1  }
0xe5: {  	[bflag:$0x3] =	sbarrier.arrive $0xFFFF  }
0xe6: {  	_ =	shalt  }

</sc_bundles>
